<compile_context>
chip_gen: v7x
topology: tpu7x:2x2x1
jax: 0.10.2.dev20260603
libtpu: 0.0.44.dev20260713+nightly
codegen_flags: <defaults>
</compile_context>

<pallas_src>
import jax
import jax.numpy as jnp
from jax import lax
from jax.experimental import pallas as pl
from jax.experimental.pallas import tpu as pltpu
from jax.experimental.pallas import tpu_sc as plsc

BB = 4
IMG = 96
KP = 12
NBK = 8
LL = NBK ** 3
NCLS = 4
TOPK = 16
AGE_C = 1.0


def _stats_body(pred_ref, olab_ref, oconf_ref, aconf_ref,
                stats_ref, osum_ref, asum_ref):
    bi = pl.program_id(1)
    pred = pred_ref[0]
    lab = olab_ref[0]
    m = jnp.max(pred, axis=0)
    e = jnp.exp(pred - m[None])
    denom = jnp.sum(e, axis=0)
    inv = 1.0 / denom

    lanes = lax.broadcasted_iota(jnp.int32, (1, 1, 128), 2)
    acc = jnp.zeros((1, 1, 128), jnp.float32)
    for c in range(NCLS):
        p_c = e[c] * inv
        t_c = (lab == c).astype(jnp.float32)
        inter = jnp.sum(p_c * t_c)
        sump = jnp.sum(p_c)
        cnt = jnp.sum(t_c)
        acc = acc + jnp.where(lanes == c, inter, 0.0)
        acc = acc + jnp.where(lanes == NCLS + c, sump, 0.0)
        acc = acc + jnp.where(lanes == 2 * NCLS + c, cnt, 0.0)

    @pl.when(bi == 0)
    def _():
        stats_ref[...] = jnp.zeros_like(stats_ref)

    stats_ref[...] += acc

    zy = (lax.broadcasted_iota(jnp.int32, (NBK, IMG), 1) // KP
          == lax.broadcasted_iota(jnp.int32, (NBK, IMG), 0)).astype(jnp.float32)
    zz = (lax.broadcasted_iota(jnp.int32, (IMG, NBK), 0) // KP
          == lax.broadcasted_iota(jnp.int32, (IMG, NBK), 1)).astype(jnp.float32)

    hi = lax.Precision.HIGHEST
    ao = jnp.sum(oconf_ref[0], axis=0)
    aa = jnp.sum(aconf_ref[0], axis=0)
    po = jnp.dot(zy, jnp.dot(ao, zz, precision=hi,
                             preferred_element_type=jnp.float32),
                 precision=hi,
                 preferred_element_type=jnp.float32)
    pa = jnp.dot(zy, jnp.dot(aa, zz, precision=hi,
                             preferred_element_type=jnp.float32),
                 precision=hi,
                 preferred_element_type=jnp.float32)
    osum_ref[0, 0] = po
    asum_ref[0, 0] = pa


NCH = LL // 16
BIGF = 3e38


def _bfly(v, op):
    iota = lax.iota(jnp.int32, 16)
    for sh in (8, 4, 2, 1):
        v = op(v, v.at[iota ^ sh].get(mode="promise_in_bounds"))
    return v


def _sc_select_body(stats_hbm, osum_hbm, asum_hbm,
                    osel_hbm, asel_hbm, tkv_hbm,
                    st_v, keys_v, sel_v, tk_v):
    wid = lax.axis_index("s") * 2 + lax.axis_index("c")
    b = wid // 2
    is_o = (wid % 2) == 0
    iota = lax.iota(jnp.int32, 16)

    @pl.when(wid < 2 * BB)
    def _():
        pltpu.sync_copy(stats_hbm.at[b], st_v)
        inter = st_v[0]
        sump = st_v[1]
        cnt = st_v[2]
        terms = 2.0 * inter / (sump + cnt + 1e-5)
        dice = _bfly(terms, jnp.add) / NCLS
        sl = 1.0 - dice
        sp_w = 1.0 - sl / (AGE_C + 1e-5)
        tk16 = jnp.minimum(TOPK, jnp.abs((TOPK * sp_w).astype(jnp.int32)))
        spm = jnp.where(sl < AGE_C, 1.0, 0.0)
        iof = jnp.float32(1.0) * jnp.where(is_o, 1.0, 0.0)
        descind = spm * iof + (1.0 - spm) * (1.0 - iof)

        @pl.when(is_o)
        def _():
            pltpu.sync_copy(osum_hbm.at[b], keys_v)

        @pl.when(jnp.logical_not(is_o))
        def _():
            pltpu.sync_copy(asum_hbm.at[b], keys_v)

        sgn = 1.0 - 2.0 * descind
        descf = -sgn

        def pre(i, c):
            keys_v[pl.ds(i * 16, 16)] = keys_v[pl.ds(i * 16, 16)] * sgn
            return c
        lax.fori_loop(0, NCH, pre, 0)

        def step(t, sel):
            def mn(i, m):
                return jnp.minimum(m, keys_v[pl.ds(i * 16, 16)])
            m = lax.fori_loop(0, NCH, mn, jnp.full((16,), BIGF, jnp.float32))
            mval = _bfly(m, jnp.minimum)

            def bi(i, bst):
                ch = keys_v[pl.ds(i * 16, 16)]
                idxf = (iota + i * 16).astype(jnp.float32)
                jp = jnp.where(ch == mval, idxf * descf, -BIGF)
                return jnp.maximum(bst, jp)
            bst = lax.fori_loop(0, NCH, bi,
                                jnp.full((16,), -BIGF, jnp.float32))
            chosen = (_bfly(bst, jnp.maximum) * descf).astype(jnp.int32)
            sel = jnp.where(iota == t, chosen, sel)

            def mk(i, c):
                ch = keys_v[pl.ds(i * 16, 16)]
                keys_v[pl.ds(i * 16, 16)] = jnp.where(
                    iota + i * 16 == chosen, BIGF, ch)
                return c
            lax.fori_loop(0, NCH, mk, 0)
            return sel

        sel = lax.fori_loop(0, TOPK, step, jnp.zeros((16,), jnp.int32))
        sel_v[...] = sel

        @pl.when(is_o)
        def _():
            pltpu.sync_copy(sel_v, osel_hbm.at[b])
            tk_v[...] = tk16
            pltpu.sync_copy(tk_v, tkv_hbm.at[b])

        @pl.when(jnp.logical_not(is_o))
        def _():
            pltpu.sync_copy(sel_v, asel_hbm.at[b])


def _swap_body(osel_ref, asel_ref, tk_ref,
               aimg, oimg, alab, olab, acf, ocf,
               oimg_o, olab_o, ocf_o,
               sem0, sem1, sem2):
    b = pl.program_id(0)
    tk = tk_ref[b]
    pend = []
    for t in range(TOPK):
        keep = t < tk
        s_o = osel_ref[b * TOPK + t]
        s_a = asel_ref[b * TOPK + t]
        xo = (s_o // (NBK * NBK)) * KP
        yo = ((s_o // NBK) % NBK) * KP
        zo = s_o % NBK
        xa = (s_a // (NBK * NBK)) * KP
        ya = ((s_a // NBK) % NBK) * KP
        za = s_a % NBK
        c0 = pltpu.make_async_copy(
            aimg.at[b, 0, pl.ds(xa, KP), pl.ds(ya, KP), za, :],
            oimg_o.at[b, 0, pl.ds(xo, KP), pl.ds(yo, KP), zo, :],
            sem0)
        c1 = pltpu.make_async_copy(
            alab.at[b, pl.ds(xa, KP), pl.ds(ya, KP), za, :],
            olab_o.at[b, pl.ds(xo, KP), pl.ds(yo, KP), zo, :],
            sem1)
        c2 = pltpu.make_async_copy(
            acf.at[b, pl.ds(xa, KP), pl.ds(ya, KP), za, :],
            ocf_o.at[b, pl.ds(xo, KP), pl.ds(yo, KP), zo, :],
            sem2)

        @pl.when(keep)
        def _(c0=c0, c1=c1, c2=c2):
            c0.start()
            c1.start()
            c2.start()
        pend.append((keep, c0, c1, c2))

    for keep, c0, c1, c2 in pend:
        @pl.when(keep)
        def _(c0=c0, c1=c1, c2=c2):
            c0.wait()
            c1.wait()
            c2.wait()


def kernel(oimage, aimage, olabel, alabel, oconf, aconf, prediction, cur_step):
    del cur_step
    f32 = jnp.float32
    i32 = jnp.int32

    stats, osum4, asum4 = pl.pallas_call(
        _stats_body,
        grid=(BB, NBK),
        in_specs=[
            pl.BlockSpec((1, NCLS, KP, IMG, IMG), lambda b, i: (b, 0, i, 0, 0)),
            pl.BlockSpec((1, KP, IMG, IMG), lambda b, i: (b, i, 0, 0)),
            pl.BlockSpec((1, KP, IMG, IMG), lambda b, i: (b, i, 0, 0)),
            pl.BlockSpec((1, KP, IMG, IMG), lambda b, i: (b, i, 0, 0)),
        ],
        out_specs=[
            pl.BlockSpec((1, 1, 128), lambda b, i: (b, 0, 0)),
            pl.BlockSpec((1, 1, NBK, NBK), lambda b, i: (b, i, 0, 0)),
            pl.BlockSpec((1, 1, NBK, NBK), lambda b, i: (b, i, 0, 0)),
        ],
        out_shape=[
            jax.ShapeDtypeStruct((BB, 1, 128), f32),
            jax.ShapeDtypeStruct((BB, NBK, NBK, NBK), f32),
            jax.ShapeDtypeStruct((BB, NBK, NBK, NBK), f32),
        ],
        compiler_params=pltpu.CompilerParams(
            dimension_semantics=("arbitrary", "arbitrary")),
    )(prediction, olabel, oconf, aconf)

    osum2 = osum4.reshape(BB, LL)
    asum2 = asum4.reshape(BB, LL)
    st = stats[:, 0, :]
    z12 = jnp.zeros((BB, 12), f32)
    sc_stats = jnp.stack([
        jnp.concatenate([st[:, 0:NCLS], z12], axis=1),
        jnp.concatenate([st[:, NCLS:2 * NCLS], z12], axis=1),
        jnp.concatenate([st[:, 2 * NCLS:3 * NCLS], z12], axis=1),
    ], axis=1)

    oselb, aselb, tkvb = pl.kernel(
        _sc_select_body,
        out_type=[
            jax.ShapeDtypeStruct((BB, TOPK), i32),
            jax.ShapeDtypeStruct((BB, TOPK), i32),
            jax.ShapeDtypeStruct((BB, TOPK), i32),
        ],
        mesh=plsc.VectorSubcoreMesh(core_axis_name="c", subcore_axis_name="s"),
        scratch_types=[
            pltpu.VMEM((3, 16), f32),
            pltpu.VMEM((LL,), f32),
            pltpu.VMEM((16,), i32),
            pltpu.VMEM((16,), i32),
        ],
    )(sc_stats, osum2, asum2)

    osel_flat = oselb.reshape(BB * TOPK)
    asel_flat = aselb.reshape(BB * TOPK)
    tkarr = tkvb[:, 0]

    grid_spec = pltpu.PrefetchScalarGridSpec(
        num_scalar_prefetch=3,
        grid=(BB,),
        in_specs=[pl.BlockSpec(memory_space=pl.ANY)] * 6,
        out_specs=[pl.BlockSpec(memory_space=pl.ANY)] * 3,
        scratch_shapes=[pltpu.SemaphoreType.DMA] * 3,
    )

    sh6 = (BB, 1, IMG, IMG, NBK, KP)
    sh5 = (BB, IMG, IMG, NBK, KP)
    oimage_out, olabel_out, oconf_out = pl.pallas_call(
        _swap_body,
        grid_spec=grid_spec,
        out_shape=[
            jax.ShapeDtypeStruct(sh6, f32),
            jax.ShapeDtypeStruct(sh5, i32),
            jax.ShapeDtypeStruct(sh5, f32),
        ],
        input_output_aliases={4: 0, 6: 1, 8: 2},
        compiler_params=pltpu.CompilerParams(
            dimension_semantics=("arbitrary",)),
    )(osel_flat, asel_flat, tkarr,
      aimage.reshape(sh6), oimage.reshape(sh6),
      alabel.reshape(sh5), olabel.reshape(sh5),
      aconf.reshape(sh5), oconf.reshape(sh5))

    return (oimage_out.reshape(oimage.shape),
            olabel_out.reshape(olabel.shape),
            oconf_out.reshape(oconf.shape))

# --- scband reference (transcript-rebuilt; emitter-appended) ---
"""Pipeline reference for scband-ada-mix3-d-54795192762734 (READ-ONLY COPY).

The authoritative reference and input builder live on the scoring server;
editing this copy changes nothing except your own understanding.
"""

import jax, jax.numpy as jnp
import numpy as np

B, C = 4, 1
IMG = 96
PATCH = 8
K = IMG // PATCH   # kernel size d=h=w = 12
NB = IMG // K      # 8 blocks per spatial dim
L = NB ** 3        # 512 patches
NUM_CLASSES = 4
TOPK = 16
AGE = 1.0


def _unfold(x):
    # kernel == stride exactly tiles the volume, so unfoldNd is a pure reshape/transpose
    b, c = x.shape[:2]
    x = x.reshape(b, c, NB, K, NB, K, NB, K)
    x = jnp.transpose(x, (0, 1, 3, 5, 7, 2, 4, 6))
    return x.reshape(b, c, K, K, K, L)


def _fold(cols, c):
    # inverse of _unfold (no overlap since stride == kernel)
    b = cols.shape[0]
    x = cols.reshape(b, c, K, K, K, NB, NB, NB)
    x = jnp.transpose(x, (0, 1, 5, 2, 6, 3, 7, 4))
    return x.reshape(b, c, IMG, IMG, IMG)


def _dice_loss(prediction, target):
    t = jax.nn.one_hot(target, NUM_CLASSES, axis=1, dtype=jnp.float32)
    p = jax.nn.softmax(prediction, axis=1)
    inter = jnp.sum(p * t, axis=(2, 3, 4))
    union = jnp.sum(p + t, axis=(2, 3, 4))
    dice = jnp.mean(2.0 * inter / (union + 1e-5), axis=1)
    return 1.0 - dice


def setup_inputs(seed: int = 0):
    key = jax.random.key(seed)
    ks = jax.random.split(key, 8)
    oimage = jax.random.uniform(ks[0], (B, C, IMG, IMG, IMG), jnp.float32)
    aimage = jax.random.uniform(ks[1], (B, C, IMG, IMG, IMG), jnp.float32)
    olabel = jax.random.randint(ks[2], (B, IMG, IMG, IMG), 0, NUM_CLASSES, dtype=jnp.int32)
    alabel = jax.random.randint(ks[3], (B, IMG, IMG, IMG), 0, NUM_CLASSES, dtype=jnp.int32)
    oconf = jax.random.uniform(ks[4], (B, IMG, IMG, IMG), jnp.float32)
    aconf = jax.random.uniform(ks[5], (B, IMG, IMG, IMG), jnp.float32)
    prediction = jax.random.normal(ks[6], (B, NUM_CLASSES, IMG, IMG, IMG), jnp.float32)
    cur_step = 100
    return {"oimage": oimage, "aimage": aimage, "olabel": olabel, "alabel": alabel,
            "oconf": oconf, "aconf": aconf, "prediction": prediction, "cur_step": cur_step}


def reference(oimage, aimage, olabel, alabel, oconf, aconf, prediction, cur_step):
    # p = 1.0 -> mixing branch is always taken (deterministic)
    super_loss = _dice_loss(prediction, olabel)
    sp_mask = super_loss < AGE
    sp_weight = 1.0 - super_loss / (AGE + 1e-5)

    oconf_u = _unfold(oconf[:, None, ...])
    aconf_u = _unfold(aconf[:, None, ...])
    oconf_mean = jnp.mean(oconf_u, axis=(1, 2, 3, 4))  # [B, L]
    aconf_mean = jnp.mean(aconf_u, axis=(1, 2, 3, 4))
    oimg_u = _unfold(oimage)
    aimg_u = _unfold(aimage)
    olab_u = _unfold(olabel[:, None, ...].astype(jnp.float32))
    alab_u = _unfold(alabel[:, None, ...].astype(jnp.float32))

    for i in range(B):
        tk = jnp.minimum(TOPK, jnp.abs((TOPK * sp_weight[i]).astype(jnp.int32)))
        o_idx = jnp.argsort(oconf_mean[i])
        o_idx = jnp.where(sp_mask[i], o_idx[::-1], o_idx)
        a_idx = jnp.argsort(aconf_mean[i])
        a_idx = jnp.where(sp_mask[i], a_idx, a_idx[::-1])
        osel = o_idx[:TOPK]
        asel = a_idx[:TOPK]
        m = jnp.arange(TOPK) < tk
        oimg_upd = jnp.where(m, aimg_u[i][..., asel], oimg_u[i][..., osel])
        olab_upd = jnp.where(m, alab_u[i][..., asel], olab_u[i][..., osel])
        oconf_upd = jnp.where(m, aconf_u[i][..., asel], oconf_u[i][..., osel])
        oimg_u = oimg_u.at[i].set(oimg_u[i].at[..., osel].set(oimg_upd))
        olab_u = olab_u.at[i].set(olab_u[i].at[..., osel].set(olab_upd))
        oconf_u = oconf_u.at[i].set(oconf_u[i].at[..., osel].set(oconf_upd))

    oimage_out = _fold(oimg_u, C)
    olabel_out = _fold(olab_u, 1)[:, 0].astype(jnp.int32)
    oconf_out = _fold(oconf_u, 1)[:, 0]
    return (oimage_out, olabel_out, oconf_out)

if __name__ == "__main__":
    import jax
    _d = setup_inputs()
    print(jax.jit(kernel)(*tuple(_d.values())))

</pallas_src>

<mosaic_0001>
#map = affine_map<(d0, d1) -> (0, 0, 0)>
#map1 = affine_map<(d0, d1) -> (0, 0)>
module attributes {stable_mosaic.version = 14 : i64} {
  func.func @_sc_select_body(%arg0: i32, %arg1: i32, %arg2: memref<4x3x16xf32, #tpu.memory_space<hbm>>, %arg3: memref<4x512xf32, #tpu.memory_space<hbm>>, %arg4: memref<4x512xf32, #tpu.memory_space<hbm>>, %arg5: memref<4x16xi32, #tpu.memory_space<hbm>>, %arg6: memref<4x16xi32, #tpu.memory_space<hbm>>, %arg7: memref<4x16xi32, #tpu.memory_space<hbm>>, %arg8: memref<3x16xf32, #tpu.memory_space<vmem>>, %arg9: memref<512xf32, #tpu.memory_space<vmem>>, %arg10: memref<16xi32, #tpu.memory_space<vmem>>, %arg11: memref<16xi32, #tpu.memory_space<vmem>>) attributes {dimension_semantics = [#tpu.dimension_semantics<core_parallel>, #tpu.dimension_semantics<subcore_parallel>], iteration_bounds = array<i64: 2, 16>, scalar_prefetch = 0 : i64, scratch_operands = 4 : i64, tpu.core_type = #tpu.core_type<sc_vector_subcore>, window_params = [{transform_indices = #map}, {transform_indices = #map1}, {transform_indices = #map1}, {transform_indices = #map1}, {transform_indices = #map1}, {transform_indices = #map1}]} {
    %mul3A = arith.constant 2 : i32
    %mul3A_0 = arith.muli %arg1, %mul3A : i32
    %add3A = arith.addi %mul3A_0, %arg0 : i32
    %jit3A = arith.constant 2 : i32
    %div3A = arith.divsi %add3A, %jit3A : i32
    %sign3A = arith.constant 0 : i32
    %sign3A_1 = arith.cmpi sgt, %add3A, %sign3A : i32
    %sign3A_2 = arith.extui %sign3A_1 : i1 to i32
    %sign3A_3 = arith.constant 0 : i32
    %sign3A_4 = arith.cmpi slt, %add3A, %sign3A_3 : i32
    %sign3A_5 = arith.extui %sign3A_4 : i1 to i32
    %sign3A_6 = arith.subi %sign3A_2, %sign3A_5 : i32
    %sign3A_7 = arith.constant 0 : i32
    %sign3A_8 = arith.cmpi sgt, %jit3A, %sign3A_7 : i32
    %sign3A_9 = arith.extui %sign3A_8 : i1 to i32
    %sign3A_10 = arith.constant 0 : i32
    %sign3A_11 = arith.cmpi slt, %jit3A, %sign3A_10 : i32
    %sign3A_12 = arith.extui %sign3A_11 : i1 to i32
    %sign3A_13 = arith.subi %sign3A_9, %sign3A_12 : i32
    %ne3A = arith.cmpi ne, %sign3A_6, %sign3A_13 : i32
    %rem3A = arith.remsi %add3A, %jit3A : i32
    %ne3A_14 = arith.constant 0 : i32
    %ne3A_15 = arith.cmpi ne, %rem3A, %ne3A_14 : i32
    %and3A = arith.andi %ne3A, %ne3A_15 : i1
    %sub3A = arith.constant 1 : i32
    %sub3A_16 = arith.subi %div3A, %sub3A : i32
    %select_n3A = arith.select %and3A, %sub3A_16, %div3A : i32
    %jit3A_17 = arith.constant 2 : i32
    %eq3A = arith.constant 0 : i32
    %eq3A_18 = arith.cmpi eq, %jit3A_17, %eq3A : i32
    %jit3A_19 = arith.constant 1 : i32
    %select_n3A_20 = arith.select %eq3A_18, %jit3A_19, %jit3A_17 : i32
    %rem3A_21 = arith.remsi %add3A, %select_n3A_20 : i32
    %ne3A_22 = arith.constant 0 : i32
    %ne3A_23 = arith.cmpi ne, %rem3A_21, %ne3A_22 : i32
    %lt3A = arith.constant 0 : i32
    %lt3A_24 = arith.cmpi slt, %rem3A_21, %lt3A : i32
    %lt3A_25 = arith.constant 0 : i32
    %lt3A_26 = arith.cmpi slt, %select_n3A_20, %lt3A_25 : i32
    %ne3A_27 = arith.xori %lt3A_24, %lt3A_26 : i1
    %and3A_28 = arith.andi %ne3A_27, %ne3A_23 : i1
    %add3A_29 = arith.addi %rem3A_21, %select_n3A_20 : i32
    %select_n3A_30 = arith.select %and3A_28, %add3A_29, %rem3A_21 : i32
    %eq3A_31 = arith.constant 0 : i32
    %eq3A_32 = arith.cmpi eq, %select_n3A_30, %eq3A_31 : i32
    %iota3A = tpu.iota {dimensions = array<i32: 0>} : vector<16xi32>
    %lt3A_33 = arith.constant 8 : i32
    %lt3A_34 = arith.cmpi slt, %add3A, %lt3A_33 : i32
    %convert_element_type3A = arith.extui %lt3A_34 : i1 to i32
    %cond3A = arith.constant 0 : i32
    %cond3A_35 = arith.cmpi ne, %convert_element_type3A, %cond3A : i32
    scf.if %cond3A_35 {
      "tpu.region"() ({
        %run_scoped3A = tpu.sem_alloc : memref<!tpu.dma_semaphore, #tpu.memory_space<semaphore_mem>>
        %dma_start3A = arith.constant 0 : i32
        %dma_start3A_192 = arith.constant 0 : i32
        %dma_start3A_193 = tpu.memref_slice %arg2[%select_n3A, %dma_start3A, %dma_start3A_192] : memref<4x3x16xf32, #tpu.memory_space<hbm>> -> memref<1x3x16xf32, #tpu.memory_space<hbm>>
        %dma_start3A_194 = tpu.memref_squeeze %dma_start3A_193 : memref<1x3x16xf32, #tpu.memory_space<hbm>> -> memref<3x16xf32, #tpu.memory_space<hbm>>
        %dma_start3A_195 = arith.constant 0 : i32
        %dma_start3A_196 = arith.constant 0 : i32
        %dma_start3A_197 = tpu.memref_slice %arg2[%select_n3A, %dma_start3A_195, %dma_start3A_196] : memref<4x3x16xf32, #tpu.memory_space<hbm>> -> memref<1x3x16xf32, #tpu.memory_space<hbm>>
        %dma_start3A_198 = tpu.memref_squeeze %dma_start3A_197 : memref<1x3x16xf32, #tpu.memory_space<hbm>> -> memref<3x16xf32, #tpu.memory_space<hbm>>
        tpu.enqueue_dma source(%dma_start3A_198 : memref<3x16xf32, #tpu.memory_space<hbm>>) target(%arg8 : memref<3x16xf32, #tpu.memory_space<vmem>>) target_semaphore(%run_scoped3A : memref<!tpu.dma_semaphore, #tpu.memory_space<semaphore_mem>>)
        %dma_wait3A = arith.constant 0 : i32
        %dma_wait3A_199 = arith.constant 0 : i32
        %dma_wait3A_200 = tpu.memref_slice %arg2[%select_n3A, %dma_wait3A, %dma_wait3A_199] : memref<4x3x16xf32, #tpu.memory_space<hbm>> -> memref<1x3x16xf32, #tpu.memory_space<hbm>>
        %dma_wait3A_201 = tpu.memref_squeeze %dma_wait3A_200 : memref<1x3x16xf32, #tpu.memory_space<hbm>> -> memref<3x16xf32, #tpu.memory_space<hbm>>
        %dma_wait3A_202 = arith.constant 0 : i32
        %dma_wait3A_203 = arith.constant 0 : i32
        %dma_wait3A_204 = tpu.memref_slice %arg2[%select_n3A, %dma_wait3A_202, %dma_wait3A_203] : memref<4x3x16xf32, #tpu.memory_space<hbm>> -> memref<1x3x16xf32, #tpu.memory_space<hbm>>
        %dma_wait3A_205 = tpu.memref_squeeze %dma_wait3A_204 : memref<1x3x16xf32, #tpu.memory_space<hbm>> -> memref<3x16xf32, #tpu.memory_space<hbm>>
        tpu.wait_dma2 semaphore(%run_scoped3A : memref<!tpu.dma_semaphore, #tpu.memory_space<semaphore_mem>>) src(%dma_wait3A_205 : memref<3x16xf32, #tpu.memory_space<hbm>>) dst(%arg8 : memref<3x16xf32, #tpu.memory_space<vmem>>)
        tpu.yield
      }) : () -> ()
      %get3A = arith.constant 0 : i32
      %get3A_36 = arith.index_cast %get3A : i32 to index
      %get3A_37 = arith.constant 0 : index
      %get3A_38 = tpu.vector_load %arg8[%get3A_36, %get3A_37] {strides = array<i32>} : memref<3x16xf32, #tpu.memory_space<vmem>>, vector<1x16xf32>,
      %get3A_39 = vector.shape_cast %get3A_38 : vector<1x16xf32> to vector<16xf32>
      %get3A_40 = arith.constant 1 : i32
      %get3A_41 = arith.index_cast %get3A_40 : i32 to index
      %get3A_42 = arith.constant 0 : index
      %get3A_43 = tpu.vector_load %arg8[%get3A_41, %get3A_42] {strides = array<i32>} : memref<3x16xf32, #tpu.memory_space<vmem>>, vector<1x16xf32>,
      %get3A_44 = vector.shape_cast %get3A_43 : vector<1x16xf32> to vector<16xf32>
      %get3A_45 = arith.constant 2 : i32
      %get3A_46 = arith.index_cast %get3A_45 : i32 to index
      %get3A_47 = arith.constant 0 : index
      %get3A_48 = tpu.vector_load %arg8[%get3A_46, %get3A_47] {strides = array<i32>} : memref<3x16xf32, #tpu.memory_space<vmem>>, vector<1x16xf32>,
      %get3A_49 = vector.shape_cast %get3A_48 : vector<1x16xf32> to vector<16xf32>
      %mul3A_50 = arith.constant 2.000000e+00 : f32
      %mul3A_51 = vector.broadcast %mul3A_50 : f32 to vector<16xf32>
      %mul3A_52 = arith.mulf %mul3A_51, %get3A_39 : vector<16xf32>
      %add3A_53 = arith.addf %get3A_44, %get3A_49 : vector<16xf32>
      %add3A_54 = arith.constant 9.99999974E-6 : f32
      %add3A_55 = vector.broadcast %add3A_54 : f32 to vector<16xf32>
      %add3A_56 = arith.addf %add3A_53, %add3A_55 : vector<16xf32>
      %div3A_57 = arith.divf %mul3A_52, %add3A_56 : vector<16xf32>
      %iota3A_58 = tpu.iota {dimensions = array<i32: 0>} : vector<16xi32>
      %xor3A = arith.constant 8 : i32
      %xor3A_59 = vector.broadcast %xor3A : i32 to vector<16xi32>
      %xor3A_60 = arith.xori %iota3A_58, %xor3A_59 : vector<16xi32>
      %lt3A_61 = arith.constant 0 : i32
      %lt3A_62 = vector.broadcast %lt3A_61 : i32 to vector<16xi32>
      %lt3A_63 = arith.cmpi slt, %xor3A_60, %lt3A_62 : vector<16xi32>
      %add3A_64 = arith.constant 16 : i32
      %add3A_65 = vector.broadcast %add3A_64 : i32 to vector<16xi32>
      %add3A_66 = arith.addi %xor3A_60, %add3A_65 : vector<16xi32>
      %select_n3A_67 = arith.select %lt3A_63, %add3A_66, %xor3A_60 : vector<16xi1>, vector<16xi32>
      %broadcast_in_dim3A = vector.shape_cast %select_n3A_67 : vector<16xi32> to vector<16x1xi32>
      %gather3A = vector.shape_cast %broadcast_in_dim3A : vector<16x1xi32> to vector<16xi32>
      %gather3A_68 = tpu.dynamic_gather %div3A_57[%gather3A] in [0] : vector<16xf32>, vector<16xi32> -> vector<16xf32>
      %add3A_69 = arith.addf %div3A_57, %gather3A_68 : vector<16xf32>
      %xor3A_70 = arith.constant 4 : i32
      %xor3A_71 = vector.broadcast %xor3A_70 : i32 to vector<16xi32>
      %xor3A_72 = arith.xori %iota3A_58, %xor3A_71 : vector<16xi32>
      %lt3A_73 = arith.constant 0 : i32
      %lt3A_74 = vector.broadcast %lt3A_73 : i32 to vector<16xi32>
      %lt3A_75 = arith.cmpi slt, %xor3A_72, %lt3A_74 : vector<16xi32>
      %add3A_76 = arith.constant 16 : i32
      %add3A_77 = vector.broadcast %add3A_76 : i32 to vector<16xi32>
      %add3A_78 = arith.addi %xor3A_72, %add3A_77 : vector<16xi32>
      %select_n3A_79 = arith.select %lt3A_75, %add3A_78, %xor3A_72 : vector<16xi1>, vector<16xi32>
      %broadcast_in_dim3A_80 = vector.shape_cast %select_n3A_79 : vector<16xi32> to vector<16x1xi32>
      %gather3A_81 = vector.shape_cast %broadcast_in_dim3A_80 : vector<16x1xi32> to vector<16xi32>
      %gather3A_82 = tpu.dynamic_gather %add3A_69[%gather3A_81] in [0] : vector<16xf32>, vector<16xi32> -> vector<16xf32>
      %add3A_83 = arith.addf %add3A_69, %gather3A_82 : vector<16xf32>
      %xor3A_84 = arith.constant 2 : i32
      %xor3A_85 = vector.broadcast %xor3A_84 : i32 to vector<16xi32>
      %xor3A_86 = arith.xori %iota3A_58, %xor3A_85 : vector<16xi32>
      %lt3A_87 = arith.constant 0 : i32
      %lt3A_88 = vector.broadcast %lt3A_87 : i32 to vector<16xi32>
      %lt3A_89 = arith.cmpi slt, %xor3A_86, %lt3A_88 : vector<16xi32>
      %add3A_90 = arith.constant 16 : i32
      %add3A_91 = vector.broadcast %add3A_90 : i32 to vector<16xi32>
      %add3A_92 = arith.addi %xor3A_86, %add3A_91 : vector<16xi32>
      %select_n3A_93 = arith.select %lt3A_89, %add3A_92, %xor3A_86 : vector<16xi1>, vector<16xi32>
      %broadcast_in_dim3A_94 = vector.shape_cast %select_n3A_93 : vector<16xi32> to vector<16x1xi32>
      %gather3A_95 = vector.shape_cast %broadcast_in_dim3A_94 : vector<16x1xi32> to vector<16xi32>
      %gather3A_96 = tpu.dynamic_gather %add3A_83[%gather3A_95] in [0] : vector<16xf32>, vector<16xi32> -> vector<16xf32>
      %add3A_97 = arith.addf %add3A_83, %gather3A_96 : vector<16xf32>
      %xor3A_98 = arith.constant 1 : i32
      %xor3A_99 = vector.broadcast %xor3A_98 : i32 to vector<16xi32>
      %xor3A_100 = arith.xori %iota3A_58, %xor3A_99 : vector<16xi32>
      %lt3A_101 = arith.constant 0 : i32
      %lt3A_102 = vector.broadcast %lt3A_101 : i32 to vector<16xi32>
      %lt3A_103 = arith.cmpi slt, %xor3A_100, %lt3A_102 : vector<16xi32>
      %add3A_104 = arith.constant 16 : i32
      %add3A_105 = vector.broadcast %add3A_104 : i32 to vector<16xi32>
      %add3A_106 = arith.addi %xor3A_100, %add3A_105 : vector<16xi32>
      %select_n3A_107 = arith.select %lt3A_103, %add3A_106, %xor3A_100 : vector<16xi1>, vector<16xi32>
      %broadcast_in_dim3A_108 = vector.shape_cast %select_n3A_107 : vector<16xi32> to vector<16x1xi32>
      %gather3A_109 = vector.shape_cast %broadcast_in_dim3A_108 : vector<16x1xi32> to vector<16xi32>
      %gather3A_110 = tpu.dynamic_gather %add3A_97[%gather3A_109] in [0] : vector<16xf32>, vector<16xi32> -> vector<16xf32>
      %add3A_111 = arith.addf %add3A_97, %gather3A_110 : vector<16xf32>
      %div3A_112 = arith.constant 4.000000e+00 : f32
      %div3A_113 = vector.broadcast %div3A_112 : f32 to vector<16xf32>
      %div3A_114 = arith.divf %add3A_111, %div3A_113 : vector<16xf32>
      %sub3A_115 = arith.constant 1.000000e+00 : f32
      %sub3A_116 = vector.broadcast %sub3A_115 : f32 to vector<16xf32>
      %sub3A_117 = arith.subf %sub3A_116, %div3A_114 : vector<16xf32>
      %div3A_118 = arith.constant 1.000010e+00 : f32
      %div3A_119 = vector.broadcast %div3A_118 : f32 to vector<16xf32>
      %div3A_120 = arith.divf %sub3A_117, %div3A_119 : vector<16xf32>
      %sub3A_121 = arith.constant 1.000000e+00 : f32
      %sub3A_122 = vector.broadcast %sub3A_121 : f32 to vector<16xf32>
      %sub3A_123 = arith.subf %sub3A_122, %div3A_120 : vector<16xf32>
      %mul3A_124 = arith.constant 1.600000e+01 : f32
      %mul3A_125 = vector.broadcast %mul3A_124 : f32 to vector<16xf32>
      %mul3A_126 = arith.mulf %mul3A_125, %sub3A_123 : vector<16xf32>
      %convert_element_type3A_127 = arith.fptosi %mul3A_126 : vector<16xf32> to vector<16xi32>
      %abs3A = math.absi %convert_element_type3A_127 : vector<16xi32>
      %min3A = arith.constant 16 : i32
      %min3A_128 = vector.broadcast %min3A : i32 to vector<16xi32>
      %min3A_129 = arith.minsi %min3A_128, %abs3A : vector<16xi32>
      %lt3A_130 = arith.constant 1.000000e+00 : f32
      %lt3A_131 = vector.broadcast %lt3A_130 : f32 to vector<16xf32>
      %lt3A_132 = arith.cmpf olt, %sub3A_117, %lt3A_131 : vector<16xf32>
      %jit3A_133 = arith.constant 1.000000e+00 : f32
      %jit3A_134 = arith.constant 0.000000e+00 : f32
      %broadcast_in_dim3A_135 = vector.broadcast %jit3A_133 : f32 to vector<16xf32>
      %broadcast_in_dim3A_136 = vector.broadcast %jit3A_134 : f32 to vector<16xf32>
      %select_n3A_137 = arith.select %lt3A_132, %broadcast_in_dim3A_135, %broadcast_in_dim3A_136 : vector<16xi1>, vector<16xf32>
      %jit3A_138 = arith.constant 1.000000e+00 : f32
      %jit3A_139 = arith.constant 0.000000e+00 : f32
      %select_n3A_140 = arith.select %eq3A_32, %jit3A_138, %jit3A_139 : f32
      %mul3A_141 = arith.constant 1.000000e+00 : f32
      %mul3A_142 = arith.mulf %mul3A_141, %select_n3A_140 : f32
      %mul3A_143 = vector.broadcast %mul3A_142 : f32 to vector<16xf32>
      %mul3A_144 = arith.mulf %select_n3A_137, %mul3A_143 : vector<16xf32>
      %sub3A_145 = arith.constant 1.000000e+00 : f32
      %sub3A_146 = vector.broadcast %sub3A_145 : f32 to vector<16xf32>
      %sub3A_147 = arith.subf %sub3A_146, %select_n3A_137 : vector<16xf32>
      %sub3A_148 = arith.constant 1.000000e+00 : f32
      %sub3A_149 = arith.subf %sub3A_148, %mul3A_142 : f32
      %mul3A_150 = vector.broadcast %sub3A_149 : f32 to vector<16xf32>
      %mul3A_151 = arith.mulf %sub3A_147, %mul3A_150 : vector<16xf32>
      %add3A_152 = arith.addf %mul3A_144, %mul3A_151 : vector<16xf32>
      %convert_element_type3A_153 = arith.extui %eq3A_32 : i1 to i32
      %cond3A_154 = arith.constant 0 : i32
      %cond3A_155 = arith.cmpi ne, %convert_element_type3A_153, %cond3A_154 : i32
      scf.if %cond3A_155 {
        "tpu.region"() ({
          %run_scoped3A = tpu.sem_alloc : memref<!tpu.dma_semaphore, #tpu.memory_space<semaphore_mem>>
          %dma_start3A = arith.constant 0 : i32
          %dma_start3A_192 = tpu.memref_slice %arg3[%select_n3A, %dma_start3A] : memref<4x512xf32, #tpu.memory_space<hbm>> -> memref<1x512xf32, #tpu.memory_space<hbm>>
          %dma_start3A_193 = tpu.memref_squeeze %dma_start3A_192 : memref<1x512xf32, #tpu.memory_space<hbm>> -> memref<512xf32, #tpu.memory_space<hbm>>
          %dma_start3A_194 = arith.constant 0 : i32
          %dma_start3A_195 = tpu.memref_slice %arg3[%select_n3A, %dma_start3A_194] : memref<4x512xf32, #tpu.memory_space<hbm>> -> memref<1x512xf32, #tpu.memory_space<hbm>>
          %dma_start3A_196 = tpu.memref_squeeze %dma_start3A_195 : memref<1x512xf32, #tpu.memory_space<hbm>> -> memref<512xf32, #tpu.memory_space<hbm>>
          tpu.enqueue_dma source(%dma_start3A_196 : memref<512xf32, #tpu.memory_space<hbm>>) target(%arg9 : memref<512xf32, #tpu.memory_space<vmem>>) target_semaphore(%run_scoped3A : memref<!tpu.dma_semaphore, #tpu.memory_space<semaphore_mem>>)
          %dma_wait3A = arith.constant 0 : i32
          %dma_wait3A_197 = tpu.memref_slice %arg3[%select_n3A, %dma_wait3A] : memref<4x512xf32, #tpu.memory_space<hbm>> -> memref<1x512xf32, #tpu.memory_space<hbm>>
          %dma_wait3A_198 = tpu.memref_squeeze %dma_wait3A_197 : memref<1x512xf32, #tpu.memory_space<hbm>> -> memref<512xf32, #tpu.memory_space<hbm>>
          %dma_wait3A_199 = arith.constant 0 : i32
          %dma_wait3A_200 = tpu.memref_slice %arg3[%select_n3A, %dma_wait3A_199] : memref<4x512xf32, #tpu.memory_space<hbm>> -> memref<1x512xf32, #tpu.memory_space<hbm>>
          %dma_wait3A_201 = tpu.memref_squeeze %dma_wait3A_200 : memref<1x512xf32, #tpu.memory_space<hbm>> -> memref<512xf32, #tpu.memory_space<hbm>>
          tpu.wait_dma2 semaphore(%run_scoped3A : memref<!tpu.dma_semaphore, #tpu.memory_space<semaphore_mem>>) src(%dma_wait3A_201 : memref<512xf32, #tpu.memory_space<hbm>>) dst(%arg9 : memref<512xf32, #tpu.memory_space<vmem>>)
          tpu.yield
        }) : () -> ()
      } else {
      }
      %not3A = arith.constant true
      %not3A_156 = arith.xori %eq3A_32, %not3A : i1
      %convert_element_type3A_157 = arith.extui %not3A_156 : i1 to i32
      %cond3A_158 = arith.constant 0 : i32
      %cond3A_159 = arith.cmpi ne, %convert_element_type3A_157, %cond3A_158 : i32
      scf.if %cond3A_159 {
        "tpu.region"() ({
          %run_scoped3A = tpu.sem_alloc : memref<!tpu.dma_semaphore, #tpu.memory_space<semaphore_mem>>
          %dma_start3A = arith.constant 0 : i32
          %dma_start3A_192 = tpu.memref_slice %arg4[%select_n3A, %dma_start3A] : memref<4x512xf32, #tpu.memory_space<hbm>> -> memref<1x512xf32, #tpu.memory_space<hbm>>
          %dma_start3A_193 = tpu.memref_squeeze %dma_start3A_192 : memref<1x512xf32, #tpu.memory_space<hbm>> -> memref<512xf32, #tpu.memory_space<hbm>>
          %dma_start3A_194 = arith.constant 0 : i32
          %dma_start3A_195 = tpu.memref_slice %arg4[%select_n3A, %dma_start3A_194] : memref<4x512xf32, #tpu.memory_space<hbm>> -> memref<1x512xf32, #tpu.memory_space<hbm>>
          %dma_start3A_196 = tpu.memref_squeeze %dma_start3A_195 : memref<1x512xf32, #tpu.memory_space<hbm>> -> memref<512xf32, #tpu.memory_space<hbm>>
          tpu.enqueue_dma source(%dma_start3A_196 : memref<512xf32, #tpu.memory_space<hbm>>) target(%arg9 : memref<512xf32, #tpu.memory_space<vmem>>) target_semaphore(%run_scoped3A : memref<!tpu.dma_semaphore, #tpu.memory_space<semaphore_mem>>)
          %dma_wait3A = arith.constant 0 : i32
          %dma_wait3A_197 = tpu.memref_slice %arg4[%select_n3A, %dma_wait3A] : memref<4x512xf32, #tpu.memory_space<hbm>> -> memref<1x512xf32, #tpu.memory_space<hbm>>
          %dma_wait3A_198 = tpu.memref_squeeze %dma_wait3A_197 : memref<1x512xf32, #tpu.memory_space<hbm>> -> memref<512xf32, #tpu.memory_space<hbm>>
          %dma_wait3A_199 = arith.constant 0 : i32
          %dma_wait3A_200 = tpu.memref_slice %arg4[%select_n3A, %dma_wait3A_199] : memref<4x512xf32, #tpu.memory_space<hbm>> -> memref<1x512xf32, #tpu.memory_space<hbm>>
          %dma_wait3A_201 = tpu.memref_squeeze %dma_wait3A_200 : memref<1x512xf32, #tpu.memory_space<hbm>> -> memref<512xf32, #tpu.memory_space<hbm>>
          tpu.wait_dma2 semaphore(%run_scoped3A : memref<!tpu.dma_semaphore, #tpu.memory_space<semaphore_mem>>) src(%dma_wait3A_201 : memref<512xf32, #tpu.memory_space<hbm>>) dst(%arg9 : memref<512xf32, #tpu.memory_space<vmem>>)
          tpu.yield
        }) : () -> ()
      } else {
      }
      %mul3A_160 = arith.constant 2.000000e+00 : f32
      %mul3A_161 = vector.broadcast %mul3A_160 : f32 to vector<16xf32>
      %mul3A_162 = arith.mulf %mul3A_161, %add3A_152 : vector<16xf32>
      %sub3A_163 = arith.constant 1.000000e+00 : f32
      %sub3A_164 = vector.broadcast %sub3A_163 : f32 to vector<16xf32>
      %sub3A_165 = arith.subf %sub3A_164, %mul3A_162 : vector<16xf32>
      %neg3A = arith.constant 0.000000e+00 : f32
      %neg3A_166 = vector.broadcast %neg3A : f32 to vector<16xf32>
      %neg3A_167 = arith.subf %neg3A_166, %sub3A_165 : vector<16xf32>
      %scan3A = arith.constant 0 : i32
      %scan3A_168 = arith.constant 0 : i32
      %scan3A_169 = arith.constant 32 : i32
      %scan3A_170 = arith.addi %scan3A_168, %scan3A_169 : i32
      %scan3A_171 = arith.constant 1 : i32
      scf.for %scan3A_192 = %scan3A_168 to %scan3A_170 step %scan3A_171  : i32 {
        %mul3A_193 = arith.constant 16 : i32
        %mul3A_194 = arith.muli %scan3A_192, %mul3A_193 : i32
        %get3A_195 = arith.index_cast %mul3A_194 : i32 to index
        %get3A_196 = tpu.vector_load %arg9[%get3A_195] {strides = array<i32>} : memref<512xf32, #tpu.memory_space<vmem>>, vector<16xf32>,
        %get3A_197 = vector.shape_cast %get3A_196 : vector<16xf32> to vector<16xf32>
        %mul3A_198 = arith.mulf %get3A_197, %sub3A_165 : vector<16xf32>
        %mul3A_199 = arith.constant 16 : i32
        %mul3A_200 = arith.muli %scan3A_192, %mul3A_199 : i32
        %swap3A_201 = arith.index_cast %mul3A_200 : i32 to index
        %swap3A_202 = tpu.vector_load %arg9[%swap3A_201] {strides = array<i32>} : memref<512xf32, #tpu.memory_space<vmem>>, vector<16xf32>,
        %swap3A_203 = vector.shape_cast %swap3A_202 : vector<16xf32> to vector<16xf32>
        %swap3A_204 = vector.shape_cast %mul3A_198 : vector<16xf32> to vector<16xf32>
        tpu.vector_store %arg9[%swap3A_201], %swap3A_204 {strides = array<i32>} : memref<512xf32, #tpu.memory_space<vmem>>, vector<16xf32>,
      }
      %scan3A_172 = arith.constant 32 : i32
      %broadcast_in_dim3A_173 = arith.constant 0 : i32
      %broadcast_in_dim3A_174 = vector.broadcast %broadcast_in_dim3A_173 : i32 to vector<16xi32>
      %scan3A_175 = arith.constant 0 : i32
      %scan3A_176 = arith.constant 16 : i32
      %scan3A_177 = arith.addi %scan3A_175, %scan3A_176 : i32
      %scan3A_178 = arith.constant 1 : i32
      %scan3A_179 = scf.for %scan3A_192 = %scan3A_175 to %scan3A_177 step %scan3A_178 iter_args(%scan3A_193 = %broadcast_in_dim3A_174) -> (vector<16xi32>)  : i32 {
        %broadcast_in_dim3A_194 = arith.constant 3.000000e+38 : f32
        %broadcast_in_dim3A_195 = vector.broadcast %broadcast_in_dim3A_194 : f32 to vector<16xf32>
        %scan3A_196 = arith.constant 0 : i32
        %scan3A_197 = arith.constant 32 : i32
        %scan3A_198 = arith.addi %scan3A_196, %scan3A_197 : i32
        %scan3A_199 = arith.constant 1 : i32
        %scan3A_200 = scf.for %scan3A_334 = %scan3A_196 to %scan3A_198 step %scan3A_199 iter_args(%scan3A_335 = %broadcast_in_dim3A_195) -> (vector<16xf32>)  : i32 {
          %mul3A_336 = arith.constant 16 : i32
          %mul3A_337 = arith.muli %scan3A_334, %mul3A_336 : i32
          %get3A_338 = arith.index_cast %mul3A_337 : i32 to index
          %get3A_339 = tpu.vector_load %arg9[%get3A_338] {strides = array<i32>} : memref<512xf32, #tpu.memory_space<vmem>>, vector<16xf32>,
          %get3A_340 = vector.shape_cast %get3A_339 : vector<16xf32> to vector<16xf32>
          %min3A_341 = arith.minimumf %scan3A_335, %get3A_340 : vector<16xf32>
          scf.yield %min3A_341 : vector<16xf32>
        }
        %scan3A_201 = arith.constant 32 : i32
        %iota3A_202 = tpu.iota {dimensions = array<i32: 0>} : vector<16xi32>
        %xor3A_203 = arith.constant 8 : i32
        %xor3A_204 = vector.broadcast %xor3A_203 : i32 to vector<16xi32>
        %xor3A_205 = arith.xori %iota3A_202, %xor3A_204 : vector<16xi32>
        %lt3A_206 = arith.constant 0 : i32
        %lt3A_207 = vector.broadcast %lt3A_206 : i32 to vector<16xi32>
        %lt3A_208 = arith.cmpi slt, %xor3A_205, %lt3A_207 : vector<16xi32>
        %add3A_209 = arith.constant 16 : i32
        %add3A_210 = vector.broadcast %add3A_209 : i32 to vector<16xi32>
        %add3A_211 = arith.addi %xor3A_205, %add3A_210 : vector<16xi32>
        %select_n3A_212 = arith.select %lt3A_208, %add3A_211, %xor3A_205 : vector<16xi1>, vector<16xi32>
        %broadcast_in_dim3A_213 = vector.shape_cast %select_n3A_212 : vector<16xi32> to vector<16x1xi32>
        %gather3A_214 = vector.shape_cast %broadcast_in_dim3A_213 : vector<16x1xi32> to vector<16xi32>
        %gather3A_215 = tpu.dynamic_gather %scan3A_200[%gather3A_214] in [0] : vector<16xf32>, vector<16xi32> -> vector<16xf32>
        %min3A_216 = arith.minimumf %scan3A_200, %gather3A_215 : vector<16xf32>
        %xor3A_217 = arith.constant 4 : i32
        %xor3A_218 = vector.broadcast %xor3A_217 : i32 to vector<16xi32>
        %xor3A_219 = arith.xori %iota3A_202, %xor3A_218 : vector<16xi32>
        %lt3A_220 = arith.constant 0 : i32
        %lt3A_221 = vector.broadcast %lt3A_220 : i32 to vector<16xi32>
        %lt3A_222 = arith.cmpi slt, %xor3A_219, %lt3A_221 : vector<16xi32>
        %add3A_223 = arith.constant 16 : i32
        %add3A_224 = vector.broadcast %add3A_223 : i32 to vector<16xi32>
        %add3A_225 = arith.addi %xor3A_219, %add3A_224 : vector<16xi32>
        %select_n3A_226 = arith.select %lt3A_222, %add3A_225, %xor3A_219 : vector<16xi1>, vector<16xi32>
        %broadcast_in_dim3A_227 = vector.shape_cast %select_n3A_226 : vector<16xi32> to vector<16x1xi32>
        %gather3A_228 = vector.shape_cast %broadcast_in_dim3A_227 : vector<16x1xi32> to vector<16xi32>
        %gather3A_229 = tpu.dynamic_gather %min3A_216[%gather3A_228] in [0] : vector<16xf32>, vector<16xi32> -> vector<16xf32>
        %min3A_230 = arith.minimumf %min3A_216, %gather3A_229 : vector<16xf32>
        %xor3A_231 = arith.constant 2 : i32
        %xor3A_232 = vector.broadcast %xor3A_231 : i32 to vector<16xi32>
        %xor3A_233 = arith.xori %iota3A_202, %xor3A_232 : vector<16xi32>
        %lt3A_234 = arith.constant 0 : i32
        %lt3A_235 = vector.broadcast %lt3A_234 : i32 to vector<16xi32>
        %lt3A_236 = arith.cmpi slt, %xor3A_233, %lt3A_235 : vector<16xi32>
        %add3A_237 = arith.constant 16 : i32
        %add3A_238 = vector.broadcast %add3A_237 : i32 to vector<16xi32>
        %add3A_239 = arith.addi %xor3A_233, %add3A_238 : vector<16xi32>
        %select_n3A_240 = arith.select %lt3A_236, %add3A_239, %xor3A_233 : vector<16xi1>, vector<16xi32>
        %broadcast_in_dim3A_241 = vector.shape_cast %select_n3A_240 : vector<16xi32> to vector<16x1xi32>
        %gather3A_242 = vector.shape_cast %broadcast_in_dim3A_241 : vector<16x1xi32> to vector<16xi32>
        %gather3A_243 = tpu.dynamic_gather %min3A_230[%gather3A_242] in [0] : vector<16xf32>, vector<16xi32> -> vector<16xf32>
        %min3A_244 = arith.minimumf %min3A_230, %gather3A_243 : vector<16xf32>
        %xor3A_245 = arith.constant 1 : i32
        %xor3A_246 = vector.broadcast %xor3A_245 : i32 to vector<16xi32>
        %xor3A_247 = arith.xori %iota3A_202, %xor3A_246 : vector<16xi32>
        %lt3A_248 = arith.constant 0 : i32
        %lt3A_249 = vector.broadcast %lt3A_248 : i32 to vector<16xi32>
        %lt3A_250 = arith.cmpi slt, %xor3A_247, %lt3A_249 : vector<16xi32>
        %add3A_251 = arith.constant 16 : i32
        %add3A_252 = vector.broadcast %add3A_251 : i32 to vector<16xi32>
        %add3A_253 = arith.addi %xor3A_247, %add3A_252 : vector<16xi32>
        %select_n3A_254 = arith.select %lt3A_250, %add3A_253, %xor3A_247 : vector<16xi1>, vector<16xi32>
        %broadcast_in_dim3A_255 = vector.shape_cast %select_n3A_254 : vector<16xi32> to vector<16x1xi32>
        %gather3A_256 = vector.shape_cast %broadcast_in_dim3A_255 : vector<16x1xi32> to vector<16xi32>
        %gather3A_257 = tpu.dynamic_gather %min3A_244[%gather3A_256] in [0] : vector<16xf32>, vector<16xi32> -> vector<16xf32>
        %min3A_258 = arith.minimumf %min3A_244, %gather3A_257 : vector<16xf32>
        %broadcast_in_dim3A_259 = arith.constant -3.000000e+38 : f32
        %broadcast_in_dim3A_260 = vector.broadcast %broadcast_in_dim3A_259 : f32 to vector<16xf32>
        %scan3A_261 = arith.constant 0 : i32
        %scan3A_262 = arith.constant 32 : i32
        %scan3A_263 = arith.addi %scan3A_261, %scan3A_262 : i32
        %scan3A_264 = arith.constant 1 : i32
        %scan3A_265 = scf.for %scan3A_334 = %scan3A_261 to %scan3A_263 step %scan3A_264 iter_args(%scan3A_335 = %broadcast_in_dim3A_260) -> (vector<16xf32>)  : i32 {
          %mul3A_336 = arith.constant 16 : i32
          %mul3A_337 = arith.muli %scan3A_334, %mul3A_336 : i32
          %get3A_338 = arith.index_cast %mul3A_337 : i32 to index
          %get3A_339 = tpu.vector_load %arg9[%get3A_338] {strides = array<i32>} : memref<512xf32, #tpu.memory_space<vmem>>, vector<16xf32>,
          %get3A_340 = vector.shape_cast %get3A_339 : vector<16xf32> to vector<16xf32>
          %mul3A_341 = arith.constant 16 : i32
          %mul3A_342 = arith.muli %scan3A_334, %mul3A_341 : i32
          %add3A_343 = vector.broadcast %mul3A_342 : i32 to vector<16xi32>
          %add3A_344 = arith.addi %iota3A, %add3A_343 : vector<16xi32>
          %convert_element_type3A_345 = arith.sitofp %add3A_344 : vector<16xi32> to vector<16xf32>
          %eq3A_346 = arith.cmpf oeq, %get3A_340, %min3A_258 : vector<16xf32>
          %mul3A_347 = arith.mulf %convert_element_type3A_345, %neg3A_167 : vector<16xf32>
          %jit3A_348 = arith.constant -3.000000e+38 : f32
          %broadcast_in_dim3A_349 = vector.broadcast %jit3A_348 : f32 to vector<16xf32>
          %select_n3A_350 = arith.select %eq3A_346, %mul3A_347, %broadcast_in_dim3A_349 : vector<16xi1>, vector<16xf32>
          %max3A_351 = arith.maximumf %scan3A_335, %select_n3A_350 : vector<16xf32>
          scf.yield %max3A_351 : vector<16xf32>
        }
        %scan3A_266 = arith.constant 32 : i32
        %iota3A_267 = tpu.iota {dimensions = array<i32: 0>} : vector<16xi32>
        %xor3A_268 = arith.constant 8 : i32
        %xor3A_269 = vector.broadcast %xor3A_268 : i32 to vector<16xi32>
        %xor3A_270 = arith.xori %iota3A_267, %xor3A_269 : vector<16xi32>
        %lt3A_271 = arith.constant 0 : i32
        %lt3A_272 = vector.broadcast %lt3A_271 : i32 to vector<16xi32>
        %lt3A_273 = arith.cmpi slt, %xor3A_270, %lt3A_272 : vector<16xi32>
        %add3A_274 = arith.constant 16 : i32
        %add3A_275 = vector.broadcast %add3A_274 : i32 to vector<16xi32>
        %add3A_276 = arith.addi %xor3A_270, %add3A_275 : vector<16xi32>
        %select_n3A_277 = arith.select %lt3A_273, %add3A_276, %xor3A_270 : vector<16xi1>, vector<16xi32>
        %broadcast_in_dim3A_278 = vector.shape_cast %select_n3A_277 : vector<16xi32> to vector<16x1xi32>
        %gather3A_279 = vector.shape_cast %broadcast_in_dim3A_278 : vector<16x1xi32> to vector<16xi32>
        %gather3A_280 = tpu.dynamic_gather %scan3A_265[%gather3A_279] in [0] : vector<16xf32>, vector<16xi32> -> vector<16xf32>
        %max3A = arith.maximumf %scan3A_265, %gather3A_280 : vector<16xf32>
        %xor3A_281 = arith.constant 4 : i32
        %xor3A_282 = vector.broadcast %xor3A_281 : i32 to vector<16xi32>
        %xor3A_283 = arith.xori %iota3A_267, %xor3A_282 : vector<16xi32>
        %lt3A_284 = arith.constant 0 : i32
        %lt3A_285 = vector.broadcast %lt3A_284 : i32 to vector<16xi32>
        %lt3A_286 = arith.cmpi slt, %xor3A_283, %lt3A_285 : vector<16xi32>
        %add3A_287 = arith.constant 16 : i32
        %add3A_288 = vector.broadcast %add3A_287 : i32 to vector<16xi32>
        %add3A_289 = arith.addi %xor3A_283, %add3A_288 : vector<16xi32>
        %select_n3A_290 = arith.select %lt3A_286, %add3A_289, %xor3A_283 : vector<16xi1>, vector<16xi32>
        %broadcast_in_dim3A_291 = vector.shape_cast %select_n3A_290 : vector<16xi32> to vector<16x1xi32>
        %gather3A_292 = vector.shape_cast %broadcast_in_dim3A_291 : vector<16x1xi32> to vector<16xi32>
        %gather3A_293 = tpu.dynamic_gather %max3A[%gather3A_292] in [0] : vector<16xf32>, vector<16xi32> -> vector<16xf32>
        %max3A_294 = arith.maximumf %max3A, %gather3A_293 : vector<16xf32>
        %xor3A_295 = arith.constant 2 : i32
        %xor3A_296 = vector.broadcast %xor3A_295 : i32 to vector<16xi32>
        %xor3A_297 = arith.xori %iota3A_267, %xor3A_296 : vector<16xi32>
        %lt3A_298 = arith.constant 0 : i32
        %lt3A_299 = vector.broadcast %lt3A_298 : i32 to vector<16xi32>
        %lt3A_300 = arith.cmpi slt, %xor3A_297, %lt3A_299 : vector<16xi32>
        %add3A_301 = arith.constant 16 : i32
        %add3A_302 = vector.broadcast %add3A_301 : i32 to vector<16xi32>
        %add3A_303 = arith.addi %xor3A_297, %add3A_302 : vector<16xi32>
        %select_n3A_304 = arith.select %lt3A_300, %add3A_303, %xor3A_297 : vector<16xi1>, vector<16xi32>
        %broadcast_in_dim3A_305 = vector.shape_cast %select_n3A_304 : vector<16xi32> to vector<16x1xi32>
        %gather3A_306 = vector.shape_cast %broadcast_in_dim3A_305 : vector<16x1xi32> to vector<16xi32>
        %gather3A_307 = tpu.dynamic_gather %max3A_294[%gather3A_306] in [0] : vector<16xf32>, vector<16xi32> -> vector<16xf32>
        %max3A_308 = arith.maximumf %max3A_294, %gather3A_307 : vector<16xf32>
        %xor3A_309 = arith.constant 1 : i32
        %xor3A_310 = vector.broadcast %xor3A_309 : i32 to vector<16xi32>
        %xor3A_311 = arith.xori %iota3A_267, %xor3A_310 : vector<16xi32>
        %lt3A_312 = arith.constant 0 : i32
        %lt3A_313 = vector.broadcast %lt3A_312 : i32 to vector<16xi32>
        %lt3A_314 = arith.cmpi slt, %xor3A_311, %lt3A_313 : vector<16xi32>
        %add3A_315 = arith.constant 16 : i32
        %add3A_316 = vector.broadcast %add3A_315 : i32 to vector<16xi32>
        %add3A_317 = arith.addi %xor3A_311, %add3A_316 : vector<16xi32>
        %select_n3A_318 = arith.select %lt3A_314, %add3A_317, %xor3A_311 : vector<16xi1>, vector<16xi32>
        %broadcast_in_dim3A_319 = vector.shape_cast %select_n3A_318 : vector<16xi32> to vector<16x1xi32>
        %gather3A_320 = vector.shape_cast %broadcast_in_dim3A_319 : vector<16x1xi32> to vector<16xi32>
        %gather3A_321 = tpu.dynamic_gather %max3A_308[%gather3A_320] in [0] : vector<16xf32>, vector<16xi32> -> vector<16xf32>
        %max3A_322 = arith.maximumf %max3A_308, %gather3A_321 : vector<16xf32>
        %mul3A_323 = arith.mulf %max3A_322, %neg3A_167 : vector<16xf32>
        %convert_element_type3A_324 = arith.fptosi %mul3A_323 : vector<16xf32> to vector<16xi32>
        %eq3A_325 = vector.broadcast %scan3A_192 : i32 to vector<16xi32>
        %eq3A_326 = arith.cmpi eq, %iota3A, %eq3A_325 : vector<16xi32>
        %select_n3A_327 = arith.select %eq3A_326, %convert_element_type3A_324, %scan3A_193 : vector<16xi1>, vector<16xi32>
        %scan3A_328 = arith.constant 0 : i32
        %scan3A_329 = arith.constant 0 : i32
        %scan3A_330 = arith.constant 32 : i32
        %scan3A_331 = arith.addi %scan3A_329, %scan3A_330 : i32
        %scan3A_332 = arith.constant 1 : i32
        scf.for %scan3A_334 = %scan3A_329 to %scan3A_331 step %scan3A_332  : i32 {
          %mul3A_335 = arith.constant 16 : i32
          %mul3A_336 = arith.muli %scan3A_334, %mul3A_335 : i32
          %get3A_337 = arith.index_cast %mul3A_336 : i32 to index
          %get3A_338 = tpu.vector_load %arg9[%get3A_337] {strides = array<i32>} : memref<512xf32, #tpu.memory_space<vmem>>, vector<16xf32>,
          %get3A_339 = vector.shape_cast %get3A_338 : vector<16xf32> to vector<16xf32>
          %mul3A_340 = arith.constant 16 : i32
          %mul3A_341 = arith.muli %scan3A_334, %mul3A_340 : i32
          %add3A_342 = vector.broadcast %mul3A_341 : i32 to vector<16xi32>
          %add3A_343 = arith.addi %iota3A, %add3A_342 : vector<16xi32>
          %eq3A_344 = arith.cmpi eq, %add3A_343, %convert_element_type3A_324 : vector<16xi32>
          %jit3A_345 = arith.constant 3.000000e+38 : f32
          %broadcast_in_dim3A_346 = vector.broadcast %jit3A_345 : f32 to vector<16xf32>
          %select_n3A_347 = arith.select %eq3A_344, %broadcast_in_dim3A_346, %get3A_339 : vector<16xi1>, vector<16xf32>
          %mul3A_348 = arith.constant 16 : i32
          %mul3A_349 = arith.muli %scan3A_334, %mul3A_348 : i32
          %swap3A_350 = arith.index_cast %mul3A_349 : i32 to index
          %swap3A_351 = tpu.vector_load %arg9[%swap3A_350] {strides = array<i32>} : memref<512xf32, #tpu.memory_space<vmem>>, vector<16xf32>,
          %swap3A_352 = vector.shape_cast %swap3A_351 : vector<16xf32> to vector<16xf32>
          %swap3A_353 = vector.shape_cast %select_n3A_347 : vector<16xf32> to vector<16xf32>
          tpu.vector_store %arg9[%swap3A_350], %swap3A_353 {strides = array<i32>} : memref<512xf32, #tpu.memory_space<vmem>>, vector<16xf32>,
        }
        %scan3A_333 = arith.constant 32 : i32
        scf.yield %select_n3A_327 : vector<16xi32>
      }
      %scan3A_180 = arith.constant 16 : i32
      %swap3A = arith.constant 0 : index
      %swap3A_181 = tpu.vector_load %arg10[%swap3A] {strides = array<i32>} : memref<16xi32, #tpu.memory_space<vmem>>, vector<16xi32>,
      %swap3A_182 = vector.shape_cast %swap3A_181 : vector<16xi32> to vector<16xi32>
      %swap3A_183 = vector.shape_cast %scan3A_179 : vector<16xi32> to vector<16xi32>
      tpu.vector_store %arg10[%swap3A], %swap3A_183 {strides = array<i32>} : memref<16xi32, #tpu.memory_space<vmem>>, vector<16xi32>,
      %convert_element_type3A_184 = arith.extui %eq3A_32 : i1 to i32
      %cond3A_185 = arith.constant 0 : i32
      %cond3A_186 = arith.cmpi ne, %convert_element_type3A_184, %cond3A_185 : i32
      scf.if %cond3A_186 {
        "tpu.region"() ({
          %run_scoped3A = tpu.sem_alloc : memref<!tpu.dma_semaphore, #tpu.memory_space<semaphore_mem>>
          %dma_start3A = arith.constant 0 : i32
          %dma_start3A_196 = tpu.memref_slice %arg5[%select_n3A, %dma_start3A] : memref<4x16xi32, #tpu.memory_space<hbm>> -> memref<1x16xi32, #tpu.memory_space<hbm>>
          %dma_start3A_197 = tpu.memref_squeeze %dma_start3A_196 : memref<1x16xi32, #tpu.memory_space<hbm>> -> memref<16xi32, #tpu.memory_space<hbm>>
          %dma_start3A_198 = arith.constant 0 : i32
          %dma_start3A_199 = tpu.memref_slice %arg5[%select_n3A, %dma_start3A_198] : memref<4x16xi32, #tpu.memory_space<hbm>> -> memref<1x16xi32, #tpu.memory_space<hbm>>
          %dma_start3A_200 = tpu.memref_squeeze %dma_start3A_199 : memref<1x16xi32, #tpu.memory_space<hbm>> -> memref<16xi32, #tpu.memory_space<hbm>>
          tpu.enqueue_dma source(%arg10 : memref<16xi32, #tpu.memory_space<vmem>>) target(%dma_start3A_200 : memref<16xi32, #tpu.memory_space<hbm>>) target_semaphore(%run_scoped3A : memref<!tpu.dma_semaphore, #tpu.memory_space<semaphore_mem>>)
          %dma_wait3A = arith.constant 0 : i32
          %dma_wait3A_201 = tpu.memref_slice %arg5[%select_n3A, %dma_wait3A] : memref<4x16xi32, #tpu.memory_space<hbm>> -> memref<1x16xi32, #tpu.memory_space<hbm>>
          %dma_wait3A_202 = tpu.memref_squeeze %dma_wait3A_201 : memref<1x16xi32, #tpu.memory_space<hbm>> -> memref<16xi32, #tpu.memory_space<hbm>>
          %dma_wait3A_203 = arith.constant 0 : i32
          %dma_wait3A_204 = tpu.memref_slice %arg5[%select_n3A, %dma_wait3A_203] : memref<4x16xi32, #tpu.memory_space<hbm>> -> memref<1x16xi32, #tpu.memory_space<hbm>>
          %dma_wait3A_205 = tpu.memref_squeeze %dma_wait3A_204 : memref<1x16xi32, #tpu.memory_space<hbm>> -> memref<16xi32, #tpu.memory_space<hbm>>
          tpu.wait_dma2 semaphore(%run_scoped3A : memref<!tpu.dma_semaphore, #tpu.memory_space<semaphore_mem>>) src(%arg10 : memref<16xi32, #tpu.memory_space<vmem>>) dst(%dma_wait3A_205 : memref<16xi32, #tpu.memory_space<hbm>>)
          tpu.yield
        }) : () -> ()
        %swap3A_192 = arith.constant 0 : index
        %swap3A_193 = tpu.vector_load %arg11[%swap3A_192] {strides = array<i32>} : memref<16xi32, #tpu.memory_space<vmem>>, vector<16xi32>,
        %swap3A_194 = vector.shape_cast %swap3A_193 : vector<16xi32> to vector<16xi32>
        %swap3A_195 = vector.shape_cast %min3A_129 : vector<16xi32> to vector<16xi32>
        tpu.vector_store %arg11[%swap3A_192], %swap3A_195 {strides = array<i32>} : memref<16xi32, #tpu.memory_space<vmem>>, vector<16xi32>,
        "tpu.region"() ({
          %run_scoped3A = tpu.sem_alloc : memref<!tpu.dma_semaphore, #tpu.memory_space<semaphore_mem>>
          %dma_start3A = arith.constant 0 : i32
          %dma_start3A_196 = tpu.memref_slice %arg7[%select_n3A, %dma_start3A] : memref<4x16xi32, #tpu.memory_space<hbm>> -> memref<1x16xi32, #tpu.memory_space<hbm>>
          %dma_start3A_197 = tpu.memref_squeeze %dma_start3A_196 : memref<1x16xi32, #tpu.memory_space<hbm>> -> memref<16xi32, #tpu.memory_space<hbm>>
          %dma_start3A_198 = arith.constant 0 : i32
          %dma_start3A_199 = tpu.memref_slice %arg7[%select_n3A, %dma_start3A_198] : memref<4x16xi32, #tpu.memory_space<hbm>> -> memref<1x16xi32, #tpu.memory_space<hbm>>
          %dma_start3A_200 = tpu.memref_squeeze %dma_start3A_199 : memref<1x16xi32, #tpu.memory_space<hbm>> -> memref<16xi32, #tpu.memory_space<hbm>>
          tpu.enqueue_dma source(%arg11 : memref<16xi32, #tpu.memory_space<vmem>>) target(%dma_start3A_200 : memref<16xi32, #tpu.memory_space<hbm>>) target_semaphore(%run_scoped3A : memref<!tpu.dma_semaphore, #tpu.memory_space<semaphore_mem>>)
          %dma_wait3A = arith.constant 0 : i32
          %dma_wait3A_201 = tpu.memref_slice %arg7[%select_n3A, %dma_wait3A] : memref<4x16xi32, #tpu.memory_space<hbm>> -> memref<1x16xi32, #tpu.memory_space<hbm>>
          %dma_wait3A_202 = tpu.memref_squeeze %dma_wait3A_201 : memref<1x16xi32, #tpu.memory_space<hbm>> -> memref<16xi32, #tpu.memory_space<hbm>>
          %dma_wait3A_203 = arith.constant 0 : i32
          %dma_wait3A_204 = tpu.memref_slice %arg7[%select_n3A, %dma_wait3A_203] : memref<4x16xi32, #tpu.memory_space<hbm>> -> memref<1x16xi32, #tpu.memory_space<hbm>>
          %dma_wait3A_205 = tpu.memref_squeeze %dma_wait3A_204 : memref<1x16xi32, #tpu.memory_space<hbm>> -> memref<16xi32, #tpu.memory_space<hbm>>
          tpu.wait_dma2 semaphore(%run_scoped3A : memref<!tpu.dma_semaphore, #tpu.memory_space<semaphore_mem>>) src(%arg11 : memref<16xi32, #tpu.memory_space<vmem>>) dst(%dma_wait3A_205 : memref<16xi32, #tpu.memory_space<hbm>>)
          tpu.yield
        }) : () -> ()
      } else {
      }
      %not3A_187 = arith.constant true
      %not3A_188 = arith.xori %eq3A_32, %not3A_187 : i1
      %convert_element_type3A_189 = arith.extui %not3A_188 : i1 to i32
      %cond3A_190 = arith.constant 0 : i32
      %cond3A_191 = arith.cmpi ne, %convert_element_type3A_189, %cond3A_190 : i32
      scf.if %cond3A_191 {
        "tpu.region"() ({
          %run_scoped3A = tpu.sem_alloc : memref<!tpu.dma_semaphore, #tpu.memory_space<semaphore_mem>>
          %dma_start3A = arith.constant 0 : i32
          %dma_start3A_192 = tpu.memref_slice %arg6[%select_n3A, %dma_start3A] : memref<4x16xi32, #tpu.memory_space<hbm>> -> memref<1x16xi32, #tpu.memory_space<hbm>>
          %dma_start3A_193 = tpu.memref_squeeze %dma_start3A_192 : memref<1x16xi32, #tpu.memory_space<hbm>> -> memref<16xi32, #tpu.memory_space<hbm>>
          %dma_start3A_194 = arith.constant 0 : i32
          %dma_start3A_195 = tpu.memref_slice %arg6[%select_n3A, %dma_start3A_194] : memref<4x16xi32, #tpu.memory_space<hbm>> -> memref<1x16xi32, #tpu.memory_space<hbm>>
          %dma_start3A_196 = tpu.memref_squeeze %dma_start3A_195 : memref<1x16xi32, #tpu.memory_space<hbm>> -> memref<16xi32, #tpu.memory_space<hbm>>
          tpu.enqueue_dma source(%arg10 : memref<16xi32, #tpu.memory_space<vmem>>) target(%dma_start3A_196 : memref<16xi32, #tpu.memory_space<hbm>>) target_semaphore(%run_scoped3A : memref<!tpu.dma_semaphore, #tpu.memory_space<semaphore_mem>>)
          %dma_wait3A = arith.constant 0 : i32
          %dma_wait3A_197 = tpu.memref_slice %arg6[%select_n3A, %dma_wait3A] : memref<4x16xi32, #tpu.memory_space<hbm>> -> memref<1x16xi32, #tpu.memory_space<hbm>>
          %dma_wait3A_198 = tpu.memref_squeeze %dma_wait3A_197 : memref<1x16xi32, #tpu.memory_space<hbm>> -> memref<16xi32, #tpu.memory_space<hbm>>
          %dma_wait3A_199 = arith.constant 0 : i32
          %dma_wait3A_200 = tpu.memref_slice %arg6[%select_n3A, %dma_wait3A_199] : memref<4x16xi32, #tpu.memory_space<hbm>> -> memref<1x16xi32, #tpu.memory_space<hbm>>
          %dma_wait3A_201 = tpu.memref_squeeze %dma_wait3A_200 : memref<1x16xi32, #tpu.memory_space<hbm>> -> memref<16xi32, #tpu.memory_space<hbm>>
          tpu.wait_dma2 semaphore(%run_scoped3A : memref<!tpu.dma_semaphore, #tpu.memory_space<semaphore_mem>>) src(%arg10 : memref<16xi32, #tpu.memory_space<vmem>>) dst(%dma_wait3A_201 : memref<16xi32, #tpu.memory_space<hbm>>)
          tpu.yield
        }) : () -> ()
      } else {
      }
    } else {
    }
    return
  }
}

module attributes {stable_mosaic.version = 14 : i64} {
  func.func @_stats_body(%arg0: i32, %arg1: i32, %arg2: memref<1x4x12x96x96xf32, #tpu.memory_space<vmem>>, %arg3: memref<1x12x96x96xi32, #tpu.memory_space<vmem>>, %arg4: memref<1x12x96x96xf32, #tpu.memory_space<vmem>>, %arg5: memref<1x12x96x96xf32, #tpu.memory_space<vmem>>, %arg6: memref<1x1x128xf32, #tpu.memory_space<vmem>>, %arg7: memref<1x1x8x8xf32, #tpu.memory_space<vmem>>, %arg8: memref<1x1x8x8xf32, #tpu.memory_space<vmem>>) attributes {dimension_semantics = [#tpu.dimension_semantics<arbitrary>, #tpu.dimension_semantics<arbitrary>], iteration_bounds = array<i64: 4, 8>, scalar_prefetch = 0 : i64, scratch_operands = 0 : i64, tpu.core_type = #tpu.core_type<tc>, window_params = [{transform_indices = @transform_0, window_bounds = array<i64: 1, 4, 12, 96, 96>}, {transform_indices = @transform_1, window_bounds = array<i64: 1, 12, 96, 96>}, {transform_indices = @transform_2, window_bounds = array<i64: 1, 12, 96, 96>}, {transform_indices = @transform_3, window_bounds = array<i64: 1, 12, 96, 96>}, {transform_indices = @transform_4, window_bounds = array<i64: 1, 1, 128>}, {transform_indices = @transform_5, window_bounds = array<i64: 1, 1, 8, 8>}, {transform_indices = @transform_6, window_bounds = array<i64: 1, 1, 8, 8>}]} {
    %get3A = arith.constant 0 : index
    %get3A_0 = arith.constant 0 : index
    %get3A_1 = arith.constant 0 : index
    %get3A_2 = arith.constant 0 : index
    %get3A_3 = arith.constant 0 : index
    %get3A_4 = vector.load %arg2[%get3A, %get3A_0, %get3A_1, %get3A_2, %get3A_3] : memref<1x4x12x96x96xf32, #tpu.memory_space<vmem>>, vector<1x4x12x96x96xf32>
    %get3A_5 = vector.shape_cast %get3A_4 : vector<1x4x12x96x96xf32> to vector<4x12x96x96xf32>
    %get3A_6 = arith.constant 0 : index
    %get3A_7 = arith.constant 0 : index
    %get3A_8 = arith.constant 0 : index
    %get3A_9 = arith.constant 0 : index
    %get3A_10 = vector.load %arg3[%get3A_6, %get3A_7, %get3A_8, %get3A_9] : memref<1x12x96x96xi32, #tpu.memory_space<vmem>>, vector<1x12x96x96xi32>
    %get3A_11 = vector.shape_cast %get3A_10 : vector<1x12x96x96xi32> to vector<12x96x96xi32>
    %reduce_max3A = arith.constant dense<0xFF800000> : vector<12x96x96xf32>
    %reduce_max3A_12 = vector.multi_reduction <maximumf>, %get3A_5, %reduce_max3A [0] : vector<4x12x96x96xf32> to vector<12x96x96xf32>
    %broadcast_in_dim3A = vector.shape_cast %reduce_max3A_12 : vector<12x96x96xf32> to vector<1x12x96x96xf32>
    %sub3A = vector.broadcast %broadcast_in_dim3A : vector<1x12x96x96xf32> to vector<4x12x96x96xf32>
    %sub3A_13 = arith.subf %get3A_5, %sub3A : vector<4x12x96x96xf32>
    %exp3A = math.exp %sub3A_13 : vector<4x12x96x96xf32>
    %reduce_sum3A = arith.constant dense<0.000000e+00> : vector<12x96x96xf32>
    %reduce_sum3A_14 = vector.multi_reduction <add>, %exp3A, %reduce_sum3A [0] : vector<4x12x96x96xf32> to vector<12x96x96xf32>
    %div3A = arith.constant 1.000000e+00 : f32
    %div3A_15 = vector.broadcast %div3A : f32 to vector<12x96x96xf32>
    %div3A_16 = arith.divf %div3A_15, %reduce_sum3A_14 : vector<12x96x96xf32>
    %iota3A = tpu.iota {dimensions = array<i32: 2>} : vector<1x1x128xi32>
    %broadcast_in_dim3A_17 = arith.constant 0.000000e+00 : f32
    %broadcast_in_dim3A_18 = vector.broadcast %broadcast_in_dim3A_17 : f32 to vector<1x1x128xf32>
    %slice3A = vector.extract_strided_slice %exp3A {offsets = [0, 0, 0, 0], sizes = [1, 12, 96, 96], strides = [1, 1, 1, 1]} : vector<4x12x96x96xf32> to vector<1x12x96x96xf32>
    %squeeze3A = vector.shape_cast %slice3A : vector<1x12x96x96xf32> to vector<12x96x96xf32>
    %mul3A = arith.mulf %squeeze3A, %div3A_16 : vector<12x96x96xf32>
    %eq3A = arith.constant 0 : i32
    %eq3A_19 = vector.broadcast %eq3A : i32 to vector<12x96x96xi32>
    %eq3A_20 = arith.cmpi eq, %get3A_11, %eq3A_19 : vector<12x96x96xi32>
    %convert_element_type3A = arith.extui %eq3A_20 : vector<12x96x96xi1> to vector<12x96x96xi32>
    %convert_element_type3A_21 = arith.sitofp %convert_element_type3A : vector<12x96x96xi32> to vector<12x96x96xf32>
    %mul3A_22 = arith.mulf %mul3A, %convert_element_type3A_21 : vector<12x96x96xf32>
    %reduce_sum3A_23 = vector.shape_cast %mul3A_22 : vector<12x96x96xf32> to vector<1x12x96x96xf32>
    %reduce_sum3A_24 = arith.constant dense<0.000000e+00> : vector<1xf32>
    %reduce_sum3A_25 = vector.multi_reduction <add>, %reduce_sum3A_23, %reduce_sum3A_24 [1, 2, 3] : vector<1x12x96x96xf32> to vector<1xf32>
    %reduce_sum3A_26 = vector.shape_cast %reduce_sum3A_25 : vector<1xf32> to vector<1x1x1x1xf32>
    %reduce_sum3A_27 = vector.extract %reduce_sum3A_26[0, 0, 0, 0] : f32 from vector<1x1x1x1xf32>
    %reduce_sum3A_28 = vector.shape_cast %mul3A : vector<12x96x96xf32> to vector<1x12x96x96xf32>
    %reduce_sum3A_29 = arith.constant dense<0.000000e+00> : vector<1xf32>
    %reduce_sum3A_30 = vector.multi_reduction <add>, %reduce_sum3A_28, %reduce_sum3A_29 [1, 2, 3] : vector<1x12x96x96xf32> to vector<1xf32>
    %reduce_sum3A_31 = vector.shape_cast %reduce_sum3A_30 : vector<1xf32> to vector<1x1x1x1xf32>
    %reduce_sum3A_32 = vector.extract %reduce_sum3A_31[0, 0, 0, 0] : f32 from vector<1x1x1x1xf32>
    %reduce_sum3A_33 = vector.shape_cast %convert_element_type3A_21 : vector<12x96x96xf32> to vector<1x12x96x96xf32>
    %reduce_sum3A_34 = arith.constant dense<0.000000e+00> : vector<1xf32>
    %reduce_sum3A_35 = vector.multi_reduction <add>, %reduce_sum3A_33, %reduce_sum3A_34 [1, 2, 3] : vector<1x12x96x96xf32> to vector<1xf32>
    %reduce_sum3A_36 = vector.shape_cast %reduce_sum3A_35 : vector<1xf32> to vector<1x1x1x1xf32>
    %reduce_sum3A_37 = vector.extract %reduce_sum3A_36[0, 0, 0, 0] : f32 from vector<1x1x1x1xf32>
    %eq3A_38 = arith.constant 0 : i32
    %eq3A_39 = vector.broadcast %eq3A_38 : i32 to vector<1x1x128xi32>
    %eq3A_40 = arith.cmpi eq, %iota3A, %eq3A_39 : vector<1x1x128xi32>
    %jit3A = arith.constant 0.000000e+00 : f32
    %broadcast_in_dim3A_41 = vector.broadcast %reduce_sum3A_27 : f32 to vector<1x1x128xf32>
    %broadcast_in_dim3A_42 = vector.broadcast %jit3A : f32 to vector<1x1x128xf32>
    %select_n3A = arith.select %eq3A_40, %broadcast_in_dim3A_41, %broadcast_in_dim3A_42 : vector<1x1x128xi1>, vector<1x1x128xf32>
    %add3A = arith.addf %broadcast_in_dim3A_18, %select_n3A : vector<1x1x128xf32>
    %eq3A_43 = arith.constant 4 : i32
    %eq3A_44 = vector.broadcast %eq3A_43 : i32 to vector<1x1x128xi32>
    %eq3A_45 = arith.cmpi eq, %iota3A, %eq3A_44 : vector<1x1x128xi32>
    %jit3A_46 = arith.constant 0.000000e+00 : f32
    %broadcast_in_dim3A_47 = vector.broadcast %reduce_sum3A_32 : f32 to vector<1x1x128xf32>
    %broadcast_in_dim3A_48 = vector.broadcast %jit3A_46 : f32 to vector<1x1x128xf32>
    %select_n3A_49 = arith.select %eq3A_45, %broadcast_in_dim3A_47, %broadcast_in_dim3A_48 : vector<1x1x128xi1>, vector<1x1x128xf32>
    %add3A_50 = arith.addf %add3A, %select_n3A_49 : vector<1x1x128xf32>
    %eq3A_51 = arith.constant 8 : i32
    %eq3A_52 = vector.broadcast %eq3A_51 : i32 to vector<1x1x128xi32>
    %eq3A_53 = arith.cmpi eq, %iota3A, %eq3A_52 : vector<1x1x128xi32>
    %jit3A_54 = arith.constant 0.000000e+00 : f32
    %broadcast_in_dim3A_55 = vector.broadcast %reduce_sum3A_37 : f32 to vector<1x1x128xf32>
    %broadcast_in_dim3A_56 = vector.broadcast %jit3A_54 : f32 to vector<1x1x128xf32>
    %select_n3A_57 = arith.select %eq3A_53, %broadcast_in_dim3A_55, %broadcast_in_dim3A_56 : vector<1x1x128xi1>, vector<1x1x128xf32>
    %add3A_58 = arith.addf %add3A_50, %select_n3A_57 : vector<1x1x128xf32>
    %slice3A_59 = vector.extract_strided_slice %exp3A {offsets = [1, 0, 0, 0], sizes = [1, 12, 96, 96], strides = [1, 1, 1, 1]} : vector<4x12x96x96xf32> to vector<1x12x96x96xf32>
    %squeeze3A_60 = vector.shape_cast %slice3A_59 : vector<1x12x96x96xf32> to vector<12x96x96xf32>
    %mul3A_61 = arith.mulf %squeeze3A_60, %div3A_16 : vector<12x96x96xf32>
    %eq3A_62 = arith.constant 1 : i32
    %eq3A_63 = vector.broadcast %eq3A_62 : i32 to vector<12x96x96xi32>
    %eq3A_64 = arith.cmpi eq, %get3A_11, %eq3A_63 : vector<12x96x96xi32>
    %convert_element_type3A_65 = arith.extui %eq3A_64 : vector<12x96x96xi1> to vector<12x96x96xi32>
    %convert_element_type3A_66 = arith.sitofp %convert_element_type3A_65 : vector<12x96x96xi32> to vector<12x96x96xf32>
    %mul3A_67 = arith.mulf %mul3A_61, %convert_element_type3A_66 : vector<12x96x96xf32>
    %reduce_sum3A_68 = vector.shape_cast %mul3A_67 : vector<12x96x96xf32> to vector<1x12x96x96xf32>
    %reduce_sum3A_69 = arith.constant dense<0.000000e+00> : vector<1xf32>
    %reduce_sum3A_70 = vector.multi_reduction <add>, %reduce_sum3A_68, %reduce_sum3A_69 [1, 2, 3] : vector<1x12x96x96xf32> to vector<1xf32>
    %reduce_sum3A_71 = vector.shape_cast %reduce_sum3A_70 : vector<1xf32> to vector<1x1x1x1xf32>
    %reduce_sum3A_72 = vector.extract %reduce_sum3A_71[0, 0, 0, 0] : f32 from vector<1x1x1x1xf32>
    %reduce_sum3A_73 = vector.shape_cast %mul3A_61 : vector<12x96x96xf32> to vector<1x12x96x96xf32>
    %reduce_sum3A_74 = arith.constant dense<0.000000e+00> : vector<1xf32>
    %reduce_sum3A_75 = vector.multi_reduction <add>, %reduce_sum3A_73, %reduce_sum3A_74 [1, 2, 3] : vector<1x12x96x96xf32> to vector<1xf32>
    %reduce_sum3A_76 = vector.shape_cast %reduce_sum3A_75 : vector<1xf32> to vector<1x1x1x1xf32>
    %reduce_sum3A_77 = vector.extract %reduce_sum3A_76[0, 0, 0, 0] : f32 from vector<1x1x1x1xf32>
    %reduce_sum3A_78 = vector.shape_cast %convert_element_type3A_66 : vector<12x96x96xf32> to vector<1x12x96x96xf32>
    %reduce_sum3A_79 = arith.constant dense<0.000000e+00> : vector<1xf32>
    %reduce_sum3A_80 = vector.multi_reduction <add>, %reduce_sum3A_78, %reduce_sum3A_79 [1, 2, 3] : vector<1x12x96x96xf32> to vector<1xf32>
    %reduce_sum3A_81 = vector.shape_cast %reduce_sum3A_80 : vector<1xf32> to vector<1x1x1x1xf32>
    %reduce_sum3A_82 = vector.extract %reduce_sum3A_81[0, 0, 0, 0] : f32 from vector<1x1x1x1xf32>
    %eq3A_83 = arith.constant 1 : i32
    %eq3A_84 = vector.broadcast %eq3A_83 : i32 to vector<1x1x128xi32>
    %eq3A_85 = arith.cmpi eq, %iota3A, %eq3A_84 : vector<1x1x128xi32>
    %jit3A_86 = arith.constant 0.000000e+00 : f32
    %broadcast_in_dim3A_87 = vector.broadcast %reduce_sum3A_72 : f32 to vector<1x1x128xf32>
    %broadcast_in_dim3A_88 = vector.broadcast %jit3A_86 : f32 to vector<1x1x128xf32>
    %select_n3A_89 = arith.select %eq3A_85, %broadcast_in_dim3A_87, %broadcast_in_dim3A_88 : vector<1x1x128xi1>, vector<1x1x128xf32>
    %add3A_90 = arith.addf %add3A_58, %select_n3A_89 : vector<1x1x128xf32>
    %eq3A_91 = arith.constant 5 : i32
    %eq3A_92 = vector.broadcast %eq3A_91 : i32 to vector<1x1x128xi32>
    %eq3A_93 = arith.cmpi eq, %iota3A, %eq3A_92 : vector<1x1x128xi32>
    %jit3A_94 = arith.constant 0.000000e+00 : f32
    %broadcast_in_dim3A_95 = vector.broadcast %reduce_sum3A_77 : f32 to vector<1x1x128xf32>
    %broadcast_in_dim3A_96 = vector.broadcast %jit3A_94 : f32 to vector<1x1x128xf32>
    %select_n3A_97 = arith.select %eq3A_93, %broadcast_in_dim3A_95, %broadcast_in_dim3A_96 : vector<1x1x128xi1>, vector<1x1x128xf32>
    %add3A_98 = arith.addf %add3A_90, %select_n3A_97 : vector<1x1x128xf32>
    %eq3A_99 = arith.constant 9 : i32
    %eq3A_100 = vector.broadcast %eq3A_99 : i32 to vector<1x1x128xi32>
    %eq3A_101 = arith.cmpi eq, %iota3A, %eq3A_100 : vector<1x1x128xi32>
    %jit3A_102 = arith.constant 0.000000e+00 : f32
    %broadcast_in_dim3A_103 = vector.broadcast %reduce_sum3A_82 : f32 to vector<1x1x128xf32>
    %broadcast_in_dim3A_104 = vector.broadcast %jit3A_102 : f32 to vector<1x1x128xf32>
    %select_n3A_105 = arith.select %eq3A_101, %broadcast_in_dim3A_103, %broadcast_in_dim3A_104 : vector<1x1x128xi1>, vector<1x1x128xf32>
    %add3A_106 = arith.addf %add3A_98, %select_n3A_105 : vector<1x1x128xf32>
    %slice3A_107 = vector.extract_strided_slice %exp3A {offsets = [2, 0, 0, 0], sizes = [1, 12, 96, 96], strides = [1, 1, 1, 1]} : vector<4x12x96x96xf32> to vector<1x12x96x96xf32>
    %squeeze3A_108 = vector.shape_cast %slice3A_107 : vector<1x12x96x96xf32> to vector<12x96x96xf32>
    %mul3A_109 = arith.mulf %squeeze3A_108, %div3A_16 : vector<12x96x96xf32>
    %eq3A_110 = arith.constant 2 : i32
    %eq3A_111 = vector.broadcast %eq3A_110 : i32 to vector<12x96x96xi32>
    %eq3A_112 = arith.cmpi eq, %get3A_11, %eq3A_111 : vector<12x96x96xi32>
    %convert_element_type3A_113 = arith.extui %eq3A_112 : vector<12x96x96xi1> to vector<12x96x96xi32>
    %convert_element_type3A_114 = arith.sitofp %convert_element_type3A_113 : vector<12x96x96xi32> to vector<12x96x96xf32>
    %mul3A_115 = arith.mulf %mul3A_109, %convert_element_type3A_114 : vector<12x96x96xf32>
    %reduce_sum3A_116 = vector.shape_cast %mul3A_115 : vector<12x96x96xf32> to vector<1x12x96x96xf32>
    %reduce_sum3A_117 = arith.constant dense<0.000000e+00> : vector<1xf32>
    %reduce_sum3A_118 = vector.multi_reduction <add>, %reduce_sum3A_116, %reduce_sum3A_117 [1, 2, 3] : vector<1x12x96x96xf32> to vector<1xf32>
    %reduce_sum3A_119 = vector.shape_cast %reduce_sum3A_118 : vector<1xf32> to vector<1x1x1x1xf32>
    %reduce_sum3A_120 = vector.extract %reduce_sum3A_119[0, 0, 0, 0] : f32 from vector<1x1x1x1xf32>
    %reduce_sum3A_121 = vector.shape_cast %mul3A_109 : vector<12x96x96xf32> to vector<1x12x96x96xf32>
    %reduce_sum3A_122 = arith.constant dense<0.000000e+00> : vector<1xf32>
    %reduce_sum3A_123 = vector.multi_reduction <add>, %reduce_sum3A_121, %reduce_sum3A_122 [1, 2, 3] : vector<1x12x96x96xf32> to vector<1xf32>
    %reduce_sum3A_124 = vector.shape_cast %reduce_sum3A_123 : vector<1xf32> to vector<1x1x1x1xf32>
    %reduce_sum3A_125 = vector.extract %reduce_sum3A_124[0, 0, 0, 0] : f32 from vector<1x1x1x1xf32>
    %reduce_sum3A_126 = vector.shape_cast %convert_element_type3A_114 : vector<12x96x96xf32> to vector<1x12x96x96xf32>
    %reduce_sum3A_127 = arith.constant dense<0.000000e+00> : vector<1xf32>
    %reduce_sum3A_128 = vector.multi_reduction <add>, %reduce_sum3A_126, %reduce_sum3A_127 [1, 2, 3] : vector<1x12x96x96xf32> to vector<1xf32>
    %reduce_sum3A_129 = vector.shape_cast %reduce_sum3A_128 : vector<1xf32> to vector<1x1x1x1xf32>
    %reduce_sum3A_130 = vector.extract %reduce_sum3A_129[0, 0, 0, 0] : f32 from vector<1x1x1x1xf32>
    %eq3A_131 = arith.constant 2 : i32
    %eq3A_132 = vector.broadcast %eq3A_131 : i32 to vector<1x1x128xi32>
    %eq3A_133 = arith.cmpi eq, %iota3A, %eq3A_132 : vector<1x1x128xi32>
    %jit3A_134 = arith.constant 0.000000e+00 : f32
    %broadcast_in_dim3A_135 = vector.broadcast %reduce_sum3A_120 : f32 to vector<1x1x128xf32>
    %broadcast_in_dim3A_136 = vector.broadcast %jit3A_134 : f32 to vector<1x1x128xf32>
    %select_n3A_137 = arith.select %eq3A_133, %broadcast_in_dim3A_135, %broadcast_in_dim3A_136 : vector<1x1x128xi1>, vector<1x1x128xf32>
    %add3A_138 = arith.addf %add3A_106, %select_n3A_137 : vector<1x1x128xf32>
    %eq3A_139 = arith.constant 6 : i32
    %eq3A_140 = vector.broadcast %eq3A_139 : i32 to vector<1x1x128xi32>
    %eq3A_141 = arith.cmpi eq, %iota3A, %eq3A_140 : vector<1x1x128xi32>
    %jit3A_142 = arith.constant 0.000000e+00 : f32
    %broadcast_in_dim3A_143 = vector.broadcast %reduce_sum3A_125 : f32 to vector<1x1x128xf32>
    %broadcast_in_dim3A_144 = vector.broadcast %jit3A_142 : f32 to vector<1x1x128xf32>
    %select_n3A_145 = arith.select %eq3A_141, %broadcast_in_dim3A_143, %broadcast_in_dim3A_144 : vector<1x1x128xi1>, vector<1x1x128xf32>
    %add3A_146 = arith.addf %add3A_138, %select_n3A_145 : vector<1x1x128xf32>
    %eq3A_147 = arith.constant 10 : i32
    %eq3A_148 = vector.broadcast %eq3A_147 : i32 to vector<1x1x128xi32>
    %eq3A_149 = arith.cmpi eq, %iota3A, %eq3A_148 : vector<1x1x128xi32>
    %jit3A_150 = arith.constant 0.000000e+00 : f32
    %broadcast_in_dim3A_151 = vector.broadcast %reduce_sum3A_130 : f32 to vector<1x1x128xf32>
    %broadcast_in_dim3A_152 = vector.broadcast %jit3A_150 : f32 to vector<1x1x128xf32>
    %select_n3A_153 = arith.select %eq3A_149, %broadcast_in_dim3A_151, %broadcast_in_dim3A_152 : vector<1x1x128xi1>, vector<1x1x128xf32>
    %add3A_154 = arith.addf %add3A_146, %select_n3A_153 : vector<1x1x128xf32>
    %slice3A_155 = vector.extract_strided_slice %exp3A {offsets = [3, 0, 0, 0], sizes = [1, 12, 96, 96], strides = [1, 1, 1, 1]} : vector<4x12x96x96xf32> to vector<1x12x96x96xf32>
    %squeeze3A_156 = vector.shape_cast %slice3A_155 : vector<1x12x96x96xf32> to vector<12x96x96xf32>
    %mul3A_157 = arith.mulf %squeeze3A_156, %div3A_16 : vector<12x96x96xf32>
    %eq3A_158 = arith.constant 3 : i32
    %eq3A_159 = vector.broadcast %eq3A_158 : i32 to vector<12x96x96xi32>
    %eq3A_160 = arith.cmpi eq, %get3A_11, %eq3A_159 : vector<12x96x96xi32>
    %convert_element_type3A_161 = arith.extui %eq3A_160 : vector<12x96x96xi1> to vector<12x96x96xi32>
    %convert_element_type3A_162 = arith.sitofp %convert_element_type3A_161 : vector<12x96x96xi32> to vector<12x96x96xf32>
    %mul3A_163 = arith.mulf %mul3A_157, %convert_element_type3A_162 : vector<12x96x96xf32>
    %reduce_sum3A_164 = vector.shape_cast %mul3A_163 : vector<12x96x96xf32> to vector<1x12x96x96xf32>
    %reduce_sum3A_165 = arith.constant dense<0.000000e+00> : vector<1xf32>
    %reduce_sum3A_166 = vector.multi_reduction <add>, %reduce_sum3A_164, %reduce_sum3A_165 [1, 2, 3] : vector<1x12x96x96xf32> to vector<1xf32>
    %reduce_sum3A_167 = vector.shape_cast %reduce_sum3A_166 : vector<1xf32> to vector<1x1x1x1xf32>
    %reduce_sum3A_168 = vector.extract %reduce_sum3A_167[0, 0, 0, 0] : f32 from vector<1x1x1x1xf32>
    %reduce_sum3A_169 = vector.shape_cast %mul3A_157 : vector<12x96x96xf32> to vector<1x12x96x96xf32>
    %reduce_sum3A_170 = arith.constant dense<0.000000e+00> : vector<1xf32>
    %reduce_sum3A_171 = vector.multi_reduction <add>, %reduce_sum3A_169, %reduce_sum3A_170 [1, 2, 3] : vector<1x12x96x96xf32> to vector<1xf32>
    %reduce_sum3A_172 = vector.shape_cast %reduce_sum3A_171 : vector<1xf32> to vector<1x1x1x1xf32>
    %reduce_sum3A_173 = vector.extract %reduce_sum3A_172[0, 0, 0, 0] : f32 from vector<1x1x1x1xf32>
    %reduce_sum3A_174 = vector.shape_cast %convert_element_type3A_162 : vector<12x96x96xf32> to vector<1x12x96x96xf32>
    %reduce_sum3A_175 = arith.constant dense<0.000000e+00> : vector<1xf32>
    %reduce_sum3A_176 = vector.multi_reduction <add>, %reduce_sum3A_174, %reduce_sum3A_175 [1, 2, 3] : vector<1x12x96x96xf32> to vector<1xf32>
    %reduce_sum3A_177 = vector.shape_cast %reduce_sum3A_176 : vector<1xf32> to vector<1x1x1x1xf32>
    %reduce_sum3A_178 = vector.extract %reduce_sum3A_177[0, 0, 0, 0] : f32 from vector<1x1x1x1xf32>
    %eq3A_179 = arith.constant 3 : i32
    %eq3A_180 = vector.broadcast %eq3A_179 : i32 to vector<1x1x128xi32>
    %eq3A_181 = arith.cmpi eq, %iota3A, %eq3A_180 : vector<1x1x128xi32>
    %jit3A_182 = arith.constant 0.000000e+00 : f32
    %broadcast_in_dim3A_183 = vector.broadcast %reduce_sum3A_168 : f32 to vector<1x1x128xf32>
    %broadcast_in_dim3A_184 = vector.broadcast %jit3A_182 : f32 to vector<1x1x128xf32>
    %select_n3A_185 = arith.select %eq3A_181, %broadcast_in_dim3A_183, %broadcast_in_dim3A_184 : vector<1x1x128xi1>, vector<1x1x128xf32>
    %add3A_186 = arith.addf %add3A_154, %select_n3A_185 : vector<1x1x128xf32>
    %eq3A_187 = arith.constant 7 : i32
    %eq3A_188 = vector.broadcast %eq3A_187 : i32 to vector<1x1x128xi32>
    %eq3A_189 = arith.cmpi eq, %iota3A, %eq3A_188 : vector<1x1x128xi32>
    %jit3A_190 = arith.constant 0.000000e+00 : f32
    %broadcast_in_dim3A_191 = vector.broadcast %reduce_sum3A_173 : f32 to vector<1x1x128xf32>
    %broadcast_in_dim3A_192 = vector.broadcast %jit3A_190 : f32 to vector<1x1x128xf32>
    %select_n3A_193 = arith.select %eq3A_189, %broadcast_in_dim3A_191, %broadcast_in_dim3A_192 : vector<1x1x128xi1>, vector<1x1x128xf32>
    %add3A_194 = arith.addf %add3A_186, %select_n3A_193 : vector<1x1x128xf32>
    %eq3A_195 = arith.constant 11 : i32
    %eq3A_196 = vector.broadcast %eq3A_195 : i32 to vector<1x1x128xi32>
    %eq3A_197 = arith.cmpi eq, %iota3A, %eq3A_196 : vector<1x1x128xi32>
    %jit3A_198 = arith.constant 0.000000e+00 : f32
    %broadcast_in_dim3A_199 = vector.broadcast %reduce_sum3A_178 : f32 to vector<1x1x128xf32>
    %broadcast_in_dim3A_200 = vector.broadcast %jit3A_198 : f32 to vector<1x1x128xf32>
    %select_n3A_201 = arith.select %eq3A_197, %broadcast_in_dim3A_199, %broadcast_in_dim3A_200 : vector<1x1x128xi1>, vector<1x1x128xf32>
    %add3A_202 = arith.addf %add3A_194, %select_n3A_201 : vector<1x1x128xf32>
    %eq3A_203 = arith.constant 0 : i32
    %eq3A_204 = arith.cmpi eq, %arg1, %eq3A_203 : i32
    %convert_element_type3A_205 = arith.extui %eq3A_204 : i1 to i32
    %cond3A = arith.constant 0 : i32
    %cond3A_206 = arith.cmpi ne, %convert_element_type3A_205, %cond3A : i32
    scf.if %cond3A_206 {
      %broadcast_in_dim3A_320 = arith.constant 0.000000e+00 : f32
      %broadcast_in_dim3A_321 = vector.broadcast %broadcast_in_dim3A_320 : f32 to vector<1x1x128xf32>
      %swap3A_322 = arith.constant 0 : index
      %swap3A_323 = arith.constant 0 : index
      %swap3A_324 = arith.constant 0 : index
      %swap3A_325 = vector.load %arg6[%swap3A_322, %swap3A_323, %swap3A_324] : memref<1x1x128xf32, #tpu.memory_space<vmem>>, vector<1x1x128xf32>
      tpu.vector_store %arg6[%swap3A_322, %swap3A_323, %swap3A_324], %broadcast_in_dim3A_321 {strides = array<i32>} : memref<1x1x128xf32, #tpu.memory_space<vmem>>, vector<1x1x128xf32>,
    } else {
    }
    %get3A_207 = arith.constant 0 : index
    %get3A_208 = arith.constant 0 : index
    %get3A_209 = arith.constant 0 : index
    %get3A_210 = vector.load %arg6[%get3A_207, %get3A_208, %get3A_209] : memref<1x1x128xf32, #tpu.memory_space<vmem>>, vector<1x1x128xf32>
    %add3A_211 = arith.addf %get3A_210, %add3A_202 : vector<1x1x128xf32>
    %swap3A = arith.constant 0 : index
    %swap3A_212 = arith.constant 0 : index
    %swap3A_213 = arith.constant 0 : index
    %swap3A_214 = vector.load %arg6[%swap3A, %swap3A_212, %swap3A_213] : memref<1x1x128xf32, #tpu.memory_space<vmem>>, vector<1x1x128xf32>
    tpu.vector_store %arg6[%swap3A, %swap3A_212, %swap3A_213], %add3A_211 {strides = array<i32>} : memref<1x1x128xf32, #tpu.memory_space<vmem>>, vector<1x1x128xf32>,
    %iota3A_215 = tpu.iota {dimensions = array<i32: 1>} : vector<8x96xi32>
    %jit3A_216 = arith.constant 12 : i32
    %div3A_217 = vector.broadcast %jit3A_216 : i32 to vector<8x96xi32>
    %div3A_218 = arith.divsi %iota3A_215, %div3A_217 : vector<8x96xi32>
    %sign3A = arith.constant 0 : i32
    %sign3A_219 = vector.broadcast %sign3A : i32 to vector<8x96xi32>
    %sign3A_220 = arith.cmpi sgt, %iota3A_215, %sign3A_219 : vector<8x96xi32>
    %sign3A_221 = arith.extui %sign3A_220 : vector<8x96xi1> to vector<8x96xi32>
    %sign3A_222 = arith.constant 0 : i32
    %sign3A_223 = vector.broadcast %sign3A_222 : i32 to vector<8x96xi32>
    %sign3A_224 = arith.cmpi slt, %iota3A_215, %sign3A_223 : vector<8x96xi32>
    %sign3A_225 = arith.extui %sign3A_224 : vector<8x96xi1> to vector<8x96xi32>
    %sign3A_226 = arith.subi %sign3A_221, %sign3A_225 : vector<8x96xi32>
    %sign3A_227 = arith.constant 0 : i32
    %sign3A_228 = arith.cmpi sgt, %jit3A_216, %sign3A_227 : i32
    %sign3A_229 = arith.extui %sign3A_228 : i1 to i32
    %sign3A_230 = arith.constant 0 : i32
    %sign3A_231 = arith.cmpi slt, %jit3A_216, %sign3A_230 : i32
    %sign3A_232 = arith.extui %sign3A_231 : i1 to i32
    %sign3A_233 = arith.subi %sign3A_229, %sign3A_232 : i32
    %ne3A = vector.broadcast %sign3A_233 : i32 to vector<8x96xi32>
    %ne3A_234 = arith.cmpi ne, %sign3A_226, %ne3A : vector<8x96xi32>
    %rem3A = vector.broadcast %jit3A_216 : i32 to vector<8x96xi32>
    %rem3A_235 = arith.remsi %iota3A_215, %rem3A : vector<8x96xi32>
    %ne3A_236 = arith.constant 0 : i32
    %ne3A_237 = vector.broadcast %ne3A_236 : i32 to vector<8x96xi32>
    %ne3A_238 = arith.cmpi ne, %rem3A_235, %ne3A_237 : vector<8x96xi32>
    %and3A = arith.andi %ne3A_234, %ne3A_238 : vector<8x96xi1>
    %sub3A_239 = arith.constant 1 : i32
    %sub3A_240 = vector.broadcast %sub3A_239 : i32 to vector<8x96xi32>
    %sub3A_241 = arith.subi %div3A_218, %sub3A_240 : vector<8x96xi32>
    %select_n3A_242 = arith.select %and3A, %sub3A_241, %div3A_218 : vector<8x96xi1>, vector<8x96xi32>
    %iota3A_243 = tpu.iota {dimensions = array<i32: 0>} : vector<8x96xi32>
    %eq3A_244 = arith.cmpi eq, %select_n3A_242, %iota3A_243 : vector<8x96xi32>
    %convert_element_type3A_245 = arith.extui %eq3A_244 : vector<8x96xi1> to vector<8x96xi32>
    %convert_element_type3A_246 = arith.sitofp %convert_element_type3A_245 : vector<8x96xi32> to vector<8x96xf32>
    %iota3A_247 = tpu.iota {dimensions = array<i32: 0>} : vector<96x8xi32>
    %jit3A_248 = arith.constant 12 : i32
    %div3A_249 = vector.broadcast %jit3A_248 : i32 to vector<96x8xi32>
    %div3A_250 = arith.divsi %iota3A_247, %div3A_249 : vector<96x8xi32>
    %sign3A_251 = arith.constant 0 : i32
    %sign3A_252 = vector.broadcast %sign3A_251 : i32 to vector<96x8xi32>
    %sign3A_253 = arith.cmpi sgt, %iota3A_247, %sign3A_252 : vector<96x8xi32>
    %sign3A_254 = arith.extui %sign3A_253 : vector<96x8xi1> to vector<96x8xi32>
    %sign3A_255 = arith.constant 0 : i32
    %sign3A_256 = vector.broadcast %sign3A_255 : i32 to vector<96x8xi32>
    %sign3A_257 = arith.cmpi slt, %iota3A_247, %sign3A_256 : vector<96x8xi32>
    %sign3A_258 = arith.extui %sign3A_257 : vector<96x8xi1> to vector<96x8xi32>
    %sign3A_259 = arith.subi %sign3A_254, %sign3A_258 : vector<96x8xi32>
    %sign3A_260 = arith.constant 0 : i32
    %sign3A_261 = arith.cmpi sgt, %jit3A_248, %sign3A_260 : i32
    %sign3A_262 = arith.extui %sign3A_261 : i1 to i32
    %sign3A_263 = arith.constant 0 : i32
    %sign3A_264 = arith.cmpi slt, %jit3A_248, %sign3A_263 : i32
    %sign3A_265 = arith.extui %sign3A_264 : i1 to i32
    %sign3A_266 = arith.subi %sign3A_262, %sign3A_265 : i32
    %ne3A_267 = vector.broadcast %sign3A_266 : i32 to vector<96x8xi32>
    %ne3A_268 = arith.cmpi ne, %sign3A_259, %ne3A_267 : vector<96x8xi32>
    %rem3A_269 = vector.broadcast %jit3A_248 : i32 to vector<96x8xi32>
    %rem3A_270 = arith.remsi %iota3A_247, %rem3A_269 : vector<96x8xi32>
    %ne3A_271 = arith.constant 0 : i32
    %ne3A_272 = vector.broadcast %ne3A_271 : i32 to vector<96x8xi32>
    %ne3A_273 = arith.cmpi ne, %rem3A_270, %ne3A_272 : vector<96x8xi32>
    %and3A_274 = arith.andi %ne3A_268, %ne3A_273 : vector<96x8xi1>
    %sub3A_275 = arith.constant 1 : i32
    %sub3A_276 = vector.broadcast %sub3A_275 : i32 to vector<96x8xi32>
    %sub3A_277 = arith.subi %div3A_250, %sub3A_276 : vector<96x8xi32>
    %select_n3A_278 = arith.select %and3A_274, %sub3A_277, %div3A_250 : vector<96x8xi1>, vector<96x8xi32>
    %iota3A_279 = tpu.iota {dimensions = array<i32: 1>} : vector<96x8xi32>
    %eq3A_280 = arith.cmpi eq, %select_n3A_278, %iota3A_279 : vector<96x8xi32>
    %convert_element_type3A_281 = arith.extui %eq3A_280 : vector<96x8xi1> to vector<96x8xi32>
    %convert_element_type3A_282 = arith.sitofp %convert_element_type3A_281 : vector<96x8xi32> to vector<96x8xf32>
    %get3A_283 = arith.constant 0 : index
    %get3A_284 = arith.constant 0 : index
    %get3A_285 = arith.constant 0 : index
    %get3A_286 = arith.constant 0 : index
    %get3A_287 = vector.load %arg4[%get3A_283, %get3A_284, %get3A_285, %get3A_286] : memref<1x12x96x96xf32, #tpu.memory_space<vmem>>, vector<1x12x96x96xf32>
    %get3A_288 = vector.shape_cast %get3A_287 : vector<1x12x96x96xf32> to vector<12x96x96xf32>
    %reduce_sum3A_289 = arith.constant dense<0.000000e+00> : vector<96x96xf32>
    %reduce_sum3A_290 = vector.multi_reduction <add>, %get3A_288, %reduce_sum3A_289 [0] : vector<12x96x96xf32> to vector<96x96xf32>
    %get3A_291 = arith.constant 0 : index
    %get3A_292 = arith.constant 0 : index
    %get3A_293 = arith.constant 0 : index
    %get3A_294 = arith.constant 0 : index
    %get3A_295 = vector.load %arg5[%get3A_291, %get3A_292, %get3A_293, %get3A_294] : memref<1x12x96x96xf32, #tpu.memory_space<vmem>>, vector<1x12x96x96xf32>
    %get3A_296 = vector.shape_cast %get3A_295 : vector<1x12x96x96xf32> to vector<12x96x96xf32>
    %reduce_sum3A_297 = arith.constant dense<0.000000e+00> : vector<96x96xf32>
    %reduce_sum3A_298 = vector.multi_reduction <add>, %get3A_296, %reduce_sum3A_297 [0] : vector<12x96x96xf32> to vector<96x96xf32>
    %dot_general3A = arith.constant dense<0.000000e+00> : vector<96x8xf32>
    %dot_general3A_299 = tpu.matmul %reduce_sum3A_290, %convert_element_type3A_282, %dot_general3A {dimension_numbers = #tpu.dot_dimension_numbers<[1], [0], [0], [1], [0, 0, 1, 1], [], []>, precision = #tpu.contract_precision<fp32>, transpose_lhs_hint = false} : vector<96x96xf32>, vector<96x8xf32>, vector<96x8xf32> -> vector<96x8xf32>
    %dot_general3A_300 = arith.constant dense<0.000000e+00> : vector<8x8xf32>
    %dot_general3A_301 = tpu.matmul %convert_element_type3A_246, %dot_general3A_299, %dot_general3A_300 {dimension_numbers = #tpu.dot_dimension_numbers<[1], [0], [0], [1], [0, 0, 1, 1], [], []>, precision = #tpu.contract_precision<fp32>, transpose_lhs_hint = false} : vector<8x96xf32>, vector<96x8xf32>, vector<8x8xf32> -> vector<8x8xf32>
    %dot_general3A_302 = arith.constant dense<0.000000e+00> : vector<96x8xf32>
    %dot_general3A_303 = tpu.matmul %reduce_sum3A_298, %convert_element_type3A_282, %dot_general3A_302 {dimension_numbers = #tpu.dot_dimension_numbers<[1], [0], [0], [1], [0, 0, 1, 1], [], []>, precision = #tpu.contract_precision<fp32>, transpose_lhs_hint = false} : vector<96x96xf32>, vector<96x8xf32>, vector<96x8xf32> -> vector<96x8xf32>
    %dot_general3A_304 = arith.constant dense<0.000000e+00> : vector<8x8xf32>
    %dot_general3A_305 = tpu.matmul %convert_element_type3A_246, %dot_general3A_303, %dot_general3A_304 {dimension_numbers = #tpu.dot_dimension_numbers<[1], [0], [0], [1], [0, 0, 1, 1], [], []>, precision = #tpu.contract_precision<fp32>, transpose_lhs_hint = false} : vector<8x96xf32>, vector<96x8xf32>, vector<8x8xf32> -> vector<8x8xf32>
    %swap3A_306 = arith.constant 0 : index
    %swap3A_307 = arith.constant 0 : index
    %swap3A_308 = arith.constant 0 : index
    %swap3A_309 = arith.constant 0 : index
    %swap3A_310 = vector.load %arg7[%swap3A_306, %swap3A_307, %swap3A_308, %swap3A_309] : memref<1x1x8x8xf32, #tpu.memory_space<vmem>>, vector<1x1x8x8xf32>
    %swap3A_311 = vector.shape_cast %swap3A_310 : vector<1x1x8x8xf32> to vector<8x8xf32>
    %swap3A_312 = vector.shape_cast %dot_general3A_301 : vector<8x8xf32> to vector<1x1x8x8xf32>
    tpu.vector_store %arg7[%swap3A_306, %swap3A_307, %swap3A_308, %swap3A_309], %swap3A_312 {strides = array<i32>} : memref<1x1x8x8xf32, #tpu.memory_space<vmem>>, vector<1x1x8x8xf32>,
    %swap3A_313 = arith.constant 0 : index
    %swap3A_314 = arith.constant 0 : index
    %swap3A_315 = arith.constant 0 : index
    %swap3A_316 = arith.constant 0 : index
    %swap3A_317 = vector.load %arg8[%swap3A_313, %swap3A_314, %swap3A_315, %swap3A_316] : memref<1x1x8x8xf32, #tpu.memory_space<vmem>>, vector<1x1x8x8xf32>
    %swap3A_318 = vector.shape_cast %swap3A_317 : vector<1x1x8x8xf32> to vector<8x8xf32>
    %swap3A_319 = vector.shape_cast %dot_general3A_305 : vector<8x8xf32> to vector<1x1x8x8xf32>
    tpu.vector_store %arg8[%swap3A_313, %swap3A_314, %swap3A_315, %swap3A_316], %swap3A_319 {strides = array<i32>} : memref<1x1x8x8xf32, #tpu.memory_space<vmem>>, vector<1x1x8x8xf32>,
    return
  }
  func.func @transform_0(%arg0: i32, %arg1: i32) -> (i32, i32, i32, i32, i32) {
    %c0_i32 = arith.constant 0 : i32
    %c0_i32_0 = arith.constant 0 : i32
    %c0_i32_1 = arith.constant 0 : i32
    %c0_i32_2 = arith.constant 0 : i32
    return %arg0, %c0_i32, %arg1, %c0_i32_0, %c0_i32_1 : i32, i32, i32, i32, i32
  }
  func.func @transform_1(%arg0: i32, %arg1: i32) -> (i32, i32, i32, i32) {
    %c0_i32 = arith.constant 0 : i32
    %c0_i32_0 = arith.constant 0 : i32
    %c0_i32_1 = arith.constant 0 : i32
    return %arg0, %arg1, %c0_i32, %c0_i32_0 : i32, i32, i32, i32
  }
  func.func @transform_2(%arg0: i32, %arg1: i32) -> (i32, i32, i32, i32) {
    %c0_i32 = arith.constant 0 : i32
    %c0_i32_0 = arith.constant 0 : i32
    %c0_i32_1 = arith.constant 0 : i32
    return %arg0, %arg1, %c0_i32, %c0_i32_0 : i32, i32, i32, i32
  }
  func.func @transform_3(%arg0: i32, %arg1: i32) -> (i32, i32, i32, i32) {
    %c0_i32 = arith.constant 0 : i32
    %c0_i32_0 = arith.constant 0 : i32
    %c0_i32_1 = arith.constant 0 : i32
    return %arg0, %arg1, %c0_i32, %c0_i32_0 : i32, i32, i32, i32
  }
  func.func @transform_4(%arg0: i32, %arg1: i32) -> (i32, i32, i32) {
    %c0_i32 = arith.constant 0 : i32
    %c0_i32_0 = arith.constant 0 : i32
    %c0_i32_1 = arith.constant 0 : i32
    return %arg0, %c0_i32, %c0_i32_0 : i32, i32, i32
  }
  func.func @transform_5(%arg0: i32, %arg1: i32) -> (i32, i32, i32, i32) {
    %c0_i32 = arith.constant 0 : i32
    %c0_i32_0 = arith.constant 0 : i32
    %c0_i32_1 = arith.constant 0 : i32
    return %arg0, %arg1, %c0_i32, %c0_i32_0 : i32, i32, i32, i32
  }
  func.func @transform_6(%arg0: i32, %arg1: i32) -> (i32, i32, i32, i32) {
    %c0_i32 = arith.constant 0 : i32
    %c0_i32_0 = arith.constant 0 : i32
    %c0_i32_1 = arith.constant 0 : i32
    return %arg0, %arg1, %c0_i32, %c0_i32_0 : i32, i32, i32, i32
  }
}

module attributes {stable_mosaic.version = 14 : i64} {
  func.func @_swap_body(%arg0: i32, %arg1: memref<64xi32, #tpu.memory_space<smem>>, %arg2: memref<64xi32, #tpu.memory_space<smem>>, %arg3: memref<4xi32, #tpu.memory_space<smem>>, %arg4: memref<4x1x96x96x8x12xf32, #tpu.memory_space<any>>, %arg5: memref<4x1x96x96x8x12xf32, #tpu.memory_space<any>>, %arg6: memref<4x96x96x8x12xi32, #tpu.memory_space<any>>, %arg7: memref<4x96x96x8x12xi32, #tpu.memory_space<any>>, %arg8: memref<4x96x96x8x12xf32, #tpu.memory_space<any>>, %arg9: memref<4x96x96x8x12xf32, #tpu.memory_space<any>>, %arg10: memref<4x1x96x96x8x12xf32, #tpu.memory_space<any>>, %arg11: memref<4x96x96x8x12xi32, #tpu.memory_space<any>>, %arg12: memref<4x96x96x8x12xf32, #tpu.memory_space<any>>, %arg13: memref<!tpu.dma_semaphore, #tpu.memory_space<semaphore_mem>>, %arg14: memref<!tpu.dma_semaphore, #tpu.memory_space<semaphore_mem>>, %arg15: memref<!tpu.dma_semaphore, #tpu.memory_space<semaphore_mem>>) attributes {dimension_semantics = [#tpu.dimension_semantics<arbitrary>], iteration_bounds = array<i64: 4>, scalar_prefetch = 3 : i64, scratch_operands = 3 : i64, tpu.core_type = #tpu.core_type<tc>, window_params = [{}, {}, {}, {}, {}, {}, {}, {}, {}]} {
    %get3A = arith.index_cast %arg0 : i32 to index
    %get3A_0 = memref.load %arg3[%get3A] : memref<4xi32, #tpu.memory_space<smem>>
    %gt3A = arith.constant 0 : i32
    %gt3A_1 = arith.cmpi sgt, %get3A_0, %gt3A : i32
    %mul3A = arith.constant 16 : i32
    %mul3A_2 = arith.muli %arg0, %mul3A : i32
    %add3A = arith.constant 0 : i32
    %add3A_3 = arith.addi %mul3A_2, %add3A : i32
    %get3A_4 = arith.index_cast %add3A_3 : i32 to index
    %get3A_5 = memref.load %arg1[%get3A_4] : memref<64xi32, #tpu.memory_space<smem>>
    %mul3A_6 = arith.constant 16 : i32
    %mul3A_7 = arith.muli %arg0, %mul3A_6 : i32
    %add3A_8 = arith.constant 0 : i32
    %add3A_9 = arith.addi %mul3A_7, %add3A_8 : i32
    %get3A_10 = arith.index_cast %add3A_9 : i32 to index
    %get3A_11 = memref.load %arg2[%get3A_10] : memref<64xi32, #tpu.memory_space<smem>>
    %jit3A = arith.constant 64 : i32
    %div3A = arith.divsi %get3A_5, %jit3A : i32
    %sign3A = arith.constant 0 : i32
    %sign3A_12 = arith.cmpi sgt, %get3A_5, %sign3A : i32
    %sign3A_13 = arith.extui %sign3A_12 : i1 to i32
    %sign3A_14 = arith.constant 0 : i32
    %sign3A_15 = arith.cmpi slt, %get3A_5, %sign3A_14 : i32
    %sign3A_16 = arith.extui %sign3A_15 : i1 to i32
    %sign3A_17 = arith.subi %sign3A_13, %sign3A_16 : i32
    %sign3A_18 = arith.constant 0 : i32
    %sign3A_19 = arith.cmpi sgt, %jit3A, %sign3A_18 : i32
    %sign3A_20 = arith.extui %sign3A_19 : i1 to i32
    %sign3A_21 = arith.constant 0 : i32
    %sign3A_22 = arith.cmpi slt, %jit3A, %sign3A_21 : i32
    %sign3A_23 = arith.extui %sign3A_22 : i1 to i32
    %sign3A_24 = arith.subi %sign3A_20, %sign3A_23 : i32
    %ne3A = arith.cmpi ne, %sign3A_17, %sign3A_24 : i32
    %rem3A = arith.remsi %get3A_5, %jit3A : i32
    %ne3A_25 = arith.constant 0 : i32
    %ne3A_26 = arith.cmpi ne, %rem3A, %ne3A_25 : i32
    %and3A = arith.andi %ne3A, %ne3A_26 : i1
    %sub3A = arith.constant 1 : i32
    %sub3A_27 = arith.subi %div3A, %sub3A : i32
    %select_n3A = arith.select %and3A, %sub3A_27, %div3A : i32
    %mul3A_28 = arith.constant 12 : i32
    %mul3A_29 = arith.muli %select_n3A, %mul3A_28 : i32
    %jit3A_30 = arith.constant 8 : i32
    %div3A_31 = arith.divsi %get3A_5, %jit3A_30 : i32
    %sign3A_32 = arith.constant 0 : i32
    %sign3A_33 = arith.cmpi sgt, %get3A_5, %sign3A_32 : i32
    %sign3A_34 = arith.extui %sign3A_33 : i1 to i32
    %sign3A_35 = arith.constant 0 : i32
    %sign3A_36 = arith.cmpi slt, %get3A_5, %sign3A_35 : i32
    %sign3A_37 = arith.extui %sign3A_36 : i1 to i32
    %sign3A_38 = arith.subi %sign3A_34, %sign3A_37 : i32
    %sign3A_39 = arith.constant 0 : i32
    %sign3A_40 = arith.cmpi sgt, %jit3A_30, %sign3A_39 : i32
    %sign3A_41 = arith.extui %sign3A_40 : i1 to i32
    %sign3A_42 = arith.constant 0 : i32
    %sign3A_43 = arith.cmpi slt, %jit3A_30, %sign3A_42 : i32
    %sign3A_44 = arith.extui %sign3A_43 : i1 to i32
    %sign3A_45 = arith.subi %sign3A_41, %sign3A_44 : i32
    %ne3A_46 = arith.cmpi ne, %sign3A_38, %sign3A_45 : i32
    %rem3A_47 = arith.remsi %get3A_5, %jit3A_30 : i32
    %ne3A_48 = arith.constant 0 : i32
    %ne3A_49 = arith.cmpi ne, %rem3A_47, %ne3A_48 : i32
    %and3A_50 = arith.andi %ne3A_46, %ne3A_49 : i1
    %sub3A_51 = arith.constant 1 : i32
    %sub3A_52 = arith.subi %div3A_31, %sub3A_51 : i32
    %select_n3A_53 = arith.select %and3A_50, %sub3A_52, %div3A_31 : i32
    %jit3A_54 = arith.constant 8 : i32
    %eq3A = arith.constant 0 : i32
    %eq3A_55 = arith.cmpi eq, %jit3A_54, %eq3A : i32
    %jit3A_56 = arith.constant 1 : i32
    %select_n3A_57 = arith.select %eq3A_55, %jit3A_56, %jit3A_54 : i32
    %rem3A_58 = arith.remsi %select_n3A_53, %select_n3A_57 : i32
    %ne3A_59 = arith.constant 0 : i32
    %ne3A_60 = arith.cmpi ne, %rem3A_58, %ne3A_59 : i32
    %lt3A = arith.constant 0 : i32
    %lt3A_61 = arith.cmpi slt, %rem3A_58, %lt3A : i32
    %lt3A_62 = arith.constant 0 : i32
    %lt3A_63 = arith.cmpi slt, %select_n3A_57, %lt3A_62 : i32
    %ne3A_64 = arith.xori %lt3A_61, %lt3A_63 : i1
    %and3A_65 = arith.andi %ne3A_64, %ne3A_60 : i1
    %add3A_66 = arith.addi %rem3A_58, %select_n3A_57 : i32
    %select_n3A_67 = arith.select %and3A_65, %add3A_66, %rem3A_58 : i32
    %mul3A_68 = arith.constant 12 : i32
    %mul3A_69 = arith.muli %select_n3A_67, %mul3A_68 : i32
    %jit3A_70 = arith.constant 8 : i32
    %eq3A_71 = arith.constant 0 : i32
    %eq3A_72 = arith.cmpi eq, %jit3A_70, %eq3A_71 : i32
    %jit3A_73 = arith.constant 1 : i32
    %select_n3A_74 = arith.select %eq3A_72, %jit3A_73, %jit3A_70 : i32
    %rem3A_75 = arith.remsi %get3A_5, %select_n3A_74 : i32
    %ne3A_76 = arith.constant 0 : i32
    %ne3A_77 = arith.cmpi ne, %rem3A_75, %ne3A_76 : i32
    %lt3A_78 = arith.constant 0 : i32
    %lt3A_79 = arith.cmpi slt, %rem3A_75, %lt3A_78 : i32
    %lt3A_80 = arith.constant 0 : i32
    %lt3A_81 = arith.cmpi slt, %select_n3A_74, %lt3A_80 : i32
    %ne3A_82 = arith.xori %lt3A_79, %lt3A_81 : i1
    %and3A_83 = arith.andi %ne3A_82, %ne3A_77 : i1
    %add3A_84 = arith.addi %rem3A_75, %select_n3A_74 : i32
    %select_n3A_85 = arith.select %and3A_83, %add3A_84, %rem3A_75 : i32
    %jit3A_86 = arith.constant 64 : i32
    %div3A_87 = arith.divsi %get3A_11, %jit3A_86 : i32
    %sign3A_88 = arith.constant 0 : i32
    %sign3A_89 = arith.cmpi sgt, %get3A_11, %sign3A_88 : i32
    %sign3A_90 = arith.extui %sign3A_89 : i1 to i32
    %sign3A_91 = arith.constant 0 : i32
    %sign3A_92 = arith.cmpi slt, %get3A_11, %sign3A_91 : i32
    %sign3A_93 = arith.extui %sign3A_92 : i1 to i32
    %sign3A_94 = arith.subi %sign3A_90, %sign3A_93 : i32
    %sign3A_95 = arith.constant 0 : i32
    %sign3A_96 = arith.cmpi sgt, %jit3A_86, %sign3A_95 : i32
    %sign3A_97 = arith.extui %sign3A_96 : i1 to i32
    %sign3A_98 = arith.constant 0 : i32
    %sign3A_99 = arith.cmpi slt, %jit3A_86, %sign3A_98 : i32
    %sign3A_100 = arith.extui %sign3A_99 : i1 to i32
    %sign3A_101 = arith.subi %sign3A_97, %sign3A_100 : i32
    %ne3A_102 = arith.cmpi ne, %sign3A_94, %sign3A_101 : i32
    %rem3A_103 = arith.remsi %get3A_11, %jit3A_86 : i32
    %ne3A_104 = arith.constant 0 : i32
    %ne3A_105 = arith.cmpi ne, %rem3A_103, %ne3A_104 : i32
    %and3A_106 = arith.andi %ne3A_102, %ne3A_105 : i1
    %sub3A_107 = arith.constant 1 : i32
    %sub3A_108 = arith.subi %div3A_87, %sub3A_107 : i32
    %select_n3A_109 = arith.select %and3A_106, %sub3A_108, %div3A_87 : i32
    %mul3A_110 = arith.constant 12 : i32
    %mul3A_111 = arith.muli %select_n3A_109, %mul3A_110 : i32
    %jit3A_112 = arith.constant 8 : i32
    %div3A_113 = arith.divsi %get3A_11, %jit3A_112 : i32
    %sign3A_114 = arith.constant 0 : i32
    %sign3A_115 = arith.cmpi sgt, %get3A_11, %sign3A_114 : i32
    %sign3A_116 = arith.extui %sign3A_115 : i1 to i32
    %sign3A_117 = arith.constant 0 : i32
    %sign3A_118 = arith.cmpi slt, %get3A_11, %sign3A_117 : i32
    %sign3A_119 = arith.extui %sign3A_118 : i1 to i32
    %sign3A_120 = arith.subi %sign3A_116, %sign3A_119 : i32
    %sign3A_121 = arith.constant 0 : i32
    %sign3A_122 = arith.cmpi sgt, %jit3A_112, %sign3A_121 : i32
    %sign3A_123 = arith.extui %sign3A_122 : i1 to i32
    %sign3A_124 = arith.constant 0 : i32
    %sign3A_125 = arith.cmpi slt, %jit3A_112, %sign3A_124 : i32
    %sign3A_126 = arith.extui %sign3A_125 : i1 to i32
    %sign3A_127 = arith.subi %sign3A_123, %sign3A_126 : i32
    %ne3A_128 = arith.cmpi ne, %sign3A_120, %sign3A_127 : i32
    %rem3A_129 = arith.remsi %get3A_11, %jit3A_112 : i32
    %ne3A_130 = arith.constant 0 : i32
    %ne3A_131 = arith.cmpi ne, %rem3A_129, %ne3A_130 : i32
    %and3A_132 = arith.andi %ne3A_128, %ne3A_131 : i1
    %sub3A_133 = arith.constant 1 : i32
    %sub3A_134 = arith.subi %div3A_113, %sub3A_133 : i32
    %select_n3A_135 = arith.select %and3A_132, %sub3A_134, %div3A_113 : i32
    %jit3A_136 = arith.constant 8 : i32
    %eq3A_137 = arith.constant 0 : i32
    %eq3A_138 = arith.cmpi eq, %jit3A_136, %eq3A_137 : i32
    %jit3A_139 = arith.constant 1 : i32
    %select_n3A_140 = arith.select %eq3A_138, %jit3A_139, %jit3A_136 : i32
    %rem3A_141 = arith.remsi %select_n3A_135, %select_n3A_140 : i32
    %ne3A_142 = arith.constant 0 : i32
    %ne3A_143 = arith.cmpi ne, %rem3A_141, %ne3A_142 : i32
    %lt3A_144 = arith.constant 0 : i32
    %lt3A_145 = arith.cmpi slt, %rem3A_141, %lt3A_144 : i32
    %lt3A_146 = arith.constant 0 : i32
    %lt3A_147 = arith.cmpi slt, %select_n3A_140, %lt3A_146 : i32
    %ne3A_148 = arith.xori %lt3A_145, %lt3A_147 : i1
    %and3A_149 = arith.andi %ne3A_148, %ne3A_143 : i1
    %add3A_150 = arith.addi %rem3A_141, %select_n3A_140 : i32
    %select_n3A_151 = arith.select %and3A_149, %add3A_150, %rem3A_141 : i32
    %mul3A_152 = arith.constant 12 : i32
    %mul3A_153 = arith.muli %select_n3A_151, %mul3A_152 : i32
    %jit3A_154 = arith.constant 8 : i32
    %eq3A_155 = arith.constant 0 : i32
    %eq3A_156 = arith.cmpi eq, %jit3A_154, %eq3A_155 : i32
    %jit3A_157 = arith.constant 1 : i32
    %select_n3A_158 = arith.select %eq3A_156, %jit3A_157, %jit3A_154 : i32
    %rem3A_159 = arith.remsi %get3A_11, %select_n3A_158 : i32
    %ne3A_160 = arith.constant 0 : i32
    %ne3A_161 = arith.cmpi ne, %rem3A_159, %ne3A_160 : i32
    %lt3A_162 = arith.constant 0 : i32
    %lt3A_163 = arith.cmpi slt, %rem3A_159, %lt3A_162 : i32
    %lt3A_164 = arith.constant 0 : i32
    %lt3A_165 = arith.cmpi slt, %select_n3A_158, %lt3A_164 : i32
    %ne3A_166 = arith.xori %lt3A_163, %lt3A_165 : i1
    %and3A_167 = arith.andi %ne3A_166, %ne3A_161 : i1
    %add3A_168 = arith.addi %rem3A_159, %select_n3A_158 : i32
    %select_n3A_169 = arith.select %and3A_167, %add3A_168, %rem3A_159 : i32
    %convert_element_type3A = arith.extui %gt3A_1 : i1 to i32
    %cond3A = arith.constant 0 : i32
    %cond3A_170 = arith.constant 0 : i32
    %cond3A_171 = arith.constant 0 : i32
    %cond3A_172 = arith.cmpi ne, %convert_element_type3A, %cond3A_171 : i32
    scf.if %cond3A_172 {
      %dma_start3A = arith.constant 0 : i32
      %dma_start3A_3058 = tpu.memref_slice %arg10[%arg0, %cond3A_170, %mul3A_29, %mul3A_69, %select_n3A_85, %dma_start3A] : memref<4x1x96x96x8x12xf32, #tpu.memory_space<any>> -> memref<1x1x12x12x1x12xf32, #tpu.memory_space<any>>
      %dma_start3A_3059 = tpu.memref_squeeze %dma_start3A_3058 : memref<1x1x12x12x1x12xf32, #tpu.memory_space<any>> -> memref<12x12x12xf32, #tpu.memory_space<any>>
      %dma_start3A_3060 = arith.constant 0 : i32
      %dma_start3A_3061 = tpu.memref_slice %arg4[%arg0, %cond3A, %mul3A_111, %mul3A_153, %select_n3A_169, %dma_start3A_3060] : memref<4x1x96x96x8x12xf32, #tpu.memory_space<any>> -> memref<1x1x12x12x1x12xf32, #tpu.memory_space<any>>
      %dma_start3A_3062 = tpu.memref_squeeze %dma_start3A_3061 : memref<1x1x12x12x1x12xf32, #tpu.memory_space<any>> -> memref<12x12x12xf32, #tpu.memory_space<any>>
      tpu.enqueue_dma source(%dma_start3A_3062 : memref<12x12x12xf32, #tpu.memory_space<any>>) target(%dma_start3A_3059 : memref<12x12x12xf32, #tpu.memory_space<any>>) target_semaphore(%arg13 : memref<!tpu.dma_semaphore, #tpu.memory_space<semaphore_mem>>)
      %dma_start3A_3063 = arith.constant 0 : i32
      %dma_start3A_3064 = tpu.memref_slice %arg11[%arg0, %mul3A_29, %mul3A_69, %select_n3A_85, %dma_start3A_3063] : memref<4x96x96x8x12xi32, #tpu.memory_space<any>> -> memref<1x12x12x1x12xi32, #tpu.memory_space<any>>
      %dma_start3A_3065 = tpu.memref_squeeze %dma_start3A_3064 : memref<1x12x12x1x12xi32, #tpu.memory_space<any>> -> memref<12x12x12xi32, #tpu.memory_space<any>>
      %dma_start3A_3066 = arith.constant 0 : i32
      %dma_start3A_3067 = tpu.memref_slice %arg6[%arg0, %mul3A_111, %mul3A_153, %select_n3A_169, %dma_start3A_3066] : memref<4x96x96x8x12xi32, #tpu.memory_space<any>> -> memref<1x12x12x1x12xi32, #tpu.memory_space<any>>
      %dma_start3A_3068 = tpu.memref_squeeze %dma_start3A_3067 : memref<1x12x12x1x12xi32, #tpu.memory_space<any>> -> memref<12x12x12xi32, #tpu.memory_space<any>>
      tpu.enqueue_dma source(%dma_start3A_3068 : memref<12x12x12xi32, #tpu.memory_space<any>>) target(%dma_start3A_3065 : memref<12x12x12xi32, #tpu.memory_space<any>>) target_semaphore(%arg14 : memref<!tpu.dma_semaphore, #tpu.memory_space<semaphore_mem>>)
      %dma_start3A_3069 = arith.constant 0 : i32
      %dma_start3A_3070 = tpu.memref_slice %arg12[%arg0, %mul3A_29, %mul3A_69, %select_n3A_85, %dma_start3A_3069] : memref<4x96x96x8x12xf32, #tpu.memory_space<any>> -> memref<1x12x12x1x12xf32, #tpu.memory_space<any>>
      %dma_start3A_3071 = tpu.memref_squeeze %dma_start3A_3070 : memref<1x12x12x1x12xf32, #tpu.memory_space<any>> -> memref<12x12x12xf32, #tpu.memory_space<any>>
      %dma_start3A_3072 = arith.constant 0 : i32
      %dma_start3A_3073 = tpu.memref_slice %arg8[%arg0, %mul3A_111, %mul3A_153, %select_n3A_169, %dma_start3A_3072] : memref<4x96x96x8x12xf32, #tpu.memory_space<any>> -> memref<1x12x12x1x12xf32, #tpu.memory_space<any>>
      %dma_start3A_3074 = tpu.memref_squeeze %dma_start3A_3073 : memref<1x12x12x1x12xf32, #tpu.memory_space<any>> -> memref<12x12x12xf32, #tpu.memory_space<any>>
      tpu.enqueue_dma source(%dma_start3A_3074 : memref<12x12x12xf32, #tpu.memory_space<any>>) target(%dma_start3A_3071 : memref<12x12x12xf32, #tpu.memory_space<any>>) target_semaphore(%arg15 : memref<!tpu.dma_semaphore, #tpu.memory_space<semaphore_mem>>)
    } else {
    }
    %gt3A_173 = arith.constant 1 : i32
    %gt3A_174 = arith.cmpi sgt, %get3A_0, %gt3A_173 : i32
    %mul3A_175 = arith.constant 16 : i32
    %mul3A_176 = arith.muli %arg0, %mul3A_175 : i32
    %add3A_177 = arith.constant 1 : i32
    %add3A_178 = arith.addi %mul3A_176, %add3A_177 : i32
    %get3A_179 = arith.index_cast %add3A_178 : i32 to index
    %get3A_180 = memref.load %arg1[%get3A_179] : memref<64xi32, #tpu.memory_space<smem>>
    %mul3A_181 = arith.constant 16 : i32
    %mul3A_182 = arith.muli %arg0, %mul3A_181 : i32
    %add3A_183 = arith.constant 1 : i32
    %add3A_184 = arith.addi %mul3A_182, %add3A_183 : i32
    %get3A_185 = arith.index_cast %add3A_184 : i32 to index
    %get3A_186 = memref.load %arg2[%get3A_185] : memref<64xi32, #tpu.memory_space<smem>>
    %jit3A_187 = arith.constant 64 : i32
    %div3A_188 = arith.divsi %get3A_180, %jit3A_187 : i32
    %sign3A_189 = arith.constant 0 : i32
    %sign3A_190 = arith.cmpi sgt, %get3A_180, %sign3A_189 : i32
    %sign3A_191 = arith.extui %sign3A_190 : i1 to i32
    %sign3A_192 = arith.constant 0 : i32
    %sign3A_193 = arith.cmpi slt, %get3A_180, %sign3A_192 : i32
    %sign3A_194 = arith.extui %sign3A_193 : i1 to i32
    %sign3A_195 = arith.subi %sign3A_191, %sign3A_194 : i32
    %sign3A_196 = arith.constant 0 : i32
    %sign3A_197 = arith.cmpi sgt, %jit3A_187, %sign3A_196 : i32
    %sign3A_198 = arith.extui %sign3A_197 : i1 to i32
    %sign3A_199 = arith.constant 0 : i32
    %sign3A_200 = arith.cmpi slt, %jit3A_187, %sign3A_199 : i32
    %sign3A_201 = arith.extui %sign3A_200 : i1 to i32
    %sign3A_202 = arith.subi %sign3A_198, %sign3A_201 : i32
    %ne3A_203 = arith.cmpi ne, %sign3A_195, %sign3A_202 : i32
    %rem3A_204 = arith.remsi %get3A_180, %jit3A_187 : i32
    %ne3A_205 = arith.constant 0 : i32
    %ne3A_206 = arith.cmpi ne, %rem3A_204, %ne3A_205 : i32
    %and3A_207 = arith.andi %ne3A_203, %ne3A_206 : i1
    %sub3A_208 = arith.constant 1 : i32
    %sub3A_209 = arith.subi %div3A_188, %sub3A_208 : i32
    %select_n3A_210 = arith.select %and3A_207, %sub3A_209, %div3A_188 : i32
    %mul3A_211 = arith.constant 12 : i32
    %mul3A_212 = arith.muli %select_n3A_210, %mul3A_211 : i32
    %jit3A_213 = arith.constant 8 : i32
    %div3A_214 = arith.divsi %get3A_180, %jit3A_213 : i32
    %sign3A_215 = arith.constant 0 : i32
    %sign3A_216 = arith.cmpi sgt, %get3A_180, %sign3A_215 : i32
    %sign3A_217 = arith.extui %sign3A_216 : i1 to i32
    %sign3A_218 = arith.constant 0 : i32
    %sign3A_219 = arith.cmpi slt, %get3A_180, %sign3A_218 : i32
    %sign3A_220 = arith.extui %sign3A_219 : i1 to i32
    %sign3A_221 = arith.subi %sign3A_217, %sign3A_220 : i32
    %sign3A_222 = arith.constant 0 : i32
    %sign3A_223 = arith.cmpi sgt, %jit3A_213, %sign3A_222 : i32
    %sign3A_224 = arith.extui %sign3A_223 : i1 to i32
    %sign3A_225 = arith.constant 0 : i32
    %sign3A_226 = arith.cmpi slt, %jit3A_213, %sign3A_225 : i32
    %sign3A_227 = arith.extui %sign3A_226 : i1 to i32
    %sign3A_228 = arith.subi %sign3A_224, %sign3A_227 : i32
    %ne3A_229 = arith.cmpi ne, %sign3A_221, %sign3A_228 : i32
    %rem3A_230 = arith.remsi %get3A_180, %jit3A_213 : i32
    %ne3A_231 = arith.constant 0 : i32
    %ne3A_232 = arith.cmpi ne, %rem3A_230, %ne3A_231 : i32
    %and3A_233 = arith.andi %ne3A_229, %ne3A_232 : i1
    %sub3A_234 = arith.constant 1 : i32
    %sub3A_235 = arith.subi %div3A_214, %sub3A_234 : i32
    %select_n3A_236 = arith.select %and3A_233, %sub3A_235, %div3A_214 : i32
    %jit3A_237 = arith.constant 8 : i32
    %eq3A_238 = arith.constant 0 : i32
    %eq3A_239 = arith.cmpi eq, %jit3A_237, %eq3A_238 : i32
    %jit3A_240 = arith.constant 1 : i32
    %select_n3A_241 = arith.select %eq3A_239, %jit3A_240, %jit3A_237 : i32
    %rem3A_242 = arith.remsi %select_n3A_236, %select_n3A_241 : i32
    %ne3A_243 = arith.constant 0 : i32
    %ne3A_244 = arith.cmpi ne, %rem3A_242, %ne3A_243 : i32
    %lt3A_245 = arith.constant 0 : i32
    %lt3A_246 = arith.cmpi slt, %rem3A_242, %lt3A_245 : i32
    %lt3A_247 = arith.constant 0 : i32
    %lt3A_248 = arith.cmpi slt, %select_n3A_241, %lt3A_247 : i32
    %ne3A_249 = arith.xori %lt3A_246, %lt3A_248 : i1
    %and3A_250 = arith.andi %ne3A_249, %ne3A_244 : i1
    %add3A_251 = arith.addi %rem3A_242, %select_n3A_241 : i32
    %select_n3A_252 = arith.select %and3A_250, %add3A_251, %rem3A_242 : i32
    %mul3A_253 = arith.constant 12 : i32
    %mul3A_254 = arith.muli %select_n3A_252, %mul3A_253 : i32
    %jit3A_255 = arith.constant 8 : i32
    %eq3A_256 = arith.constant 0 : i32
    %eq3A_257 = arith.cmpi eq, %jit3A_255, %eq3A_256 : i32
    %jit3A_258 = arith.constant 1 : i32
    %select_n3A_259 = arith.select %eq3A_257, %jit3A_258, %jit3A_255 : i32
    %rem3A_260 = arith.remsi %get3A_180, %select_n3A_259 : i32
    %ne3A_261 = arith.constant 0 : i32
    %ne3A_262 = arith.cmpi ne, %rem3A_260, %ne3A_261 : i32
    %lt3A_263 = arith.constant 0 : i32
    %lt3A_264 = arith.cmpi slt, %rem3A_260, %lt3A_263 : i32
    %lt3A_265 = arith.constant 0 : i32
    %lt3A_266 = arith.cmpi slt, %select_n3A_259, %lt3A_265 : i32
    %ne3A_267 = arith.xori %lt3A_264, %lt3A_266 : i1
    %and3A_268 = arith.andi %ne3A_267, %ne3A_262 : i1
    %add3A_269 = arith.addi %rem3A_260, %select_n3A_259 : i32
    %select_n3A_270 = arith.select %and3A_268, %add3A_269, %rem3A_260 : i32
    %jit3A_271 = arith.constant 64 : i32
    %div3A_272 = arith.divsi %get3A_186, %jit3A_271 : i32
    %sign3A_273 = arith.constant 0 : i32
    %sign3A_274 = arith.cmpi sgt, %get3A_186, %sign3A_273 : i32
    %sign3A_275 = arith.extui %sign3A_274 : i1 to i32
    %sign3A_276 = arith.constant 0 : i32
    %sign3A_277 = arith.cmpi slt, %get3A_186, %sign3A_276 : i32
    %sign3A_278 = arith.extui %sign3A_277 : i1 to i32
    %sign3A_279 = arith.subi %sign3A_275, %sign3A_278 : i32
    %sign3A_280 = arith.constant 0 : i32
    %sign3A_281 = arith.cmpi sgt, %jit3A_271, %sign3A_280 : i32
    %sign3A_282 = arith.extui %sign3A_281 : i1 to i32
    %sign3A_283 = arith.constant 0 : i32
    %sign3A_284 = arith.cmpi slt, %jit3A_271, %sign3A_283 : i32
    %sign3A_285 = arith.extui %sign3A_284 : i1 to i32
    %sign3A_286 = arith.subi %sign3A_282, %sign3A_285 : i32
    %ne3A_287 = arith.cmpi ne, %sign3A_279, %sign3A_286 : i32
    %rem3A_288 = arith.remsi %get3A_186, %jit3A_271 : i32
    %ne3A_289 = arith.constant 0 : i32
    %ne3A_290 = arith.cmpi ne, %rem3A_288, %ne3A_289 : i32
    %and3A_291 = arith.andi %ne3A_287, %ne3A_290 : i1
    %sub3A_292 = arith.constant 1 : i32
    %sub3A_293 = arith.subi %div3A_272, %sub3A_292 : i32
    %select_n3A_294 = arith.select %and3A_291, %sub3A_293, %div3A_272 : i32
    %mul3A_295 = arith.constant 12 : i32
    %mul3A_296 = arith.muli %select_n3A_294, %mul3A_295 : i32
    %jit3A_297 = arith.constant 8 : i32
    %div3A_298 = arith.divsi %get3A_186, %jit3A_297 : i32
    %sign3A_299 = arith.constant 0 : i32
    %sign3A_300 = arith.cmpi sgt, %get3A_186, %sign3A_299 : i32
    %sign3A_301 = arith.extui %sign3A_300 : i1 to i32
    %sign3A_302 = arith.constant 0 : i32
    %sign3A_303 = arith.cmpi slt, %get3A_186, %sign3A_302 : i32
    %sign3A_304 = arith.extui %sign3A_303 : i1 to i32
    %sign3A_305 = arith.subi %sign3A_301, %sign3A_304 : i32
    %sign3A_306 = arith.constant 0 : i32
    %sign3A_307 = arith.cmpi sgt, %jit3A_297, %sign3A_306 : i32
    %sign3A_308 = arith.extui %sign3A_307 : i1 to i32
    %sign3A_309 = arith.constant 0 : i32
    %sign3A_310 = arith.cmpi slt, %jit3A_297, %sign3A_309 : i32
    %sign3A_311 = arith.extui %sign3A_310 : i1 to i32
    %sign3A_312 = arith.subi %sign3A_308, %sign3A_311 : i32
    %ne3A_313 = arith.cmpi ne, %sign3A_305, %sign3A_312 : i32
    %rem3A_314 = arith.remsi %get3A_186, %jit3A_297 : i32
    %ne3A_315 = arith.constant 0 : i32
    %ne3A_316 = arith.cmpi ne, %rem3A_314, %ne3A_315 : i32
    %and3A_317 = arith.andi %ne3A_313, %ne3A_316 : i1
    %sub3A_318 = arith.constant 1 : i32
    %sub3A_319 = arith.subi %div3A_298, %sub3A_318 : i32
    %select_n3A_320 = arith.select %and3A_317, %sub3A_319, %div3A_298 : i32
    %jit3A_321 = arith.constant 8 : i32
    %eq3A_322 = arith.constant 0 : i32
    %eq3A_323 = arith.cmpi eq, %jit3A_321, %eq3A_322 : i32
    %jit3A_324 = arith.constant 1 : i32
    %select_n3A_325 = arith.select %eq3A_323, %jit3A_324, %jit3A_321 : i32
    %rem3A_326 = arith.remsi %select_n3A_320, %select_n3A_325 : i32
    %ne3A_327 = arith.constant 0 : i32
    %ne3A_328 = arith.cmpi ne, %rem3A_326, %ne3A_327 : i32
    %lt3A_329 = arith.constant 0 : i32
    %lt3A_330 = arith.cmpi slt, %rem3A_326, %lt3A_329 : i32
    %lt3A_331 = arith.constant 0 : i32
    %lt3A_332 = arith.cmpi slt, %select_n3A_325, %lt3A_331 : i32
    %ne3A_333 = arith.xori %lt3A_330, %lt3A_332 : i1
    %and3A_334 = arith.andi %ne3A_333, %ne3A_328 : i1
    %add3A_335 = arith.addi %rem3A_326, %select_n3A_325 : i32
    %select_n3A_336 = arith.select %and3A_334, %add3A_335, %rem3A_326 : i32
    %mul3A_337 = arith.constant 12 : i32
    %mul3A_338 = arith.muli %select_n3A_336, %mul3A_337 : i32
    %jit3A_339 = arith.constant 8 : i32
    %eq3A_340 = arith.constant 0 : i32
    %eq3A_341 = arith.cmpi eq, %jit3A_339, %eq3A_340 : i32
    %jit3A_342 = arith.constant 1 : i32
    %select_n3A_343 = arith.select %eq3A_341, %jit3A_342, %jit3A_339 : i32
    %rem3A_344 = arith.remsi %get3A_186, %select_n3A_343 : i32
    %ne3A_345 = arith.constant 0 : i32
    %ne3A_346 = arith.cmpi ne, %rem3A_344, %ne3A_345 : i32
    %lt3A_347 = arith.constant 0 : i32
    %lt3A_348 = arith.cmpi slt, %rem3A_344, %lt3A_347 : i32
    %lt3A_349 = arith.constant 0 : i32
    %lt3A_350 = arith.cmpi slt, %select_n3A_343, %lt3A_349 : i32
    %ne3A_351 = arith.xori %lt3A_348, %lt3A_350 : i1
    %and3A_352 = arith.andi %ne3A_351, %ne3A_346 : i1
    %add3A_353 = arith.addi %rem3A_344, %select_n3A_343 : i32
    %select_n3A_354 = arith.select %and3A_352, %add3A_353, %rem3A_344 : i32
    %convert_element_type3A_355 = arith.extui %gt3A_174 : i1 to i32
    %cond3A_356 = arith.constant 0 : i32
    %cond3A_357 = arith.constant 0 : i32
    %cond3A_358 = arith.constant 0 : i32
    %cond3A_359 = arith.cmpi ne, %convert_element_type3A_355, %cond3A_358 : i32
    scf.if %cond3A_359 {
      %dma_start3A = arith.constant 0 : i32
      %dma_start3A_3058 = tpu.memref_slice %arg10[%arg0, %cond3A_357, %mul3A_212, %mul3A_254, %select_n3A_270, %dma_start3A] : memref<4x1x96x96x8x12xf32, #tpu.memory_space<any>> -> memref<1x1x12x12x1x12xf32, #tpu.memory_space<any>>
      %dma_start3A_3059 = tpu.memref_squeeze %dma_start3A_3058 : memref<1x1x12x12x1x12xf32, #tpu.memory_space<any>> -> memref<12x12x12xf32, #tpu.memory_space<any>>
      %dma_start3A_3060 = arith.constant 0 : i32
      %dma_start3A_3061 = tpu.memref_slice %arg4[%arg0, %cond3A_356, %mul3A_296, %mul3A_338, %select_n3A_354, %dma_start3A_3060] : memref<4x1x96x96x8x12xf32, #tpu.memory_space<any>> -> memref<1x1x12x12x1x12xf32, #tpu.memory_space<any>>
      %dma_start3A_3062 = tpu.memref_squeeze %dma_start3A_3061 : memref<1x1x12x12x1x12xf32, #tpu.memory_space<any>> -> memref<12x12x12xf32, #tpu.memory_space<any>>
      tpu.enqueue_dma source(%dma_start3A_3062 : memref<12x12x12xf32, #tpu.memory_space<any>>) target(%dma_start3A_3059 : memref<12x12x12xf32, #tpu.memory_space<any>>) target_semaphore(%arg13 : memref<!tpu.dma_semaphore, #tpu.memory_space<semaphore_mem>>)
      %dma_start3A_3063 = arith.constant 0 : i32
      %dma_start3A_3064 = tpu.memref_slice %arg11[%arg0, %mul3A_212, %mul3A_254, %select_n3A_270, %dma_start3A_3063] : memref<4x96x96x8x12xi32, #tpu.memory_space<any>> -> memref<1x12x12x1x12xi32, #tpu.memory_space<any>>
      %dma_start3A_3065 = tpu.memref_squeeze %dma_start3A_3064 : memref<1x12x12x1x12xi32, #tpu.memory_space<any>> -> memref<12x12x12xi32, #tpu.memory_space<any>>
      %dma_start3A_3066 = arith.constant 0 : i32
      %dma_start3A_3067 = tpu.memref_slice %arg6[%arg0, %mul3A_296, %mul3A_338, %select_n3A_354, %dma_start3A_3066] : memref<4x96x96x8x12xi32, #tpu.memory_space<any>> -> memref<1x12x12x1x12xi32, #tpu.memory_space<any>>
      %dma_start3A_3068 = tpu.memref_squeeze %dma_start3A_3067 : memref<1x12x12x1x12xi32, #tpu.memory_space<any>> -> memref<12x12x12xi32, #tpu.memory_space<any>>
      tpu.enqueue_dma source(%dma_start3A_3068 : memref<12x12x12xi32, #tpu.memory_space<any>>) target(%dma_start3A_3065 : memref<12x12x12xi32, #tpu.memory_space<any>>) target_semaphore(%arg14 : memref<!tpu.dma_semaphore, #tpu.memory_space<semaphore_mem>>)
      %dma_start3A_3069 = arith.constant 0 : i32
      %dma_start3A_3070 = tpu.memref_slice %arg12[%arg0, %mul3A_212, %mul3A_254, %select_n3A_270, %dma_start3A_3069] : memref<4x96x96x8x12xf32, #tpu.memory_space<any>> -> memref<1x12x12x1x12xf32, #tpu.memory_space<any>>
      %dma_start3A_3071 = tpu.memref_squeeze %dma_start3A_3070 : memref<1x12x12x1x12xf32, #tpu.memory_space<any>> -> memref<12x12x12xf32, #tpu.memory_space<any>>
      %dma_start3A_3072 = arith.constant 0 : i32
      %dma_start3A_3073 = tpu.memref_slice %arg8[%arg0, %mul3A_296, %mul3A_338, %select_n3A_354, %dma_start3A_3072] : memref<4x96x96x8x12xf32, #tpu.memory_space<any>> -> memref<1x12x12x1x12xf32, #tpu.memory_space<any>>
      %dma_start3A_3074 = tpu.memref_squeeze %dma_start3A_3073 : memref<1x12x12x1x12xf32, #tpu.memory_space<any>> -> memref<12x12x12xf32, #tpu.memory_space<any>>
      tpu.enqueue_dma source(%dma_start3A_3074 : memref<12x12x12xf32, #tpu.memory_space<any>>) target(%dma_start3A_3071 : memref<12x12x12xf32, #tpu.memory_space<any>>) target_semaphore(%arg15 : memref<!tpu.dma_semaphore, #tpu.memory_space<semaphore_mem>>)
    } else {
    }
    %gt3A_360 = arith.constant 2 : i32
    %gt3A_361 = arith.cmpi sgt, %get3A_0, %gt3A_360 : i32
    %mul3A_362 = arith.constant 16 : i32
    %mul3A_363 = arith.muli %arg0, %mul3A_362 : i32
    %add3A_364 = arith.constant 2 : i32
    %add3A_365 = arith.addi %mul3A_363, %add3A_364 : i32
    %get3A_366 = arith.index_cast %add3A_365 : i32 to index
    %get3A_367 = memref.load %arg1[%get3A_366] : memref<64xi32, #tpu.memory_space<smem>>
    %mul3A_368 = arith.constant 16 : i32
    %mul3A_369 = arith.muli %arg0, %mul3A_368 : i32
    %add3A_370 = arith.constant 2 : i32
    %add3A_371 = arith.addi %mul3A_369, %add3A_370 : i32
    %get3A_372 = arith.index_cast %add3A_371 : i32 to index
    %get3A_373 = memref.load %arg2[%get3A_372] : memref<64xi32, #tpu.memory_space<smem>>
    %jit3A_374 = arith.constant 64 : i32
    %div3A_375 = arith.divsi %get3A_367, %jit3A_374 : i32
    %sign3A_376 = arith.constant 0 : i32
    %sign3A_377 = arith.cmpi sgt, %get3A_367, %sign3A_376 : i32
    %sign3A_378 = arith.extui %sign3A_377 : i1 to i32
    %sign3A_379 = arith.constant 0 : i32
    %sign3A_380 = arith.cmpi slt, %get3A_367, %sign3A_379 : i32
    %sign3A_381 = arith.extui %sign3A_380 : i1 to i32
    %sign3A_382 = arith.subi %sign3A_378, %sign3A_381 : i32
    %sign3A_383 = arith.constant 0 : i32
    %sign3A_384 = arith.cmpi sgt, %jit3A_374, %sign3A_383 : i32
    %sign3A_385 = arith.extui %sign3A_384 : i1 to i32
    %sign3A_386 = arith.constant 0 : i32
    %sign3A_387 = arith.cmpi slt, %jit3A_374, %sign3A_386 : i32
    %sign3A_388 = arith.extui %sign3A_387 : i1 to i32
    %sign3A_389 = arith.subi %sign3A_385, %sign3A_388 : i32
    %ne3A_390 = arith.cmpi ne, %sign3A_382, %sign3A_389 : i32
    %rem3A_391 = arith.remsi %get3A_367, %jit3A_374 : i32
    %ne3A_392 = arith.constant 0 : i32
    %ne3A_393 = arith.cmpi ne, %rem3A_391, %ne3A_392 : i32
    %and3A_394 = arith.andi %ne3A_390, %ne3A_393 : i1
    %sub3A_395 = arith.constant 1 : i32
    %sub3A_396 = arith.subi %div3A_375, %sub3A_395 : i32
    %select_n3A_397 = arith.select %and3A_394, %sub3A_396, %div3A_375 : i32
    %mul3A_398 = arith.constant 12 : i32
    %mul3A_399 = arith.muli %select_n3A_397, %mul3A_398 : i32
    %jit3A_400 = arith.constant 8 : i32
    %div3A_401 = arith.divsi %get3A_367, %jit3A_400 : i32
    %sign3A_402 = arith.constant 0 : i32
    %sign3A_403 = arith.cmpi sgt, %get3A_367, %sign3A_402 : i32
    %sign3A_404 = arith.extui %sign3A_403 : i1 to i32
    %sign3A_405 = arith.constant 0 : i32
    %sign3A_406 = arith.cmpi slt, %get3A_367, %sign3A_405 : i32
    %sign3A_407 = arith.extui %sign3A_406 : i1 to i32
    %sign3A_408 = arith.subi %sign3A_404, %sign3A_407 : i32
    %sign3A_409 = arith.constant 0 : i32
    %sign3A_410 = arith.cmpi sgt, %jit3A_400, %sign3A_409 : i32
    %sign3A_411 = arith.extui %sign3A_410 : i1 to i32
    %sign3A_412 = arith.constant 0 : i32
    %sign3A_413 = arith.cmpi slt, %jit3A_400, %sign3A_412 : i32
    %sign3A_414 = arith.extui %sign3A_413 : i1 to i32
    %sign3A_415 = arith.subi %sign3A_411, %sign3A_414 : i32
    %ne3A_416 = arith.cmpi ne, %sign3A_408, %sign3A_415 : i32
    %rem3A_417 = arith.remsi %get3A_367, %jit3A_400 : i32
    %ne3A_418 = arith.constant 0 : i32
    %ne3A_419 = arith.cmpi ne, %rem3A_417, %ne3A_418 : i32
    %and3A_420 = arith.andi %ne3A_416, %ne3A_419 : i1
    %sub3A_421 = arith.constant 1 : i32
    %sub3A_422 = arith.subi %div3A_401, %sub3A_421 : i32
    %select_n3A_423 = arith.select %and3A_420, %sub3A_422, %div3A_401 : i32
    %jit3A_424 = arith.constant 8 : i32
    %eq3A_425 = arith.constant 0 : i32
    %eq3A_426 = arith.cmpi eq, %jit3A_424, %eq3A_425 : i32
    %jit3A_427 = arith.constant 1 : i32
    %select_n3A_428 = arith.select %eq3A_426, %jit3A_427, %jit3A_424 : i32
    %rem3A_429 = arith.remsi %select_n3A_423, %select_n3A_428 : i32
    %ne3A_430 = arith.constant 0 : i32
    %ne3A_431 = arith.cmpi ne, %rem3A_429, %ne3A_430 : i32
    %lt3A_432 = arith.constant 0 : i32
    %lt3A_433 = arith.cmpi slt, %rem3A_429, %lt3A_432 : i32
    %lt3A_434 = arith.constant 0 : i32
    %lt3A_435 = arith.cmpi slt, %select_n3A_428, %lt3A_434 : i32
    %ne3A_436 = arith.xori %lt3A_433, %lt3A_435 : i1
    %and3A_437 = arith.andi %ne3A_436, %ne3A_431 : i1
    %add3A_438 = arith.addi %rem3A_429, %select_n3A_428 : i32
    %select_n3A_439 = arith.select %and3A_437, %add3A_438, %rem3A_429 : i32
    %mul3A_440 = arith.constant 12 : i32
    %mul3A_441 = arith.muli %select_n3A_439, %mul3A_440 : i32
    %jit3A_442 = arith.constant 8 : i32
    %eq3A_443 = arith.constant 0 : i32
    %eq3A_444 = arith.cmpi eq, %jit3A_442, %eq3A_443 : i32
    %jit3A_445 = arith.constant 1 : i32
    %select_n3A_446 = arith.select %eq3A_444, %jit3A_445, %jit3A_442 : i32
    %rem3A_447 = arith.remsi %get3A_367, %select_n3A_446 : i32
    %ne3A_448 = arith.constant 0 : i32
    %ne3A_449 = arith.cmpi ne, %rem3A_447, %ne3A_448 : i32
    %lt3A_450 = arith.constant 0 : i32
    %lt3A_451 = arith.cmpi slt, %rem3A_447, %lt3A_450 : i32
    %lt3A_452 = arith.constant 0 : i32
    %lt3A_453 = arith.cmpi slt, %select_n3A_446, %lt3A_452 : i32
    %ne3A_454 = arith.xori %lt3A_451, %lt3A_453 : i1
    %and3A_455 = arith.andi %ne3A_454, %ne3A_449 : i1
    %add3A_456 = arith.addi %rem3A_447, %select_n3A_446 : i32
    %select_n3A_457 = arith.select %and3A_455, %add3A_456, %rem3A_447 : i32
    %jit3A_458 = arith.constant 64 : i32
    %div3A_459 = arith.divsi %get3A_373, %jit3A_458 : i32
    %sign3A_460 = arith.constant 0 : i32
    %sign3A_461 = arith.cmpi sgt, %get3A_373, %sign3A_460 : i32
    %sign3A_462 = arith.extui %sign3A_461 : i1 to i32
    %sign3A_463 = arith.constant 0 : i32
    %sign3A_464 = arith.cmpi slt, %get3A_373, %sign3A_463 : i32
    %sign3A_465 = arith.extui %sign3A_464 : i1 to i32
    %sign3A_466 = arith.subi %sign3A_462, %sign3A_465 : i32
    %sign3A_467 = arith.constant 0 : i32
    %sign3A_468 = arith.cmpi sgt, %jit3A_458, %sign3A_467 : i32
    %sign3A_469 = arith.extui %sign3A_468 : i1 to i32
    %sign3A_470 = arith.constant 0 : i32
    %sign3A_471 = arith.cmpi slt, %jit3A_458, %sign3A_470 : i32
    %sign3A_472 = arith.extui %sign3A_471 : i1 to i32
    %sign3A_473 = arith.subi %sign3A_469, %sign3A_472 : i32
    %ne3A_474 = arith.cmpi ne, %sign3A_466, %sign3A_473 : i32
    %rem3A_475 = arith.remsi %get3A_373, %jit3A_458 : i32
    %ne3A_476 = arith.constant 0 : i32
    %ne3A_477 = arith.cmpi ne, %rem3A_475, %ne3A_476 : i32
    %and3A_478 = arith.andi %ne3A_474, %ne3A_477 : i1
    %sub3A_479 = arith.constant 1 : i32
    %sub3A_480 = arith.subi %div3A_459, %sub3A_479 : i32
    %select_n3A_481 = arith.select %and3A_478, %sub3A_480, %div3A_459 : i32
    %mul3A_482 = arith.constant 12 : i32
    %mul3A_483 = arith.muli %select_n3A_481, %mul3A_482 : i32
    %jit3A_484 = arith.constant 8 : i32
    %div3A_485 = arith.divsi %get3A_373, %jit3A_484 : i32
    %sign3A_486 = arith.constant 0 : i32
    %sign3A_487 = arith.cmpi sgt, %get3A_373, %sign3A_486 : i32
    %sign3A_488 = arith.extui %sign3A_487 : i1 to i32
    %sign3A_489 = arith.constant 0 : i32
    %sign3A_490 = arith.cmpi slt, %get3A_373, %sign3A_489 : i32
    %sign3A_491 = arith.extui %sign3A_490 : i1 to i32
    %sign3A_492 = arith.subi %sign3A_488, %sign3A_491 : i32
    %sign3A_493 = arith.constant 0 : i32
    %sign3A_494 = arith.cmpi sgt, %jit3A_484, %sign3A_493 : i32
    %sign3A_495 = arith.extui %sign3A_494 : i1 to i32
    %sign3A_496 = arith.constant 0 : i32
    %sign3A_497 = arith.cmpi slt, %jit3A_484, %sign3A_496 : i32
    %sign3A_498 = arith.extui %sign3A_497 : i1 to i32
    %sign3A_499 = arith.subi %sign3A_495, %sign3A_498 : i32
    %ne3A_500 = arith.cmpi ne, %sign3A_492, %sign3A_499 : i32
    %rem3A_501 = arith.remsi %get3A_373, %jit3A_484 : i32
    %ne3A_502 = arith.constant 0 : i32
    %ne3A_503 = arith.cmpi ne, %rem3A_501, %ne3A_502 : i32
    %and3A_504 = arith.andi %ne3A_500, %ne3A_503 : i1
    %sub3A_505 = arith.constant 1 : i32
    %sub3A_506 = arith.subi %div3A_485, %sub3A_505 : i32
    %select_n3A_507 = arith.select %and3A_504, %sub3A_506, %div3A_485 : i32
    %jit3A_508 = arith.constant 8 : i32
    %eq3A_509 = arith.constant 0 : i32
    %eq3A_510 = arith.cmpi eq, %jit3A_508, %eq3A_509 : i32
    %jit3A_511 = arith.constant 1 : i32
    %select_n3A_512 = arith.select %eq3A_510, %jit3A_511, %jit3A_508 : i32
    %rem3A_513 = arith.remsi %select_n3A_507, %select_n3A_512 : i32
    %ne3A_514 = arith.constant 0 : i32
    %ne3A_515 = arith.cmpi ne, %rem3A_513, %ne3A_514 : i32
    %lt3A_516 = arith.constant 0 : i32
    %lt3A_517 = arith.cmpi slt, %rem3A_513, %lt3A_516 : i32
    %lt3A_518 = arith.constant 0 : i32
    %lt3A_519 = arith.cmpi slt, %select_n3A_512, %lt3A_518 : i32
    %ne3A_520 = arith.xori %lt3A_517, %lt3A_519 : i1
    %and3A_521 = arith.andi %ne3A_520, %ne3A_515 : i1
    %add3A_522 = arith.addi %rem3A_513, %select_n3A_512 : i32
    %select_n3A_523 = arith.select %and3A_521, %add3A_522, %rem3A_513 : i32
    %mul3A_524 = arith.constant 12 : i32
    %mul3A_525 = arith.muli %select_n3A_523, %mul3A_524 : i32
    %jit3A_526 = arith.constant 8 : i32
    %eq3A_527 = arith.constant 0 : i32
    %eq3A_528 = arith.cmpi eq, %jit3A_526, %eq3A_527 : i32
    %jit3A_529 = arith.constant 1 : i32
    %select_n3A_530 = arith.select %eq3A_528, %jit3A_529, %jit3A_526 : i32
    %rem3A_531 = arith.remsi %get3A_373, %select_n3A_530 : i32
    %ne3A_532 = arith.constant 0 : i32
    %ne3A_533 = arith.cmpi ne, %rem3A_531, %ne3A_532 : i32
    %lt3A_534 = arith.constant 0 : i32
    %lt3A_535 = arith.cmpi slt, %rem3A_531, %lt3A_534 : i32
    %lt3A_536 = arith.constant 0 : i32
    %lt3A_537 = arith.cmpi slt, %select_n3A_530, %lt3A_536 : i32
    %ne3A_538 = arith.xori %lt3A_535, %lt3A_537 : i1
    %and3A_539 = arith.andi %ne3A_538, %ne3A_533 : i1
    %add3A_540 = arith.addi %rem3A_531, %select_n3A_530 : i32
    %select_n3A_541 = arith.select %and3A_539, %add3A_540, %rem3A_531 : i32
    %convert_element_type3A_542 = arith.extui %gt3A_361 : i1 to i32
    %cond3A_543 = arith.constant 0 : i32
    %cond3A_544 = arith.constant 0 : i32
    %cond3A_545 = arith.constant 0 : i32
    %cond3A_546 = arith.cmpi ne, %convert_element_type3A_542, %cond3A_545 : i32
    scf.if %cond3A_546 {
      %dma_start3A = arith.constant 0 : i32
      %dma_start3A_3058 = tpu.memref_slice %arg10[%arg0, %cond3A_544, %mul3A_399, %mul3A_441, %select_n3A_457, %dma_start3A] : memref<4x1x96x96x8x12xf32, #tpu.memory_space<any>> -> memref<1x1x12x12x1x12xf32, #tpu.memory_space<any>>
      %dma_start3A_3059 = tpu.memref_squeeze %dma_start3A_3058 : memref<1x1x12x12x1x12xf32, #tpu.memory_space<any>> -> memref<12x12x12xf32, #tpu.memory_space<any>>
      %dma_start3A_3060 = arith.constant 0 : i32
      %dma_start3A_3061 = tpu.memref_slice %arg4[%arg0, %cond3A_543, %mul3A_483, %mul3A_525, %select_n3A_541, %dma_start3A_3060] : memref<4x1x96x96x8x12xf32, #tpu.memory_space<any>> -> memref<1x1x12x12x1x12xf32, #tpu.memory_space<any>>
      %dma_start3A_3062 = tpu.memref_squeeze %dma_start3A_3061 : memref<1x1x12x12x1x12xf32, #tpu.memory_space<any>> -> memref<12x12x12xf32, #tpu.memory_space<any>>
      tpu.enqueue_dma source(%dma_start3A_3062 : memref<12x12x12xf32, #tpu.memory_space<any>>) target(%dma_start3A_3059 : memref<12x12x12xf32, #tpu.memory_space<any>>) target_semaphore(%arg13 : memref<!tpu.dma_semaphore, #tpu.memory_space<semaphore_mem>>)
      %dma_start3A_3063 = arith.constant 0 : i32
      %dma_start3A_3064 = tpu.memref_slice %arg11[%arg0, %mul3A_399, %mul3A_441, %select_n3A_457, %dma_start3A_3063] : memref<4x96x96x8x12xi32, #tpu.memory_space<any>> -> memref<1x12x12x1x12xi32, #tpu.memory_space<any>>
      %dma_start3A_3065 = tpu.memref_squeeze %dma_start3A_3064 : memref<1x12x12x1x12xi32, #tpu.memory_space<any>> -> memref<12x12x12xi32, #tpu.memory_space<any>>
      %dma_start3A_3066 = arith.constant 0 : i32
      %dma_start3A_3067 = tpu.memref_slice %arg6[%arg0, %mul3A_483, %mul3A_525, %select_n3A_541, %dma_start3A_3066] : memref<4x96x96x8x12xi32, #tpu.memory_space<any>> -> memref<1x12x12x1x12xi32, #tpu.memory_space<any>>
      %dma_start3A_3068 = tpu.memref_squeeze %dma_start3A_3067 : memref<1x12x12x1x12xi32, #tpu.memory_space<any>> -> memref<12x12x12xi32, #tpu.memory_space<any>>
      tpu.enqueue_dma source(%dma_start3A_3068 : memref<12x12x12xi32, #tpu.memory_space<any>>) target(%dma_start3A_3065 : memref<12x12x12xi32, #tpu.memory_space<any>>) target_semaphore(%arg14 : memref<!tpu.dma_semaphore, #tpu.memory_space<semaphore_mem>>)
      %dma_start3A_3069 = arith.constant 0 : i32
      %dma_start3A_3070 = tpu.memref_slice %arg12[%arg0, %mul3A_399, %mul3A_441, %select_n3A_457, %dma_start3A_3069] : memref<4x96x96x8x12xf32, #tpu.memory_space<any>> -> memref<1x12x12x1x12xf32, #tpu.memory_space<any>>
      %dma_start3A_3071 = tpu.memref_squeeze %dma_start3A_3070 : memref<1x12x12x1x12xf32, #tpu.memory_space<any>> -> memref<12x12x12xf32, #tpu.memory_space<any>>
      %dma_start3A_3072 = arith.constant 0 : i32
      %dma_start3A_3073 = tpu.memref_slice %arg8[%arg0, %mul3A_483, %mul3A_525, %select_n3A_541, %dma_start3A_3072] : memref<4x96x96x8x12xf32, #tpu.memory_space<any>> -> memref<1x12x12x1x12xf32, #tpu.memory_space<any>>
      %dma_start3A_3074 = tpu.memref_squeeze %dma_start3A_3073 : memref<1x12x12x1x12xf32, #tpu.memory_space<any>> -> memref<12x12x12xf32, #tpu.memory_space<any>>
      tpu.enqueue_dma source(%dma_start3A_3074 : memref<12x12x12xf32, #tpu.memory_space<any>>) target(%dma_start3A_3071 : memref<12x12x12xf32, #tpu.memory_space<any>>) target_semaphore(%arg15 : memref<!tpu.dma_semaphore, #tpu.memory_space<semaphore_mem>>)
    } else {
    }
    %gt3A_547 = arith.constant 3 : i32
    %gt3A_548 = arith.cmpi sgt, %get3A_0, %gt3A_547 : i32
    %mul3A_549 = arith.constant 16 : i32
    %mul3A_550 = arith.muli %arg0, %mul3A_549 : i32
    %add3A_551 = arith.constant 3 : i32
    %add3A_552 = arith.addi %mul3A_550, %add3A_551 : i32
    %get3A_553 = arith.index_cast %add3A_552 : i32 to index
    %get3A_554 = memref.load %arg1[%get3A_553] : memref<64xi32, #tpu.memory_space<smem>>
    %mul3A_555 = arith.constant 16 : i32
    %mul3A_556 = arith.muli %arg0, %mul3A_555 : i32
    %add3A_557 = arith.constant 3 : i32
    %add3A_558 = arith.addi %mul3A_556, %add3A_557 : i32
    %get3A_559 = arith.index_cast %add3A_558 : i32 to index
    %get3A_560 = memref.load %arg2[%get3A_559] : memref<64xi32, #tpu.memory_space<smem>>
    %jit3A_561 = arith.constant 64 : i32
    %div3A_562 = arith.divsi %get3A_554, %jit3A_561 : i32
    %sign3A_563 = arith.constant 0 : i32
    %sign3A_564 = arith.cmpi sgt, %get3A_554, %sign3A_563 : i32
    %sign3A_565 = arith.extui %sign3A_564 : i1 to i32
    %sign3A_566 = arith.constant 0 : i32
    %sign3A_567 = arith.cmpi slt, %get3A_554, %sign3A_566 : i32
    %sign3A_568 = arith.extui %sign3A_567 : i1 to i32
    %sign3A_569 = arith.subi %sign3A_565, %sign3A_568 : i32
    %sign3A_570 = arith.constant 0 : i32
    %sign3A_571 = arith.cmpi sgt, %jit3A_561, %sign3A_570 : i32
    %sign3A_572 = arith.extui %sign3A_571 : i1 to i32
    %sign3A_573 = arith.constant 0 : i32
    %sign3A_574 = arith.cmpi slt, %jit3A_561, %sign3A_573 : i32
    %sign3A_575 = arith.extui %sign3A_574 : i1 to i32
    %sign3A_576 = arith.subi %sign3A_572, %sign3A_575 : i32
    %ne3A_577 = arith.cmpi ne, %sign3A_569, %sign3A_576 : i32
    %rem3A_578 = arith.remsi %get3A_554, %jit3A_561 : i32
    %ne3A_579 = arith.constant 0 : i32
    %ne3A_580 = arith.cmpi ne, %rem3A_578, %ne3A_579 : i32
    %and3A_581 = arith.andi %ne3A_577, %ne3A_580 : i1
    %sub3A_582 = arith.constant 1 : i32
    %sub3A_583 = arith.subi %div3A_562, %sub3A_582 : i32
    %select_n3A_584 = arith.select %and3A_581, %sub3A_583, %div3A_562 : i32
    %mul3A_585 = arith.constant 12 : i32
    %mul3A_586 = arith.muli %select_n3A_584, %mul3A_585 : i32
    %jit3A_587 = arith.constant 8 : i32
    %div3A_588 = arith.divsi %get3A_554, %jit3A_587 : i32
    %sign3A_589 = arith.constant 0 : i32
    %sign3A_590 = arith.cmpi sgt, %get3A_554, %sign3A_589 : i32
    %sign3A_591 = arith.extui %sign3A_590 : i1 to i32
    %sign3A_592 = arith.constant 0 : i32
    %sign3A_593 = arith.cmpi slt, %get3A_554, %sign3A_592 : i32
    %sign3A_594 = arith.extui %sign3A_593 : i1 to i32
    %sign3A_595 = arith.subi %sign3A_591, %sign3A_594 : i32
    %sign3A_596 = arith.constant 0 : i32
    %sign3A_597 = arith.cmpi sgt, %jit3A_587, %sign3A_596 : i32
    %sign3A_598 = arith.extui %sign3A_597 : i1 to i32
    %sign3A_599 = arith.constant 0 : i32
    %sign3A_600 = arith.cmpi slt, %jit3A_587, %sign3A_599 : i32
    %sign3A_601 = arith.extui %sign3A_600 : i1 to i32
    %sign3A_602 = arith.subi %sign3A_598, %sign3A_601 : i32
    %ne3A_603 = arith.cmpi ne, %sign3A_595, %sign3A_602 : i32
    %rem3A_604 = arith.remsi %get3A_554, %jit3A_587 : i32
    %ne3A_605 = arith.constant 0 : i32
    %ne3A_606 = arith.cmpi ne, %rem3A_604, %ne3A_605 : i32
    %and3A_607 = arith.andi %ne3A_603, %ne3A_606 : i1
    %sub3A_608 = arith.constant 1 : i32
    %sub3A_609 = arith.subi %div3A_588, %sub3A_608 : i32
    %select_n3A_610 = arith.select %and3A_607, %sub3A_609, %div3A_588 : i32
    %jit3A_611 = arith.constant 8 : i32
    %eq3A_612 = arith.constant 0 : i32
    %eq3A_613 = arith.cmpi eq, %jit3A_611, %eq3A_612 : i32
    %jit3A_614 = arith.constant 1 : i32
    %select_n3A_615 = arith.select %eq3A_613, %jit3A_614, %jit3A_611 : i32
    %rem3A_616 = arith.remsi %select_n3A_610, %select_n3A_615 : i32
    %ne3A_617 = arith.constant 0 : i32
    %ne3A_618 = arith.cmpi ne, %rem3A_616, %ne3A_617 : i32
    %lt3A_619 = arith.constant 0 : i32
    %lt3A_620 = arith.cmpi slt, %rem3A_616, %lt3A_619 : i32
    %lt3A_621 = arith.constant 0 : i32
    %lt3A_622 = arith.cmpi slt, %select_n3A_615, %lt3A_621 : i32
    %ne3A_623 = arith.xori %lt3A_620, %lt3A_622 : i1
    %and3A_624 = arith.andi %ne3A_623, %ne3A_618 : i1
    %add3A_625 = arith.addi %rem3A_616, %select_n3A_615 : i32
    %select_n3A_626 = arith.select %and3A_624, %add3A_625, %rem3A_616 : i32
    %mul3A_627 = arith.constant 12 : i32
    %mul3A_628 = arith.muli %select_n3A_626, %mul3A_627 : i32
    %jit3A_629 = arith.constant 8 : i32
    %eq3A_630 = arith.constant 0 : i32
    %eq3A_631 = arith.cmpi eq, %jit3A_629, %eq3A_630 : i32
    %jit3A_632 = arith.constant 1 : i32
    %select_n3A_633 = arith.select %eq3A_631, %jit3A_632, %jit3A_629 : i32
    %rem3A_634 = arith.remsi %get3A_554, %select_n3A_633 : i32
    %ne3A_635 = arith.constant 0 : i32
    %ne3A_636 = arith.cmpi ne, %rem3A_634, %ne3A_635 : i32
    %lt3A_637 = arith.constant 0 : i32
    %lt3A_638 = arith.cmpi slt, %rem3A_634, %lt3A_637 : i32
    %lt3A_639 = arith.constant 0 : i32
    %lt3A_640 = arith.cmpi slt, %select_n3A_633, %lt3A_639 : i32
    %ne3A_641 = arith.xori %lt3A_638, %lt3A_640 : i1
    %and3A_642 = arith.andi %ne3A_641, %ne3A_636 : i1
    %add3A_643 = arith.addi %rem3A_634, %select_n3A_633 : i32
    %select_n3A_644 = arith.select %and3A_642, %add3A_643, %rem3A_634 : i32
    %jit3A_645 = arith.constant 64 : i32
    %div3A_646 = arith.divsi %get3A_560, %jit3A_645 : i32
    %sign3A_647 = arith.constant 0 : i32
    %sign3A_648 = arith.cmpi sgt, %get3A_560, %sign3A_647 : i32
    %sign3A_649 = arith.extui %sign3A_648 : i1 to i32
    %sign3A_650 = arith.constant 0 : i32
    %sign3A_651 = arith.cmpi slt, %get3A_560, %sign3A_650 : i32
    %sign3A_652 = arith.extui %sign3A_651 : i1 to i32
    %sign3A_653 = arith.subi %sign3A_649, %sign3A_652 : i32
    %sign3A_654 = arith.constant 0 : i32
    %sign3A_655 = arith.cmpi sgt, %jit3A_645, %sign3A_654 : i32
    %sign3A_656 = arith.extui %sign3A_655 : i1 to i32
    %sign3A_657 = arith.constant 0 : i32
    %sign3A_658 = arith.cmpi slt, %jit3A_645, %sign3A_657 : i32
    %sign3A_659 = arith.extui %sign3A_658 : i1 to i32
    %sign3A_660 = arith.subi %sign3A_656, %sign3A_659 : i32
    %ne3A_661 = arith.cmpi ne, %sign3A_653, %sign3A_660 : i32
    %rem3A_662 = arith.remsi %get3A_560, %jit3A_645 : i32
    %ne3A_663 = arith.constant 0 : i32
    %ne3A_664 = arith.cmpi ne, %rem3A_662, %ne3A_663 : i32
    %and3A_665 = arith.andi %ne3A_661, %ne3A_664 : i1
    %sub3A_666 = arith.constant 1 : i32
    %sub3A_667 = arith.subi %div3A_646, %sub3A_666 : i32
    %select_n3A_668 = arith.select %and3A_665, %sub3A_667, %div3A_646 : i32
    %mul3A_669 = arith.constant 12 : i32
    %mul3A_670 = arith.muli %select_n3A_668, %mul3A_669 : i32
    %jit3A_671 = arith.constant 8 : i32
    %div3A_672 = arith.divsi %get3A_560, %jit3A_671 : i32
    %sign3A_673 = arith.constant 0 : i32
    %sign3A_674 = arith.cmpi sgt, %get3A_560, %sign3A_673 : i32
    %sign3A_675 = arith.extui %sign3A_674 : i1 to i32
    %sign3A_676 = arith.constant 0 : i32
    %sign3A_677 = arith.cmpi slt, %get3A_560, %sign3A_676 : i32
    %sign3A_678 = arith.extui %sign3A_677 : i1 to i32
    %sign3A_679 = arith.subi %sign3A_675, %sign3A_678 : i32
    %sign3A_680 = arith.constant 0 : i32
    %sign3A_681 = arith.cmpi sgt, %jit3A_671, %sign3A_680 : i32
    %sign3A_682 = arith.extui %sign3A_681 : i1 to i32
    %sign3A_683 = arith.constant 0 : i32
    %sign3A_684 = arith.cmpi slt, %jit3A_671, %sign3A_683 : i32
    %sign3A_685 = arith.extui %sign3A_684 : i1 to i32
    %sign3A_686 = arith.subi %sign3A_682, %sign3A_685 : i32
    %ne3A_687 = arith.cmpi ne, %sign3A_679, %sign3A_686 : i32
    %rem3A_688 = arith.remsi %get3A_560, %jit3A_671 : i32
    %ne3A_689 = arith.constant 0 : i32
    %ne3A_690 = arith.cmpi ne, %rem3A_688, %ne3A_689 : i32
    %and3A_691 = arith.andi %ne3A_687, %ne3A_690 : i1
    %sub3A_692 = arith.constant 1 : i32
    %sub3A_693 = arith.subi %div3A_672, %sub3A_692 : i32
    %select_n3A_694 = arith.select %and3A_691, %sub3A_693, %div3A_672 : i32
    %jit3A_695 = arith.constant 8 : i32
    %eq3A_696 = arith.constant 0 : i32
    %eq3A_697 = arith.cmpi eq, %jit3A_695, %eq3A_696 : i32
    %jit3A_698 = arith.constant 1 : i32
    %select_n3A_699 = arith.select %eq3A_697, %jit3A_698, %jit3A_695 : i32
    %rem3A_700 = arith.remsi %select_n3A_694, %select_n3A_699 : i32
    %ne3A_701 = arith.constant 0 : i32
    %ne3A_702 = arith.cmpi ne, %rem3A_700, %ne3A_701 : i32
    %lt3A_703 = arith.constant 0 : i32
    %lt3A_704 = arith.cmpi slt, %rem3A_700, %lt3A_703 : i32
    %lt3A_705 = arith.constant 0 : i32
    %lt3A_706 = arith.cmpi slt, %select_n3A_699, %lt3A_705 : i32
    %ne3A_707 = arith.xori %lt3A_704, %lt3A_706 : i1
    %and3A_708 = arith.andi %ne3A_707, %ne3A_702 : i1
    %add3A_709 = arith.addi %rem3A_700, %select_n3A_699 : i32
    %select_n3A_710 = arith.select %and3A_708, %add3A_709, %rem3A_700 : i32
    %mul3A_711 = arith.constant 12 : i32
    %mul3A_712 = arith.muli %select_n3A_710, %mul3A_711 : i32
    %jit3A_713 = arith.constant 8 : i32
    %eq3A_714 = arith.constant 0 : i32
    %eq3A_715 = arith.cmpi eq, %jit3A_713, %eq3A_714 : i32
    %jit3A_716 = arith.constant 1 : i32
    %select_n3A_717 = arith.select %eq3A_715, %jit3A_716, %jit3A_713 : i32
    %rem3A_718 = arith.remsi %get3A_560, %select_n3A_717 : i32
    %ne3A_719 = arith.constant 0 : i32
    %ne3A_720 = arith.cmpi ne, %rem3A_718, %ne3A_719 : i32
    %lt3A_721 = arith.constant 0 : i32
    %lt3A_722 = arith.cmpi slt, %rem3A_718, %lt3A_721 : i32
    %lt3A_723 = arith.constant 0 : i32
    %lt3A_724 = arith.cmpi slt, %select_n3A_717, %lt3A_723 : i32
    %ne3A_725 = arith.xori %lt3A_722, %lt3A_724 : i1
    %and3A_726 = arith.andi %ne3A_725, %ne3A_720 : i1
    %add3A_727 = arith.addi %rem3A_718, %select_n3A_717 : i32
    %select_n3A_728 = arith.select %and3A_726, %add3A_727, %rem3A_718 : i32
    %convert_element_type3A_729 = arith.extui %gt3A_548 : i1 to i32
    %cond3A_730 = arith.constant 0 : i32
    %cond3A_731 = arith.constant 0 : i32
    %cond3A_732 = arith.constant 0 : i32
    %cond3A_733 = arith.cmpi ne, %convert_element_type3A_729, %cond3A_732 : i32
    scf.if %cond3A_733 {
      %dma_start3A = arith.constant 0 : i32
      %dma_start3A_3058 = tpu.memref_slice %arg10[%arg0, %cond3A_731, %mul3A_586, %mul3A_628, %select_n3A_644, %dma_start3A] : memref<4x1x96x96x8x12xf32, #tpu.memory_space<any>> -> memref<1x1x12x12x1x12xf32, #tpu.memory_space<any>>
      %dma_start3A_3059 = tpu.memref_squeeze %dma_start3A_3058 : memref<1x1x12x12x1x12xf32, #tpu.memory_space<any>> -> memref<12x12x12xf32, #tpu.memory_space<any>>
      %dma_start3A_3060 = arith.constant 0 : i32
      %dma_start3A_3061 = tpu.memref_slice %arg4[%arg0, %cond3A_730, %mul3A_670, %mul3A_712, %select_n3A_728, %dma_start3A_3060] : memref<4x1x96x96x8x12xf32, #tpu.memory_space<any>> -> memref<1x1x12x12x1x12xf32, #tpu.memory_space<any>>
      %dma_start3A_3062 = tpu.memref_squeeze %dma_start3A_3061 : memref<1x1x12x12x1x12xf32, #tpu.memory_space<any>> -> memref<12x12x12xf32, #tpu.memory_space<any>>
      tpu.enqueue_dma source(%dma_start3A_3062 : memref<12x12x12xf32, #tpu.memory_space<any>>) target(%dma_start3A_3059 : memref<12x12x12xf32, #tpu.memory_space<any>>) target_semaphore(%arg13 : memref<!tpu.dma_semaphore, #tpu.memory_space<semaphore_mem>>)
      %dma_start3A_3063 = arith.constant 0 : i32
      %dma_start3A_3064 = tpu.memref_slice %arg11[%arg0, %mul3A_586, %mul3A_628, %select_n3A_644, %dma_start3A_3063] : memref<4x96x96x8x12xi32, #tpu.memory_space<any>> -> memref<1x12x12x1x12xi32, #tpu.memory_space<any>>
      %dma_start3A_3065 = tpu.memref_squeeze %dma_start3A_3064 : memref<1x12x12x1x12xi32, #tpu.memory_space<any>> -> memref<12x12x12xi32, #tpu.memory_space<any>>
      %dma_start3A_3066 = arith.constant 0 : i32
      %dma_start3A_3067 = tpu.memref_slice %arg6[%arg0, %mul3A_670, %mul3A_712, %select_n3A_728, %dma_start3A_3066] : memref<4x96x96x8x12xi32, #tpu.memory_space<any>> -> memref<1x12x12x1x12xi32, #tpu.memory_space<any>>
      %dma_start3A_3068 = tpu.memref_squeeze %dma_start3A_3067 : memref<1x12x12x1x12xi32, #tpu.memory_space<any>> -> memref<12x12x12xi32, #tpu.memory_space<any>>
      tpu.enqueue_dma source(%dma_start3A_3068 : memref<12x12x12xi32, #tpu.memory_space<any>>) target(%dma_start3A_3065 : memref<12x12x12xi32, #tpu.memory_space<any>>) target_semaphore(%arg14 : memref<!tpu.dma_semaphore, #tpu.memory_space<semaphore_mem>>)
      %dma_start3A_3069 = arith.constant 0 : i32
      %dma_start3A_3070 = tpu.memref_slice %arg12[%arg0, %mul3A_586, %mul3A_628, %select_n3A_644, %dma_start3A_3069] : memref<4x96x96x8x12xf32, #tpu.memory_space<any>> -> memref<1x12x12x1x12xf32, #tpu.memory_space<any>>
      %dma_start3A_3071 = tpu.memref_squeeze %dma_start3A_3070 : memref<1x12x12x1x12xf32, #tpu.memory_space<any>> -> memref<12x12x12xf32, #tpu.memory_space<any>>
      %dma_start3A_3072 = arith.constant 0 : i32
      %dma_start3A_3073 = tpu.memref_slice %arg8[%arg0, %mul3A_670, %mul3A_712, %select_n3A_728, %dma_start3A_3072] : memref<4x96x96x8x12xf32, #tpu.memory_space<any>> -> memref<1x12x12x1x12xf32, #tpu.memory_space<any>>
      %dma_start3A_3074 = tpu.memref_squeeze %dma_start3A_3073 : memref<1x12x12x1x12xf32, #tpu.memory_space<any>> -> memref<12x12x12xf32, #tpu.memory_space<any>>
      tpu.enqueue_dma source(%dma_start3A_3074 : memref<12x12x12xf32, #tpu.memory_space<any>>) target(%dma_start3A_3071 : memref<12x12x12xf32, #tpu.memory_space<any>>) target_semaphore(%arg15 : memref<!tpu.dma_semaphore, #tpu.memory_space<semaphore_mem>>)
    } else {
    }
    %gt3A_734 = arith.constant 4 : i32
    %gt3A_735 = arith.cmpi sgt, %get3A_0, %gt3A_734 : i32
    %mul3A_736 = arith.constant 16 : i32
    %mul3A_737 = arith.muli %arg0, %mul3A_736 : i32
    %add3A_738 = arith.constant 4 : i32
    %add3A_739 = arith.addi %mul3A_737, %add3A_738 : i32
    %get3A_740 = arith.index_cast %add3A_739 : i32 to index
    %get3A_741 = memref.load %arg1[%get3A_740] : memref<64xi32, #tpu.memory_space<smem>>
    %mul3A_742 = arith.constant 16 : i32
    %mul3A_743 = arith.muli %arg0, %mul3A_742 : i32
    %add3A_744 = arith.constant 4 : i32
    %add3A_745 = arith.addi %mul3A_743, %add3A_744 : i32
    %get3A_746 = arith.index_cast %add3A_745 : i32 to index
    %get3A_747 = memref.load %arg2[%get3A_746] : memref<64xi32, #tpu.memory_space<smem>>
    %jit3A_748 = arith.constant 64 : i32
    %div3A_749 = arith.divsi %get3A_741, %jit3A_748 : i32
    %sign3A_750 = arith.constant 0 : i32
    %sign3A_751 = arith.cmpi sgt, %get3A_741, %sign3A_750 : i32
    %sign3A_752 = arith.extui %sign3A_751 : i1 to i32
    %sign3A_753 = arith.constant 0 : i32
    %sign3A_754 = arith.cmpi slt, %get3A_741, %sign3A_753 : i32
    %sign3A_755 = arith.extui %sign3A_754 : i1 to i32
    %sign3A_756 = arith.subi %sign3A_752, %sign3A_755 : i32
    %sign3A_757 = arith.constant 0 : i32
    %sign3A_758 = arith.cmpi sgt, %jit3A_748, %sign3A_757 : i32
    %sign3A_759 = arith.extui %sign3A_758 : i1 to i32
    %sign3A_760 = arith.constant 0 : i32
    %sign3A_761 = arith.cmpi slt, %jit3A_748, %sign3A_760 : i32
    %sign3A_762 = arith.extui %sign3A_761 : i1 to i32
    %sign3A_763 = arith.subi %sign3A_759, %sign3A_762 : i32
    %ne3A_764 = arith.cmpi ne, %sign3A_756, %sign3A_763 : i32
    %rem3A_765 = arith.remsi %get3A_741, %jit3A_748 : i32
    %ne3A_766 = arith.constant 0 : i32
    %ne3A_767 = arith.cmpi ne, %rem3A_765, %ne3A_766 : i32
    %and3A_768 = arith.andi %ne3A_764, %ne3A_767 : i1
    %sub3A_769 = arith.constant 1 : i32
    %sub3A_770 = arith.subi %div3A_749, %sub3A_769 : i32
    %select_n3A_771 = arith.select %and3A_768, %sub3A_770, %div3A_749 : i32
    %mul3A_772 = arith.constant 12 : i32
    %mul3A_773 = arith.muli %select_n3A_771, %mul3A_772 : i32
    %jit3A_774 = arith.constant 8 : i32
    %div3A_775 = arith.divsi %get3A_741, %jit3A_774 : i32
    %sign3A_776 = arith.constant 0 : i32
    %sign3A_777 = arith.cmpi sgt, %get3A_741, %sign3A_776 : i32
    %sign3A_778 = arith.extui %sign3A_777 : i1 to i32
    %sign3A_779 = arith.constant 0 : i32
    %sign3A_780 = arith.cmpi slt, %get3A_741, %sign3A_779 : i32
    %sign3A_781 = arith.extui %sign3A_780 : i1 to i32
    %sign3A_782 = arith.subi %sign3A_778, %sign3A_781 : i32
    %sign3A_783 = arith.constant 0 : i32
    %sign3A_784 = arith.cmpi sgt, %jit3A_774, %sign3A_783 : i32
    %sign3A_785 = arith.extui %sign3A_784 : i1 to i32
    %sign3A_786 = arith.constant 0 : i32
    %sign3A_787 = arith.cmpi slt, %jit3A_774, %sign3A_786 : i32
    %sign3A_788 = arith.extui %sign3A_787 : i1 to i32
    %sign3A_789 = arith.subi %sign3A_785, %sign3A_788 : i32
    %ne3A_790 = arith.cmpi ne, %sign3A_782, %sign3A_789 : i32
    %rem3A_791 = arith.remsi %get3A_741, %jit3A_774 : i32
    %ne3A_792 = arith.constant 0 : i32
    %ne3A_793 = arith.cmpi ne, %rem3A_791, %ne3A_792 : i32
    %and3A_794 = arith.andi %ne3A_790, %ne3A_793 : i1
    %sub3A_795 = arith.constant 1 : i32
    %sub3A_796 = arith.subi %div3A_775, %sub3A_795 : i32
    %select_n3A_797 = arith.select %and3A_794, %sub3A_796, %div3A_775 : i32
    %jit3A_798 = arith.constant 8 : i32
    %eq3A_799 = arith.constant 0 : i32
    %eq3A_800 = arith.cmpi eq, %jit3A_798, %eq3A_799 : i32
    %jit3A_801 = arith.constant 1 : i32
    %select_n3A_802 = arith.select %eq3A_800, %jit3A_801, %jit3A_798 : i32
    %rem3A_803 = arith.remsi %select_n3A_797, %select_n3A_802 : i32
    %ne3A_804 = arith.constant 0 : i32
    %ne3A_805 = arith.cmpi ne, %rem3A_803, %ne3A_804 : i32
    %lt3A_806 = arith.constant 0 : i32
    %lt3A_807 = arith.cmpi slt, %rem3A_803, %lt3A_806 : i32
    %lt3A_808 = arith.constant 0 : i32
    %lt3A_809 = arith.cmpi slt, %select_n3A_802, %lt3A_808 : i32
    %ne3A_810 = arith.xori %lt3A_807, %lt3A_809 : i1
    %and3A_811 = arith.andi %ne3A_810, %ne3A_805 : i1
    %add3A_812 = arith.addi %rem3A_803, %select_n3A_802 : i32
    %select_n3A_813 = arith.select %and3A_811, %add3A_812, %rem3A_803 : i32
    %mul3A_814 = arith.constant 12 : i32
    %mul3A_815 = arith.muli %select_n3A_813, %mul3A_814 : i32
    %jit3A_816 = arith.constant 8 : i32
    %eq3A_817 = arith.constant 0 : i32
    %eq3A_818 = arith.cmpi eq, %jit3A_816, %eq3A_817 : i32
    %jit3A_819 = arith.constant 1 : i32
    %select_n3A_820 = arith.select %eq3A_818, %jit3A_819, %jit3A_816 : i32
    %rem3A_821 = arith.remsi %get3A_741, %select_n3A_820 : i32
    %ne3A_822 = arith.constant 0 : i32
    %ne3A_823 = arith.cmpi ne, %rem3A_821, %ne3A_822 : i32
    %lt3A_824 = arith.constant 0 : i32
    %lt3A_825 = arith.cmpi slt, %rem3A_821, %lt3A_824 : i32
    %lt3A_826 = arith.constant 0 : i32
    %lt3A_827 = arith.cmpi slt, %select_n3A_820, %lt3A_826 : i32
    %ne3A_828 = arith.xori %lt3A_825, %lt3A_827 : i1
    %and3A_829 = arith.andi %ne3A_828, %ne3A_823 : i1
    %add3A_830 = arith.addi %rem3A_821, %select_n3A_820 : i32
    %select_n3A_831 = arith.select %and3A_829, %add3A_830, %rem3A_821 : i32
    %jit3A_832 = arith.constant 64 : i32
    %div3A_833 = arith.divsi %get3A_747, %jit3A_832 : i32
    %sign3A_834 = arith.constant 0 : i32
    %sign3A_835 = arith.cmpi sgt, %get3A_747, %sign3A_834 : i32
    %sign3A_836 = arith.extui %sign3A_835 : i1 to i32
    %sign3A_837 = arith.constant 0 : i32
    %sign3A_838 = arith.cmpi slt, %get3A_747, %sign3A_837 : i32
    %sign3A_839 = arith.extui %sign3A_838 : i1 to i32
    %sign3A_840 = arith.subi %sign3A_836, %sign3A_839 : i32
    %sign3A_841 = arith.constant 0 : i32
    %sign3A_842 = arith.cmpi sgt, %jit3A_832, %sign3A_841 : i32
    %sign3A_843 = arith.extui %sign3A_842 : i1 to i32
    %sign3A_844 = arith.constant 0 : i32
    %sign3A_845 = arith.cmpi slt, %jit3A_832, %sign3A_844 : i32
    %sign3A_846 = arith.extui %sign3A_845 : i1 to i32
    %sign3A_847 = arith.subi %sign3A_843, %sign3A_846 : i32
    %ne3A_848 = arith.cmpi ne, %sign3A_840, %sign3A_847 : i32
    %rem3A_849 = arith.remsi %get3A_747, %jit3A_832 : i32
    %ne3A_850 = arith.constant 0 : i32
    %ne3A_851 = arith.cmpi ne, %rem3A_849, %ne3A_850 : i32
    %and3A_852 = arith.andi %ne3A_848, %ne3A_851 : i1
    %sub3A_853 = arith.constant 1 : i32
    %sub3A_854 = arith.subi %div3A_833, %sub3A_853 : i32
    %select_n3A_855 = arith.select %and3A_852, %sub3A_854, %div3A_833 : i32
    %mul3A_856 = arith.constant 12 : i32
    %mul3A_857 = arith.muli %select_n3A_855, %mul3A_856 : i32
    %jit3A_858 = arith.constant 8 : i32
    %div3A_859 = arith.divsi %get3A_747, %jit3A_858 : i32
    %sign3A_860 = arith.constant 0 : i32
    %sign3A_861 = arith.cmpi sgt, %get3A_747, %sign3A_860 : i32
    %sign3A_862 = arith.extui %sign3A_861 : i1 to i32
    %sign3A_863 = arith.constant 0 : i32
    %sign3A_864 = arith.cmpi slt, %get3A_747, %sign3A_863 : i32
    %sign3A_865 = arith.extui %sign3A_864 : i1 to i32
    %sign3A_866 = arith.subi %sign3A_862, %sign3A_865 : i32
    %sign3A_867 = arith.constant 0 : i32
    %sign3A_868 = arith.cmpi sgt, %jit3A_858, %sign3A_867 : i32
    %sign3A_869 = arith.extui %sign3A_868 : i1 to i32
    %sign3A_870 = arith.constant 0 : i32
    %sign3A_871 = arith.cmpi slt, %jit3A_858, %sign3A_870 : i32
    %sign3A_872 = arith.extui %sign3A_871 : i1 to i32
    %sign3A_873 = arith.subi %sign3A_869, %sign3A_872 : i32
    %ne3A_874 = arith.cmpi ne, %sign3A_866, %sign3A_873 : i32
    %rem3A_875 = arith.remsi %get3A_747, %jit3A_858 : i32
    %ne3A_876 = arith.constant 0 : i32
    %ne3A_877 = arith.cmpi ne, %rem3A_875, %ne3A_876 : i32
    %and3A_878 = arith.andi %ne3A_874, %ne3A_877 : i1
    %sub3A_879 = arith.constant 1 : i32
    %sub3A_880 = arith.subi %div3A_859, %sub3A_879 : i32
    %select_n3A_881 = arith.select %and3A_878, %sub3A_880, %div3A_859 : i32
    %jit3A_882 = arith.constant 8 : i32
    %eq3A_883 = arith.constant 0 : i32
    %eq3A_884 = arith.cmpi eq, %jit3A_882, %eq3A_883 : i32
    %jit3A_885 = arith.constant 1 : i32
    %select_n3A_886 = arith.select %eq3A_884, %jit3A_885, %jit3A_882 : i32
    %rem3A_887 = arith.remsi %select_n3A_881, %select_n3A_886 : i32
    %ne3A_888 = arith.constant 0 : i32
    %ne3A_889 = arith.cmpi ne, %rem3A_887, %ne3A_888 : i32
    %lt3A_890 = arith.constant 0 : i32
    %lt3A_891 = arith.cmpi slt, %rem3A_887, %lt3A_890 : i32
    %lt3A_892 = arith.constant 0 : i32
    %lt3A_893 = arith.cmpi slt, %select_n3A_886, %lt3A_892 : i32
    %ne3A_894 = arith.xori %lt3A_891, %lt3A_893 : i1
    %and3A_895 = arith.andi %ne3A_894, %ne3A_889 : i1
    %add3A_896 = arith.addi %rem3A_887, %select_n3A_886 : i32
    %select_n3A_897 = arith.select %and3A_895, %add3A_896, %rem3A_887 : i32
    %mul3A_898 = arith.constant 12 : i32
    %mul3A_899 = arith.muli %select_n3A_897, %mul3A_898 : i32
    %jit3A_900 = arith.constant 8 : i32
    %eq3A_901 = arith.constant 0 : i32
    %eq3A_902 = arith.cmpi eq, %jit3A_900, %eq3A_901 : i32
    %jit3A_903 = arith.constant 1 : i32
    %select_n3A_904 = arith.select %eq3A_902, %jit3A_903, %jit3A_900 : i32
    %rem3A_905 = arith.remsi %get3A_747, %select_n3A_904 : i32
    %ne3A_906 = arith.constant 0 : i32
    %ne3A_907 = arith.cmpi ne, %rem3A_905, %ne3A_906 : i32
    %lt3A_908 = arith.constant 0 : i32
    %lt3A_909 = arith.cmpi slt, %rem3A_905, %lt3A_908 : i32
    %lt3A_910 = arith.constant 0 : i32
    %lt3A_911 = arith.cmpi slt, %select_n3A_904, %lt3A_910 : i32
    %ne3A_912 = arith.xori %lt3A_909, %lt3A_911 : i1
    %and3A_913 = arith.andi %ne3A_912, %ne3A_907 : i1
    %add3A_914 = arith.addi %rem3A_905, %select_n3A_904 : i32
    %select_n3A_915 = arith.select %and3A_913, %add3A_914, %rem3A_905 : i32
    %convert_element_type3A_916 = arith.extui %gt3A_735 : i1 to i32
    %cond3A_917 = arith.constant 0 : i32
    %cond3A_918 = arith.constant 0 : i32
    %cond3A_919 = arith.constant 0 : i32
    %cond3A_920 = arith.cmpi ne, %convert_element_type3A_916, %cond3A_919 : i32
    scf.if %cond3A_920 {
      %dma_start3A = arith.constant 0 : i32
      %dma_start3A_3058 = tpu.memref_slice %arg10[%arg0, %cond3A_918, %mul3A_773, %mul3A_815, %select_n3A_831, %dma_start3A] : memref<4x1x96x96x8x12xf32, #tpu.memory_space<any>> -> memref<1x1x12x12x1x12xf32, #tpu.memory_space<any>>
      %dma_start3A_3059 = tpu.memref_squeeze %dma_start3A_3058 : memref<1x1x12x12x1x12xf32, #tpu.memory_space<any>> -> memref<12x12x12xf32, #tpu.memory_space<any>>
      %dma_start3A_3060 = arith.constant 0 : i32
      %dma_start3A_3061 = tpu.memref_slice %arg4[%arg0, %cond3A_917, %mul3A_857, %mul3A_899, %select_n3A_915, %dma_start3A_3060] : memref<4x1x96x96x8x12xf32, #tpu.memory_space<any>> -> memref<1x1x12x12x1x12xf32, #tpu.memory_space<any>>
      %dma_start3A_3062 = tpu.memref_squeeze %dma_start3A_3061 : memref<1x1x12x12x1x12xf32, #tpu.memory_space<any>> -> memref<12x12x12xf32, #tpu.memory_space<any>>
      tpu.enqueue_dma source(%dma_start3A_3062 : memref<12x12x12xf32, #tpu.memory_space<any>>) target(%dma_start3A_3059 : memref<12x12x12xf32, #tpu.memory_space<any>>) target_semaphore(%arg13 : memref<!tpu.dma_semaphore, #tpu.memory_space<semaphore_mem>>)
      %dma_start3A_3063 = arith.constant 0 : i32
      %dma_start3A_3064 = tpu.memref_slice %arg11[%arg0, %mul3A_773, %mul3A_815, %select_n3A_831, %dma_start3A_3063] : memref<4x96x96x8x12xi32, #tpu.memory_space<any>> -> memref<1x12x12x1x12xi32, #tpu.memory_space<any>>
      %dma_start3A_3065 = tpu.memref_squeeze %dma_start3A_3064 : memref<1x12x12x1x12xi32, #tpu.memory_space<any>> -> memref<12x12x12xi32, #tpu.memory_space<any>>
      %dma_start3A_3066 = arith.constant 0 : i32
      %dma_start3A_3067 = tpu.memref_slice %arg6[%arg0, %mul3A_857, %mul3A_899, %select_n3A_915, %dma_start3A_3066] : memref<4x96x96x8x12xi32, #tpu.memory_space<any>> -> memref<1x12x12x1x12xi32, #tpu.memory_space<any>>
      %dma_start3A_3068 = tpu.memref_squeeze %dma_start3A_3067 : memref<1x12x12x1x12xi32, #tpu.memory_space<any>> -> memref<12x12x12xi32, #tpu.memory_space<any>>
      tpu.enqueue_dma source(%dma_start3A_3068 : memref<12x12x12xi32, #tpu.memory_space<any>>) target(%dma_start3A_3065 : memref<12x12x12xi32, #tpu.memory_space<any>>) target_semaphore(%arg14 : memref<!tpu.dma_semaphore, #tpu.memory_space<semaphore_mem>>)
      %dma_start3A_3069 = arith.constant 0 : i32
      %dma_start3A_3070 = tpu.memref_slice %arg12[%arg0, %mul3A_773, %mul3A_815, %select_n3A_831, %dma_start3A_3069] : memref<4x96x96x8x12xf32, #tpu.memory_space<any>> -> memref<1x12x12x1x12xf32, #tpu.memory_space<any>>
      %dma_start3A_3071 = tpu.memref_squeeze %dma_start3A_3070 : memref<1x12x12x1x12xf32, #tpu.memory_space<any>> -> memref<12x12x12xf32, #tpu.memory_space<any>>
      %dma_start3A_3072 = arith.constant 0 : i32
      %dma_start3A_3073 = tpu.memref_slice %arg8[%arg0, %mul3A_857, %mul3A_899, %select_n3A_915, %dma_start3A_3072] : memref<4x96x96x8x12xf32, #tpu.memory_space<any>> -> memref<1x12x12x1x12xf32, #tpu.memory_space<any>>
      %dma_start3A_3074 = tpu.memref_squeeze %dma_start3A_3073 : memref<1x12x12x1x12xf32, #tpu.memory_space<any>> -> memref<12x12x12xf32, #tpu.memory_space<any>>
      tpu.enqueue_dma source(%dma_start3A_3074 : memref<12x12x12xf32, #tpu.memory_space<any>>) target(%dma_start3A_3071 : memref<12x12x12xf32, #tpu.memory_space<any>>) target_semaphore(%arg15 : memref<!tpu.dma_semaphore, #tpu.memory_space<semaphore_mem>>)
    } else {
    }
    %gt3A_921 = arith.constant 5 : i32
    %gt3A_922 = arith.cmpi sgt, %get3A_0, %gt3A_921 : i32
    %mul3A_923 = arith.constant 16 : i32
    %mul3A_924 = arith.muli %arg0, %mul3A_923 : i32
    %add3A_925 = arith.constant 5 : i32
    %add3A_926 = arith.addi %mul3A_924, %add3A_925 : i32
    %get3A_927 = arith.index_cast %add3A_926 : i32 to index
    %get3A_928 = memref.load %arg1[%get3A_927] : memref<64xi32, #tpu.memory_space<smem>>
    %mul3A_929 = arith.constant 16 : i32
    %mul3A_930 = arith.muli %arg0, %mul3A_929 : i32
    %add3A_931 = arith.constant 5 : i32
    %add3A_932 = arith.addi %mul3A_930, %add3A_931 : i32
    %get3A_933 = arith.index_cast %add3A_932 : i32 to index
    %get3A_934 = memref.load %arg2[%get3A_933] : memref<64xi32, #tpu.memory_space<smem>>
    %jit3A_935 = arith.constant 64 : i32
    %div3A_936 = arith.divsi %get3A_928, %jit3A_935 : i32
    %sign3A_937 = arith.constant 0 : i32
    %sign3A_938 = arith.cmpi sgt, %get3A_928, %sign3A_937 : i32
    %sign3A_939 = arith.extui %sign3A_938 : i1 to i32
    %sign3A_940 = arith.constant 0 : i32
    %sign3A_941 = arith.cmpi slt, %get3A_928, %sign3A_940 : i32
    %sign3A_942 = arith.extui %sign3A_941 : i1 to i32
    %sign3A_943 = arith.subi %sign3A_939, %sign3A_942 : i32
    %sign3A_944 = arith.constant 0 : i32
    %sign3A_945 = arith.cmpi sgt, %jit3A_935, %sign3A_944 : i32
    %sign3A_946 = arith.extui %sign3A_945 : i1 to i32
    %sign3A_947 = arith.constant 0 : i32
    %sign3A_948 = arith.cmpi slt, %jit3A_935, %sign3A_947 : i32
    %sign3A_949 = arith.extui %sign3A_948 : i1 to i32
    %sign3A_950 = arith.subi %sign3A_946, %sign3A_949 : i32
    %ne3A_951 = arith.cmpi ne, %sign3A_943, %sign3A_950 : i32
    %rem3A_952 = arith.remsi %get3A_928, %jit3A_935 : i32
    %ne3A_953 = arith.constant 0 : i32
    %ne3A_954 = arith.cmpi ne, %rem3A_952, %ne3A_953 : i32
    %and3A_955 = arith.andi %ne3A_951, %ne3A_954 : i1
    %sub3A_956 = arith.constant 1 : i32
    %sub3A_957 = arith.subi %div3A_936, %sub3A_956 : i32
    %select_n3A_958 = arith.select %and3A_955, %sub3A_957, %div3A_936 : i32
    %mul3A_959 = arith.constant 12 : i32
    %mul3A_960 = arith.muli %select_n3A_958, %mul3A_959 : i32
    %jit3A_961 = arith.constant 8 : i32
    %div3A_962 = arith.divsi %get3A_928, %jit3A_961 : i32
    %sign3A_963 = arith.constant 0 : i32
    %sign3A_964 = arith.cmpi sgt, %get3A_928, %sign3A_963 : i32
    %sign3A_965 = arith.extui %sign3A_964 : i1 to i32
    %sign3A_966 = arith.constant 0 : i32
    %sign3A_967 = arith.cmpi slt, %get3A_928, %sign3A_966 : i32
    %sign3A_968 = arith.extui %sign3A_967 : i1 to i32
    %sign3A_969 = arith.subi %sign3A_965, %sign3A_968 : i32
    %sign3A_970 = arith.constant 0 : i32
    %sign3A_971 = arith.cmpi sgt, %jit3A_961, %sign3A_970 : i32
    %sign3A_972 = arith.extui %sign3A_971 : i1 to i32
    %sign3A_973 = arith.constant 0 : i32
    %sign3A_974 = arith.cmpi slt, %jit3A_961, %sign3A_973 : i32
    %sign3A_975 = arith.extui %sign3A_974 : i1 to i32
    %sign3A_976 = arith.subi %sign3A_972, %sign3A_975 : i32
    %ne3A_977 = arith.cmpi ne, %sign3A_969, %sign3A_976 : i32
    %rem3A_978 = arith.remsi %get3A_928, %jit3A_961 : i32
    %ne3A_979 = arith.constant 0 : i32
    %ne3A_980 = arith.cmpi ne, %rem3A_978, %ne3A_979 : i32
    %and3A_981 = arith.andi %ne3A_977, %ne3A_980 : i1
    %sub3A_982 = arith.constant 1 : i32
    %sub3A_983 = arith.subi %div3A_962, %sub3A_982 : i32
    %select_n3A_984 = arith.select %and3A_981, %sub3A_983, %div3A_962 : i32
    %jit3A_985 = arith.constant 8 : i32
    %eq3A_986 = arith.constant 0 : i32
    %eq3A_987 = arith.cmpi eq, %jit3A_985, %eq3A_986 : i32
    %jit3A_988 = arith.constant 1 : i32
    %select_n3A_989 = arith.select %eq3A_987, %jit3A_988, %jit3A_985 : i32
    %rem3A_990 = arith.remsi %select_n3A_984, %select_n3A_989 : i32
    %ne3A_991 = arith.constant 0 : i32
    %ne3A_992 = arith.cmpi ne, %rem3A_990, %ne3A_991 : i32
    %lt3A_993 = arith.constant 0 : i32
    %lt3A_994 = arith.cmpi slt, %rem3A_990, %lt3A_993 : i32
    %lt3A_995 = arith.constant 0 : i32
    %lt3A_996 = arith.cmpi slt, %select_n3A_989, %lt3A_995 : i32
    %ne3A_997 = arith.xori %lt3A_994, %lt3A_996 : i1
    %and3A_998 = arith.andi %ne3A_997, %ne3A_992 : i1
    %add3A_999 = arith.addi %rem3A_990, %select_n3A_989 : i32
    %select_n3A_1000 = arith.select %and3A_998, %add3A_999, %rem3A_990 : i32
    %mul3A_1001 = arith.constant 12 : i32
    %mul3A_1002 = arith.muli %select_n3A_1000, %mul3A_1001 : i32
    %jit3A_1003 = arith.constant 8 : i32
    %eq3A_1004 = arith.constant 0 : i32
    %eq3A_1005 = arith.cmpi eq, %jit3A_1003, %eq3A_1004 : i32
    %jit3A_1006 = arith.constant 1 : i32
    %select_n3A_1007 = arith.select %eq3A_1005, %jit3A_1006, %jit3A_1003 : i32
    %rem3A_1008 = arith.remsi %get3A_928, %select_n3A_1007 : i32
    %ne3A_1009 = arith.constant 0 : i32
    %ne3A_1010 = arith.cmpi ne, %rem3A_1008, %ne3A_1009 : i32
    %lt3A_1011 = arith.constant 0 : i32
    %lt3A_1012 = arith.cmpi slt, %rem3A_1008, %lt3A_1011 : i32
    %lt3A_1013 = arith.constant 0 : i32
    %lt3A_1014 = arith.cmpi slt, %select_n3A_1007, %lt3A_1013 : i32
    %ne3A_1015 = arith.xori %lt3A_1012, %lt3A_1014 : i1
    %and3A_1016 = arith.andi %ne3A_1015, %ne3A_1010 : i1
    %add3A_1017 = arith.addi %rem3A_1008, %select_n3A_1007 : i32
    %select_n3A_1018 = arith.select %and3A_1016, %add3A_1017, %rem3A_1008 : i32
    %jit3A_1019 = arith.constant 64 : i32
    %div3A_1020 = arith.divsi %get3A_934, %jit3A_1019 : i32
    %sign3A_1021 = arith.constant 0 : i32
    %sign3A_1022 = arith.cmpi sgt, %get3A_934, %sign3A_1021 : i32
    %sign3A_1023 = arith.extui %sign3A_1022 : i1 to i32
    %sign3A_1024 = arith.constant 0 : i32
    %sign3A_1025 = arith.cmpi slt, %get3A_934, %sign3A_1024 : i32
    %sign3A_1026 = arith.extui %sign3A_1025 : i1 to i32
    %sign3A_1027 = arith.subi %sign3A_1023, %sign3A_1026 : i32
    %sign3A_1028 = arith.constant 0 : i32
    %sign3A_1029 = arith.cmpi sgt, %jit3A_1019, %sign3A_1028 : i32
    %sign3A_1030 = arith.extui %sign3A_1029 : i1 to i32
    %sign3A_1031 = arith.constant 0 : i32
    %sign3A_1032 = arith.cmpi slt, %jit3A_1019, %sign3A_1031 : i32
    %sign3A_1033 = arith.extui %sign3A_1032 : i1 to i32
    %sign3A_1034 = arith.subi %sign3A_1030, %sign3A_1033 : i32
    %ne3A_1035 = arith.cmpi ne, %sign3A_1027, %sign3A_1034 : i32
    %rem3A_1036 = arith.remsi %get3A_934, %jit3A_1019 : i32
    %ne3A_1037 = arith.constant 0 : i32
    %ne3A_1038 = arith.cmpi ne, %rem3A_1036, %ne3A_1037 : i32
    %and3A_1039 = arith.andi %ne3A_1035, %ne3A_1038 : i1
    %sub3A_1040 = arith.constant 1 : i32
    %sub3A_1041 = arith.subi %div3A_1020, %sub3A_1040 : i32
    %select_n3A_1042 = arith.select %and3A_1039, %sub3A_1041, %div3A_1020 : i32
    %mul3A_1043 = arith.constant 12 : i32
    %mul3A_1044 = arith.muli %select_n3A_1042, %mul3A_1043 : i32
    %jit3A_1045 = arith.constant 8 : i32
    %div3A_1046 = arith.divsi %get3A_934, %jit3A_1045 : i32
    %sign3A_1047 = arith.constant 0 : i32
    %sign3A_1048 = arith.cmpi sgt, %get3A_934, %sign3A_1047 : i32
    %sign3A_1049 = arith.extui %sign3A_1048 : i1 to i32
    %sign3A_1050 = arith.constant 0 : i32
    %sign3A_1051 = arith.cmpi slt, %get3A_934, %sign3A_1050 : i32
    %sign3A_1052 = arith.extui %sign3A_1051 : i1 to i32
    %sign3A_1053 = arith.subi %sign3A_1049, %sign3A_1052 : i32
    %sign3A_1054 = arith.constant 0 : i32
    %sign3A_1055 = arith.cmpi sgt, %jit3A_1045, %sign3A_1054 : i32
    %sign3A_1056 = arith.extui %sign3A_1055 : i1 to i32
    %sign3A_1057 = arith.constant 0 : i32
    %sign3A_1058 = arith.cmpi slt, %jit3A_1045, %sign3A_1057 : i32
    %sign3A_1059 = arith.extui %sign3A_1058 : i1 to i32
    %sign3A_1060 = arith.subi %sign3A_1056, %sign3A_1059 : i32
    %ne3A_1061 = arith.cmpi ne, %sign3A_1053, %sign3A_1060 : i32
    %rem3A_1062 = arith.remsi %get3A_934, %jit3A_1045 : i32
    %ne3A_1063 = arith.constant 0 : i32
    %ne3A_1064 = arith.cmpi ne, %rem3A_1062, %ne3A_1063 : i32
    %and3A_1065 = arith.andi %ne3A_1061, %ne3A_1064 : i1
    %sub3A_1066 = arith.constant 1 : i32
    %sub3A_1067 = arith.subi %div3A_1046, %sub3A_1066 : i32
    %select_n3A_1068 = arith.select %and3A_1065, %sub3A_1067, %div3A_1046 : i32
    %jit3A_1069 = arith.constant 8 : i32
    %eq3A_1070 = arith.constant 0 : i32
    %eq3A_1071 = arith.cmpi eq, %jit3A_1069, %eq3A_1070 : i32
    %jit3A_1072 = arith.constant 1 : i32
    %select_n3A_1073 = arith.select %eq3A_1071, %jit3A_1072, %jit3A_1069 : i32
    %rem3A_1074 = arith.remsi %select_n3A_1068, %select_n3A_1073 : i32
    %ne3A_1075 = arith.constant 0 : i32
    %ne3A_1076 = arith.cmpi ne, %rem3A_1074, %ne3A_1075 : i32
    %lt3A_1077 = arith.constant 0 : i32
    %lt3A_1078 = arith.cmpi slt, %rem3A_1074, %lt3A_1077 : i32
    %lt3A_1079 = arith.constant 0 : i32
    %lt3A_1080 = arith.cmpi slt, %select_n3A_1073, %lt3A_1079 : i32
    %ne3A_1081 = arith.xori %lt3A_1078, %lt3A_1080 : i1
    %and3A_1082 = arith.andi %ne3A_1081, %ne3A_1076 : i1
    %add3A_1083 = arith.addi %rem3A_1074, %select_n3A_1073 : i32
    %select_n3A_1084 = arith.select %and3A_1082, %add3A_1083, %rem3A_1074 : i32
    %mul3A_1085 = arith.constant 12 : i32
    %mul3A_1086 = arith.muli %select_n3A_1084, %mul3A_1085 : i32
    %jit3A_1087 = arith.constant 8 : i32
    %eq3A_1088 = arith.constant 0 : i32
    %eq3A_1089 = arith.cmpi eq, %jit3A_1087, %eq3A_1088 : i32
    %jit3A_1090 = arith.constant 1 : i32
    %select_n3A_1091 = arith.select %eq3A_1089, %jit3A_1090, %jit3A_1087 : i32
    %rem3A_1092 = arith.remsi %get3A_934, %select_n3A_1091 : i32
    %ne3A_1093 = arith.constant 0 : i32
    %ne3A_1094 = arith.cmpi ne, %rem3A_1092, %ne3A_1093 : i32
    %lt3A_1095 = arith.constant 0 : i32
    %lt3A_1096 = arith.cmpi slt, %rem3A_1092, %lt3A_1095 : i32
    %lt3A_1097 = arith.constant 0 : i32
    %lt3A_1098 = arith.cmpi slt, %select_n3A_1091, %lt3A_1097 : i32
    %ne3A_1099 = arith.xori %lt3A_1096, %lt3A_1098 : i1
    %and3A_1100 = arith.andi %ne3A_1099, %ne3A_1094 : i1
    %add3A_1101 = arith.addi %rem3A_1092, %select_n3A_1091 : i32
    %select_n3A_1102 = arith.select %and3A_1100, %add3A_1101, %rem3A_1092 : i32
    %convert_element_type3A_1103 = arith.extui %gt3A_922 : i1 to i32
    %cond3A_1104 = arith.constant 0 : i32
    %cond3A_1105 = arith.constant 0 : i32
    %cond3A_1106 = arith.constant 0 : i32
    %cond3A_1107 = arith.cmpi ne, %convert_element_type3A_1103, %cond3A_1106 : i32
    scf.if %cond3A_1107 {
      %dma_start3A = arith.constant 0 : i32
      %dma_start3A_3058 = tpu.memref_slice %arg10[%arg0, %cond3A_1105, %mul3A_960, %mul3A_1002, %select_n3A_1018, %dma_start3A] : memref<4x1x96x96x8x12xf32, #tpu.memory_space<any>> -> memref<1x1x12x12x1x12xf32, #tpu.memory_space<any>>
      %dma_start3A_3059 = tpu.memref_squeeze %dma_start3A_3058 : memref<1x1x12x12x1x12xf32, #tpu.memory_space<any>> -> memref<12x12x12xf32, #tpu.memory_space<any>>
      %dma_start3A_3060 = arith.constant 0 : i32
      %dma_start3A_3061 = tpu.memref_slice %arg4[%arg0, %cond3A_1104, %mul3A_1044, %mul3A_1086, %select_n3A_1102, %dma_start3A_3060] : memref<4x1x96x96x8x12xf32, #tpu.memory_space<any>> -> memref<1x1x12x12x1x12xf32, #tpu.memory_space<any>>
      %dma_start3A_3062 = tpu.memref_squeeze %dma_start3A_3061 : memref<1x1x12x12x1x12xf32, #tpu.memory_space<any>> -> memref<12x12x12xf32, #tpu.memory_space<any>>
      tpu.enqueue_dma source(%dma_start3A_3062 : memref<12x12x12xf32, #tpu.memory_space<any>>) target(%dma_start3A_3059 : memref<12x12x12xf32, #tpu.memory_space<any>>) target_semaphore(%arg13 : memref<!tpu.dma_semaphore, #tpu.memory_space<semaphore_mem>>)
      %dma_start3A_3063 = arith.constant 0 : i32
      %dma_start3A_3064 = tpu.memref_slice %arg11[%arg0, %mul3A_960, %mul3A_1002, %select_n3A_1018, %dma_start3A_3063] : memref<4x96x96x8x12xi32, #tpu.memory_space<any>> -> memref<1x12x12x1x12xi32, #tpu.memory_space<any>>
      %dma_start3A_3065 = tpu.memref_squeeze %dma_start3A_3064 : memref<1x12x12x1x12xi32, #tpu.memory_space<any>> -> memref<12x12x12xi32, #tpu.memory_space<any>>
      %dma_start3A_3066 = arith.constant 0 : i32
      %dma_start3A_3067 = tpu.memref_slice %arg6[%arg0, %mul3A_1044, %mul3A_1086, %select_n3A_1102, %dma_start3A_3066] : memref<4x96x96x8x12xi32, #tpu.memory_space<any>> -> memref<1x12x12x1x12xi32, #tpu.memory_space<any>>
      %dma_start3A_3068 = tpu.memref_squeeze %dma_start3A_3067 : memref<1x12x12x1x12xi32, #tpu.memory_space<any>> -> memref<12x12x12xi32, #tpu.memory_space<any>>
      tpu.enqueue_dma source(%dma_start3A_3068 : memref<12x12x12xi32, #tpu.memory_space<any>>) target(%dma_start3A_3065 : memref<12x12x12xi32, #tpu.memory_space<any>>) target_semaphore(%arg14 : memref<!tpu.dma_semaphore, #tpu.memory_space<semaphore_mem>>)
      %dma_start3A_3069 = arith.constant 0 : i32
      %dma_start3A_3070 = tpu.memref_slice %arg12[%arg0, %mul3A_960, %mul3A_1002, %select_n3A_1018, %dma_start3A_3069] : memref<4x96x96x8x12xf32, #tpu.memory_space<any>> -> memref<1x12x12x1x12xf32, #tpu.memory_space<any>>
      %dma_start3A_3071 = tpu.memref_squeeze %dma_start3A_3070 : memref<1x12x12x1x12xf32, #tpu.memory_space<any>> -> memref<12x12x12xf32, #tpu.memory_space<any>>
      %dma_start3A_3072 = arith.constant 0 : i32
      %dma_start3A_3073 = tpu.memref_slice %arg8[%arg0, %mul3A_1044, %mul3A_1086, %select_n3A_1102, %dma_start3A_3072] : memref<4x96x96x8x12xf32, #tpu.memory_space<any>> -> memref<1x12x12x1x12xf32, #tpu.memory_space<any>>
      %dma_start3A_3074 = tpu.memref_squeeze %dma_start3A_3073 : memref<1x12x12x1x12xf32, #tpu.memory_space<any>> -> memref<12x12x12xf32, #tpu.memory_space<any>>
      tpu.enqueue_dma source(%dma_start3A_3074 : memref<12x12x12xf32, #tpu.memory_space<any>>) target(%dma_start3A_3071 : memref<12x12x12xf32, #tpu.memory_space<any>>) target_semaphore(%arg15 : memref<!tpu.dma_semaphore, #tpu.memory_space<semaphore_mem>>)
    } else {
    }
    %gt3A_1108 = arith.constant 6 : i32
    %gt3A_1109 = arith.cmpi sgt, %get3A_0, %gt3A_1108 : i32
    %mul3A_1110 = arith.constant 16 : i32
    %mul3A_1111 = arith.muli %arg0, %mul3A_1110 : i32
    %add3A_1112 = arith.constant 6 : i32
    %add3A_1113 = arith.addi %mul3A_1111, %add3A_1112 : i32
    %get3A_1114 = arith.index_cast %add3A_1113 : i32 to index
    %get3A_1115 = memref.load %arg1[%get3A_1114] : memref<64xi32, #tpu.memory_space<smem>>
    %mul3A_1116 = arith.constant 16 : i32
    %mul3A_1117 = arith.muli %arg0, %mul3A_1116 : i32
    %add3A_1118 = arith.constant 6 : i32
    %add3A_1119 = arith.addi %mul3A_1117, %add3A_1118 : i32
    %get3A_1120 = arith.index_cast %add3A_1119 : i32 to index
    %get3A_1121 = memref.load %arg2[%get3A_1120] : memref<64xi32, #tpu.memory_space<smem>>
    %jit3A_1122 = arith.constant 64 : i32
    %div3A_1123 = arith.divsi %get3A_1115, %jit3A_1122 : i32
    %sign3A_1124 = arith.constant 0 : i32
    %sign3A_1125 = arith.cmpi sgt, %get3A_1115, %sign3A_1124 : i32
    %sign3A_1126 = arith.extui %sign3A_1125 : i1 to i32
    %sign3A_1127 = arith.constant 0 : i32
    %sign3A_1128 = arith.cmpi slt, %get3A_1115, %sign3A_1127 : i32
    %sign3A_1129 = arith.extui %sign3A_1128 : i1 to i32
    %sign3A_1130 = arith.subi %sign3A_1126, %sign3A_1129 : i32
    %sign3A_1131 = arith.constant 0 : i32
    %sign3A_1132 = arith.cmpi sgt, %jit3A_1122, %sign3A_1131 : i32
    %sign3A_1133 = arith.extui %sign3A_1132 : i1 to i32
    %sign3A_1134 = arith.constant 0 : i32
    %sign3A_1135 = arith.cmpi slt, %jit3A_1122, %sign3A_1134 : i32
    %sign3A_1136 = arith.extui %sign3A_1135 : i1 to i32
    %sign3A_1137 = arith.subi %sign3A_1133, %sign3A_1136 : i32
    %ne3A_1138 = arith.cmpi ne, %sign3A_1130, %sign3A_1137 : i32
    %rem3A_1139 = arith.remsi %get3A_1115, %jit3A_1122 : i32
    %ne3A_1140 = arith.constant 0 : i32
    %ne3A_1141 = arith.cmpi ne, %rem3A_1139, %ne3A_1140 : i32
    %and3A_1142 = arith.andi %ne3A_1138, %ne3A_1141 : i1
    %sub3A_1143 = arith.constant 1 : i32
    %sub3A_1144 = arith.subi %div3A_1123, %sub3A_1143 : i32
    %select_n3A_1145 = arith.select %and3A_1142, %sub3A_1144, %div3A_1123 : i32
    %mul3A_1146 = arith.constant 12 : i32
    %mul3A_1147 = arith.muli %select_n3A_1145, %mul3A_1146 : i32
    %jit3A_1148 = arith.constant 8 : i32
    %div3A_1149 = arith.divsi %get3A_1115, %jit3A_1148 : i32
    %sign3A_1150 = arith.constant 0 : i32
    %sign3A_1151 = arith.cmpi sgt, %get3A_1115, %sign3A_1150 : i32
    %sign3A_1152 = arith.extui %sign3A_1151 : i1 to i32
    %sign3A_1153 = arith.constant 0 : i32
    %sign3A_1154 = arith.cmpi slt, %get3A_1115, %sign3A_1153 : i32
    %sign3A_1155 = arith.extui %sign3A_1154 : i1 to i32
    %sign3A_1156 = arith.subi %sign3A_1152, %sign3A_1155 : i32
    %sign3A_1157 = arith.constant 0 : i32
    %sign3A_1158 = arith.cmpi sgt, %jit3A_1148, %sign3A_1157 : i32
    %sign3A_1159 = arith.extui %sign3A_1158 : i1 to i32
    %sign3A_1160 = arith.constant 0 : i32
    %sign3A_1161 = arith.cmpi slt, %jit3A_1148, %sign3A_1160 : i32
    %sign3A_1162 = arith.extui %sign3A_1161 : i1 to i32
    %sign3A_1163 = arith.subi %sign3A_1159, %sign3A_1162 : i32
    %ne3A_1164 = arith.cmpi ne, %sign3A_1156, %sign3A_1163 : i32
    %rem3A_1165 = arith.remsi %get3A_1115, %jit3A_1148 : i32
    %ne3A_1166 = arith.constant 0 : i32
    %ne3A_1167 = arith.cmpi ne, %rem3A_1165, %ne3A_1166 : i32
    %and3A_1168 = arith.andi %ne3A_1164, %ne3A_1167 : i1
    %sub3A_1169 = arith.constant 1 : i32
    %sub3A_1170 = arith.subi %div3A_1149, %sub3A_1169 : i32
    %select_n3A_1171 = arith.select %and3A_1168, %sub3A_1170, %div3A_1149 : i32
    %jit3A_1172 = arith.constant 8 : i32
    %eq3A_1173 = arith.constant 0 : i32
    %eq3A_1174 = arith.cmpi eq, %jit3A_1172, %eq3A_1173 : i32
    %jit3A_1175 = arith.constant 1 : i32
    %select_n3A_1176 = arith.select %eq3A_1174, %jit3A_1175, %jit3A_1172 : i32
    %rem3A_1177 = arith.remsi %select_n3A_1171, %select_n3A_1176 : i32
    %ne3A_1178 = arith.constant 0 : i32
    %ne3A_1179 = arith.cmpi ne, %rem3A_1177, %ne3A_1178 : i32
    %lt3A_1180 = arith.constant 0 : i32
    %lt3A_1181 = arith.cmpi slt, %rem3A_1177, %lt3A_1180 : i32
    %lt3A_1182 = arith.constant 0 : i32
    %lt3A_1183 = arith.cmpi slt, %select_n3A_1176, %lt3A_1182 : i32
    %ne3A_1184 = arith.xori %lt3A_1181, %lt3A_1183 : i1
    %and3A_1185 = arith.andi %ne3A_1184, %ne3A_1179 : i1
    %add3A_1186 = arith.addi %rem3A_1177, %select_n3A_1176 : i32
    %select_n3A_1187 = arith.select %and3A_1185, %add3A_1186, %rem3A_1177 : i32
    %mul3A_1188 = arith.constant 12 : i32
    %mul3A_1189 = arith.muli %select_n3A_1187, %mul3A_1188 : i32
    %jit3A_1190 = arith.constant 8 : i32
    %eq3A_1191 = arith.constant 0 : i32
    %eq3A_1192 = arith.cmpi eq, %jit3A_1190, %eq3A_1191 : i32
    %jit3A_1193 = arith.constant 1 : i32
    %select_n3A_1194 = arith.select %eq3A_1192, %jit3A_1193, %jit3A_1190 : i32
    %rem3A_1195 = arith.remsi %get3A_1115, %select_n3A_1194 : i32
    %ne3A_1196 = arith.constant 0 : i32
    %ne3A_1197 = arith.cmpi ne, %rem3A_1195, %ne3A_1196 : i32
    %lt3A_1198 = arith.constant 0 : i32
    %lt3A_1199 = arith.cmpi slt, %rem3A_1195, %lt3A_1198 : i32
    %lt3A_1200 = arith.constant 0 : i32
    %lt3A_1201 = arith.cmpi slt, %select_n3A_1194, %lt3A_1200 : i32
    %ne3A_1202 = arith.xori %lt3A_1199, %lt3A_1201 : i1
    %and3A_1203 = arith.andi %ne3A_1202, %ne3A_1197 : i1
    %add3A_1204 = arith.addi %rem3A_1195, %select_n3A_1194 : i32
    %select_n3A_1205 = arith.select %and3A_1203, %add3A_1204, %rem3A_1195 : i32
    %jit3A_1206 = arith.constant 64 : i32
    %div3A_1207 = arith.divsi %get3A_1121, %jit3A_1206 : i32
    %sign3A_1208 = arith.constant 0 : i32
    %sign3A_1209 = arith.cmpi sgt, %get3A_1121, %sign3A_1208 : i32
    %sign3A_1210 = arith.extui %sign3A_1209 : i1 to i32
    %sign3A_1211 = arith.constant 0 : i32
    %sign3A_1212 = arith.cmpi slt, %get3A_1121, %sign3A_1211 : i32
    %sign3A_1213 = arith.extui %sign3A_1212 : i1 to i32
    %sign3A_1214 = arith.subi %sign3A_1210, %sign3A_1213 : i32
    %sign3A_1215 = arith.constant 0 : i32
    %sign3A_1216 = arith.cmpi sgt, %jit3A_1206, %sign3A_1215 : i32
    %sign3A_1217 = arith.extui %sign3A_1216 : i1 to i32
    %sign3A_1218 = arith.constant 0 : i32
    %sign3A_1219 = arith.cmpi slt, %jit3A_1206, %sign3A_1218 : i32
    %sign3A_1220 = arith.extui %sign3A_1219 : i1 to i32
    %sign3A_1221 = arith.subi %sign3A_1217, %sign3A_1220 : i32
    %ne3A_1222 = arith.cmpi ne, %sign3A_1214, %sign3A_1221 : i32
    %rem3A_1223 = arith.remsi %get3A_1121, %jit3A_1206 : i32
    %ne3A_1224 = arith.constant 0 : i32
    %ne3A_1225 = arith.cmpi ne, %rem3A_1223, %ne3A_1224 : i32
    %and3A_1226 = arith.andi %ne3A_1222, %ne3A_1225 : i1
    %sub3A_1227 = arith.constant 1 : i32
    %sub3A_1228 = arith.subi %div3A_1207, %sub3A_1227 : i32
    %select_n3A_1229 = arith.select %and3A_1226, %sub3A_1228, %div3A_1207 : i32
    %mul3A_1230 = arith.constant 12 : i32
    %mul3A_1231 = arith.muli %select_n3A_1229, %mul3A_1230 : i32
    %jit3A_1232 = arith.constant 8 : i32
    %div3A_1233 = arith.divsi %get3A_1121, %jit3A_1232 : i32
    %sign3A_1234 = arith.constant 0 : i32
    %sign3A_1235 = arith.cmpi sgt, %get3A_1121, %sign3A_1234 : i32
    %sign3A_1236 = arith.extui %sign3A_1235 : i1 to i32
    %sign3A_1237 = arith.constant 0 : i32
    %sign3A_1238 = arith.cmpi slt, %get3A_1121, %sign3A_1237 : i32
    %sign3A_1239 = arith.extui %sign3A_1238 : i1 to i32
    %sign3A_1240 = arith.subi %sign3A_1236, %sign3A_1239 : i32
    %sign3A_1241 = arith.constant 0 : i32
    %sign3A_1242 = arith.cmpi sgt, %jit3A_1232, %sign3A_1241 : i32
    %sign3A_1243 = arith.extui %sign3A_1242 : i1 to i32
    %sign3A_1244 = arith.constant 0 : i32
    %sign3A_1245 = arith.cmpi slt, %jit3A_1232, %sign3A_1244 : i32
    %sign3A_1246 = arith.extui %sign3A_1245 : i1 to i32
    %sign3A_1247 = arith.subi %sign3A_1243, %sign3A_1246 : i32
    %ne3A_1248 = arith.cmpi ne, %sign3A_1240, %sign3A_1247 : i32
    %rem3A_1249 = arith.remsi %get3A_1121, %jit3A_1232 : i32
    %ne3A_1250 = arith.constant 0 : i32
    %ne3A_1251 = arith.cmpi ne, %rem3A_1249, %ne3A_1250 : i32
    %and3A_1252 = arith.andi %ne3A_1248, %ne3A_1251 : i1
    %sub3A_1253 = arith.constant 1 : i32
    %sub3A_1254 = arith.subi %div3A_1233, %sub3A_1253 : i32
    %select_n3A_1255 = arith.select %and3A_1252, %sub3A_1254, %div3A_1233 : i32
    %jit3A_1256 = arith.constant 8 : i32
    %eq3A_1257 = arith.constant 0 : i32
    %eq3A_1258 = arith.cmpi eq, %jit3A_1256, %eq3A_1257 : i32
    %jit3A_1259 = arith.constant 1 : i32
    %select_n3A_1260 = arith.select %eq3A_1258, %jit3A_1259, %jit3A_1256 : i32
    %rem3A_1261 = arith.remsi %select_n3A_1255, %select_n3A_1260 : i32
    %ne3A_1262 = arith.constant 0 : i32
    %ne3A_1263 = arith.cmpi ne, %rem3A_1261, %ne3A_1262 : i32
    %lt3A_1264 = arith.constant 0 : i32
    %lt3A_1265 = arith.cmpi slt, %rem3A_1261, %lt3A_1264 : i32
    %lt3A_1266 = arith.constant 0 : i32
    %lt3A_1267 = arith.cmpi slt, %select_n3A_1260, %lt3A_1266 : i32
    %ne3A_1268 = arith.xori %lt3A_1265, %lt3A_1267 : i1
    %and3A_1269 = arith.andi %ne3A_1268, %ne3A_1263 : i1
    %add3A_1270 = arith.addi %rem3A_1261, %select_n3A_1260 : i32
    %select_n3A_1271 = arith.select %and3A_1269, %add3A_1270, %rem3A_1261 : i32
    %mul3A_1272 = arith.constant 12 : i32
    %mul3A_1273 = arith.muli %select_n3A_1271, %mul3A_1272 : i32
    %jit3A_1274 = arith.constant 8 : i32
    %eq3A_1275 = arith.constant 0 : i32
    %eq3A_1276 = arith.cmpi eq, %jit3A_1274, %eq3A_1275 : i32
    %jit3A_1277 = arith.constant 1 : i32
    %select_n3A_1278 = arith.select %eq3A_1276, %jit3A_1277, %jit3A_1274 : i32
    %rem3A_1279 = arith.remsi %get3A_1121, %select_n3A_1278 : i32
    %ne3A_1280 = arith.constant 0 : i32
    %ne3A_1281 = arith.cmpi ne, %rem3A_1279, %ne3A_1280 : i32
    %lt3A_1282 = arith.constant 0 : i32
    %lt3A_1283 = arith.cmpi slt, %rem3A_1279, %lt3A_1282 : i32
    %lt3A_1284 = arith.constant 0 : i32
    %lt3A_1285 = arith.cmpi slt, %select_n3A_1278, %lt3A_1284 : i32
    %ne3A_1286 = arith.xori %lt3A_1283, %lt3A_1285 : i1
    %and3A_1287 = arith.andi %ne3A_1286, %ne3A_1281 : i1
    %add3A_1288 = arith.addi %rem3A_1279, %select_n3A_1278 : i32
    %select_n3A_1289 = arith.select %and3A_1287, %add3A_1288, %rem3A_1279 : i32
    %convert_element_type3A_1290 = arith.extui %gt3A_1109 : i1 to i32
    %cond3A_1291 = arith.constant 0 : i32
    %cond3A_1292 = arith.constant 0 : i32
    %cond3A_1293 = arith.constant 0 : i32
    %cond3A_1294 = arith.cmpi ne, %convert_element_type3A_1290, %cond3A_1293 : i32
    scf.if %cond3A_1294 {
      %dma_start3A = arith.constant 0 : i32
      %dma_start3A_3058 = tpu.memref_slice %arg10[%arg0, %cond3A_1292, %mul3A_1147, %mul3A_1189, %select_n3A_1205, %dma_start3A] : memref<4x1x96x96x8x12xf32, #tpu.memory_space<any>> -> memref<1x1x12x12x1x12xf32, #tpu.memory_space<any>>
      %dma_start3A_3059 = tpu.memref_squeeze %dma_start3A_3058 : memref<1x1x12x12x1x12xf32, #tpu.memory_space<any>> -> memref<12x12x12xf32, #tpu.memory_space<any>>
      %dma_start3A_3060 = arith.constant 0 : i32
      %dma_start3A_3061 = tpu.memref_slice %arg4[%arg0, %cond3A_1291, %mul3A_1231, %mul3A_1273, %select_n3A_1289, %dma_start3A_3060] : memref<4x1x96x96x8x12xf32, #tpu.memory_space<any>> -> memref<1x1x12x12x1x12xf32, #tpu.memory_space<any>>
      %dma_start3A_3062 = tpu.memref_squeeze %dma_start3A_3061 : memref<1x1x12x12x1x12xf32, #tpu.memory_space<any>> -> memref<12x12x12xf32, #tpu.memory_space<any>>
      tpu.enqueue_dma source(%dma_start3A_3062 : memref<12x12x12xf32, #tpu.memory_space<any>>) target(%dma_start3A_3059 : memref<12x12x12xf32, #tpu.memory_space<any>>) target_semaphore(%arg13 : memref<!tpu.dma_semaphore, #tpu.memory_space<semaphore_mem>>)
      %dma_start3A_3063 = arith.constant 0 : i32
      %dma_start3A_3064 = tpu.memref_slice %arg11[%arg0, %mul3A_1147, %mul3A_1189, %select_n3A_1205, %dma_start3A_3063] : memref<4x96x96x8x12xi32, #tpu.memory_space<any>> -> memref<1x12x12x1x12xi32, #tpu.memory_space<any>>
      %dma_start3A_3065 = tpu.memref_squeeze %dma_start3A_3064 : memref<1x12x12x1x12xi32, #tpu.memory_space<any>> -> memref<12x12x12xi32, #tpu.memory_space<any>>
      %dma_start3A_3066 = arith.constant 0 : i32
      %dma_start3A_3067 = tpu.memref_slice %arg6[%arg0, %mul3A_1231, %mul3A_1273, %select_n3A_1289, %dma_start3A_3066] : memref<4x96x96x8x12xi32, #tpu.memory_space<any>> -> memref<1x12x12x1x12xi32, #tpu.memory_space<any>>
      %dma_start3A_3068 = tpu.memref_squeeze %dma_start3A_3067 : memref<1x12x12x1x12xi32, #tpu.memory_space<any>> -> memref<12x12x12xi32, #tpu.memory_space<any>>
      tpu.enqueue_dma source(%dma_start3A_3068 : memref<12x12x12xi32, #tpu.memory_space<any>>) target(%dma_start3A_3065 : memref<12x12x12xi32, #tpu.memory_space<any>>) target_semaphore(%arg14 : memref<!tpu.dma_semaphore, #tpu.memory_space<semaphore_mem>>)
      %dma_start3A_3069 = arith.constant 0 : i32
      %dma_start3A_3070 = tpu.memref_slice %arg12[%arg0, %mul3A_1147, %mul3A_1189, %select_n3A_1205, %dma_start3A_3069] : memref<4x96x96x8x12xf32, #tpu.memory_space<any>> -> memref<1x12x12x1x12xf32, #tpu.memory_space<any>>
      %dma_start3A_3071 = tpu.memref_squeeze %dma_start3A_3070 : memref<1x12x12x1x12xf32, #tpu.memory_space<any>> -> memref<12x12x12xf32, #tpu.memory_space<any>>
      %dma_start3A_3072 = arith.constant 0 : i32
      %dma_start3A_3073 = tpu.memref_slice %arg8[%arg0, %mul3A_1231, %mul3A_1273, %select_n3A_1289, %dma_start3A_3072] : memref<4x96x96x8x12xf32, #tpu.memory_space<any>> -> memref<1x12x12x1x12xf32, #tpu.memory_space<any>>
      %dma_start3A_3074 = tpu.memref_squeeze %dma_start3A_3073 : memref<1x12x12x1x12xf32, #tpu.memory_space<any>> -> memref<12x12x12xf32, #tpu.memory_space<any>>
      tpu.enqueue_dma source(%dma_start3A_3074 : memref<12x12x12xf32, #tpu.memory_space<any>>) target(%dma_start3A_3071 : memref<12x12x12xf32, #tpu.memory_space<any>>) target_semaphore(%arg15 : memref<!tpu.dma_semaphore, #tpu.memory_space<semaphore_mem>>)
    } else {
    }
    %gt3A_1295 = arith.constant 7 : i32
    %gt3A_1296 = arith.cmpi sgt, %get3A_0, %gt3A_1295 : i32
    %mul3A_1297 = arith.constant 16 : i32
    %mul3A_1298 = arith.muli %arg0, %mul3A_1297 : i32
    %add3A_1299 = arith.constant 7 : i32
    %add3A_1300 = arith.addi %mul3A_1298, %add3A_1299 : i32
    %get3A_1301 = arith.index_cast %add3A_1300 : i32 to index
    %get3A_1302 = memref.load %arg1[%get3A_1301] : memref<64xi32, #tpu.memory_space<smem>>
    %mul3A_1303 = arith.constant 16 : i32
    %mul3A_1304 = arith.muli %arg0, %mul3A_1303 : i32
    %add3A_1305 = arith.constant 7 : i32
    %add3A_1306 = arith.addi %mul3A_1304, %add3A_1305 : i32
    %get3A_1307 = arith.index_cast %add3A_1306 : i32 to index
    %get3A_1308 = memref.load %arg2[%get3A_1307] : memref<64xi32, #tpu.memory_space<smem>>
    %jit3A_1309 = arith.constant 64 : i32
    %div3A_1310 = arith.divsi %get3A_1302, %jit3A_1309 : i32
    %sign3A_1311 = arith.constant 0 : i32
    %sign3A_1312 = arith.cmpi sgt, %get3A_1302, %sign3A_1311 : i32
    %sign3A_1313 = arith.extui %sign3A_1312 : i1 to i32
    %sign3A_1314 = arith.constant 0 : i32
    %sign3A_1315 = arith.cmpi slt, %get3A_1302, %sign3A_1314 : i32
    %sign3A_1316 = arith.extui %sign3A_1315 : i1 to i32
    %sign3A_1317 = arith.subi %sign3A_1313, %sign3A_1316 : i32
    %sign3A_1318 = arith.constant 0 : i32
    %sign3A_1319 = arith.cmpi sgt, %jit3A_1309, %sign3A_1318 : i32
    %sign3A_1320 = arith.extui %sign3A_1319 : i1 to i32
    %sign3A_1321 = arith.constant 0 : i32
    %sign3A_1322 = arith.cmpi slt, %jit3A_1309, %sign3A_1321 : i32
    %sign3A_1323 = arith.extui %sign3A_1322 : i1 to i32
    %sign3A_1324 = arith.subi %sign3A_1320, %sign3A_1323 : i32
    %ne3A_1325 = arith.cmpi ne, %sign3A_1317, %sign3A_1324 : i32
    %rem3A_1326 = arith.remsi %get3A_1302, %jit3A_1309 : i32
    %ne3A_1327 = arith.constant 0 : i32
    %ne3A_1328 = arith.cmpi ne, %rem3A_1326, %ne3A_1327 : i32
    %and3A_1329 = arith.andi %ne3A_1325, %ne3A_1328 : i1
    %sub3A_1330 = arith.constant 1 : i32
    %sub3A_1331 = arith.subi %div3A_1310, %sub3A_1330 : i32
    %select_n3A_1332 = arith.select %and3A_1329, %sub3A_1331, %div3A_1310 : i32
    %mul3A_1333 = arith.constant 12 : i32
    %mul3A_1334 = arith.muli %select_n3A_1332, %mul3A_1333 : i32
    %jit3A_1335 = arith.constant 8 : i32
    %div3A_1336 = arith.divsi %get3A_1302, %jit3A_1335 : i32
    %sign3A_1337 = arith.constant 0 : i32
    %sign3A_1338 = arith.cmpi sgt, %get3A_1302, %sign3A_1337 : i32
    %sign3A_1339 = arith.extui %sign3A_1338 : i1 to i32
    %sign3A_1340 = arith.constant 0 : i32
    %sign3A_1341 = arith.cmpi slt, %get3A_1302, %sign3A_1340 : i32
    %sign3A_1342 = arith.extui %sign3A_1341 : i1 to i32
    %sign3A_1343 = arith.subi %sign3A_1339, %sign3A_1342 : i32
    %sign3A_1344 = arith.constant 0 : i32
    %sign3A_1345 = arith.cmpi sgt, %jit3A_1335, %sign3A_1344 : i32
    %sign3A_1346 = arith.extui %sign3A_1345 : i1 to i32
    %sign3A_1347 = arith.constant 0 : i32
    %sign3A_1348 = arith.cmpi slt, %jit3A_1335, %sign3A_1347 : i32
    %sign3A_1349 = arith.extui %sign3A_1348 : i1 to i32
    %sign3A_1350 = arith.subi %sign3A_1346, %sign3A_1349 : i32
    %ne3A_1351 = arith.cmpi ne, %sign3A_1343, %sign3A_1350 : i32
    %rem3A_1352 = arith.remsi %get3A_1302, %jit3A_1335 : i32
    %ne3A_1353 = arith.constant 0 : i32
    %ne3A_1354 = arith.cmpi ne, %rem3A_1352, %ne3A_1353 : i32
    %and3A_1355 = arith.andi %ne3A_1351, %ne3A_1354 : i1
    %sub3A_1356 = arith.constant 1 : i32
    %sub3A_1357 = arith.subi %div3A_1336, %sub3A_1356 : i32
    %select_n3A_1358 = arith.select %and3A_1355, %sub3A_1357, %div3A_1336 : i32
    %jit3A_1359 = arith.constant 8 : i32
    %eq3A_1360 = arith.constant 0 : i32
    %eq3A_1361 = arith.cmpi eq, %jit3A_1359, %eq3A_1360 : i32
    %jit3A_1362 = arith.constant 1 : i32
    %select_n3A_1363 = arith.select %eq3A_1361, %jit3A_1362, %jit3A_1359 : i32
    %rem3A_1364 = arith.remsi %select_n3A_1358, %select_n3A_1363 : i32
    %ne3A_1365 = arith.constant 0 : i32
    %ne3A_1366 = arith.cmpi ne, %rem3A_1364, %ne3A_1365 : i32
    %lt3A_1367 = arith.constant 0 : i32
    %lt3A_1368 = arith.cmpi slt, %rem3A_1364, %lt3A_1367 : i32
    %lt3A_1369 = arith.constant 0 : i32
    %lt3A_1370 = arith.cmpi slt, %select_n3A_1363, %lt3A_1369 : i32
    %ne3A_1371 = arith.xori %lt3A_1368, %lt3A_1370 : i1
    %and3A_1372 = arith.andi %ne3A_1371, %ne3A_1366 : i1
    %add3A_1373 = arith.addi %rem3A_1364, %select_n3A_1363 : i32
    %select_n3A_1374 = arith.select %and3A_1372, %add3A_1373, %rem3A_1364 : i32
    %mul3A_1375 = arith.constant 12 : i32
    %mul3A_1376 = arith.muli %select_n3A_1374, %mul3A_1375 : i32
    %jit3A_1377 = arith.constant 8 : i32
    %eq3A_1378 = arith.constant 0 : i32
    %eq3A_1379 = arith.cmpi eq, %jit3A_1377, %eq3A_1378 : i32
    %jit3A_1380 = arith.constant 1 : i32
    %select_n3A_1381 = arith.select %eq3A_1379, %jit3A_1380, %jit3A_1377 : i32
    %rem3A_1382 = arith.remsi %get3A_1302, %select_n3A_1381 : i32
    %ne3A_1383 = arith.constant 0 : i32
    %ne3A_1384 = arith.cmpi ne, %rem3A_1382, %ne3A_1383 : i32
    %lt3A_1385 = arith.constant 0 : i32
    %lt3A_1386 = arith.cmpi slt, %rem3A_1382, %lt3A_1385 : i32
    %lt3A_1387 = arith.constant 0 : i32
    %lt3A_1388 = arith.cmpi slt, %select_n3A_1381, %lt3A_1387 : i32
    %ne3A_1389 = arith.xori %lt3A_1386, %lt3A_1388 : i1
    %and3A_1390 = arith.andi %ne3A_1389, %ne3A_1384 : i1
    %add3A_1391 = arith.addi %rem3A_1382, %select_n3A_1381 : i32
    %select_n3A_1392 = arith.select %and3A_1390, %add3A_1391, %rem3A_1382 : i32
    %jit3A_1393 = arith.constant 64 : i32
    %div3A_1394 = arith.divsi %get3A_1308, %jit3A_1393 : i32
    %sign3A_1395 = arith.constant 0 : i32
    %sign3A_1396 = arith.cmpi sgt, %get3A_1308, %sign3A_1395 : i32
    %sign3A_1397 = arith.extui %sign3A_1396 : i1 to i32
    %sign3A_1398 = arith.constant 0 : i32
    %sign3A_1399 = arith.cmpi slt, %get3A_1308, %sign3A_1398 : i32
    %sign3A_1400 = arith.extui %sign3A_1399 : i1 to i32
    %sign3A_1401 = arith.subi %sign3A_1397, %sign3A_1400 : i32
    %sign3A_1402 = arith.constant 0 : i32
    %sign3A_1403 = arith.cmpi sgt, %jit3A_1393, %sign3A_1402 : i32
    %sign3A_1404 = arith.extui %sign3A_1403 : i1 to i32
    %sign3A_1405 = arith.constant 0 : i32
    %sign3A_1406 = arith.cmpi slt, %jit3A_1393, %sign3A_1405 : i32
    %sign3A_1407 = arith.extui %sign3A_1406 : i1 to i32
    %sign3A_1408 = arith.subi %sign3A_1404, %sign3A_1407 : i32
    %ne3A_1409 = arith.cmpi ne, %sign3A_1401, %sign3A_1408 : i32
    %rem3A_1410 = arith.remsi %get3A_1308, %jit3A_1393 : i32
    %ne3A_1411 = arith.constant 0 : i32
    %ne3A_1412 = arith.cmpi ne, %rem3A_1410, %ne3A_1411 : i32
    %and3A_1413 = arith.andi %ne3A_1409, %ne3A_1412 : i1
    %sub3A_1414 = arith.constant 1 : i32
    %sub3A_1415 = arith.subi %div3A_1394, %sub3A_1414 : i32
    %select_n3A_1416 = arith.select %and3A_1413, %sub3A_1415, %div3A_1394 : i32
    %mul3A_1417 = arith.constant 12 : i32
    %mul3A_1418 = arith.muli %select_n3A_1416, %mul3A_1417 : i32
    %jit3A_1419 = arith.constant 8 : i32
    %div3A_1420 = arith.divsi %get3A_1308, %jit3A_1419 : i32
    %sign3A_1421 = arith.constant 0 : i32
    %sign3A_1422 = arith.cmpi sgt, %get3A_1308, %sign3A_1421 : i32
    %sign3A_1423 = arith.extui %sign3A_1422 : i1 to i32
    %sign3A_1424 = arith.constant 0 : i32
    %sign3A_1425 = arith.cmpi slt, %get3A_1308, %sign3A_1424 : i32
    %sign3A_1426 = arith.extui %sign3A_1425 : i1 to i32
    %sign3A_1427 = arith.subi %sign3A_1423, %sign3A_1426 : i32
    %sign3A_1428 = arith.constant 0 : i32
    %sign3A_1429 = arith.cmpi sgt, %jit3A_1419, %sign3A_1428 : i32
    %sign3A_1430 = arith.extui %sign3A_1429 : i1 to i32
    %sign3A_1431 = arith.constant 0 : i32
    %sign3A_1432 = arith.cmpi slt, %jit3A_1419, %sign3A_1431 : i32
    %sign3A_1433 = arith.extui %sign3A_1432 : i1 to i32
    %sign3A_1434 = arith.subi %sign3A_1430, %sign3A_1433 : i32
    %ne3A_1435 = arith.cmpi ne, %sign3A_1427, %sign3A_1434 : i32
    %rem3A_1436 = arith.remsi %get3A_1308, %jit3A_1419 : i32
    %ne3A_1437 = arith.constant 0 : i32
    %ne3A_1438 = arith.cmpi ne, %rem3A_1436, %ne3A_1437 : i32
    %and3A_1439 = arith.andi %ne3A_1435, %ne3A_1438 : i1
    %sub3A_1440 = arith.constant 1 : i32
    %sub3A_1441 = arith.subi %div3A_1420, %sub3A_1440 : i32
    %select_n3A_1442 = arith.select %and3A_1439, %sub3A_1441, %div3A_1420 : i32
    %jit3A_1443 = arith.constant 8 : i32
    %eq3A_1444 = arith.constant 0 : i32
    %eq3A_1445 = arith.cmpi eq, %jit3A_1443, %eq3A_1444 : i32
    %jit3A_1446 = arith.constant 1 : i32
    %select_n3A_1447 = arith.select %eq3A_1445, %jit3A_1446, %jit3A_1443 : i32
    %rem3A_1448 = arith.remsi %select_n3A_1442, %select_n3A_1447 : i32
    %ne3A_1449 = arith.constant 0 : i32
    %ne3A_1450 = arith.cmpi ne, %rem3A_1448, %ne3A_1449 : i32
    %lt3A_1451 = arith.constant 0 : i32
    %lt3A_1452 = arith.cmpi slt, %rem3A_1448, %lt3A_1451 : i32
    %lt3A_1453 = arith.constant 0 : i32
    %lt3A_1454 = arith.cmpi slt, %select_n3A_1447, %lt3A_1453 : i32
    %ne3A_1455 = arith.xori %lt3A_1452, %lt3A_1454 : i1
    %and3A_1456 = arith.andi %ne3A_1455, %ne3A_1450 : i1
    %add3A_1457 = arith.addi %rem3A_1448, %select_n3A_1447 : i32
    %select_n3A_1458 = arith.select %and3A_1456, %add3A_1457, %rem3A_1448 : i32
    %mul3A_1459 = arith.constant 12 : i32
    %mul3A_1460 = arith.muli %select_n3A_1458, %mul3A_1459 : i32
    %jit3A_1461 = arith.constant 8 : i32
    %eq3A_1462 = arith.constant 0 : i32
    %eq3A_1463 = arith.cmpi eq, %jit3A_1461, %eq3A_1462 : i32
    %jit3A_1464 = arith.constant 1 : i32
    %select_n3A_1465 = arith.select %eq3A_1463, %jit3A_1464, %jit3A_1461 : i32
    %rem3A_1466 = arith.remsi %get3A_1308, %select_n3A_1465 : i32
    %ne3A_1467 = arith.constant 0 : i32
    %ne3A_1468 = arith.cmpi ne, %rem3A_1466, %ne3A_1467 : i32
    %lt3A_1469 = arith.constant 0 : i32
    %lt3A_1470 = arith.cmpi slt, %rem3A_1466, %lt3A_1469 : i32
    %lt3A_1471 = arith.constant 0 : i32
    %lt3A_1472 = arith.cmpi slt, %select_n3A_1465, %lt3A_1471 : i32
    %ne3A_1473 = arith.xori %lt3A_1470, %lt3A_1472 : i1
    %and3A_1474 = arith.andi %ne3A_1473, %ne3A_1468 : i1
    %add3A_1475 = arith.addi %rem3A_1466, %select_n3A_1465 : i32
    %select_n3A_1476 = arith.select %and3A_1474, %add3A_1475, %rem3A_1466 : i32
    %convert_element_type3A_1477 = arith.extui %gt3A_1296 : i1 to i32
    %cond3A_1478 = arith.constant 0 : i32
    %cond3A_1479 = arith.constant 0 : i32
    %cond3A_1480 = arith.constant 0 : i32
    %cond3A_1481 = arith.cmpi ne, %convert_element_type3A_1477, %cond3A_1480 : i32
    scf.if %cond3A_1481 {
      %dma_start3A = arith.constant 0 : i32
      %dma_start3A_3058 = tpu.memref_slice %arg10[%arg0, %cond3A_1479, %mul3A_1334, %mul3A_1376, %select_n3A_1392, %dma_start3A] : memref<4x1x96x96x8x12xf32, #tpu.memory_space<any>> -> memref<1x1x12x12x1x12xf32, #tpu.memory_space<any>>
      %dma_start3A_3059 = tpu.memref_squeeze %dma_start3A_3058 : memref<1x1x12x12x1x12xf32, #tpu.memory_space<any>> -> memref<12x12x12xf32, #tpu.memory_space<any>>
      %dma_start3A_3060 = arith.constant 0 : i32
      %dma_start3A_3061 = tpu.memref_slice %arg4[%arg0, %cond3A_1478, %mul3A_1418, %mul3A_1460, %select_n3A_1476, %dma_start3A_3060] : memref<4x1x96x96x8x12xf32, #tpu.memory_space<any>> -> memref<1x1x12x12x1x12xf32, #tpu.memory_space<any>>
      %dma_start3A_3062 = tpu.memref_squeeze %dma_start3A_3061 : memref<1x1x12x12x1x12xf32, #tpu.memory_space<any>> -> memref<12x12x12xf32, #tpu.memory_space<any>>
      tpu.enqueue_dma source(%dma_start3A_3062 : memref<12x12x12xf32, #tpu.memory_space<any>>) target(%dma_start3A_3059 : memref<12x12x12xf32, #tpu.memory_space<any>>) target_semaphore(%arg13 : memref<!tpu.dma_semaphore, #tpu.memory_space<semaphore_mem>>)
      %dma_start3A_3063 = arith.constant 0 : i32
      %dma_start3A_3064 = tpu.memref_slice %arg11[%arg0, %mul3A_1334, %mul3A_1376, %select_n3A_1392, %dma_start3A_3063] : memref<4x96x96x8x12xi32, #tpu.memory_space<any>> -> memref<1x12x12x1x12xi32, #tpu.memory_space<any>>
      %dma_start3A_3065 = tpu.memref_squeeze %dma_start3A_3064 : memref<1x12x12x1x12xi32, #tpu.memory_space<any>> -> memref<12x12x12xi32, #tpu.memory_space<any>>
      %dma_start3A_3066 = arith.constant 0 : i32
      %dma_start3A_3067 = tpu.memref_slice %arg6[%arg0, %mul3A_1418, %mul3A_1460, %select_n3A_1476, %dma_start3A_3066] : memref<4x96x96x8x12xi32, #tpu.memory_space<any>> -> memref<1x12x12x1x12xi32, #tpu.memory_space<any>>
      %dma_start3A_3068 = tpu.memref_squeeze %dma_start3A_3067 : memref<1x12x12x1x12xi32, #tpu.memory_space<any>> -> memref<12x12x12xi32, #tpu.memory_space<any>>
      tpu.enqueue_dma source(%dma_start3A_3068 : memref<12x12x12xi32, #tpu.memory_space<any>>) target(%dma_start3A_3065 : memref<12x12x12xi32, #tpu.memory_space<any>>) target_semaphore(%arg14 : memref<!tpu.dma_semaphore, #tpu.memory_space<semaphore_mem>>)
      %dma_start3A_3069 = arith.constant 0 : i32
      %dma_start3A_3070 = tpu.memref_slice %arg12[%arg0, %mul3A_1334, %mul3A_1376, %select_n3A_1392, %dma_start3A_3069] : memref<4x96x96x8x12xf32, #tpu.memory_space<any>> -> memref<1x12x12x1x12xf32, #tpu.memory_space<any>>
      %dma_start3A_3071 = tpu.memref_squeeze %dma_start3A_3070 : memref<1x12x12x1x12xf32, #tpu.memory_space<any>> -> memref<12x12x12xf32, #tpu.memory_space<any>>
      %dma_start3A_3072 = arith.constant 0 : i32
      %dma_start3A_3073 = tpu.memref_slice %arg8[%arg0, %mul3A_1418, %mul3A_1460, %select_n3A_1476, %dma_start3A_3072] : memref<4x96x96x8x12xf32, #tpu.memory_space<any>> -> memref<1x12x12x1x12xf32, #tpu.memory_space<any>>
      %dma_start3A_3074 = tpu.memref_squeeze %dma_start3A_3073 : memref<1x12x12x1x12xf32, #tpu.memory_space<any>> -> memref<12x12x12xf32, #tpu.memory_space<any>>
      tpu.enqueue_dma source(%dma_start3A_3074 : memref<12x12x12xf32, #tpu.memory_space<any>>) target(%dma_start3A_3071 : memref<12x12x12xf32, #tpu.memory_space<any>>) target_semaphore(%arg15 : memref<!tpu.dma_semaphore, #tpu.memory_space<semaphore_mem>>)
    } else {
    }
    %gt3A_1482 = arith.constant 8 : i32
    %gt3A_1483 = arith.cmpi sgt, %get3A_0, %gt3A_1482 : i32
    %mul3A_1484 = arith.constant 16 : i32
    %mul3A_1485 = arith.muli %arg0, %mul3A_1484 : i32
    %add3A_1486 = arith.constant 8 : i32
    %add3A_1487 = arith.addi %mul3A_1485, %add3A_1486 : i32
    %get3A_1488 = arith.index_cast %add3A_1487 : i32 to index
    %get3A_1489 = memref.load %arg1[%get3A_1488] : memref<64xi32, #tpu.memory_space<smem>>
    %mul3A_1490 = arith.constant 16 : i32
    %mul3A_1491 = arith.muli %arg0, %mul3A_1490 : i32
    %add3A_1492 = arith.constant 8 : i32
    %add3A_1493 = arith.addi %mul3A_1491, %add3A_1492 : i32
    %get3A_1494 = arith.index_cast %add3A_1493 : i32 to index
    %get3A_1495 = memref.load %arg2[%get3A_1494] : memref<64xi32, #tpu.memory_space<smem>>
    %jit3A_1496 = arith.constant 64 : i32
    %div3A_1497 = arith.divsi %get3A_1489, %jit3A_1496 : i32
    %sign3A_1498 = arith.constant 0 : i32
    %sign3A_1499 = arith.cmpi sgt, %get3A_1489, %sign3A_1498 : i32
    %sign3A_1500 = arith.extui %sign3A_1499 : i1 to i32
    %sign3A_1501 = arith.constant 0 : i32
    %sign3A_1502 = arith.cmpi slt, %get3A_1489, %sign3A_1501 : i32
    %sign3A_1503 = arith.extui %sign3A_1502 : i1 to i32
    %sign3A_1504 = arith.subi %sign3A_1500, %sign3A_1503 : i32
    %sign3A_1505 = arith.constant 0 : i32
    %sign3A_1506 = arith.cmpi sgt, %jit3A_1496, %sign3A_1505 : i32
    %sign3A_1507 = arith.extui %sign3A_1506 : i1 to i32
    %sign3A_1508 = arith.constant 0 : i32
    %sign3A_1509 = arith.cmpi slt, %jit3A_1496, %sign3A_1508 : i32
    %sign3A_1510 = arith.extui %sign3A_1509 : i1 to i32
    %sign3A_1511 = arith.subi %sign3A_1507, %sign3A_1510 : i32
    %ne3A_1512 = arith.cmpi ne, %sign3A_1504, %sign3A_1511 : i32
    %rem3A_1513 = arith.remsi %get3A_1489, %jit3A_1496 : i32
    %ne3A_1514 = arith.constant 0 : i32
    %ne3A_1515 = arith.cmpi ne, %rem3A_1513, %ne3A_1514 : i32
    %and3A_1516 = arith.andi %ne3A_1512, %ne3A_1515 : i1
    %sub3A_1517 = arith.constant 1 : i32
    %sub3A_1518 = arith.subi %div3A_1497, %sub3A_1517 : i32
    %select_n3A_1519 = arith.select %and3A_1516, %sub3A_1518, %div3A_1497 : i32
    %mul3A_1520 = arith.constant 12 : i32
    %mul3A_1521 = arith.muli %select_n3A_1519, %mul3A_1520 : i32
    %jit3A_1522 = arith.constant 8 : i32
    %div3A_1523 = arith.divsi %get3A_1489, %jit3A_1522 : i32
    %sign3A_1524 = arith.constant 0 : i32
    %sign3A_1525 = arith.cmpi sgt, %get3A_1489, %sign3A_1524 : i32
    %sign3A_1526 = arith.extui %sign3A_1525 : i1 to i32
    %sign3A_1527 = arith.constant 0 : i32
    %sign3A_1528 = arith.cmpi slt, %get3A_1489, %sign3A_1527 : i32
    %sign3A_1529 = arith.extui %sign3A_1528 : i1 to i32
    %sign3A_1530 = arith.subi %sign3A_1526, %sign3A_1529 : i32
    %sign3A_1531 = arith.constant 0 : i32
    %sign3A_1532 = arith.cmpi sgt, %jit3A_1522, %sign3A_1531 : i32
    %sign3A_1533 = arith.extui %sign3A_1532 : i1 to i32
    %sign3A_1534 = arith.constant 0 : i32
    %sign3A_1535 = arith.cmpi slt, %jit3A_1522, %sign3A_1534 : i32
    %sign3A_1536 = arith.extui %sign3A_1535 : i1 to i32
    %sign3A_1537 = arith.subi %sign3A_1533, %sign3A_1536 : i32
    %ne3A_1538 = arith.cmpi ne, %sign3A_1530, %sign3A_1537 : i32
    %rem3A_1539 = arith.remsi %get3A_1489, %jit3A_1522 : i32
    %ne3A_1540 = arith.constant 0 : i32
    %ne3A_1541 = arith.cmpi ne, %rem3A_1539, %ne3A_1540 : i32
    %and3A_1542 = arith.andi %ne3A_1538, %ne3A_1541 : i1
    %sub3A_1543 = arith.constant 1 : i32
    %sub3A_1544 = arith.subi %div3A_1523, %sub3A_1543 : i32
    %select_n3A_1545 = arith.select %and3A_1542, %sub3A_1544, %div3A_1523 : i32
    %jit3A_1546 = arith.constant 8 : i32
    %eq3A_1547 = arith.constant 0 : i32
    %eq3A_1548 = arith.cmpi eq, %jit3A_1546, %eq3A_1547 : i32
    %jit3A_1549 = arith.constant 1 : i32
    %select_n3A_1550 = arith.select %eq3A_1548, %jit3A_1549, %jit3A_1546 : i32
    %rem3A_1551 = arith.remsi %select_n3A_1545, %select_n3A_1550 : i32
    %ne3A_1552 = arith.constant 0 : i32
    %ne3A_1553 = arith.cmpi ne, %rem3A_1551, %ne3A_1552 : i32
    %lt3A_1554 = arith.constant 0 : i32
    %lt3A_1555 = arith.cmpi slt, %rem3A_1551, %lt3A_1554 : i32
    %lt3A_1556 = arith.constant 0 : i32
    %lt3A_1557 = arith.cmpi slt, %select_n3A_1550, %lt3A_1556 : i32
    %ne3A_1558 = arith.xori %lt3A_1555, %lt3A_1557 : i1
    %and3A_1559 = arith.andi %ne3A_1558, %ne3A_1553 : i1
    %add3A_1560 = arith.addi %rem3A_1551, %select_n3A_1550 : i32
    %select_n3A_1561 = arith.select %and3A_1559, %add3A_1560, %rem3A_1551 : i32
    %mul3A_1562 = arith.constant 12 : i32
    %mul3A_1563 = arith.muli %select_n3A_1561, %mul3A_1562 : i32
    %jit3A_1564 = arith.constant 8 : i32
    %eq3A_1565 = arith.constant 0 : i32
    %eq3A_1566 = arith.cmpi eq, %jit3A_1564, %eq3A_1565 : i32
    %jit3A_1567 = arith.constant 1 : i32
    %select_n3A_1568 = arith.select %eq3A_1566, %jit3A_1567, %jit3A_1564 : i32
    %rem3A_1569 = arith.remsi %get3A_1489, %select_n3A_1568 : i32
    %ne3A_1570 = arith.constant 0 : i32
    %ne3A_1571 = arith.cmpi ne, %rem3A_1569, %ne3A_1570 : i32
    %lt3A_1572 = arith.constant 0 : i32
    %lt3A_1573 = arith.cmpi slt, %rem3A_1569, %lt3A_1572 : i32
    %lt3A_1574 = arith.constant 0 : i32
    %lt3A_1575 = arith.cmpi slt, %select_n3A_1568, %lt3A_1574 : i32
    %ne3A_1576 = arith.xori %lt3A_1573, %lt3A_1575 : i1
    %and3A_1577 = arith.andi %ne3A_1576, %ne3A_1571 : i1
    %add3A_1578 = arith.addi %rem3A_1569, %select_n3A_1568 : i32
    %select_n3A_1579 = arith.select %and3A_1577, %add3A_1578, %rem3A_1569 : i32
    %jit3A_1580 = arith.constant 64 : i32
    %div3A_1581 = arith.divsi %get3A_1495, %jit3A_1580 : i32
    %sign3A_1582 = arith.constant 0 : i32
    %sign3A_1583 = arith.cmpi sgt, %get3A_1495, %sign3A_1582 : i32
    %sign3A_1584 = arith.extui %sign3A_1583 : i1 to i32
    %sign3A_1585 = arith.constant 0 : i32
    %sign3A_1586 = arith.cmpi slt, %get3A_1495, %sign3A_1585 : i32
    %sign3A_1587 = arith.extui %sign3A_1586 : i1 to i32
    %sign3A_1588 = arith.subi %sign3A_1584, %sign3A_1587 : i32
    %sign3A_1589 = arith.constant 0 : i32
    %sign3A_1590 = arith.cmpi sgt, %jit3A_1580, %sign3A_1589 : i32
    %sign3A_1591 = arith.extui %sign3A_1590 : i1 to i32
    %sign3A_1592 = arith.constant 0 : i32
    %sign3A_1593 = arith.cmpi slt, %jit3A_1580, %sign3A_1592 : i32
    %sign3A_1594 = arith.extui %sign3A_1593 : i1 to i32
    %sign3A_1595 = arith.subi %sign3A_1591, %sign3A_1594 : i32
    %ne3A_1596 = arith.cmpi ne, %sign3A_1588, %sign3A_1595 : i32
    %rem3A_1597 = arith.remsi %get3A_1495, %jit3A_1580 : i32
    %ne3A_1598 = arith.constant 0 : i32
    %ne3A_1599 = arith.cmpi ne, %rem3A_1597, %ne3A_1598 : i32
    %and3A_1600 = arith.andi %ne3A_1596, %ne3A_1599 : i1
    %sub3A_1601 = arith.constant 1 : i32
    %sub3A_1602 = arith.subi %div3A_1581, %sub3A_1601 : i32
    %select_n3A_1603 = arith.select %and3A_1600, %sub3A_1602, %div3A_1581 : i32
    %mul3A_1604 = arith.constant 12 : i32
    %mul3A_1605 = arith.muli %select_n3A_1603, %mul3A_1604 : i32
    %jit3A_1606 = arith.constant 8 : i32
    %div3A_1607 = arith.divsi %get3A_1495, %jit3A_1606 : i32
    %sign3A_1608 = arith.constant 0 : i32
    %sign3A_1609 = arith.cmpi sgt, %get3A_1495, %sign3A_1608 : i32
    %sign3A_1610 = arith.extui %sign3A_1609 : i1 to i32
    %sign3A_1611 = arith.constant 0 : i32
    %sign3A_1612 = arith.cmpi slt, %get3A_1495, %sign3A_1611 : i32
    %sign3A_1613 = arith.extui %sign3A_1612 : i1 to i32
    %sign3A_1614 = arith.subi %sign3A_1610, %sign3A_1613 : i32
    %sign3A_1615 = arith.constant 0 : i32
    %sign3A_1616 = arith.cmpi sgt, %jit3A_1606, %sign3A_1615 : i32
    %sign3A_1617 = arith.extui %sign3A_1616 : i1 to i32
    %sign3A_1618 = arith.constant 0 : i32
    %sign3A_1619 = arith.cmpi slt, %jit3A_1606, %sign3A_1618 : i32
    %sign3A_1620 = arith.extui %sign3A_1619 : i1 to i32
    %sign3A_1621 = arith.subi %sign3A_1617, %sign3A_1620 : i32
    %ne3A_1622 = arith.cmpi ne, %sign3A_1614, %sign3A_1621 : i32
    %rem3A_1623 = arith.remsi %get3A_1495, %jit3A_1606 : i32
    %ne3A_1624 = arith.constant 0 : i32
    %ne3A_1625 = arith.cmpi ne, %rem3A_1623, %ne3A_1624 : i32
    %and3A_1626 = arith.andi %ne3A_1622, %ne3A_1625 : i1
    %sub3A_1627 = arith.constant 1 : i32
    %sub3A_1628 = arith.subi %div3A_1607, %sub3A_1627 : i32
    %select_n3A_1629 = arith.select %and3A_1626, %sub3A_1628, %div3A_1607 : i32
    %jit3A_1630 = arith.constant 8 : i32
    %eq3A_1631 = arith.constant 0 : i32
    %eq3A_1632 = arith.cmpi eq, %jit3A_1630, %eq3A_1631 : i32
    %jit3A_1633 = arith.constant 1 : i32
    %select_n3A_1634 = arith.select %eq3A_1632, %jit3A_1633, %jit3A_1630 : i32
    %rem3A_1635 = arith.remsi %select_n3A_1629, %select_n3A_1634 : i32
    %ne3A_1636 = arith.constant 0 : i32
    %ne3A_1637 = arith.cmpi ne, %rem3A_1635, %ne3A_1636 : i32
    %lt3A_1638 = arith.constant 0 : i32
    %lt3A_1639 = arith.cmpi slt, %rem3A_1635, %lt3A_1638 : i32
    %lt3A_1640 = arith.constant 0 : i32
    %lt3A_1641 = arith.cmpi slt, %select_n3A_1634, %lt3A_1640 : i32
    %ne3A_1642 = arith.xori %lt3A_1639, %lt3A_1641 : i1
    %and3A_1643 = arith.andi %ne3A_1642, %ne3A_1637 : i1
    %add3A_1644 = arith.addi %rem3A_1635, %select_n3A_1634 : i32
    %select_n3A_1645 = arith.select %and3A_1643, %add3A_1644, %rem3A_1635 : i32
    %mul3A_1646 = arith.constant 12 : i32
    %mul3A_1647 = arith.muli %select_n3A_1645, %mul3A_1646 : i32
    %jit3A_1648 = arith.constant 8 : i32
    %eq3A_1649 = arith.constant 0 : i32
    %eq3A_1650 = arith.cmpi eq, %jit3A_1648, %eq3A_1649 : i32
    %jit3A_1651 = arith.constant 1 : i32
    %select_n3A_1652 = arith.select %eq3A_1650, %jit3A_1651, %jit3A_1648 : i32
    %rem3A_1653 = arith.remsi %get3A_1495, %select_n3A_1652 : i32
    %ne3A_1654 = arith.constant 0 : i32
    %ne3A_1655 = arith.cmpi ne, %rem3A_1653, %ne3A_1654 : i32
    %lt3A_1656 = arith.constant 0 : i32
    %lt3A_1657 = arith.cmpi slt, %rem3A_1653, %lt3A_1656 : i32
    %lt3A_1658 = arith.constant 0 : i32
    %lt3A_1659 = arith.cmpi slt, %select_n3A_1652, %lt3A_1658 : i32
    %ne3A_1660 = arith.xori %lt3A_1657, %lt3A_1659 : i1
    %and3A_1661 = arith.andi %ne3A_1660, %ne3A_1655 : i1
    %add3A_1662 = arith.addi %rem3A_1653, %select_n3A_1652 : i32
    %select_n3A_1663 = arith.select %and3A_1661, %add3A_1662, %rem3A_1653 : i32
    %convert_element_type3A_1664 = arith.extui %gt3A_1483 : i1 to i32
    %cond3A_1665 = arith.constant 0 : i32
    %cond3A_1666 = arith.constant 0 : i32
    %cond3A_1667 = arith.constant 0 : i32
    %cond3A_1668 = arith.cmpi ne, %convert_element_type3A_1664, %cond3A_1667 : i32
    scf.if %cond3A_1668 {
      %dma_start3A = arith.constant 0 : i32
      %dma_start3A_3058 = tpu.memref_slice %arg10[%arg0, %cond3A_1666, %mul3A_1521, %mul3A_1563, %select_n3A_1579, %dma_start3A] : memref<4x1x96x96x8x12xf32, #tpu.memory_space<any>> -> memref<1x1x12x12x1x12xf32, #tpu.memory_space<any>>
      %dma_start3A_3059 = tpu.memref_squeeze %dma_start3A_3058 : memref<1x1x12x12x1x12xf32, #tpu.memory_space<any>> -> memref<12x12x12xf32, #tpu.memory_space<any>>
      %dma_start3A_3060 = arith.constant 0 : i32
      %dma_start3A_3061 = tpu.memref_slice %arg4[%arg0, %cond3A_1665, %mul3A_1605, %mul3A_1647, %select_n3A_1663, %dma_start3A_3060] : memref<4x1x96x96x8x12xf32, #tpu.memory_space<any>> -> memref<1x1x12x12x1x12xf32, #tpu.memory_space<any>>
      %dma_start3A_3062 = tpu.memref_squeeze %dma_start3A_3061 : memref<1x1x12x12x1x12xf32, #tpu.memory_space<any>> -> memref<12x12x12xf32, #tpu.memory_space<any>>
      tpu.enqueue_dma source(%dma_start3A_3062 : memref<12x12x12xf32, #tpu.memory_space<any>>) target(%dma_start3A_3059 : memref<12x12x12xf32, #tpu.memory_space<any>>) target_semaphore(%arg13 : memref<!tpu.dma_semaphore, #tpu.memory_space<semaphore_mem>>)
      %dma_start3A_3063 = arith.constant 0 : i32
      %dma_start3A_3064 = tpu.memref_slice %arg11[%arg0, %mul3A_1521, %mul3A_1563, %select_n3A_1579, %dma_start3A_3063] : memref<4x96x96x8x12xi32, #tpu.memory_space<any>> -> memref<1x12x12x1x12xi32, #tpu.memory_space<any>>
      %dma_start3A_3065 = tpu.memref_squeeze %dma_start3A_3064 : memref<1x12x12x1x12xi32, #tpu.memory_space<any>> -> memref<12x12x12xi32, #tpu.memory_space<any>>
      %dma_start3A_3066 = arith.constant 0 : i32
      %dma_start3A_3067 = tpu.memref_slice %arg6[%arg0, %mul3A_1605, %mul3A_1647, %select_n3A_1663, %dma_start3A_3066] : memref<4x96x96x8x12xi32, #tpu.memory_space<any>> -> memref<1x12x12x1x12xi32, #tpu.memory_space<any>>
      %dma_start3A_3068 = tpu.memref_squeeze %dma_start3A_3067 : memref<1x12x12x1x12xi32, #tpu.memory_space<any>> -> memref<12x12x12xi32, #tpu.memory_space<any>>
      tpu.enqueue_dma source(%dma_start3A_3068 : memref<12x12x12xi32, #tpu.memory_space<any>>) target(%dma_start3A_3065 : memref<12x12x12xi32, #tpu.memory_space<any>>) target_semaphore(%arg14 : memref<!tpu.dma_semaphore, #tpu.memory_space<semaphore_mem>>)
      %dma_start3A_3069 = arith.constant 0 : i32
      %dma_start3A_3070 = tpu.memref_slice %arg12[%arg0, %mul3A_1521, %mul3A_1563, %select_n3A_1579, %dma_start3A_3069] : memref<4x96x96x8x12xf32, #tpu.memory_space<any>> -> memref<1x12x12x1x12xf32, #tpu.memory_space<any>>
      %dma_start3A_3071 = tpu.memref_squeeze %dma_start3A_3070 : memref<1x12x12x1x12xf32, #tpu.memory_space<any>> -> memref<12x12x12xf32, #tpu.memory_space<any>>
      %dma_start3A_3072 = arith.constant 0 : i32
      %dma_start3A_3073 = tpu.memref_slice %arg8[%arg0, %mul3A_1605, %mul3A_1647, %select_n3A_1663, %dma_start3A_3072] : memref<4x96x96x8x12xf32, #tpu.memory_space<any>> -> memref<1x12x12x1x12xf32, #tpu.memory_space<any>>
      %dma_start3A_3074 = tpu.memref_squeeze %dma_start3A_3073 : memref<1x12x12x1x12xf32, #tpu.memory_space<any>> -> memref<12x12x12xf32, #tpu.memory_space<any>>
      tpu.enqueue_dma source(%dma_start3A_3074 : memref<12x12x12xf32, #tpu.memory_space<any>>) target(%dma_start3A_3071 : memref<12x12x12xf32, #tpu.memory_space<any>>) target_semaphore(%arg15 : memref<!tpu.dma_semaphore, #tpu.memory_space<semaphore_mem>>)
    } else {
    }
    %gt3A_1669 = arith.constant 9 : i32
    %gt3A_1670 = arith.cmpi sgt, %get3A_0, %gt3A_1669 : i32
    %mul3A_1671 = arith.constant 16 : i32
    %mul3A_1672 = arith.muli %arg0, %mul3A_1671 : i32
    %add3A_1673 = arith.constant 9 : i32
    %add3A_1674 = arith.addi %mul3A_1672, %add3A_1673 : i32
    %get3A_1675 = arith.index_cast %add3A_1674 : i32 to index
    %get3A_1676 = memref.load %arg1[%get3A_1675] : memref<64xi32, #tpu.memory_space<smem>>
    %mul3A_1677 = arith.constant 16 : i32
    %mul3A_1678 = arith.muli %arg0, %mul3A_1677 : i32
    %add3A_1679 = arith.constant 9 : i32
    %add3A_1680 = arith.addi %mul3A_1678, %add3A_1679 : i32
    %get3A_1681 = arith.index_cast %add3A_1680 : i32 to index
    %get3A_1682 = memref.load %arg2[%get3A_1681] : memref<64xi32, #tpu.memory_space<smem>>
    %jit3A_1683 = arith.constant 64 : i32
    %div3A_1684 = arith.divsi %get3A_1676, %jit3A_1683 : i32
    %sign3A_1685 = arith.constant 0 : i32
    %sign3A_1686 = arith.cmpi sgt, %get3A_1676, %sign3A_1685 : i32
    %sign3A_1687 = arith.extui %sign3A_1686 : i1 to i32
    %sign3A_1688 = arith.constant 0 : i32
    %sign3A_1689 = arith.cmpi slt, %get3A_1676, %sign3A_1688 : i32
    %sign3A_1690 = arith.extui %sign3A_1689 : i1 to i32
    %sign3A_1691 = arith.subi %sign3A_1687, %sign3A_1690 : i32
    %sign3A_1692 = arith.constant 0 : i32
    %sign3A_1693 = arith.cmpi sgt, %jit3A_1683, %sign3A_1692 : i32
    %sign3A_1694 = arith.extui %sign3A_1693 : i1 to i32
    %sign3A_1695 = arith.constant 0 : i32
    %sign3A_1696 = arith.cmpi slt, %jit3A_1683, %sign3A_1695 : i32
    %sign3A_1697 = arith.extui %sign3A_1696 : i1 to i32
    %sign3A_1698 = arith.subi %sign3A_1694, %sign3A_1697 : i32
    %ne3A_1699 = arith.cmpi ne, %sign3A_1691, %sign3A_1698 : i32
    %rem3A_1700 = arith.remsi %get3A_1676, %jit3A_1683 : i32
    %ne3A_1701 = arith.constant 0 : i32
    %ne3A_1702 = arith.cmpi ne, %rem3A_1700, %ne3A_1701 : i32
    %and3A_1703 = arith.andi %ne3A_1699, %ne3A_1702 : i1
    %sub3A_1704 = arith.constant 1 : i32
    %sub3A_1705 = arith.subi %div3A_1684, %sub3A_1704 : i32
    %select_n3A_1706 = arith.select %and3A_1703, %sub3A_1705, %div3A_1684 : i32
    %mul3A_1707 = arith.constant 12 : i32
    %mul3A_1708 = arith.muli %select_n3A_1706, %mul3A_1707 : i32
    %jit3A_1709 = arith.constant 8 : i32
    %div3A_1710 = arith.divsi %get3A_1676, %jit3A_1709 : i32
    %sign3A_1711 = arith.constant 0 : i32
    %sign3A_1712 = arith.cmpi sgt, %get3A_1676, %sign3A_1711 : i32
    %sign3A_1713 = arith.extui %sign3A_1712 : i1 to i32
    %sign3A_1714 = arith.constant 0 : i32
    %sign3A_1715 = arith.cmpi slt, %get3A_1676, %sign3A_1714 : i32
    %sign3A_1716 = arith.extui %sign3A_1715 : i1 to i32
    %sign3A_1717 = arith.subi %sign3A_1713, %sign3A_1716 : i32
    %sign3A_1718 = arith.constant 0 : i32
    %sign3A_1719 = arith.cmpi sgt, %jit3A_1709, %sign3A_1718 : i32
    %sign3A_1720 = arith.extui %sign3A_1719 : i1 to i32
    %sign3A_1721 = arith.constant 0 : i32
    %sign3A_1722 = arith.cmpi slt, %jit3A_1709, %sign3A_1721 : i32
    %sign3A_1723 = arith.extui %sign3A_1722 : i1 to i32
    %sign3A_1724 = arith.subi %sign3A_1720, %sign3A_1723 : i32
    %ne3A_1725 = arith.cmpi ne, %sign3A_1717, %sign3A_1724 : i32
    %rem3A_1726 = arith.remsi %get3A_1676, %jit3A_1709 : i32
    %ne3A_1727 = arith.constant 0 : i32
    %ne3A_1728 = arith.cmpi ne, %rem3A_1726, %ne3A_1727 : i32
    %and3A_1729 = arith.andi %ne3A_1725, %ne3A_1728 : i1
    %sub3A_1730 = arith.constant 1 : i32
    %sub3A_1731 = arith.subi %div3A_1710, %sub3A_1730 : i32
    %select_n3A_1732 = arith.select %and3A_1729, %sub3A_1731, %div3A_1710 : i32
    %jit3A_1733 = arith.constant 8 : i32
    %eq3A_1734 = arith.constant 0 : i32
    %eq3A_1735 = arith.cmpi eq, %jit3A_1733, %eq3A_1734 : i32
    %jit3A_1736 = arith.constant 1 : i32
    %select_n3A_1737 = arith.select %eq3A_1735, %jit3A_1736, %jit3A_1733 : i32
    %rem3A_1738 = arith.remsi %select_n3A_1732, %select_n3A_1737 : i32
    %ne3A_1739 = arith.constant 0 : i32
    %ne3A_1740 = arith.cmpi ne, %rem3A_1738, %ne3A_1739 : i32
    %lt3A_1741 = arith.constant 0 : i32
    %lt3A_1742 = arith.cmpi slt, %rem3A_1738, %lt3A_1741 : i32
    %lt3A_1743 = arith.constant 0 : i32
    %lt3A_1744 = arith.cmpi slt, %select_n3A_1737, %lt3A_1743 : i32
    %ne3A_1745 = arith.xori %lt3A_1742, %lt3A_1744 : i1
    %and3A_1746 = arith.andi %ne3A_1745, %ne3A_1740 : i1
    %add3A_1747 = arith.addi %rem3A_1738, %select_n3A_1737 : i32
    %select_n3A_1748 = arith.select %and3A_1746, %add3A_1747, %rem3A_1738 : i32
    %mul3A_1749 = arith.constant 12 : i32
    %mul3A_1750 = arith.muli %select_n3A_1748, %mul3A_1749 : i32
    %jit3A_1751 = arith.constant 8 : i32
    %eq3A_1752 = arith.constant 0 : i32
    %eq3A_1753 = arith.cmpi eq, %jit3A_1751, %eq3A_1752 : i32
    %jit3A_1754 = arith.constant 1 : i32
    %select_n3A_1755 = arith.select %eq3A_1753, %jit3A_1754, %jit3A_1751 : i32
    %rem3A_1756 = arith.remsi %get3A_1676, %select_n3A_1755 : i32
    %ne3A_1757 = arith.constant 0 : i32
    %ne3A_1758 = arith.cmpi ne, %rem3A_1756, %ne3A_1757 : i32
    %lt3A_1759 = arith.constant 0 : i32
    %lt3A_1760 = arith.cmpi slt, %rem3A_1756, %lt3A_1759 : i32
    %lt3A_1761 = arith.constant 0 : i32
    %lt3A_1762 = arith.cmpi slt, %select_n3A_1755, %lt3A_1761 : i32
    %ne3A_1763 = arith.xori %lt3A_1760, %lt3A_1762 : i1
    %and3A_1764 = arith.andi %ne3A_1763, %ne3A_1758 : i1
    %add3A_1765 = arith.addi %rem3A_1756, %select_n3A_1755 : i32
    %select_n3A_1766 = arith.select %and3A_1764, %add3A_1765, %rem3A_1756 : i32
    %jit3A_1767 = arith.constant 64 : i32
    %div3A_1768 = arith.divsi %get3A_1682, %jit3A_1767 : i32
    %sign3A_1769 = arith.constant 0 : i32
    %sign3A_1770 = arith.cmpi sgt, %get3A_1682, %sign3A_1769 : i32
    %sign3A_1771 = arith.extui %sign3A_1770 : i1 to i32
    %sign3A_1772 = arith.constant 0 : i32
    %sign3A_1773 = arith.cmpi slt, %get3A_1682, %sign3A_1772 : i32
    %sign3A_1774 = arith.extui %sign3A_1773 : i1 to i32
    %sign3A_1775 = arith.subi %sign3A_1771, %sign3A_1774 : i32
    %sign3A_1776 = arith.constant 0 : i32
    %sign3A_1777 = arith.cmpi sgt, %jit3A_1767, %sign3A_1776 : i32
    %sign3A_1778 = arith.extui %sign3A_1777 : i1 to i32
    %sign3A_1779 = arith.constant 0 : i32
    %sign3A_1780 = arith.cmpi slt, %jit3A_1767, %sign3A_1779 : i32
    %sign3A_1781 = arith.extui %sign3A_1780 : i1 to i32
    %sign3A_1782 = arith.subi %sign3A_1778, %sign3A_1781 : i32
    %ne3A_1783 = arith.cmpi ne, %sign3A_1775, %sign3A_1782 : i32
    %rem3A_1784 = arith.remsi %get3A_1682, %jit3A_1767 : i32
    %ne3A_1785 = arith.constant 0 : i32
    %ne3A_1786 = arith.cmpi ne, %rem3A_1784, %ne3A_1785 : i32
    %and3A_1787 = arith.andi %ne3A_1783, %ne3A_1786 : i1
    %sub3A_1788 = arith.constant 1 : i32
    %sub3A_1789 = arith.subi %div3A_1768, %sub3A_1788 : i32
    %select_n3A_1790 = arith.select %and3A_1787, %sub3A_1789, %div3A_1768 : i32
    %mul3A_1791 = arith.constant 12 : i32
    %mul3A_1792 = arith.muli %select_n3A_1790, %mul3A_1791 : i32
    %jit3A_1793 = arith.constant 8 : i32
    %div3A_1794 = arith.divsi %get3A_1682, %jit3A_1793 : i32
    %sign3A_1795 = arith.constant 0 : i32
    %sign3A_1796 = arith.cmpi sgt, %get3A_1682, %sign3A_1795 : i32
    %sign3A_1797 = arith.extui %sign3A_1796 : i1 to i32
    %sign3A_1798 = arith.constant 0 : i32
    %sign3A_1799 = arith.cmpi slt, %get3A_1682, %sign3A_1798 : i32
    %sign3A_1800 = arith.extui %sign3A_1799 : i1 to i32
    %sign3A_1801 = arith.subi %sign3A_1797, %sign3A_1800 : i32
    %sign3A_1802 = arith.constant 0 : i32
    %sign3A_1803 = arith.cmpi sgt, %jit3A_1793, %sign3A_1802 : i32
    %sign3A_1804 = arith.extui %sign3A_1803 : i1 to i32
    %sign3A_1805 = arith.constant 0 : i32
    %sign3A_1806 = arith.cmpi slt, %jit3A_1793, %sign3A_1805 : i32
    %sign3A_1807 = arith.extui %sign3A_1806 : i1 to i32
    %sign3A_1808 = arith.subi %sign3A_1804, %sign3A_1807 : i32
    %ne3A_1809 = arith.cmpi ne, %sign3A_1801, %sign3A_1808 : i32
    %rem3A_1810 = arith.remsi %get3A_1682, %jit3A_1793 : i32
    %ne3A_1811 = arith.constant 0 : i32
    %ne3A_1812 = arith.cmpi ne, %rem3A_1810, %ne3A_1811 : i32
    %and3A_1813 = arith.andi %ne3A_1809, %ne3A_1812 : i1
    %sub3A_1814 = arith.constant 1 : i32
    %sub3A_1815 = arith.subi %div3A_1794, %sub3A_1814 : i32
    %select_n3A_1816 = arith.select %and3A_1813, %sub3A_1815, %div3A_1794 : i32
    %jit3A_1817 = arith.constant 8 : i32
    %eq3A_1818 = arith.constant 0 : i32
    %eq3A_1819 = arith.cmpi eq, %jit3A_1817, %eq3A_1818 : i32
    %jit3A_1820 = arith.constant 1 : i32
    %select_n3A_1821 = arith.select %eq3A_1819, %jit3A_1820, %jit3A_1817 : i32
    %rem3A_1822 = arith.remsi %select_n3A_1816, %select_n3A_1821 : i32
    %ne3A_1823 = arith.constant 0 : i32
    %ne3A_1824 = arith.cmpi ne, %rem3A_1822, %ne3A_1823 : i32
    %lt3A_1825 = arith.constant 0 : i32
    %lt3A_1826 = arith.cmpi slt, %rem3A_1822, %lt3A_1825 : i32
    %lt3A_1827 = arith.constant 0 : i32
    %lt3A_1828 = arith.cmpi slt, %select_n3A_1821, %lt3A_1827 : i32
    %ne3A_1829 = arith.xori %lt3A_1826, %lt3A_1828 : i1
    %and3A_1830 = arith.andi %ne3A_1829, %ne3A_1824 : i1
    %add3A_1831 = arith.addi %rem3A_1822, %select_n3A_1821 : i32
    %select_n3A_1832 = arith.select %and3A_1830, %add3A_1831, %rem3A_1822 : i32
    %mul3A_1833 = arith.constant 12 : i32
    %mul3A_1834 = arith.muli %select_n3A_1832, %mul3A_1833 : i32
    %jit3A_1835 = arith.constant 8 : i32
    %eq3A_1836 = arith.constant 0 : i32
    %eq3A_1837 = arith.cmpi eq, %jit3A_1835, %eq3A_1836 : i32
    %jit3A_1838 = arith.constant 1 : i32
    %select_n3A_1839 = arith.select %eq3A_1837, %jit3A_1838, %jit3A_1835 : i32
    %rem3A_1840 = arith.remsi %get3A_1682, %select_n3A_1839 : i32
    %ne3A_1841 = arith.constant 0 : i32
    %ne3A_1842 = arith.cmpi ne, %rem3A_1840, %ne3A_1841 : i32
    %lt3A_1843 = arith.constant 0 : i32
    %lt3A_1844 = arith.cmpi slt, %rem3A_1840, %lt3A_1843 : i32
    %lt3A_1845 = arith.constant 0 : i32
    %lt3A_1846 = arith.cmpi slt, %select_n3A_1839, %lt3A_1845 : i32
    %ne3A_1847 = arith.xori %lt3A_1844, %lt3A_1846 : i1
    %and3A_1848 = arith.andi %ne3A_1847, %ne3A_1842 : i1
    %add3A_1849 = arith.addi %rem3A_1840, %select_n3A_1839 : i32
    %select_n3A_1850 = arith.select %and3A_1848, %add3A_1849, %rem3A_1840 : i32
    %convert_element_type3A_1851 = arith.extui %gt3A_1670 : i1 to i32
    %cond3A_1852 = arith.constant 0 : i32
    %cond3A_1853 = arith.constant 0 : i32
    %cond3A_1854 = arith.constant 0 : i32
    %cond3A_1855 = arith.cmpi ne, %convert_element_type3A_1851, %cond3A_1854 : i32
    scf.if %cond3A_1855 {
      %dma_start3A = arith.constant 0 : i32
      %dma_start3A_3058 = tpu.memref_slice %arg10[%arg0, %cond3A_1853, %mul3A_1708, %mul3A_1750, %select_n3A_1766, %dma_start3A] : memref<4x1x96x96x8x12xf32, #tpu.memory_space<any>> -> memref<1x1x12x12x1x12xf32, #tpu.memory_space<any>>
      %dma_start3A_3059 = tpu.memref_squeeze %dma_start3A_3058 : memref<1x1x12x12x1x12xf32, #tpu.memory_space<any>> -> memref<12x12x12xf32, #tpu.memory_space<any>>
      %dma_start3A_3060 = arith.constant 0 : i32
      %dma_start3A_3061 = tpu.memref_slice %arg4[%arg0, %cond3A_1852, %mul3A_1792, %mul3A_1834, %select_n3A_1850, %dma_start3A_3060] : memref<4x1x96x96x8x12xf32, #tpu.memory_space<any>> -> memref<1x1x12x12x1x12xf32, #tpu.memory_space<any>>
      %dma_start3A_3062 = tpu.memref_squeeze %dma_start3A_3061 : memref<1x1x12x12x1x12xf32, #tpu.memory_space<any>> -> memref<12x12x12xf32, #tpu.memory_space<any>>
      tpu.enqueue_dma source(%dma_start3A_3062 : memref<12x12x12xf32, #tpu.memory_space<any>>) target(%dma_start3A_3059 : memref<12x12x12xf32, #tpu.memory_space<any>>) target_semaphore(%arg13 : memref<!tpu.dma_semaphore, #tpu.memory_space<semaphore_mem>>)
      %dma_start3A_3063 = arith.constant 0 : i32
      %dma_start3A_3064 = tpu.memref_slice %arg11[%arg0, %mul3A_1708, %mul3A_1750, %select_n3A_1766, %dma_start3A_3063] : memref<4x96x96x8x12xi32, #tpu.memory_space<any>> -> memref<1x12x12x1x12xi32, #tpu.memory_space<any>>
      %dma_start3A_3065 = tpu.memref_squeeze %dma_start3A_3064 : memref<1x12x12x1x12xi32, #tpu.memory_space<any>> -> memref<12x12x12xi32, #tpu.memory_space<any>>
      %dma_start3A_3066 = arith.constant 0 : i32
      %dma_start3A_3067 = tpu.memref_slice %arg6[%arg0, %mul3A_1792, %mul3A_1834, %select_n3A_1850, %dma_start3A_3066] : memref<4x96x96x8x12xi32, #tpu.memory_space<any>> -> memref<1x12x12x1x12xi32, #tpu.memory_space<any>>
      %dma_start3A_3068 = tpu.memref_squeeze %dma_start3A_3067 : memref<1x12x12x1x12xi32, #tpu.memory_space<any>> -> memref<12x12x12xi32, #tpu.memory_space<any>>
      tpu.enqueue_dma source(%dma_start3A_3068 : memref<12x12x12xi32, #tpu.memory_space<any>>) target(%dma_start3A_3065 : memref<12x12x12xi32, #tpu.memory_space<any>>) target_semaphore(%arg14 : memref<!tpu.dma_semaphore, #tpu.memory_space<semaphore_mem>>)
      %dma_start3A_3069 = arith.constant 0 : i32
      %dma_start3A_3070 = tpu.memref_slice %arg12[%arg0, %mul3A_1708, %mul3A_1750, %select_n3A_1766, %dma_start3A_3069] : memref<4x96x96x8x12xf32, #tpu.memory_space<any>> -> memref<1x12x12x1x12xf32, #tpu.memory_space<any>>
      %dma_start3A_3071 = tpu.memref_squeeze %dma_start3A_3070 : memref<1x12x12x1x12xf32, #tpu.memory_space<any>> -> memref<12x12x12xf32, #tpu.memory_space<any>>
      %dma_start3A_3072 = arith.constant 0 : i32
      %dma_start3A_3073 = tpu.memref_slice %arg8[%arg0, %mul3A_1792, %mul3A_1834, %select_n3A_1850, %dma_start3A_3072] : memref<4x96x96x8x12xf32, #tpu.memory_space<any>> -> memref<1x12x12x1x12xf32, #tpu.memory_space<any>>
      %dma_start3A_3074 = tpu.memref_squeeze %dma_start3A_3073 : memref<1x12x12x1x12xf32, #tpu.memory_space<any>> -> memref<12x12x12xf32, #tpu.memory_space<any>>
      tpu.enqueue_dma source(%dma_start3A_3074 : memref<12x12x12xf32, #tpu.memory_space<any>>) target(%dma_start3A_3071 : memref<12x12x12xf32, #tpu.memory_space<any>>) target_semaphore(%arg15 : memref<!tpu.dma_semaphore, #tpu.memory_space<semaphore_mem>>)
    } else {
    }
    %gt3A_1856 = arith.constant 10 : i32
    %gt3A_1857 = arith.cmpi sgt, %get3A_0, %gt3A_1856 : i32
    %mul3A_1858 = arith.constant 16 : i32
    %mul3A_1859 = arith.muli %arg0, %mul3A_1858 : i32
    %add3A_1860 = arith.constant 10 : i32
    %add3A_1861 = arith.addi %mul3A_1859, %add3A_1860 : i32
    %get3A_1862 = arith.index_cast %add3A_1861 : i32 to index
    %get3A_1863 = memref.load %arg1[%get3A_1862] : memref<64xi32, #tpu.memory_space<smem>>
    %mul3A_1864 = arith.constant 16 : i32
    %mul3A_1865 = arith.muli %arg0, %mul3A_1864 : i32
    %add3A_1866 = arith.constant 10 : i32
    %add3A_1867 = arith.addi %mul3A_1865, %add3A_1866 : i32
    %get3A_1868 = arith.index_cast %add3A_1867 : i32 to index
    %get3A_1869 = memref.load %arg2[%get3A_1868] : memref<64xi32, #tpu.memory_space<smem>>
    %jit3A_1870 = arith.constant 64 : i32
    %div3A_1871 = arith.divsi %get3A_1863, %jit3A_1870 : i32
    %sign3A_1872 = arith.constant 0 : i32
    %sign3A_1873 = arith.cmpi sgt, %get3A_1863, %sign3A_1872 : i32
    %sign3A_1874 = arith.extui %sign3A_1873 : i1 to i32
    %sign3A_1875 = arith.constant 0 : i32
    %sign3A_1876 = arith.cmpi slt, %get3A_1863, %sign3A_1875 : i32
    %sign3A_1877 = arith.extui %sign3A_1876 : i1 to i32
    %sign3A_1878 = arith.subi %sign3A_1874, %sign3A_1877 : i32
    %sign3A_1879 = arith.constant 0 : i32
    %sign3A_1880 = arith.cmpi sgt, %jit3A_1870, %sign3A_1879 : i32
    %sign3A_1881 = arith.extui %sign3A_1880 : i1 to i32
    %sign3A_1882 = arith.constant 0 : i32
    %sign3A_1883 = arith.cmpi slt, %jit3A_1870, %sign3A_1882 : i32
    %sign3A_1884 = arith.extui %sign3A_1883 : i1 to i32
    %sign3A_1885 = arith.subi %sign3A_1881, %sign3A_1884 : i32
    %ne3A_1886 = arith.cmpi ne, %sign3A_1878, %sign3A_1885 : i32
    %rem3A_1887 = arith.remsi %get3A_1863, %jit3A_1870 : i32
    %ne3A_1888 = arith.constant 0 : i32
    %ne3A_1889 = arith.cmpi ne, %rem3A_1887, %ne3A_1888 : i32
    %and3A_1890 = arith.andi %ne3A_1886, %ne3A_1889 : i1
    %sub3A_1891 = arith.constant 1 : i32
    %sub3A_1892 = arith.subi %div3A_1871, %sub3A_1891 : i32
    %select_n3A_1893 = arith.select %and3A_1890, %sub3A_1892, %div3A_1871 : i32
    %mul3A_1894 = arith.constant 12 : i32
    %mul3A_1895 = arith.muli %select_n3A_1893, %mul3A_1894 : i32
    %jit3A_1896 = arith.constant 8 : i32
    %div3A_1897 = arith.divsi %get3A_1863, %jit3A_1896 : i32
    %sign3A_1898 = arith.constant 0 : i32
    %sign3A_1899 = arith.cmpi sgt, %get3A_1863, %sign3A_1898 : i32
    %sign3A_1900 = arith.extui %sign3A_1899 : i1 to i32
    %sign3A_1901 = arith.constant 0 : i32
    %sign3A_1902 = arith.cmpi slt, %get3A_1863, %sign3A_1901 : i32
    %sign3A_1903 = arith.extui %sign3A_1902 : i1 to i32
    %sign3A_1904 = arith.subi %sign3A_1900, %sign3A_1903 : i32
    %sign3A_1905 = arith.constant 0 : i32
    %sign3A_1906 = arith.cmpi sgt, %jit3A_1896, %sign3A_1905 : i32
    %sign3A_1907 = arith.extui %sign3A_1906 : i1 to i32
    %sign3A_1908 = arith.constant 0 : i32
    %sign3A_1909 = arith.cmpi slt, %jit3A_1896, %sign3A_1908 : i32
    %sign3A_1910 = arith.extui %sign3A_1909 : i1 to i32
    %sign3A_1911 = arith.subi %sign3A_1907, %sign3A_1910 : i32
    %ne3A_1912 = arith.cmpi ne, %sign3A_1904, %sign3A_1911 : i32
    %rem3A_1913 = arith.remsi %get3A_1863, %jit3A_1896 : i32
    %ne3A_1914 = arith.constant 0 : i32
    %ne3A_1915 = arith.cmpi ne, %rem3A_1913, %ne3A_1914 : i32
    %and3A_1916 = arith.andi %ne3A_1912, %ne3A_1915 : i1
    %sub3A_1917 = arith.constant 1 : i32
    %sub3A_1918 = arith.subi %div3A_1897, %sub3A_1917 : i32
    %select_n3A_1919 = arith.select %and3A_1916, %sub3A_1918, %div3A_1897 : i32
    %jit3A_1920 = arith.constant 8 : i32
    %eq3A_1921 = arith.constant 0 : i32
    %eq3A_1922 = arith.cmpi eq, %jit3A_1920, %eq3A_1921 : i32
    %jit3A_1923 = arith.constant 1 : i32
    %select_n3A_1924 = arith.select %eq3A_1922, %jit3A_1923, %jit3A_1920 : i32
    %rem3A_1925 = arith.remsi %select_n3A_1919, %select_n3A_1924 : i32
    %ne3A_1926 = arith.constant 0 : i32
    %ne3A_1927 = arith.cmpi ne, %rem3A_1925, %ne3A_1926 : i32
    %lt3A_1928 = arith.constant 0 : i32
    %lt3A_1929 = arith.cmpi slt, %rem3A_1925, %lt3A_1928 : i32
    %lt3A_1930 = arith.constant 0 : i32
    %lt3A_1931 = arith.cmpi slt, %select_n3A_1924, %lt3A_1930 : i32
    %ne3A_1932 = arith.xori %lt3A_1929, %lt3A_1931 : i1
    %and3A_1933 = arith.andi %ne3A_1932, %ne3A_1927 : i1
    %add3A_1934 = arith.addi %rem3A_1925, %select_n3A_1924 : i32
    %select_n3A_1935 = arith.select %and3A_1933, %add3A_1934, %rem3A_1925 : i32
    %mul3A_1936 = arith.constant 12 : i32
    %mul3A_1937 = arith.muli %select_n3A_1935, %mul3A_1936 : i32
    %jit3A_1938 = arith.constant 8 : i32
    %eq3A_1939 = arith.constant 0 : i32
    %eq3A_1940 = arith.cmpi eq, %jit3A_1938, %eq3A_1939 : i32
    %jit3A_1941 = arith.constant 1 : i32
    %select_n3A_1942 = arith.select %eq3A_1940, %jit3A_1941, %jit3A_1938 : i32
    %rem3A_1943 = arith.remsi %get3A_1863, %select_n3A_1942 : i32
    %ne3A_1944 = arith.constant 0 : i32
    %ne3A_1945 = arith.cmpi ne, %rem3A_1943, %ne3A_1944 : i32
    %lt3A_1946 = arith.constant 0 : i32
    %lt3A_1947 = arith.cmpi slt, %rem3A_1943, %lt3A_1946 : i32
    %lt3A_1948 = arith.constant 0 : i32
    %lt3A_1949 = arith.cmpi slt, %select_n3A_1942, %lt3A_1948 : i32
    %ne3A_1950 = arith.xori %lt3A_1947, %lt3A_1949 : i1
    %and3A_1951 = arith.andi %ne3A_1950, %ne3A_1945 : i1
    %add3A_1952 = arith.addi %rem3A_1943, %select_n3A_1942 : i32
    %select_n3A_1953 = arith.select %and3A_1951, %add3A_1952, %rem3A_1943 : i32
    %jit3A_1954 = arith.constant 64 : i32
    %div3A_1955 = arith.divsi %get3A_1869, %jit3A_1954 : i32
    %sign3A_1956 = arith.constant 0 : i32
    %sign3A_1957 = arith.cmpi sgt, %get3A_1869, %sign3A_1956 : i32
    %sign3A_1958 = arith.extui %sign3A_1957 : i1 to i32
    %sign3A_1959 = arith.constant 0 : i32
    %sign3A_1960 = arith.cmpi slt, %get3A_1869, %sign3A_1959 : i32
    %sign3A_1961 = arith.extui %sign3A_1960 : i1 to i32
    %sign3A_1962 = arith.subi %sign3A_1958, %sign3A_1961 : i32
    %sign3A_1963 = arith.constant 0 : i32
    %sign3A_1964 = arith.cmpi sgt, %jit3A_1954, %sign3A_1963 : i32
    %sign3A_1965 = arith.extui %sign3A_1964 : i1 to i32
    %sign3A_1966 = arith.constant 0 : i32
    %sign3A_1967 = arith.cmpi slt, %jit3A_1954, %sign3A_1966 : i32
    %sign3A_1968 = arith.extui %sign3A_1967 : i1 to i32
    %sign3A_1969 = arith.subi %sign3A_1965, %sign3A_1968 : i32
    %ne3A_1970 = arith.cmpi ne, %sign3A_1962, %sign3A_1969 : i32
    %rem3A_1971 = arith.remsi %get3A_1869, %jit3A_1954 : i32
    %ne3A_1972 = arith.constant 0 : i32
    %ne3A_1973 = arith.cmpi ne, %rem3A_1971, %ne3A_1972 : i32
    %and3A_1974 = arith.andi %ne3A_1970, %ne3A_1973 : i1
    %sub3A_1975 = arith.constant 1 : i32
    %sub3A_1976 = arith.subi %div3A_1955, %sub3A_1975 : i32
    %select_n3A_1977 = arith.select %and3A_1974, %sub3A_1976, %div3A_1955 : i32
    %mul3A_1978 = arith.constant 12 : i32
    %mul3A_1979 = arith.muli %select_n3A_1977, %mul3A_1978 : i32
    %jit3A_1980 = arith.constant 8 : i32
    %div3A_1981 = arith.divsi %get3A_1869, %jit3A_1980 : i32
    %sign3A_1982 = arith.constant 0 : i32
    %sign3A_1983 = arith.cmpi sgt, %get3A_1869, %sign3A_1982 : i32
    %sign3A_1984 = arith.extui %sign3A_1983 : i1 to i32
    %sign3A_1985 = arith.constant 0 : i32
    %sign3A_1986 = arith.cmpi slt, %get3A_1869, %sign3A_1985 : i32
    %sign3A_1987 = arith.extui %sign3A_1986 : i1 to i32
    %sign3A_1988 = arith.subi %sign3A_1984, %sign3A_1987 : i32
    %sign3A_1989 = arith.constant 0 : i32
    %sign3A_1990 = arith.cmpi sgt, %jit3A_1980, %sign3A_1989 : i32
    %sign3A_1991 = arith.extui %sign3A_1990 : i1 to i32
    %sign3A_1992 = arith.constant 0 : i32
    %sign3A_1993 = arith.cmpi slt, %jit3A_1980, %sign3A_1992 : i32
    %sign3A_1994 = arith.extui %sign3A_1993 : i1 to i32
    %sign3A_1995 = arith.subi %sign3A_1991, %sign3A_1994 : i32
    %ne3A_1996 = arith.cmpi ne, %sign3A_1988, %sign3A_1995 : i32
    %rem3A_1997 = arith.remsi %get3A_1869, %jit3A_1980 : i32
    %ne3A_1998 = arith.constant 0 : i32
    %ne3A_1999 = arith.cmpi ne, %rem3A_1997, %ne3A_1998 : i32
    %and3A_2000 = arith.andi %ne3A_1996, %ne3A_1999 : i1
    %sub3A_2001 = arith.constant 1 : i32
    %sub3A_2002 = arith.subi %div3A_1981, %sub3A_2001 : i32
    %select_n3A_2003 = arith.select %and3A_2000, %sub3A_2002, %div3A_1981 : i32
    %jit3A_2004 = arith.constant 8 : i32
    %eq3A_2005 = arith.constant 0 : i32
    %eq3A_2006 = arith.cmpi eq, %jit3A_2004, %eq3A_2005 : i32
    %jit3A_2007 = arith.constant 1 : i32
    %select_n3A_2008 = arith.select %eq3A_2006, %jit3A_2007, %jit3A_2004 : i32
    %rem3A_2009 = arith.remsi %select_n3A_2003, %select_n3A_2008 : i32
    %ne3A_2010 = arith.constant 0 : i32
    %ne3A_2011 = arith.cmpi ne, %rem3A_2009, %ne3A_2010 : i32
    %lt3A_2012 = arith.constant 0 : i32
    %lt3A_2013 = arith.cmpi slt, %rem3A_2009, %lt3A_2012 : i32
    %lt3A_2014 = arith.constant 0 : i32
    %lt3A_2015 = arith.cmpi slt, %select_n3A_2008, %lt3A_2014 : i32
    %ne3A_2016 = arith.xori %lt3A_2013, %lt3A_2015 : i1
    %and3A_2017 = arith.andi %ne3A_2016, %ne3A_2011 : i1
    %add3A_2018 = arith.addi %rem3A_2009, %select_n3A_2008 : i32
    %select_n3A_2019 = arith.select %and3A_2017, %add3A_2018, %rem3A_2009 : i32
    %mul3A_2020 = arith.constant 12 : i32
    %mul3A_2021 = arith.muli %select_n3A_2019, %mul3A_2020 : i32
    %jit3A_2022 = arith.constant 8 : i32
    %eq3A_2023 = arith.constant 0 : i32
    %eq3A_2024 = arith.cmpi eq, %jit3A_2022, %eq3A_2023 : i32
    %jit3A_2025 = arith.constant 1 : i32
    %select_n3A_2026 = arith.select %eq3A_2024, %jit3A_2025, %jit3A_2022 : i32
    %rem3A_2027 = arith.remsi %get3A_1869, %select_n3A_2026 : i32
    %ne3A_2028 = arith.constant 0 : i32
    %ne3A_2029 = arith.cmpi ne, %rem3A_2027, %ne3A_2028 : i32
    %lt3A_2030 = arith.constant 0 : i32
    %lt3A_2031 = arith.cmpi slt, %rem3A_2027, %lt3A_2030 : i32
    %lt3A_2032 = arith.constant 0 : i32
    %lt3A_2033 = arith.cmpi slt, %select_n3A_2026, %lt3A_2032 : i32
    %ne3A_2034 = arith.xori %lt3A_2031, %lt3A_2033 : i1
    %and3A_2035 = arith.andi %ne3A_2034, %ne3A_2029 : i1
    %add3A_2036 = arith.addi %rem3A_2027, %select_n3A_2026 : i32
    %select_n3A_2037 = arith.select %and3A_2035, %add3A_2036, %rem3A_2027 : i32
    %convert_element_type3A_2038 = arith.extui %gt3A_1857 : i1 to i32
    %cond3A_2039 = arith.constant 0 : i32
    %cond3A_2040 = arith.constant 0 : i32
    %cond3A_2041 = arith.constant 0 : i32
    %cond3A_2042 = arith.cmpi ne, %convert_element_type3A_2038, %cond3A_2041 : i32
    scf.if %cond3A_2042 {
      %dma_start3A = arith.constant 0 : i32
      %dma_start3A_3058 = tpu.memref_slice %arg10[%arg0, %cond3A_2040, %mul3A_1895, %mul3A_1937, %select_n3A_1953, %dma_start3A] : memref<4x1x96x96x8x12xf32, #tpu.memory_space<any>> -> memref<1x1x12x12x1x12xf32, #tpu.memory_space<any>>
      %dma_start3A_3059 = tpu.memref_squeeze %dma_start3A_3058 : memref<1x1x12x12x1x12xf32, #tpu.memory_space<any>> -> memref<12x12x12xf32, #tpu.memory_space<any>>
      %dma_start3A_3060 = arith.constant 0 : i32
      %dma_start3A_3061 = tpu.memref_slice %arg4[%arg0, %cond3A_2039, %mul3A_1979, %mul3A_2021, %select_n3A_2037, %dma_start3A_3060] : memref<4x1x96x96x8x12xf32, #tpu.memory_space<any>> -> memref<1x1x12x12x1x12xf32, #tpu.memory_space<any>>
      %dma_start3A_3062 = tpu.memref_squeeze %dma_start3A_3061 : memref<1x1x12x12x1x12xf32, #tpu.memory_space<any>> -> memref<12x12x12xf32, #tpu.memory_space<any>>
      tpu.enqueue_dma source(%dma_start3A_3062 : memref<12x12x12xf32, #tpu.memory_space<any>>) target(%dma_start3A_3059 : memref<12x12x12xf32, #tpu.memory_space<any>>) target_semaphore(%arg13 : memref<!tpu.dma_semaphore, #tpu.memory_space<semaphore_mem>>)
      %dma_start3A_3063 = arith.constant 0 : i32
      %dma_start3A_3064 = tpu.memref_slice %arg11[%arg0, %mul3A_1895, %mul3A_1937, %select_n3A_1953, %dma_start3A_3063] : memref<4x96x96x8x12xi32, #tpu.memory_space<any>> -> memref<1x12x12x1x12xi32, #tpu.memory_space<any>>
      %dma_start3A_3065 = tpu.memref_squeeze %dma_start3A_3064 : memref<1x12x12x1x12xi32, #tpu.memory_space<any>> -> memref<12x12x12xi32, #tpu.memory_space<any>>
      %dma_start3A_3066 = arith.constant 0 : i32
      %dma_start3A_3067 = tpu.memref_slice %arg6[%arg0, %mul3A_1979, %mul3A_2021, %select_n3A_2037, %dma_start3A_3066] : memref<4x96x96x8x12xi32, #tpu.memory_space<any>> -> memref<1x12x12x1x12xi32, #tpu.memory_space<any>>
      %dma_start3A_3068 = tpu.memref_squeeze %dma_start3A_3067 : memref<1x12x12x1x12xi32, #tpu.memory_space<any>> -> memref<12x12x12xi32, #tpu.memory_space<any>>
      tpu.enqueue_dma source(%dma_start3A_3068 : memref<12x12x12xi32, #tpu.memory_space<any>>) target(%dma_start3A_3065 : memref<12x12x12xi32, #tpu.memory_space<any>>) target_semaphore(%arg14 : memref<!tpu.dma_semaphore, #tpu.memory_space<semaphore_mem>>)
      %dma_start3A_3069 = arith.constant 0 : i32
      %dma_start3A_3070 = tpu.memref_slice %arg12[%arg0, %mul3A_1895, %mul3A_1937, %select_n3A_1953, %dma_start3A_3069] : memref<4x96x96x8x12xf32, #tpu.memory_space<any>> -> memref<1x12x12x1x12xf32, #tpu.memory_space<any>>
      %dma_start3A_3071 = tpu.memref_squeeze %dma_start3A_3070 : memref<1x12x12x1x12xf32, #tpu.memory_space<any>> -> memref<12x12x12xf32, #tpu.memory_space<any>>
      %dma_start3A_3072 = arith.constant 0 : i32
      %dma_start3A_3073 = tpu.memref_slice %arg8[%arg0, %mul3A_1979, %mul3A_2021, %select_n3A_2037, %dma_start3A_3072] : memref<4x96x96x8x12xf32, #tpu.memory_space<any>> -> memref<1x12x12x1x12xf32, #tpu.memory_space<any>>
      %dma_start3A_3074 = tpu.memref_squeeze %dma_start3A_3073 : memref<1x12x12x1x12xf32, #tpu.memory_space<any>> -> memref<12x12x12xf32, #tpu.memory_space<any>>
      tpu.enqueue_dma source(%dma_start3A_3074 : memref<12x12x12xf32, #tpu.memory_space<any>>) target(%dma_start3A_3071 : memref<12x12x12xf32, #tpu.memory_space<any>>) target_semaphore(%arg15 : memref<!tpu.dma_semaphore, #tpu.memory_space<semaphore_mem>>)
    } else {
    }
    %gt3A_2043 = arith.constant 11 : i32
    %gt3A_2044 = arith.cmpi sgt, %get3A_0, %gt3A_2043 : i32
    %mul3A_2045 = arith.constant 16 : i32
    %mul3A_2046 = arith.muli %arg0, %mul3A_2045 : i32
    %add3A_2047 = arith.constant 11 : i32
    %add3A_2048 = arith.addi %mul3A_2046, %add3A_2047 : i32
    %get3A_2049 = arith.index_cast %add3A_2048 : i32 to index
    %get3A_2050 = memref.load %arg1[%get3A_2049] : memref<64xi32, #tpu.memory_space<smem>>
    %mul3A_2051 = arith.constant 16 : i32
    %mul3A_2052 = arith.muli %arg0, %mul3A_2051 : i32
    %add3A_2053 = arith.constant 11 : i32
    %add3A_2054 = arith.addi %mul3A_2052, %add3A_2053 : i32
    %get3A_2055 = arith.index_cast %add3A_2054 : i32 to index
    %get3A_2056 = memref.load %arg2[%get3A_2055] : memref<64xi32, #tpu.memory_space<smem>>
    %jit3A_2057 = arith.constant 64 : i32
    %div3A_2058 = arith.divsi %get3A_2050, %jit3A_2057 : i32
    %sign3A_2059 = arith.constant 0 : i32
    %sign3A_2060 = arith.cmpi sgt, %get3A_2050, %sign3A_2059 : i32
    %sign3A_2061 = arith.extui %sign3A_2060 : i1 to i32
    %sign3A_2062 = arith.constant 0 : i32
    %sign3A_2063 = arith.cmpi slt, %get3A_2050, %sign3A_2062 : i32
    %sign3A_2064 = arith.extui %sign3A_2063 : i1 to i32
    %sign3A_2065 = arith.subi %sign3A_2061, %sign3A_2064 : i32
    %sign3A_2066 = arith.constant 0 : i32
    %sign3A_2067 = arith.cmpi sgt, %jit3A_2057, %sign3A_2066 : i32
    %sign3A_2068 = arith.extui %sign3A_2067 : i1 to i32
    %sign3A_2069 = arith.constant 0 : i32
    %sign3A_2070 = arith.cmpi slt, %jit3A_2057, %sign3A_2069 : i32
    %sign3A_2071 = arith.extui %sign3A_2070 : i1 to i32
    %sign3A_2072 = arith.subi %sign3A_2068, %sign3A_2071 : i32
    %ne3A_2073 = arith.cmpi ne, %sign3A_2065, %sign3A_2072 : i32
    %rem3A_2074 = arith.remsi %get3A_2050, %jit3A_2057 : i32
    %ne3A_2075 = arith.constant 0 : i32
    %ne3A_2076 = arith.cmpi ne, %rem3A_2074, %ne3A_2075 : i32
    %and3A_2077 = arith.andi %ne3A_2073, %ne3A_2076 : i1
    %sub3A_2078 = arith.constant 1 : i32
    %sub3A_2079 = arith.subi %div3A_2058, %sub3A_2078 : i32
    %select_n3A_2080 = arith.select %and3A_2077, %sub3A_2079, %div3A_2058 : i32
    %mul3A_2081 = arith.constant 12 : i32
    %mul3A_2082 = arith.muli %select_n3A_2080, %mul3A_2081 : i32
    %jit3A_2083 = arith.constant 8 : i32
    %div3A_2084 = arith.divsi %get3A_2050, %jit3A_2083 : i32
    %sign3A_2085 = arith.constant 0 : i32
    %sign3A_2086 = arith.cmpi sgt, %get3A_2050, %sign3A_2085 : i32
    %sign3A_2087 = arith.extui %sign3A_2086 : i1 to i32
    %sign3A_2088 = arith.constant 0 : i32
    %sign3A_2089 = arith.cmpi slt, %get3A_2050, %sign3A_2088 : i32
    %sign3A_2090 = arith.extui %sign3A_2089 : i1 to i32
    %sign3A_2091 = arith.subi %sign3A_2087, %sign3A_2090 : i32
    %sign3A_2092 = arith.constant 0 : i32
    %sign3A_2093 = arith.cmpi sgt, %jit3A_2083, %sign3A_2092 : i32
    %sign3A_2094 = arith.extui %sign3A_2093 : i1 to i32
    %sign3A_2095 = arith.constant 0 : i32
    %sign3A_2096 = arith.cmpi slt, %jit3A_2083, %sign3A_2095 : i32
    %sign3A_2097 = arith.extui %sign3A_2096 : i1 to i32
    %sign3A_2098 = arith.subi %sign3A_2094, %sign3A_2097 : i32
    %ne3A_2099 = arith.cmpi ne, %sign3A_2091, %sign3A_2098 : i32
    %rem3A_2100 = arith.remsi %get3A_2050, %jit3A_2083 : i32
    %ne3A_2101 = arith.constant 0 : i32
    %ne3A_2102 = arith.cmpi ne, %rem3A_2100, %ne3A_2101 : i32
    %and3A_2103 = arith.andi %ne3A_2099, %ne3A_2102 : i1
    %sub3A_2104 = arith.constant 1 : i32
    %sub3A_2105 = arith.subi %div3A_2084, %sub3A_2104 : i32
    %select_n3A_2106 = arith.select %and3A_2103, %sub3A_2105, %div3A_2084 : i32
    %jit3A_2107 = arith.constant 8 : i32
    %eq3A_2108 = arith.constant 0 : i32
    %eq3A_2109 = arith.cmpi eq, %jit3A_2107, %eq3A_2108 : i32
    %jit3A_2110 = arith.constant 1 : i32
    %select_n3A_2111 = arith.select %eq3A_2109, %jit3A_2110, %jit3A_2107 : i32
    %rem3A_2112 = arith.remsi %select_n3A_2106, %select_n3A_2111 : i32
    %ne3A_2113 = arith.constant 0 : i32
    %ne3A_2114 = arith.cmpi ne, %rem3A_2112, %ne3A_2113 : i32
    %lt3A_2115 = arith.constant 0 : i32
    %lt3A_2116 = arith.cmpi slt, %rem3A_2112, %lt3A_2115 : i32
    %lt3A_2117 = arith.constant 0 : i32
    %lt3A_2118 = arith.cmpi slt, %select_n3A_2111, %lt3A_2117 : i32
    %ne3A_2119 = arith.xori %lt3A_2116, %lt3A_2118 : i1
    %and3A_2120 = arith.andi %ne3A_2119, %ne3A_2114 : i1
    %add3A_2121 = arith.addi %rem3A_2112, %select_n3A_2111 : i32
    %select_n3A_2122 = arith.select %and3A_2120, %add3A_2121, %rem3A_2112 : i32
    %mul3A_2123 = arith.constant 12 : i32
    %mul3A_2124 = arith.muli %select_n3A_2122, %mul3A_2123 : i32
    %jit3A_2125 = arith.constant 8 : i32
    %eq3A_2126 = arith.constant 0 : i32
    %eq3A_2127 = arith.cmpi eq, %jit3A_2125, %eq3A_2126 : i32
    %jit3A_2128 = arith.constant 1 : i32
    %select_n3A_2129 = arith.select %eq3A_2127, %jit3A_2128, %jit3A_2125 : i32
    %rem3A_2130 = arith.remsi %get3A_2050, %select_n3A_2129 : i32
    %ne3A_2131 = arith.constant 0 : i32
    %ne3A_2132 = arith.cmpi ne, %rem3A_2130, %ne3A_2131 : i32
    %lt3A_2133 = arith.constant 0 : i32
    %lt3A_2134 = arith.cmpi slt, %rem3A_2130, %lt3A_2133 : i32
    %lt3A_2135 = arith.constant 0 : i32
    %lt3A_2136 = arith.cmpi slt, %select_n3A_2129, %lt3A_2135 : i32
    %ne3A_2137 = arith.xori %lt3A_2134, %lt3A_2136 : i1
    %and3A_2138 = arith.andi %ne3A_2137, %ne3A_2132 : i1
    %add3A_2139 = arith.addi %rem3A_2130, %select_n3A_2129 : i32
    %select_n3A_2140 = arith.select %and3A_2138, %add3A_2139, %rem3A_2130 : i32
    %jit3A_2141 = arith.constant 64 : i32
    %div3A_2142 = arith.divsi %get3A_2056, %jit3A_2141 : i32
    %sign3A_2143 = arith.constant 0 : i32
    %sign3A_2144 = arith.cmpi sgt, %get3A_2056, %sign3A_2143 : i32
    %sign3A_2145 = arith.extui %sign3A_2144 : i1 to i32
    %sign3A_2146 = arith.constant 0 : i32
    %sign3A_2147 = arith.cmpi slt, %get3A_2056, %sign3A_2146 : i32
    %sign3A_2148 = arith.extui %sign3A_2147 : i1 to i32
    %sign3A_2149 = arith.subi %sign3A_2145, %sign3A_2148 : i32
    %sign3A_2150 = arith.constant 0 : i32
    %sign3A_2151 = arith.cmpi sgt, %jit3A_2141, %sign3A_2150 : i32
    %sign3A_2152 = arith.extui %sign3A_2151 : i1 to i32
    %sign3A_2153 = arith.constant 0 : i32
    %sign3A_2154 = arith.cmpi slt, %jit3A_2141, %sign3A_2153 : i32
    %sign3A_2155 = arith.extui %sign3A_2154 : i1 to i32
    %sign3A_2156 = arith.subi %sign3A_2152, %sign3A_2155 : i32
    %ne3A_2157 = arith.cmpi ne, %sign3A_2149, %sign3A_2156 : i32
    %rem3A_2158 = arith.remsi %get3A_2056, %jit3A_2141 : i32
    %ne3A_2159 = arith.constant 0 : i32
    %ne3A_2160 = arith.cmpi ne, %rem3A_2158, %ne3A_2159 : i32
    %and3A_2161 = arith.andi %ne3A_2157, %ne3A_2160 : i1
    %sub3A_2162 = arith.constant 1 : i32
    %sub3A_2163 = arith.subi %div3A_2142, %sub3A_2162 : i32
    %select_n3A_2164 = arith.select %and3A_2161, %sub3A_2163, %div3A_2142 : i32
    %mul3A_2165 = arith.constant 12 : i32
    %mul3A_2166 = arith.muli %select_n3A_2164, %mul3A_2165 : i32
    %jit3A_2167 = arith.constant 8 : i32
    %div3A_2168 = arith.divsi %get3A_2056, %jit3A_2167 : i32
    %sign3A_2169 = arith.constant 0 : i32
    %sign3A_2170 = arith.cmpi sgt, %get3A_2056, %sign3A_2169 : i32
    %sign3A_2171 = arith.extui %sign3A_2170 : i1 to i32
    %sign3A_2172 = arith.constant 0 : i32
    %sign3A_2173 = arith.cmpi slt, %get3A_2056, %sign3A_2172 : i32
    %sign3A_2174 = arith.extui %sign3A_2173 : i1 to i32
    %sign3A_2175 = arith.subi %sign3A_2171, %sign3A_2174 : i32
    %sign3A_2176 = arith.constant 0 : i32
    %sign3A_2177 = arith.cmpi sgt, %jit3A_2167, %sign3A_2176 : i32
    %sign3A_2178 = arith.extui %sign3A_2177 : i1 to i32
    %sign3A_2179 = arith.constant 0 : i32
    %sign3A_2180 = arith.cmpi slt, %jit3A_2167, %sign3A_2179 : i32
    %sign3A_2181 = arith.extui %sign3A_2180 : i1 to i32
    %sign3A_2182 = arith.subi %sign3A_2178, %sign3A_2181 : i32
    %ne3A_2183 = arith.cmpi ne, %sign3A_2175, %sign3A_2182 : i32
    %rem3A_2184 = arith.remsi %get3A_2056, %jit3A_2167 : i32
    %ne3A_2185 = arith.constant 0 : i32
    %ne3A_2186 = arith.cmpi ne, %rem3A_2184, %ne3A_2185 : i32
    %and3A_2187 = arith.andi %ne3A_2183, %ne3A_2186 : i1
    %sub3A_2188 = arith.constant 1 : i32
    %sub3A_2189 = arith.subi %div3A_2168, %sub3A_2188 : i32
    %select_n3A_2190 = arith.select %and3A_2187, %sub3A_2189, %div3A_2168 : i32
    %jit3A_2191 = arith.constant 8 : i32
    %eq3A_2192 = arith.constant 0 : i32
    %eq3A_2193 = arith.cmpi eq, %jit3A_2191, %eq3A_2192 : i32
    %jit3A_2194 = arith.constant 1 : i32
    %select_n3A_2195 = arith.select %eq3A_2193, %jit3A_2194, %jit3A_2191 : i32
    %rem3A_2196 = arith.remsi %select_n3A_2190, %select_n3A_2195 : i32
    %ne3A_2197 = arith.constant 0 : i32
    %ne3A_2198 = arith.cmpi ne, %rem3A_2196, %ne3A_2197 : i32
    %lt3A_2199 = arith.constant 0 : i32
    %lt3A_2200 = arith.cmpi slt, %rem3A_2196, %lt3A_2199 : i32
    %lt3A_2201 = arith.constant 0 : i32
    %lt3A_2202 = arith.cmpi slt, %select_n3A_2195, %lt3A_2201 : i32
    %ne3A_2203 = arith.xori %lt3A_2200, %lt3A_2202 : i1
    %and3A_2204 = arith.andi %ne3A_2203, %ne3A_2198 : i1
    %add3A_2205 = arith.addi %rem3A_2196, %select_n3A_2195 : i32
    %select_n3A_2206 = arith.select %and3A_2204, %add3A_2205, %rem3A_2196 : i32
    %mul3A_2207 = arith.constant 12 : i32
    %mul3A_2208 = arith.muli %select_n3A_2206, %mul3A_2207 : i32
    %jit3A_2209 = arith.constant 8 : i32
    %eq3A_2210 = arith.constant 0 : i32
    %eq3A_2211 = arith.cmpi eq, %jit3A_2209, %eq3A_2210 : i32
    %jit3A_2212 = arith.constant 1 : i32
    %select_n3A_2213 = arith.select %eq3A_2211, %jit3A_2212, %jit3A_2209 : i32
    %rem3A_2214 = arith.remsi %get3A_2056, %select_n3A_2213 : i32
    %ne3A_2215 = arith.constant 0 : i32
    %ne3A_2216 = arith.cmpi ne, %rem3A_2214, %ne3A_2215 : i32
    %lt3A_2217 = arith.constant 0 : i32
    %lt3A_2218 = arith.cmpi slt, %rem3A_2214, %lt3A_2217 : i32
    %lt3A_2219 = arith.constant 0 : i32
    %lt3A_2220 = arith.cmpi slt, %select_n3A_2213, %lt3A_2219 : i32
    %ne3A_2221 = arith.xori %lt3A_2218, %lt3A_2220 : i1
    %and3A_2222 = arith.andi %ne3A_2221, %ne3A_2216 : i1
    %add3A_2223 = arith.addi %rem3A_2214, %select_n3A_2213 : i32
    %select_n3A_2224 = arith.select %and3A_2222, %add3A_2223, %rem3A_2214 : i32
    %convert_element_type3A_2225 = arith.extui %gt3A_2044 : i1 to i32
    %cond3A_2226 = arith.constant 0 : i32
    %cond3A_2227 = arith.constant 0 : i32
    %cond3A_2228 = arith.constant 0 : i32
    %cond3A_2229 = arith.cmpi ne, %convert_element_type3A_2225, %cond3A_2228 : i32
    scf.if %cond3A_2229 {
      %dma_start3A = arith.constant 0 : i32
      %dma_start3A_3058 = tpu.memref_slice %arg10[%arg0, %cond3A_2227, %mul3A_2082, %mul3A_2124, %select_n3A_2140, %dma_start3A] : memref<4x1x96x96x8x12xf32, #tpu.memory_space<any>> -> memref<1x1x12x12x1x12xf32, #tpu.memory_space<any>>
      %dma_start3A_3059 = tpu.memref_squeeze %dma_start3A_3058 : memref<1x1x12x12x1x12xf32, #tpu.memory_space<any>> -> memref<12x12x12xf32, #tpu.memory_space<any>>
      %dma_start3A_3060 = arith.constant 0 : i32
      %dma_start3A_3061 = tpu.memref_slice %arg4[%arg0, %cond3A_2226, %mul3A_2166, %mul3A_2208, %select_n3A_2224, %dma_start3A_3060] : memref<4x1x96x96x8x12xf32, #tpu.memory_space<any>> -> memref<1x1x12x12x1x12xf32, #tpu.memory_space<any>>
      %dma_start3A_3062 = tpu.memref_squeeze %dma_start3A_3061 : memref<1x1x12x12x1x12xf32, #tpu.memory_space<any>> -> memref<12x12x12xf32, #tpu.memory_space<any>>
      tpu.enqueue_dma source(%dma_start3A_3062 : memref<12x12x12xf32, #tpu.memory_space<any>>) target(%dma_start3A_3059 : memref<12x12x12xf32, #tpu.memory_space<any>>) target_semaphore(%arg13 : memref<!tpu.dma_semaphore, #tpu.memory_space<semaphore_mem>>)
      %dma_start3A_3063 = arith.constant 0 : i32
      %dma_start3A_3064 = tpu.memref_slice %arg11[%arg0, %mul3A_2082, %mul3A_2124, %select_n3A_2140, %dma_start3A_3063] : memref<4x96x96x8x12xi32, #tpu.memory_space<any>> -> memref<1x12x12x1x12xi32, #tpu.memory_space<any>>
      %dma_start3A_3065 = tpu.memref_squeeze %dma_start3A_3064 : memref<1x12x12x1x12xi32, #tpu.memory_space<any>> -> memref<12x12x12xi32, #tpu.memory_space<any>>
      %dma_start3A_3066 = arith.constant 0 : i32
      %dma_start3A_3067 = tpu.memref_slice %arg6[%arg0, %mul3A_2166, %mul3A_2208, %select_n3A_2224, %dma_start3A_3066] : memref<4x96x96x8x12xi32, #tpu.memory_space<any>> -> memref<1x12x12x1x12xi32, #tpu.memory_space<any>>
      %dma_start3A_3068 = tpu.memref_squeeze %dma_start3A_3067 : memref<1x12x12x1x12xi32, #tpu.memory_space<any>> -> memref<12x12x12xi32, #tpu.memory_space<any>>
      tpu.enqueue_dma source(%dma_start3A_3068 : memref<12x12x12xi32, #tpu.memory_space<any>>) target(%dma_start3A_3065 : memref<12x12x12xi32, #tpu.memory_space<any>>) target_semaphore(%arg14 : memref<!tpu.dma_semaphore, #tpu.memory_space<semaphore_mem>>)
      %dma_start3A_3069 = arith.constant 0 : i32
      %dma_start3A_3070 = tpu.memref_slice %arg12[%arg0, %mul3A_2082, %mul3A_2124, %select_n3A_2140, %dma_start3A_3069] : memref<4x96x96x8x12xf32, #tpu.memory_space<any>> -> memref<1x12x12x1x12xf32, #tpu.memory_space<any>>
      %dma_start3A_3071 = tpu.memref_squeeze %dma_start3A_3070 : memref<1x12x12x1x12xf32, #tpu.memory_space<any>> -> memref<12x12x12xf32, #tpu.memory_space<any>>
      %dma_start3A_3072 = arith.constant 0 : i32
      %dma_start3A_3073 = tpu.memref_slice %arg8[%arg0, %mul3A_2166, %mul3A_2208, %select_n3A_2224, %dma_start3A_3072] : memref<4x96x96x8x12xf32, #tpu.memory_space<any>> -> memref<1x12x12x1x12xf32, #tpu.memory_space<any>>
      %dma_start3A_3074 = tpu.memref_squeeze %dma_start3A_3073 : memref<1x12x12x1x12xf32, #tpu.memory_space<any>> -> memref<12x12x12xf32, #tpu.memory_space<any>>
      tpu.enqueue_dma source(%dma_start3A_3074 : memref<12x12x12xf32, #tpu.memory_space<any>>) target(%dma_start3A_3071 : memref<12x12x12xf32, #tpu.memory_space<any>>) target_semaphore(%arg15 : memref<!tpu.dma_semaphore, #tpu.memory_space<semaphore_mem>>)
    } else {
    }
    %gt3A_2230 = arith.constant 12 : i32
    %gt3A_2231 = arith.cmpi sgt, %get3A_0, %gt3A_2230 : i32
    %mul3A_2232 = arith.constant 16 : i32
    %mul3A_2233 = arith.muli %arg0, %mul3A_2232 : i32
    %add3A_2234 = arith.constant 12 : i32
    %add3A_2235 = arith.addi %mul3A_2233, %add3A_2234 : i32
    %get3A_2236 = arith.index_cast %add3A_2235 : i32 to index
    %get3A_2237 = memref.load %arg1[%get3A_2236] : memref<64xi32, #tpu.memory_space<smem>>
    %mul3A_2238 = arith.constant 16 : i32
    %mul3A_2239 = arith.muli %arg0, %mul3A_2238 : i32
    %add3A_2240 = arith.constant 12 : i32
    %add3A_2241 = arith.addi %mul3A_2239, %add3A_2240 : i32
    %get3A_2242 = arith.index_cast %add3A_2241 : i32 to index
    %get3A_2243 = memref.load %arg2[%get3A_2242] : memref<64xi32, #tpu.memory_space<smem>>
    %jit3A_2244 = arith.constant 64 : i32
    %div3A_2245 = arith.divsi %get3A_2237, %jit3A_2244 : i32
    %sign3A_2246 = arith.constant 0 : i32
    %sign3A_2247 = arith.cmpi sgt, %get3A_2237, %sign3A_2246 : i32
    %sign3A_2248 = arith.extui %sign3A_2247 : i1 to i32
    %sign3A_2249 = arith.constant 0 : i32
    %sign3A_2250 = arith.cmpi slt, %get3A_2237, %sign3A_2249 : i32
    %sign3A_2251 = arith.extui %sign3A_2250 : i1 to i32
    %sign3A_2252 = arith.subi %sign3A_2248, %sign3A_2251 : i32
    %sign3A_2253 = arith.constant 0 : i32
    %sign3A_2254 = arith.cmpi sgt, %jit3A_2244, %sign3A_2253 : i32
    %sign3A_2255 = arith.extui %sign3A_2254 : i1 to i32
    %sign3A_2256 = arith.constant 0 : i32
    %sign3A_2257 = arith.cmpi slt, %jit3A_2244, %sign3A_2256 : i32
    %sign3A_2258 = arith.extui %sign3A_2257 : i1 to i32
    %sign3A_2259 = arith.subi %sign3A_2255, %sign3A_2258 : i32
    %ne3A_2260 = arith.cmpi ne, %sign3A_2252, %sign3A_2259 : i32
    %rem3A_2261 = arith.remsi %get3A_2237, %jit3A_2244 : i32
    %ne3A_2262 = arith.constant 0 : i32
    %ne3A_2263 = arith.cmpi ne, %rem3A_2261, %ne3A_2262 : i32
    %and3A_2264 = arith.andi %ne3A_2260, %ne3A_2263 : i1
    %sub3A_2265 = arith.constant 1 : i32
    %sub3A_2266 = arith.subi %div3A_2245, %sub3A_2265 : i32
    %select_n3A_2267 = arith.select %and3A_2264, %sub3A_2266, %div3A_2245 : i32
    %mul3A_2268 = arith.constant 12 : i32
    %mul3A_2269 = arith.muli %select_n3A_2267, %mul3A_2268 : i32
    %jit3A_2270 = arith.constant 8 : i32
    %div3A_2271 = arith.divsi %get3A_2237, %jit3A_2270 : i32
    %sign3A_2272 = arith.constant 0 : i32
    %sign3A_2273 = arith.cmpi sgt, %get3A_2237, %sign3A_2272 : i32
    %sign3A_2274 = arith.extui %sign3A_2273 : i1 to i32
    %sign3A_2275 = arith.constant 0 : i32
    %sign3A_2276 = arith.cmpi slt, %get3A_2237, %sign3A_2275 : i32
    %sign3A_2277 = arith.extui %sign3A_2276 : i1 to i32
    %sign3A_2278 = arith.subi %sign3A_2274, %sign3A_2277 : i32
    %sign3A_2279 = arith.constant 0 : i32
    %sign3A_2280 = arith.cmpi sgt, %jit3A_2270, %sign3A_2279 : i32
    %sign3A_2281 = arith.extui %sign3A_2280 : i1 to i32
    %sign3A_2282 = arith.constant 0 : i32
    %sign3A_2283 = arith.cmpi slt, %jit3A_2270, %sign3A_2282 : i32
    %sign3A_2284 = arith.extui %sign3A_2283 : i1 to i32
    %sign3A_2285 = arith.subi %sign3A_2281, %sign3A_2284 : i32
    %ne3A_2286 = arith.cmpi ne, %sign3A_2278, %sign3A_2285 : i32
    %rem3A_2287 = arith.remsi %get3A_2237, %jit3A_2270 : i32
    %ne3A_2288 = arith.constant 0 : i32
    %ne3A_2289 = arith.cmpi ne, %rem3A_2287, %ne3A_2288 : i32
    %and3A_2290 = arith.andi %ne3A_2286, %ne3A_2289 : i1
    %sub3A_2291 = arith.constant 1 : i32
    %sub3A_2292 = arith.subi %div3A_2271, %sub3A_2291 : i32
    %select_n3A_2293 = arith.select %and3A_2290, %sub3A_2292, %div3A_2271 : i32
    %jit3A_2294 = arith.constant 8 : i32
    %eq3A_2295 = arith.constant 0 : i32
    %eq3A_2296 = arith.cmpi eq, %jit3A_2294, %eq3A_2295 : i32
    %jit3A_2297 = arith.constant 1 : i32
    %select_n3A_2298 = arith.select %eq3A_2296, %jit3A_2297, %jit3A_2294 : i32
    %rem3A_2299 = arith.remsi %select_n3A_2293, %select_n3A_2298 : i32
    %ne3A_2300 = arith.constant 0 : i32
    %ne3A_2301 = arith.cmpi ne, %rem3A_2299, %ne3A_2300 : i32
    %lt3A_2302 = arith.constant 0 : i32
    %lt3A_2303 = arith.cmpi slt, %rem3A_2299, %lt3A_2302 : i32
    %lt3A_2304 = arith.constant 0 : i32
    %lt3A_2305 = arith.cmpi slt, %select_n3A_2298, %lt3A_2304 : i32
    %ne3A_2306 = arith.xori %lt3A_2303, %lt3A_2305 : i1
    %and3A_2307 = arith.andi %ne3A_2306, %ne3A_2301 : i1
    %add3A_2308 = arith.addi %rem3A_2299, %select_n3A_2298 : i32
    %select_n3A_2309 = arith.select %and3A_2307, %add3A_2308, %rem3A_2299 : i32
    %mul3A_2310 = arith.constant 12 : i32
    %mul3A_2311 = arith.muli %select_n3A_2309, %mul3A_2310 : i32
    %jit3A_2312 = arith.constant 8 : i32
    %eq3A_2313 = arith.constant 0 : i32
    %eq3A_2314 = arith.cmpi eq, %jit3A_2312, %eq3A_2313 : i32
    %jit3A_2315 = arith.constant 1 : i32
    %select_n3A_2316 = arith.select %eq3A_2314, %jit3A_2315, %jit3A_2312 : i32
    %rem3A_2317 = arith.remsi %get3A_2237, %select_n3A_2316 : i32
    %ne3A_2318 = arith.constant 0 : i32
    %ne3A_2319 = arith.cmpi ne, %rem3A_2317, %ne3A_2318 : i32
    %lt3A_2320 = arith.constant 0 : i32
    %lt3A_2321 = arith.cmpi slt, %rem3A_2317, %lt3A_2320 : i32
    %lt3A_2322 = arith.constant 0 : i32
    %lt3A_2323 = arith.cmpi slt, %select_n3A_2316, %lt3A_2322 : i32
    %ne3A_2324 = arith.xori %lt3A_2321, %lt3A_2323 : i1
    %and3A_2325 = arith.andi %ne3A_2324, %ne3A_2319 : i1
    %add3A_2326 = arith.addi %rem3A_2317, %select_n3A_2316 : i32
    %select_n3A_2327 = arith.select %and3A_2325, %add3A_2326, %rem3A_2317 : i32
    %jit3A_2328 = arith.constant 64 : i32
    %div3A_2329 = arith.divsi %get3A_2243, %jit3A_2328 : i32
    %sign3A_2330 = arith.constant 0 : i32
    %sign3A_2331 = arith.cmpi sgt, %get3A_2243, %sign3A_2330 : i32
    %sign3A_2332 = arith.extui %sign3A_2331 : i1 to i32
    %sign3A_2333 = arith.constant 0 : i32
    %sign3A_2334 = arith.cmpi slt, %get3A_2243, %sign3A_2333 : i32
    %sign3A_2335 = arith.extui %sign3A_2334 : i1 to i32
    %sign3A_2336 = arith.subi %sign3A_2332, %sign3A_2335 : i32
    %sign3A_2337 = arith.constant 0 : i32
    %sign3A_2338 = arith.cmpi sgt, %jit3A_2328, %sign3A_2337 : i32
    %sign3A_2339 = arith.extui %sign3A_2338 : i1 to i32
    %sign3A_2340 = arith.constant 0 : i32
    %sign3A_2341 = arith.cmpi slt, %jit3A_2328, %sign3A_2340 : i32
    %sign3A_2342 = arith.extui %sign3A_2341 : i1 to i32
    %sign3A_2343 = arith.subi %sign3A_2339, %sign3A_2342 : i32
    %ne3A_2344 = arith.cmpi ne, %sign3A_2336, %sign3A_2343 : i32
    %rem3A_2345 = arith.remsi %get3A_2243, %jit3A_2328 : i32
    %ne3A_2346 = arith.constant 0 : i32
    %ne3A_2347 = arith.cmpi ne, %rem3A_2345, %ne3A_2346 : i32
    %and3A_2348 = arith.andi %ne3A_2344, %ne3A_2347 : i1
    %sub3A_2349 = arith.constant 1 : i32
    %sub3A_2350 = arith.subi %div3A_2329, %sub3A_2349 : i32
    %select_n3A_2351 = arith.select %and3A_2348, %sub3A_2350, %div3A_2329 : i32
    %mul3A_2352 = arith.constant 12 : i32
    %mul3A_2353 = arith.muli %select_n3A_2351, %mul3A_2352 : i32
    %jit3A_2354 = arith.constant 8 : i32
    %div3A_2355 = arith.divsi %get3A_2243, %jit3A_2354 : i32
    %sign3A_2356 = arith.constant 0 : i32
    %sign3A_2357 = arith.cmpi sgt, %get3A_2243, %sign3A_2356 : i32
    %sign3A_2358 = arith.extui %sign3A_2357 : i1 to i32
    %sign3A_2359 = arith.constant 0 : i32
    %sign3A_2360 = arith.cmpi slt, %get3A_2243, %sign3A_2359 : i32
    %sign3A_2361 = arith.extui %sign3A_2360 : i1 to i32
    %sign3A_2362 = arith.subi %sign3A_2358, %sign3A_2361 : i32
    %sign3A_2363 = arith.constant 0 : i32
    %sign3A_2364 = arith.cmpi sgt, %jit3A_2354, %sign3A_2363 : i32
    %sign3A_2365 = arith.extui %sign3A_2364 : i1 to i32
    %sign3A_2366 = arith.constant 0 : i32
    %sign3A_2367 = arith.cmpi slt, %jit3A_2354, %sign3A_2366 : i32
    %sign3A_2368 = arith.extui %sign3A_2367 : i1 to i32
    %sign3A_2369 = arith.subi %sign3A_2365, %sign3A_2368 : i32
    %ne3A_2370 = arith.cmpi ne, %sign3A_2362, %sign3A_2369 : i32
    %rem3A_2371 = arith.remsi %get3A_2243, %jit3A_2354 : i32
    %ne3A_2372 = arith.constant 0 : i32
    %ne3A_2373 = arith.cmpi ne, %rem3A_2371, %ne3A_2372 : i32
    %and3A_2374 = arith.andi %ne3A_2370, %ne3A_2373 : i1
    %sub3A_2375 = arith.constant 1 : i32
    %sub3A_2376 = arith.subi %div3A_2355, %sub3A_2375 : i32
    %select_n3A_2377 = arith.select %and3A_2374, %sub3A_2376, %div3A_2355 : i32
    %jit3A_2378 = arith.constant 8 : i32
    %eq3A_2379 = arith.constant 0 : i32
    %eq3A_2380 = arith.cmpi eq, %jit3A_2378, %eq3A_2379 : i32
    %jit3A_2381 = arith.constant 1 : i32
    %select_n3A_2382 = arith.select %eq3A_2380, %jit3A_2381, %jit3A_2378 : i32
    %rem3A_2383 = arith.remsi %select_n3A_2377, %select_n3A_2382 : i32
    %ne3A_2384 = arith.constant 0 : i32
    %ne3A_2385 = arith.cmpi ne, %rem3A_2383, %ne3A_2384 : i32
    %lt3A_2386 = arith.constant 0 : i32
    %lt3A_2387 = arith.cmpi slt, %rem3A_2383, %lt3A_2386 : i32
    %lt3A_2388 = arith.constant 0 : i32
    %lt3A_2389 = arith.cmpi slt, %select_n3A_2382, %lt3A_2388 : i32
    %ne3A_2390 = arith.xori %lt3A_2387, %lt3A_2389 : i1
    %and3A_2391 = arith.andi %ne3A_2390, %ne3A_2385 : i1
    %add3A_2392 = arith.addi %rem3A_2383, %select_n3A_2382 : i32
    %select_n3A_2393 = arith.select %and3A_2391, %add3A_2392, %rem3A_2383 : i32
    %mul3A_2394 = arith.constant 12 : i32
    %mul3A_2395 = arith.muli %select_n3A_2393, %mul3A_2394 : i32
    %jit3A_2396 = arith.constant 8 : i32
    %eq3A_2397 = arith.constant 0 : i32
    %eq3A_2398 = arith.cmpi eq, %jit3A_2396, %eq3A_2397 : i32
    %jit3A_2399 = arith.constant 1 : i32
    %select_n3A_2400 = arith.select %eq3A_2398, %jit3A_2399, %jit3A_2396 : i32
    %rem3A_2401 = arith.remsi %get3A_2243, %select_n3A_2400 : i32
    %ne3A_2402 = arith.constant 0 : i32
    %ne3A_2403 = arith.cmpi ne, %rem3A_2401, %ne3A_2402 : i32
    %lt3A_2404 = arith.constant 0 : i32
    %lt3A_2405 = arith.cmpi slt, %rem3A_2401, %lt3A_2404 : i32
    %lt3A_2406 = arith.constant 0 : i32
    %lt3A_2407 = arith.cmpi slt, %select_n3A_2400, %lt3A_2406 : i32
    %ne3A_2408 = arith.xori %lt3A_2405, %lt3A_2407 : i1
    %and3A_2409 = arith.andi %ne3A_2408, %ne3A_2403 : i1
    %add3A_2410 = arith.addi %rem3A_2401, %select_n3A_2400 : i32
    %select_n3A_2411 = arith.select %and3A_2409, %add3A_2410, %rem3A_2401 : i32
    %convert_element_type3A_2412 = arith.extui %gt3A_2231 : i1 to i32
    %cond3A_2413 = arith.constant 0 : i32
    %cond3A_2414 = arith.constant 0 : i32
    %cond3A_2415 = arith.constant 0 : i32
    %cond3A_2416 = arith.cmpi ne, %convert_element_type3A_2412, %cond3A_2415 : i32
    scf.if %cond3A_2416 {
      %dma_start3A = arith.constant 0 : i32
      %dma_start3A_3058 = tpu.memref_slice %arg10[%arg0, %cond3A_2414, %mul3A_2269, %mul3A_2311, %select_n3A_2327, %dma_start3A] : memref<4x1x96x96x8x12xf32, #tpu.memory_space<any>> -> memref<1x1x12x12x1x12xf32, #tpu.memory_space<any>>
      %dma_start3A_3059 = tpu.memref_squeeze %dma_start3A_3058 : memref<1x1x12x12x1x12xf32, #tpu.memory_space<any>> -> memref<12x12x12xf32, #tpu.memory_space<any>>
      %dma_start3A_3060 = arith.constant 0 : i32
      %dma_start3A_3061 = tpu.memref_slice %arg4[%arg0, %cond3A_2413, %mul3A_2353, %mul3A_2395, %select_n3A_2411, %dma_start3A_3060] : memref<4x1x96x96x8x12xf32, #tpu.memory_space<any>> -> memref<1x1x12x12x1x12xf32, #tpu.memory_space<any>>
      %dma_start3A_3062 = tpu.memref_squeeze %dma_start3A_3061 : memref<1x1x12x12x1x12xf32, #tpu.memory_space<any>> -> memref<12x12x12xf32, #tpu.memory_space<any>>
      tpu.enqueue_dma source(%dma_start3A_3062 : memref<12x12x12xf32, #tpu.memory_space<any>>) target(%dma_start3A_3059 : memref<12x12x12xf32, #tpu.memory_space<any>>) target_semaphore(%arg13 : memref<!tpu.dma_semaphore, #tpu.memory_space<semaphore_mem>>)
      %dma_start3A_3063 = arith.constant 0 : i32
      %dma_start3A_3064 = tpu.memref_slice %arg11[%arg0, %mul3A_2269, %mul3A_2311, %select_n3A_2327, %dma_start3A_3063] : memref<4x96x96x8x12xi32, #tpu.memory_space<any>> -> memref<1x12x12x1x12xi32, #tpu.memory_space<any>>
      %dma_start3A_3065 = tpu.memref_squeeze %dma_start3A_3064 : memref<1x12x12x1x12xi32, #tpu.memory_space<any>> -> memref<12x12x12xi32, #tpu.memory_space<any>>
      %dma_start3A_3066 = arith.constant 0 : i32
      %dma_start3A_3067 = tpu.memref_slice %arg6[%arg0, %mul3A_2353, %mul3A_2395, %select_n3A_2411, %dma_start3A_3066] : memref<4x96x96x8x12xi32, #tpu.memory_space<any>> -> memref<1x12x12x1x12xi32, #tpu.memory_space<any>>
      %dma_start3A_3068 = tpu.memref_squeeze %dma_start3A_3067 : memref<1x12x12x1x12xi32, #tpu.memory_space<any>> -> memref<12x12x12xi32, #tpu.memory_space<any>>
      tpu.enqueue_dma source(%dma_start3A_3068 : memref<12x12x12xi32, #tpu.memory_space<any>>) target(%dma_start3A_3065 : memref<12x12x12xi32, #tpu.memory_space<any>>) target_semaphore(%arg14 : memref<!tpu.dma_semaphore, #tpu.memory_space<semaphore_mem>>)
      %dma_start3A_3069 = arith.constant 0 : i32
      %dma_start3A_3070 = tpu.memref_slice %arg12[%arg0, %mul3A_2269, %mul3A_2311, %select_n3A_2327, %dma_start3A_3069] : memref<4x96x96x8x12xf32, #tpu.memory_space<any>> -> memref<1x12x12x1x12xf32, #tpu.memory_space<any>>
      %dma_start3A_3071 = tpu.memref_squeeze %dma_start3A_3070 : memref<1x12x12x1x12xf32, #tpu.memory_space<any>> -> memref<12x12x12xf32, #tpu.memory_space<any>>
      %dma_start3A_3072 = arith.constant 0 : i32
      %dma_start3A_3073 = tpu.memref_slice %arg8[%arg0, %mul3A_2353, %mul3A_2395, %select_n3A_2411, %dma_start3A_3072] : memref<4x96x96x8x12xf32, #tpu.memory_space<any>> -> memref<1x12x12x1x12xf32, #tpu.memory_space<any>>
      %dma_start3A_3074 = tpu.memref_squeeze %dma_start3A_3073 : memref<1x12x12x1x12xf32, #tpu.memory_space<any>> -> memref<12x12x12xf32, #tpu.memory_space<any>>
      tpu.enqueue_dma source(%dma_start3A_3074 : memref<12x12x12xf32, #tpu.memory_space<any>>) target(%dma_start3A_3071 : memref<12x12x12xf32, #tpu.memory_space<any>>) target_semaphore(%arg15 : memref<!tpu.dma_semaphore, #tpu.memory_space<semaphore_mem>>)
    } else {
    }
    %gt3A_2417 = arith.constant 13 : i32
    %gt3A_2418 = arith.cmpi sgt, %get3A_0, %gt3A_2417 : i32
    %mul3A_2419 = arith.constant 16 : i32
    %mul3A_2420 = arith.muli %arg0, %mul3A_2419 : i32
    %add3A_2421 = arith.constant 13 : i32
    %add3A_2422 = arith.addi %mul3A_2420, %add3A_2421 : i32
    %get3A_2423 = arith.index_cast %add3A_2422 : i32 to index
    %get3A_2424 = memref.load %arg1[%get3A_2423] : memref<64xi32, #tpu.memory_space<smem>>
    %mul3A_2425 = arith.constant 16 : i32
    %mul3A_2426 = arith.muli %arg0, %mul3A_2425 : i32
    %add3A_2427 = arith.constant 13 : i32
    %add3A_2428 = arith.addi %mul3A_2426, %add3A_2427 : i32
    %get3A_2429 = arith.index_cast %add3A_2428 : i32 to index
    %get3A_2430 = memref.load %arg2[%get3A_2429] : memref<64xi32, #tpu.memory_space<smem>>
    %jit3A_2431 = arith.constant 64 : i32
    %div3A_2432 = arith.divsi %get3A_2424, %jit3A_2431 : i32
    %sign3A_2433 = arith.constant 0 : i32
    %sign3A_2434 = arith.cmpi sgt, %get3A_2424, %sign3A_2433 : i32
    %sign3A_2435 = arith.extui %sign3A_2434 : i1 to i32
    %sign3A_2436 = arith.constant 0 : i32
    %sign3A_2437 = arith.cmpi slt, %get3A_2424, %sign3A_2436 : i32
    %sign3A_2438 = arith.extui %sign3A_2437 : i1 to i32
    %sign3A_2439 = arith.subi %sign3A_2435, %sign3A_2438 : i32
    %sign3A_2440 = arith.constant 0 : i32
    %sign3A_2441 = arith.cmpi sgt, %jit3A_2431, %sign3A_2440 : i32
    %sign3A_2442 = arith.extui %sign3A_2441 : i1 to i32
    %sign3A_2443 = arith.constant 0 : i32
    %sign3A_2444 = arith.cmpi slt, %jit3A_2431, %sign3A_2443 : i32
    %sign3A_2445 = arith.extui %sign3A_2444 : i1 to i32
    %sign3A_2446 = arith.subi %sign3A_2442, %sign3A_2445 : i32
    %ne3A_2447 = arith.cmpi ne, %sign3A_2439, %sign3A_2446 : i32
    %rem3A_2448 = arith.remsi %get3A_2424, %jit3A_2431 : i32
    %ne3A_2449 = arith.constant 0 : i32
    %ne3A_2450 = arith.cmpi ne, %rem3A_2448, %ne3A_2449 : i32
    %and3A_2451 = arith.andi %ne3A_2447, %ne3A_2450 : i1
    %sub3A_2452 = arith.constant 1 : i32
    %sub3A_2453 = arith.subi %div3A_2432, %sub3A_2452 : i32
    %select_n3A_2454 = arith.select %and3A_2451, %sub3A_2453, %div3A_2432 : i32
    %mul3A_2455 = arith.constant 12 : i32
    %mul3A_2456 = arith.muli %select_n3A_2454, %mul3A_2455 : i32
    %jit3A_2457 = arith.constant 8 : i32
    %div3A_2458 = arith.divsi %get3A_2424, %jit3A_2457 : i32
    %sign3A_2459 = arith.constant 0 : i32
    %sign3A_2460 = arith.cmpi sgt, %get3A_2424, %sign3A_2459 : i32
    %sign3A_2461 = arith.extui %sign3A_2460 : i1 to i32
    %sign3A_2462 = arith.constant 0 : i32
    %sign3A_2463 = arith.cmpi slt, %get3A_2424, %sign3A_2462 : i32
    %sign3A_2464 = arith.extui %sign3A_2463 : i1 to i32
    %sign3A_2465 = arith.subi %sign3A_2461, %sign3A_2464 : i32
    %sign3A_2466 = arith.constant 0 : i32
    %sign3A_2467 = arith.cmpi sgt, %jit3A_2457, %sign3A_2466 : i32
    %sign3A_2468 = arith.extui %sign3A_2467 : i1 to i32
    %sign3A_2469 = arith.constant 0 : i32
    %sign3A_2470 = arith.cmpi slt, %jit3A_2457, %sign3A_2469 : i32
    %sign3A_2471 = arith.extui %sign3A_2470 : i1 to i32
    %sign3A_2472 = arith.subi %sign3A_2468, %sign3A_2471 : i32
    %ne3A_2473 = arith.cmpi ne, %sign3A_2465, %sign3A_2472 : i32
    %rem3A_2474 = arith.remsi %get3A_2424, %jit3A_2457 : i32
    %ne3A_2475 = arith.constant 0 : i32
    %ne3A_2476 = arith.cmpi ne, %rem3A_2474, %ne3A_2475 : i32
    %and3A_2477 = arith.andi %ne3A_2473, %ne3A_2476 : i1
    %sub3A_2478 = arith.constant 1 : i32
    %sub3A_2479 = arith.subi %div3A_2458, %sub3A_2478 : i32
    %select_n3A_2480 = arith.select %and3A_2477, %sub3A_2479, %div3A_2458 : i32
    %jit3A_2481 = arith.constant 8 : i32
    %eq3A_2482 = arith.constant 0 : i32
    %eq3A_2483 = arith.cmpi eq, %jit3A_2481, %eq3A_2482 : i32
    %jit3A_2484 = arith.constant 1 : i32
    %select_n3A_2485 = arith.select %eq3A_2483, %jit3A_2484, %jit3A_2481 : i32
    %rem3A_2486 = arith.remsi %select_n3A_2480, %select_n3A_2485 : i32
    %ne3A_2487 = arith.constant 0 : i32
    %ne3A_2488 = arith.cmpi ne, %rem3A_2486, %ne3A_2487 : i32
    %lt3A_2489 = arith.constant 0 : i32
    %lt3A_2490 = arith.cmpi slt, %rem3A_2486, %lt3A_2489 : i32
    %lt3A_2491 = arith.constant 0 : i32
    %lt3A_2492 = arith.cmpi slt, %select_n3A_2485, %lt3A_2491 : i32
    %ne3A_2493 = arith.xori %lt3A_2490, %lt3A_2492 : i1
    %and3A_2494 = arith.andi %ne3A_2493, %ne3A_2488 : i1
    %add3A_2495 = arith.addi %rem3A_2486, %select_n3A_2485 : i32
    %select_n3A_2496 = arith.select %and3A_2494, %add3A_2495, %rem3A_2486 : i32
    %mul3A_2497 = arith.constant 12 : i32
    %mul3A_2498 = arith.muli %select_n3A_2496, %mul3A_2497 : i32
    %jit3A_2499 = arith.constant 8 : i32
    %eq3A_2500 = arith.constant 0 : i32
    %eq3A_2501 = arith.cmpi eq, %jit3A_2499, %eq3A_2500 : i32
    %jit3A_2502 = arith.constant 1 : i32
    %select_n3A_2503 = arith.select %eq3A_2501, %jit3A_2502, %jit3A_2499 : i32
    %rem3A_2504 = arith.remsi %get3A_2424, %select_n3A_2503 : i32
    %ne3A_2505 = arith.constant 0 : i32
    %ne3A_2506 = arith.cmpi ne, %rem3A_2504, %ne3A_2505 : i32
    %lt3A_2507 = arith.constant 0 : i32
    %lt3A_2508 = arith.cmpi slt, %rem3A_2504, %lt3A_2507 : i32
    %lt3A_2509 = arith.constant 0 : i32
    %lt3A_2510 = arith.cmpi slt, %select_n3A_2503, %lt3A_2509 : i32
    %ne3A_2511 = arith.xori %lt3A_2508, %lt3A_2510 : i1
    %and3A_2512 = arith.andi %ne3A_2511, %ne3A_2506 : i1
    %add3A_2513 = arith.addi %rem3A_2504, %select_n3A_2503 : i32
    %select_n3A_2514 = arith.select %and3A_2512, %add3A_2513, %rem3A_2504 : i32
    %jit3A_2515 = arith.constant 64 : i32
    %div3A_2516 = arith.divsi %get3A_2430, %jit3A_2515 : i32
    %sign3A_2517 = arith.constant 0 : i32
    %sign3A_2518 = arith.cmpi sgt, %get3A_2430, %sign3A_2517 : i32
    %sign3A_2519 = arith.extui %sign3A_2518 : i1 to i32
    %sign3A_2520 = arith.constant 0 : i32
    %sign3A_2521 = arith.cmpi slt, %get3A_2430, %sign3A_2520 : i32
    %sign3A_2522 = arith.extui %sign3A_2521 : i1 to i32
    %sign3A_2523 = arith.subi %sign3A_2519, %sign3A_2522 : i32
    %sign3A_2524 = arith.constant 0 : i32
    %sign3A_2525 = arith.cmpi sgt, %jit3A_2515, %sign3A_2524 : i32
    %sign3A_2526 = arith.extui %sign3A_2525 : i1 to i32
    %sign3A_2527 = arith.constant 0 : i32
    %sign3A_2528 = arith.cmpi slt, %jit3A_2515, %sign3A_2527 : i32
    %sign3A_2529 = arith.extui %sign3A_2528 : i1 to i32
    %sign3A_2530 = arith.subi %sign3A_2526, %sign3A_2529 : i32
    %ne3A_2531 = arith.cmpi ne, %sign3A_2523, %sign3A_2530 : i32
    %rem3A_2532 = arith.remsi %get3A_2430, %jit3A_2515 : i32
    %ne3A_2533 = arith.constant 0 : i32
    %ne3A_2534 = arith.cmpi ne, %rem3A_2532, %ne3A_2533 : i32
    %and3A_2535 = arith.andi %ne3A_2531, %ne3A_2534 : i1
    %sub3A_2536 = arith.constant 1 : i32
    %sub3A_2537 = arith.subi %div3A_2516, %sub3A_2536 : i32
    %select_n3A_2538 = arith.select %and3A_2535, %sub3A_2537, %div3A_2516 : i32
    %mul3A_2539 = arith.constant 12 : i32
    %mul3A_2540 = arith.muli %select_n3A_2538, %mul3A_2539 : i32
    %jit3A_2541 = arith.constant 8 : i32
    %div3A_2542 = arith.divsi %get3A_2430, %jit3A_2541 : i32
    %sign3A_2543 = arith.constant 0 : i32
    %sign3A_2544 = arith.cmpi sgt, %get3A_2430, %sign3A_2543 : i32
    %sign3A_2545 = arith.extui %sign3A_2544 : i1 to i32
    %sign3A_2546 = arith.constant 0 : i32
    %sign3A_2547 = arith.cmpi slt, %get3A_2430, %sign3A_2546 : i32
    %sign3A_2548 = arith.extui %sign3A_2547 : i1 to i32
    %sign3A_2549 = arith.subi %sign3A_2545, %sign3A_2548 : i32
    %sign3A_2550 = arith.constant 0 : i32
    %sign3A_2551 = arith.cmpi sgt, %jit3A_2541, %sign3A_2550 : i32
    %sign3A_2552 = arith.extui %sign3A_2551 : i1 to i32
    %sign3A_2553 = arith.constant 0 : i32
    %sign3A_2554 = arith.cmpi slt, %jit3A_2541, %sign3A_2553 : i32
    %sign3A_2555 = arith.extui %sign3A_2554 : i1 to i32
    %sign3A_2556 = arith.subi %sign3A_2552, %sign3A_2555 : i32
    %ne3A_2557 = arith.cmpi ne, %sign3A_2549, %sign3A_2556 : i32
    %rem3A_2558 = arith.remsi %get3A_2430, %jit3A_2541 : i32
    %ne3A_2559 = arith.constant 0 : i32
    %ne3A_2560 = arith.cmpi ne, %rem3A_2558, %ne3A_2559 : i32
    %and3A_2561 = arith.andi %ne3A_2557, %ne3A_2560 : i1
    %sub3A_2562 = arith.constant 1 : i32
    %sub3A_2563 = arith.subi %div3A_2542, %sub3A_2562 : i32
    %select_n3A_2564 = arith.select %and3A_2561, %sub3A_2563, %div3A_2542 : i32
    %jit3A_2565 = arith.constant 8 : i32
    %eq3A_2566 = arith.constant 0 : i32
    %eq3A_2567 = arith.cmpi eq, %jit3A_2565, %eq3A_2566 : i32
    %jit3A_2568 = arith.constant 1 : i32
    %select_n3A_2569 = arith.select %eq3A_2567, %jit3A_2568, %jit3A_2565 : i32
    %rem3A_2570 = arith.remsi %select_n3A_2564, %select_n3A_2569 : i32
    %ne3A_2571 = arith.constant 0 : i32
    %ne3A_2572 = arith.cmpi ne, %rem3A_2570, %ne3A_2571 : i32
    %lt3A_2573 = arith.constant 0 : i32
    %lt3A_2574 = arith.cmpi slt, %rem3A_2570, %lt3A_2573 : i32
    %lt3A_2575 = arith.constant 0 : i32
    %lt3A_2576 = arith.cmpi slt, %select_n3A_2569, %lt3A_2575 : i32
    %ne3A_2577 = arith.xori %lt3A_2574, %lt3A_2576 : i1
    %and3A_2578 = arith.andi %ne3A_2577, %ne3A_2572 : i1
    %add3A_2579 = arith.addi %rem3A_2570, %select_n3A_2569 : i32
    %select_n3A_2580 = arith.select %and3A_2578, %add3A_2579, %rem3A_2570 : i32
    %mul3A_2581 = arith.constant 12 : i32
    %mul3A_2582 = arith.muli %select_n3A_2580, %mul3A_2581 : i32
    %jit3A_2583 = arith.constant 8 : i32
    %eq3A_2584 = arith.constant 0 : i32
    %eq3A_2585 = arith.cmpi eq, %jit3A_2583, %eq3A_2584 : i32
    %jit3A_2586 = arith.constant 1 : i32
    %select_n3A_2587 = arith.select %eq3A_2585, %jit3A_2586, %jit3A_2583 : i32
    %rem3A_2588 = arith.remsi %get3A_2430, %select_n3A_2587 : i32
    %ne3A_2589 = arith.constant 0 : i32
    %ne3A_2590 = arith.cmpi ne, %rem3A_2588, %ne3A_2589 : i32
    %lt3A_2591 = arith.constant 0 : i32
    %lt3A_2592 = arith.cmpi slt, %rem3A_2588, %lt3A_2591 : i32
    %lt3A_2593 = arith.constant 0 : i32
    %lt3A_2594 = arith.cmpi slt, %select_n3A_2587, %lt3A_2593 : i32
    %ne3A_2595 = arith.xori %lt3A_2592, %lt3A_2594 : i1
    %and3A_2596 = arith.andi %ne3A_2595, %ne3A_2590 : i1
    %add3A_2597 = arith.addi %rem3A_2588, %select_n3A_2587 : i32
    %select_n3A_2598 = arith.select %and3A_2596, %add3A_2597, %rem3A_2588 : i32
    %convert_element_type3A_2599 = arith.extui %gt3A_2418 : i1 to i32
    %cond3A_2600 = arith.constant 0 : i32
    %cond3A_2601 = arith.constant 0 : i32
    %cond3A_2602 = arith.constant 0 : i32
    %cond3A_2603 = arith.cmpi ne, %convert_element_type3A_2599, %cond3A_2602 : i32
    scf.if %cond3A_2603 {
      %dma_start3A = arith.constant 0 : i32
      %dma_start3A_3058 = tpu.memref_slice %arg10[%arg0, %cond3A_2601, %mul3A_2456, %mul3A_2498, %select_n3A_2514, %dma_start3A] : memref<4x1x96x96x8x12xf32, #tpu.memory_space<any>> -> memref<1x1x12x12x1x12xf32, #tpu.memory_space<any>>
      %dma_start3A_3059 = tpu.memref_squeeze %dma_start3A_3058 : memref<1x1x12x12x1x12xf32, #tpu.memory_space<any>> -> memref<12x12x12xf32, #tpu.memory_space<any>>
      %dma_start3A_3060 = arith.constant 0 : i32
      %dma_start3A_3061 = tpu.memref_slice %arg4[%arg0, %cond3A_2600, %mul3A_2540, %mul3A_2582, %select_n3A_2598, %dma_start3A_3060] : memref<4x1x96x96x8x12xf32, #tpu.memory_space<any>> -> memref<1x1x12x12x1x12xf32, #tpu.memory_space<any>>
      %dma_start3A_3062 = tpu.memref_squeeze %dma_start3A_3061 : memref<1x1x12x12x1x12xf32, #tpu.memory_space<any>> -> memref<12x12x12xf32, #tpu.memory_space<any>>
      tpu.enqueue_dma source(%dma_start3A_3062 : memref<12x12x12xf32, #tpu.memory_space<any>>) target(%dma_start3A_3059 : memref<12x12x12xf32, #tpu.memory_space<any>>) target_semaphore(%arg13 : memref<!tpu.dma_semaphore, #tpu.memory_space<semaphore_mem>>)
      %dma_start3A_3063 = arith.constant 0 : i32
      %dma_start3A_3064 = tpu.memref_slice %arg11[%arg0, %mul3A_2456, %mul3A_2498, %select_n3A_2514, %dma_start3A_3063] : memref<4x96x96x8x12xi32, #tpu.memory_space<any>> -> memref<1x12x12x1x12xi32, #tpu.memory_space<any>>
      %dma_start3A_3065 = tpu.memref_squeeze %dma_start3A_3064 : memref<1x12x12x1x12xi32, #tpu.memory_space<any>> -> memref<12x12x12xi32, #tpu.memory_space<any>>
      %dma_start3A_3066 = arith.constant 0 : i32
      %dma_start3A_3067 = tpu.memref_slice %arg6[%arg0, %mul3A_2540, %mul3A_2582, %select_n3A_2598, %dma_start3A_3066] : memref<4x96x96x8x12xi32, #tpu.memory_space<any>> -> memref<1x12x12x1x12xi32, #tpu.memory_space<any>>
      %dma_start3A_3068 = tpu.memref_squeeze %dma_start3A_3067 : memref<1x12x12x1x12xi32, #tpu.memory_space<any>> -> memref<12x12x12xi32, #tpu.memory_space<any>>
      tpu.enqueue_dma source(%dma_start3A_3068 : memref<12x12x12xi32, #tpu.memory_space<any>>) target(%dma_start3A_3065 : memref<12x12x12xi32, #tpu.memory_space<any>>) target_semaphore(%arg14 : memref<!tpu.dma_semaphore, #tpu.memory_space<semaphore_mem>>)
      %dma_start3A_3069 = arith.constant 0 : i32
      %dma_start3A_3070 = tpu.memref_slice %arg12[%arg0, %mul3A_2456, %mul3A_2498, %select_n3A_2514, %dma_start3A_3069] : memref<4x96x96x8x12xf32, #tpu.memory_space<any>> -> memref<1x12x12x1x12xf32, #tpu.memory_space<any>>
      %dma_start3A_3071 = tpu.memref_squeeze %dma_start3A_3070 : memref<1x12x12x1x12xf32, #tpu.memory_space<any>> -> memref<12x12x12xf32, #tpu.memory_space<any>>
      %dma_start3A_3072 = arith.constant 0 : i32
      %dma_start3A_3073 = tpu.memref_slice %arg8[%arg0, %mul3A_2540, %mul3A_2582, %select_n3A_2598, %dma_start3A_3072] : memref<4x96x96x8x12xf32, #tpu.memory_space<any>> -> memref<1x12x12x1x12xf32, #tpu.memory_space<any>>
      %dma_start3A_3074 = tpu.memref_squeeze %dma_start3A_3073 : memref<1x12x12x1x12xf32, #tpu.memory_space<any>> -> memref<12x12x12xf32, #tpu.memory_space<any>>
      tpu.enqueue_dma source(%dma_start3A_3074 : memref<12x12x12xf32, #tpu.memory_space<any>>) target(%dma_start3A_3071 : memref<12x12x12xf32, #tpu.memory_space<any>>) target_semaphore(%arg15 : memref<!tpu.dma_semaphore, #tpu.memory_space<semaphore_mem>>)
    } else {
    }
    %gt3A_2604 = arith.constant 14 : i32
    %gt3A_2605 = arith.cmpi sgt, %get3A_0, %gt3A_2604 : i32
    %mul3A_2606 = arith.constant 16 : i32
    %mul3A_2607 = arith.muli %arg0, %mul3A_2606 : i32
    %add3A_2608 = arith.constant 14 : i32
    %add3A_2609 = arith.addi %mul3A_2607, %add3A_2608 : i32
    %get3A_2610 = arith.index_cast %add3A_2609 : i32 to index
    %get3A_2611 = memref.load %arg1[%get3A_2610] : memref<64xi32, #tpu.memory_space<smem>>
    %mul3A_2612 = arith.constant 16 : i32
    %mul3A_2613 = arith.muli %arg0, %mul3A_2612 : i32
    %add3A_2614 = arith.constant 14 : i32
    %add3A_2615 = arith.addi %mul3A_2613, %add3A_2614 : i32
    %get3A_2616 = arith.index_cast %add3A_2615 : i32 to index
    %get3A_2617 = memref.load %arg2[%get3A_2616] : memref<64xi32, #tpu.memory_space<smem>>
    %jit3A_2618 = arith.constant 64 : i32
    %div3A_2619 = arith.divsi %get3A_2611, %jit3A_2618 : i32
    %sign3A_2620 = arith.constant 0 : i32
    %sign3A_2621 = arith.cmpi sgt, %get3A_2611, %sign3A_2620 : i32
    %sign3A_2622 = arith.extui %sign3A_2621 : i1 to i32
    %sign3A_2623 = arith.constant 0 : i32
    %sign3A_2624 = arith.cmpi slt, %get3A_2611, %sign3A_2623 : i32
    %sign3A_2625 = arith.extui %sign3A_2624 : i1 to i32
    %sign3A_2626 = arith.subi %sign3A_2622, %sign3A_2625 : i32
    %sign3A_2627 = arith.constant 0 : i32
    %sign3A_2628 = arith.cmpi sgt, %jit3A_2618, %sign3A_2627 : i32
    %sign3A_2629 = arith.extui %sign3A_2628 : i1 to i32
    %sign3A_2630 = arith.constant 0 : i32
    %sign3A_2631 = arith.cmpi slt, %jit3A_2618, %sign3A_2630 : i32
    %sign3A_2632 = arith.extui %sign3A_2631 : i1 to i32
    %sign3A_2633 = arith.subi %sign3A_2629, %sign3A_2632 : i32
    %ne3A_2634 = arith.cmpi ne, %sign3A_2626, %sign3A_2633 : i32
    %rem3A_2635 = arith.remsi %get3A_2611, %jit3A_2618 : i32
    %ne3A_2636 = arith.constant 0 : i32
    %ne3A_2637 = arith.cmpi ne, %rem3A_2635, %ne3A_2636 : i32
    %and3A_2638 = arith.andi %ne3A_2634, %ne3A_2637 : i1
    %sub3A_2639 = arith.constant 1 : i32
    %sub3A_2640 = arith.subi %div3A_2619, %sub3A_2639 : i32
    %select_n3A_2641 = arith.select %and3A_2638, %sub3A_2640, %div3A_2619 : i32
    %mul3A_2642 = arith.constant 12 : i32
    %mul3A_2643 = arith.muli %select_n3A_2641, %mul3A_2642 : i32
    %jit3A_2644 = arith.constant 8 : i32
    %div3A_2645 = arith.divsi %get3A_2611, %jit3A_2644 : i32
    %sign3A_2646 = arith.constant 0 : i32
    %sign3A_2647 = arith.cmpi sgt, %get3A_2611, %sign3A_2646 : i32
    %sign3A_2648 = arith.extui %sign3A_2647 : i1 to i32
    %sign3A_2649 = arith.constant 0 : i32
    %sign3A_2650 = arith.cmpi slt, %get3A_2611, %sign3A_2649 : i32
    %sign3A_2651 = arith.extui %sign3A_2650 : i1 to i32
    %sign3A_2652 = arith.subi %sign3A_2648, %sign3A_2651 : i32
    %sign3A_2653 = arith.constant 0 : i32
    %sign3A_2654 = arith.cmpi sgt, %jit3A_2644, %sign3A_2653 : i32
    %sign3A_2655 = arith.extui %sign3A_2654 : i1 to i32
    %sign3A_2656 = arith.constant 0 : i32
    %sign3A_2657 = arith.cmpi slt, %jit3A_2644, %sign3A_2656 : i32
    %sign3A_2658 = arith.extui %sign3A_2657 : i1 to i32
    %sign3A_2659 = arith.subi %sign3A_2655, %sign3A_2658 : i32
    %ne3A_2660 = arith.cmpi ne, %sign3A_2652, %sign3A_2659 : i32
    %rem3A_2661 = arith.remsi %get3A_2611, %jit3A_2644 : i32
    %ne3A_2662 = arith.constant 0 : i32
    %ne3A_2663 = arith.cmpi ne, %rem3A_2661, %ne3A_2662 : i32
    %and3A_2664 = arith.andi %ne3A_2660, %ne3A_2663 : i1
    %sub3A_2665 = arith.constant 1 : i32
    %sub3A_2666 = arith.subi %div3A_2645, %sub3A_2665 : i32
    %select_n3A_2667 = arith.select %and3A_2664, %sub3A_2666, %div3A_2645 : i32
    %jit3A_2668 = arith.constant 8 : i32
    %eq3A_2669 = arith.constant 0 : i32
    %eq3A_2670 = arith.cmpi eq, %jit3A_2668, %eq3A_2669 : i32
    %jit3A_2671 = arith.constant 1 : i32
    %select_n3A_2672 = arith.select %eq3A_2670, %jit3A_2671, %jit3A_2668 : i32
    %rem3A_2673 = arith.remsi %select_n3A_2667, %select_n3A_2672 : i32
    %ne3A_2674 = arith.constant 0 : i32
    %ne3A_2675 = arith.cmpi ne, %rem3A_2673, %ne3A_2674 : i32
    %lt3A_2676 = arith.constant 0 : i32
    %lt3A_2677 = arith.cmpi slt, %rem3A_2673, %lt3A_2676 : i32
    %lt3A_2678 = arith.constant 0 : i32
    %lt3A_2679 = arith.cmpi slt, %select_n3A_2672, %lt3A_2678 : i32
    %ne3A_2680 = arith.xori %lt3A_2677, %lt3A_2679 : i1
    %and3A_2681 = arith.andi %ne3A_2680, %ne3A_2675 : i1
    %add3A_2682 = arith.addi %rem3A_2673, %select_n3A_2672 : i32
    %select_n3A_2683 = arith.select %and3A_2681, %add3A_2682, %rem3A_2673 : i32
    %mul3A_2684 = arith.constant 12 : i32
    %mul3A_2685 = arith.muli %select_n3A_2683, %mul3A_2684 : i32
    %jit3A_2686 = arith.constant 8 : i32
    %eq3A_2687 = arith.constant 0 : i32
    %eq3A_2688 = arith.cmpi eq, %jit3A_2686, %eq3A_2687 : i32
    %jit3A_2689 = arith.constant 1 : i32
    %select_n3A_2690 = arith.select %eq3A_2688, %jit3A_2689, %jit3A_2686 : i32
    %rem3A_2691 = arith.remsi %get3A_2611, %select_n3A_2690 : i32
    %ne3A_2692 = arith.constant 0 : i32
    %ne3A_2693 = arith.cmpi ne, %rem3A_2691, %ne3A_2692 : i32
    %lt3A_2694 = arith.constant 0 : i32
    %lt3A_2695 = arith.cmpi slt, %rem3A_2691, %lt3A_2694 : i32
    %lt3A_2696 = arith.constant 0 : i32
    %lt3A_2697 = arith.cmpi slt, %select_n3A_2690, %lt3A_2696 : i32
    %ne3A_2698 = arith.xori %lt3A_2695, %lt3A_2697 : i1
    %and3A_2699 = arith.andi %ne3A_2698, %ne3A_2693 : i1
    %add3A_2700 = arith.addi %rem3A_2691, %select_n3A_2690 : i32
    %select_n3A_2701 = arith.select %and3A_2699, %add3A_2700, %rem3A_2691 : i32
    %jit3A_2702 = arith.constant 64 : i32
    %div3A_2703 = arith.divsi %get3A_2617, %jit3A_2702 : i32
    %sign3A_2704 = arith.constant 0 : i32
    %sign3A_2705 = arith.cmpi sgt, %get3A_2617, %sign3A_2704 : i32
    %sign3A_2706 = arith.extui %sign3A_2705 : i1 to i32
    %sign3A_2707 = arith.constant 0 : i32
    %sign3A_2708 = arith.cmpi slt, %get3A_2617, %sign3A_2707 : i32
    %sign3A_2709 = arith.extui %sign3A_2708 : i1 to i32
    %sign3A_2710 = arith.subi %sign3A_2706, %sign3A_2709 : i32
    %sign3A_2711 = arith.constant 0 : i32
    %sign3A_2712 = arith.cmpi sgt, %jit3A_2702, %sign3A_2711 : i32
    %sign3A_2713 = arith.extui %sign3A_2712 : i1 to i32
    %sign3A_2714 = arith.constant 0 : i32
    %sign3A_2715 = arith.cmpi slt, %jit3A_2702, %sign3A_2714 : i32
    %sign3A_2716 = arith.extui %sign3A_2715 : i1 to i32
    %sign3A_2717 = arith.subi %sign3A_2713, %sign3A_2716 : i32
    %ne3A_2718 = arith.cmpi ne, %sign3A_2710, %sign3A_2717 : i32
    %rem3A_2719 = arith.remsi %get3A_2617, %jit3A_2702 : i32
    %ne3A_2720 = arith.constant 0 : i32
    %ne3A_2721 = arith.cmpi ne, %rem3A_2719, %ne3A_2720 : i32
    %and3A_2722 = arith.andi %ne3A_2718, %ne3A_2721 : i1
    %sub3A_2723 = arith.constant 1 : i32
    %sub3A_2724 = arith.subi %div3A_2703, %sub3A_2723 : i32
    %select_n3A_2725 = arith.select %and3A_2722, %sub3A_2724, %div3A_2703 : i32
    %mul3A_2726 = arith.constant 12 : i32
    %mul3A_2727 = arith.muli %select_n3A_2725, %mul3A_2726 : i32
    %jit3A_2728 = arith.constant 8 : i32
    %div3A_2729 = arith.divsi %get3A_2617, %jit3A_2728 : i32
    %sign3A_2730 = arith.constant 0 : i32
    %sign3A_2731 = arith.cmpi sgt, %get3A_2617, %sign3A_2730 : i32
    %sign3A_2732 = arith.extui %sign3A_2731 : i1 to i32
    %sign3A_2733 = arith.constant 0 : i32
    %sign3A_2734 = arith.cmpi slt, %get3A_2617, %sign3A_2733 : i32
    %sign3A_2735 = arith.extui %sign3A_2734 : i1 to i32
    %sign3A_2736 = arith.subi %sign3A_2732, %sign3A_2735 : i32
    %sign3A_2737 = arith.constant 0 : i32
    %sign3A_2738 = arith.cmpi sgt, %jit3A_2728, %sign3A_2737 : i32
    %sign3A_2739 = arith.extui %sign3A_2738 : i1 to i32
    %sign3A_2740 = arith.constant 0 : i32
    %sign3A_2741 = arith.cmpi slt, %jit3A_2728, %sign3A_2740 : i32
    %sign3A_2742 = arith.extui %sign3A_2741 : i1 to i32
    %sign3A_2743 = arith.subi %sign3A_2739, %sign3A_2742 : i32
    %ne3A_2744 = arith.cmpi ne, %sign3A_2736, %sign3A_2743 : i32
    %rem3A_2745 = arith.remsi %get3A_2617, %jit3A_2728 : i32
    %ne3A_2746 = arith.constant 0 : i32
    %ne3A_2747 = arith.cmpi ne, %rem3A_2745, %ne3A_2746 : i32
    %and3A_2748 = arith.andi %ne3A_2744, %ne3A_2747 : i1
    %sub3A_2749 = arith.constant 1 : i32
    %sub3A_2750 = arith.subi %div3A_2729, %sub3A_2749 : i32
    %select_n3A_2751 = arith.select %and3A_2748, %sub3A_2750, %div3A_2729 : i32
    %jit3A_2752 = arith.constant 8 : i32
    %eq3A_2753 = arith.constant 0 : i32
    %eq3A_2754 = arith.cmpi eq, %jit3A_2752, %eq3A_2753 : i32
    %jit3A_2755 = arith.constant 1 : i32
    %select_n3A_2756 = arith.select %eq3A_2754, %jit3A_2755, %jit3A_2752 : i32
    %rem3A_2757 = arith.remsi %select_n3A_2751, %select_n3A_2756 : i32
    %ne3A_2758 = arith.constant 0 : i32
    %ne3A_2759 = arith.cmpi ne, %rem3A_2757, %ne3A_2758 : i32
    %lt3A_2760 = arith.constant 0 : i32
    %lt3A_2761 = arith.cmpi slt, %rem3A_2757, %lt3A_2760 : i32
    %lt3A_2762 = arith.constant 0 : i32
    %lt3A_2763 = arith.cmpi slt, %select_n3A_2756, %lt3A_2762 : i32
    %ne3A_2764 = arith.xori %lt3A_2761, %lt3A_2763 : i1
    %and3A_2765 = arith.andi %ne3A_2764, %ne3A_2759 : i1
    %add3A_2766 = arith.addi %rem3A_2757, %select_n3A_2756 : i32
    %select_n3A_2767 = arith.select %and3A_2765, %add3A_2766, %rem3A_2757 : i32
    %mul3A_2768 = arith.constant 12 : i32
    %mul3A_2769 = arith.muli %select_n3A_2767, %mul3A_2768 : i32
    %jit3A_2770 = arith.constant 8 : i32
    %eq3A_2771 = arith.constant 0 : i32
    %eq3A_2772 = arith.cmpi eq, %jit3A_2770, %eq3A_2771 : i32
    %jit3A_2773 = arith.constant 1 : i32
    %select_n3A_2774 = arith.select %eq3A_2772, %jit3A_2773, %jit3A_2770 : i32
    %rem3A_2775 = arith.remsi %get3A_2617, %select_n3A_2774 : i32
    %ne3A_2776 = arith.constant 0 : i32
    %ne3A_2777 = arith.cmpi ne, %rem3A_2775, %ne3A_2776 : i32
    %lt3A_2778 = arith.constant 0 : i32
    %lt3A_2779 = arith.cmpi slt, %rem3A_2775, %lt3A_2778 : i32
    %lt3A_2780 = arith.constant 0 : i32
    %lt3A_2781 = arith.cmpi slt, %select_n3A_2774, %lt3A_2780 : i32
    %ne3A_2782 = arith.xori %lt3A_2779, %lt3A_2781 : i1
    %and3A_2783 = arith.andi %ne3A_2782, %ne3A_2777 : i1
    %add3A_2784 = arith.addi %rem3A_2775, %select_n3A_2774 : i32
    %select_n3A_2785 = arith.select %and3A_2783, %add3A_2784, %rem3A_2775 : i32
    %convert_element_type3A_2786 = arith.extui %gt3A_2605 : i1 to i32
    %cond3A_2787 = arith.constant 0 : i32
    %cond3A_2788 = arith.constant 0 : i32
    %cond3A_2789 = arith.constant 0 : i32
    %cond3A_2790 = arith.cmpi ne, %convert_element_type3A_2786, %cond3A_2789 : i32
    scf.if %cond3A_2790 {
      %dma_start3A = arith.constant 0 : i32
      %dma_start3A_3058 = tpu.memref_slice %arg10[%arg0, %cond3A_2788, %mul3A_2643, %mul3A_2685, %select_n3A_2701, %dma_start3A] : memref<4x1x96x96x8x12xf32, #tpu.memory_space<any>> -> memref<1x1x12x12x1x12xf32, #tpu.memory_space<any>>
      %dma_start3A_3059 = tpu.memref_squeeze %dma_start3A_3058 : memref<1x1x12x12x1x12xf32, #tpu.memory_space<any>> -> memref<12x12x12xf32, #tpu.memory_space<any>>
      %dma_start3A_3060 = arith.constant 0 : i32
      %dma_start3A_3061 = tpu.memref_slice %arg4[%arg0, %cond3A_2787, %mul3A_2727, %mul3A_2769, %select_n3A_2785, %dma_start3A_3060] : memref<4x1x96x96x8x12xf32, #tpu.memory_space<any>> -> memref<1x1x12x12x1x12xf32, #tpu.memory_space<any>>
      %dma_start3A_3062 = tpu.memref_squeeze %dma_start3A_3061 : memref<1x1x12x12x1x12xf32, #tpu.memory_space<any>> -> memref<12x12x12xf32, #tpu.memory_space<any>>
      tpu.enqueue_dma source(%dma_start3A_3062 : memref<12x12x12xf32, #tpu.memory_space<any>>) target(%dma_start3A_3059 : memref<12x12x12xf32, #tpu.memory_space<any>>) target_semaphore(%arg13 : memref<!tpu.dma_semaphore, #tpu.memory_space<semaphore_mem>>)
      %dma_start3A_3063 = arith.constant 0 : i32
      %dma_start3A_3064 = tpu.memref_slice %arg11[%arg0, %mul3A_2643, %mul3A_2685, %select_n3A_2701, %dma_start3A_3063] : memref<4x96x96x8x12xi32, #tpu.memory_space<any>> -> memref<1x12x12x1x12xi32, #tpu.memory_space<any>>
      %dma_start3A_3065 = tpu.memref_squeeze %dma_start3A_3064 : memref<1x12x12x1x12xi32, #tpu.memory_space<any>> -> memref<12x12x12xi32, #tpu.memory_space<any>>
      %dma_start3A_3066 = arith.constant 0 : i32
      %dma_start3A_3067 = tpu.memref_slice %arg6[%arg0, %mul3A_2727, %mul3A_2769, %select_n3A_2785, %dma_start3A_3066] : memref<4x96x96x8x12xi32, #tpu.memory_space<any>> -> memref<1x12x12x1x12xi32, #tpu.memory_space<any>>
      %dma_start3A_3068 = tpu.memref_squeeze %dma_start3A_3067 : memref<1x12x12x1x12xi32, #tpu.memory_space<any>> -> memref<12x12x12xi32, #tpu.memory_space<any>>
      tpu.enqueue_dma source(%dma_start3A_3068 : memref<12x12x12xi32, #tpu.memory_space<any>>) target(%dma_start3A_3065 : memref<12x12x12xi32, #tpu.memory_space<any>>) target_semaphore(%arg14 : memref<!tpu.dma_semaphore, #tpu.memory_space<semaphore_mem>>)
      %dma_start3A_3069 = arith.constant 0 : i32
      %dma_start3A_3070 = tpu.memref_slice %arg12[%arg0, %mul3A_2643, %mul3A_2685, %select_n3A_2701, %dma_start3A_3069] : memref<4x96x96x8x12xf32, #tpu.memory_space<any>> -> memref<1x12x12x1x12xf32, #tpu.memory_space<any>>
      %dma_start3A_3071 = tpu.memref_squeeze %dma_start3A_3070 : memref<1x12x12x1x12xf32, #tpu.memory_space<any>> -> memref<12x12x12xf32, #tpu.memory_space<any>>
      %dma_start3A_3072 = arith.constant 0 : i32
      %dma_start3A_3073 = tpu.memref_slice %arg8[%arg0, %mul3A_2727, %mul3A_2769, %select_n3A_2785, %dma_start3A_3072] : memref<4x96x96x8x12xf32, #tpu.memory_space<any>> -> memref<1x12x12x1x12xf32, #tpu.memory_space<any>>
      %dma_start3A_3074 = tpu.memref_squeeze %dma_start3A_3073 : memref<1x12x12x1x12xf32, #tpu.memory_space<any>> -> memref<12x12x12xf32, #tpu.memory_space<any>>
      tpu.enqueue_dma source(%dma_start3A_3074 : memref<12x12x12xf32, #tpu.memory_space<any>>) target(%dma_start3A_3071 : memref<12x12x12xf32, #tpu.memory_space<any>>) target_semaphore(%arg15 : memref<!tpu.dma_semaphore, #tpu.memory_space<semaphore_mem>>)
    } else {
    }
    %gt3A_2791 = arith.constant 15 : i32
    %gt3A_2792 = arith.cmpi sgt, %get3A_0, %gt3A_2791 : i32
    %mul3A_2793 = arith.constant 16 : i32
    %mul3A_2794 = arith.muli %arg0, %mul3A_2793 : i32
    %add3A_2795 = arith.constant 15 : i32
    %add3A_2796 = arith.addi %mul3A_2794, %add3A_2795 : i32
    %get3A_2797 = arith.index_cast %add3A_2796 : i32 to index
    %get3A_2798 = memref.load %arg1[%get3A_2797] : memref<64xi32, #tpu.memory_space<smem>>
    %mul3A_2799 = arith.constant 16 : i32
    %mul3A_2800 = arith.muli %arg0, %mul3A_2799 : i32
    %add3A_2801 = arith.constant 15 : i32
    %add3A_2802 = arith.addi %mul3A_2800, %add3A_2801 : i32
    %get3A_2803 = arith.index_cast %add3A_2802 : i32 to index
    %get3A_2804 = memref.load %arg2[%get3A_2803] : memref<64xi32, #tpu.memory_space<smem>>
    %jit3A_2805 = arith.constant 64 : i32
    %div3A_2806 = arith.divsi %get3A_2798, %jit3A_2805 : i32
    %sign3A_2807 = arith.constant 0 : i32
    %sign3A_2808 = arith.cmpi sgt, %get3A_2798, %sign3A_2807 : i32
    %sign3A_2809 = arith.extui %sign3A_2808 : i1 to i32
    %sign3A_2810 = arith.constant 0 : i32
    %sign3A_2811 = arith.cmpi slt, %get3A_2798, %sign3A_2810 : i32
    %sign3A_2812 = arith.extui %sign3A_2811 : i1 to i32
    %sign3A_2813 = arith.subi %sign3A_2809, %sign3A_2812 : i32
    %sign3A_2814 = arith.constant 0 : i32
    %sign3A_2815 = arith.cmpi sgt, %jit3A_2805, %sign3A_2814 : i32
    %sign3A_2816 = arith.extui %sign3A_2815 : i1 to i32
    %sign3A_2817 = arith.constant 0 : i32
    %sign3A_2818 = arith.cmpi slt, %jit3A_2805, %sign3A_2817 : i32
    %sign3A_2819 = arith.extui %sign3A_2818 : i1 to i32
    %sign3A_2820 = arith.subi %sign3A_2816, %sign3A_2819 : i32
    %ne3A_2821 = arith.cmpi ne, %sign3A_2813, %sign3A_2820 : i32
    %rem3A_2822 = arith.remsi %get3A_2798, %jit3A_2805 : i32
    %ne3A_2823 = arith.constant 0 : i32
    %ne3A_2824 = arith.cmpi ne, %rem3A_2822, %ne3A_2823 : i32
    %and3A_2825 = arith.andi %ne3A_2821, %ne3A_2824 : i1
    %sub3A_2826 = arith.constant 1 : i32
    %sub3A_2827 = arith.subi %div3A_2806, %sub3A_2826 : i32
    %select_n3A_2828 = arith.select %and3A_2825, %sub3A_2827, %div3A_2806 : i32
    %mul3A_2829 = arith.constant 12 : i32
    %mul3A_2830 = arith.muli %select_n3A_2828, %mul3A_2829 : i32
    %jit3A_2831 = arith.constant 8 : i32
    %div3A_2832 = arith.divsi %get3A_2798, %jit3A_2831 : i32
    %sign3A_2833 = arith.constant 0 : i32
    %sign3A_2834 = arith.cmpi sgt, %get3A_2798, %sign3A_2833 : i32
    %sign3A_2835 = arith.extui %sign3A_2834 : i1 to i32
    %sign3A_2836 = arith.constant 0 : i32
    %sign3A_2837 = arith.cmpi slt, %get3A_2798, %sign3A_2836 : i32
    %sign3A_2838 = arith.extui %sign3A_2837 : i1 to i32
    %sign3A_2839 = arith.subi %sign3A_2835, %sign3A_2838 : i32
    %sign3A_2840 = arith.constant 0 : i32
    %sign3A_2841 = arith.cmpi sgt, %jit3A_2831, %sign3A_2840 : i32
    %sign3A_2842 = arith.extui %sign3A_2841 : i1 to i32
    %sign3A_2843 = arith.constant 0 : i32
    %sign3A_2844 = arith.cmpi slt, %jit3A_2831, %sign3A_2843 : i32
    %sign3A_2845 = arith.extui %sign3A_2844 : i1 to i32
    %sign3A_2846 = arith.subi %sign3A_2842, %sign3A_2845 : i32
    %ne3A_2847 = arith.cmpi ne, %sign3A_2839, %sign3A_2846 : i32
    %rem3A_2848 = arith.remsi %get3A_2798, %jit3A_2831 : i32
    %ne3A_2849 = arith.constant 0 : i32
    %ne3A_2850 = arith.cmpi ne, %rem3A_2848, %ne3A_2849 : i32
    %and3A_2851 = arith.andi %ne3A_2847, %ne3A_2850 : i1
    %sub3A_2852 = arith.constant 1 : i32
    %sub3A_2853 = arith.subi %div3A_2832, %sub3A_2852 : i32
    %select_n3A_2854 = arith.select %and3A_2851, %sub3A_2853, %div3A_2832 : i32
    %jit3A_2855 = arith.constant 8 : i32
    %eq3A_2856 = arith.constant 0 : i32
    %eq3A_2857 = arith.cmpi eq, %jit3A_2855, %eq3A_2856 : i32
    %jit3A_2858 = arith.constant 1 : i32
    %select_n3A_2859 = arith.select %eq3A_2857, %jit3A_2858, %jit3A_2855 : i32
    %rem3A_2860 = arith.remsi %select_n3A_2854, %select_n3A_2859 : i32
    %ne3A_2861 = arith.constant 0 : i32
    %ne3A_2862 = arith.cmpi ne, %rem3A_2860, %ne3A_2861 : i32
    %lt3A_2863 = arith.constant 0 : i32
    %lt3A_2864 = arith.cmpi slt, %rem3A_2860, %lt3A_2863 : i32
    %lt3A_2865 = arith.constant 0 : i32
    %lt3A_2866 = arith.cmpi slt, %select_n3A_2859, %lt3A_2865 : i32
    %ne3A_2867 = arith.xori %lt3A_2864, %lt3A_2866 : i1
    %and3A_2868 = arith.andi %ne3A_2867, %ne3A_2862 : i1
    %add3A_2869 = arith.addi %rem3A_2860, %select_n3A_2859 : i32
    %select_n3A_2870 = arith.select %and3A_2868, %add3A_2869, %rem3A_2860 : i32
    %mul3A_2871 = arith.constant 12 : i32
    %mul3A_2872 = arith.muli %select_n3A_2870, %mul3A_2871 : i32
    %jit3A_2873 = arith.constant 8 : i32
    %eq3A_2874 = arith.constant 0 : i32
    %eq3A_2875 = arith.cmpi eq, %jit3A_2873, %eq3A_2874 : i32
    %jit3A_2876 = arith.constant 1 : i32
    %select_n3A_2877 = arith.select %eq3A_2875, %jit3A_2876, %jit3A_2873 : i32
    %rem3A_2878 = arith.remsi %get3A_2798, %select_n3A_2877 : i32
    %ne3A_2879 = arith.constant 0 : i32
    %ne3A_2880 = arith.cmpi ne, %rem3A_2878, %ne3A_2879 : i32
    %lt3A_2881 = arith.constant 0 : i32
    %lt3A_2882 = arith.cmpi slt, %rem3A_2878, %lt3A_2881 : i32
    %lt3A_2883 = arith.constant 0 : i32
    %lt3A_2884 = arith.cmpi slt, %select_n3A_2877, %lt3A_2883 : i32
    %ne3A_2885 = arith.xori %lt3A_2882, %lt3A_2884 : i1
    %and3A_2886 = arith.andi %ne3A_2885, %ne3A_2880 : i1
    %add3A_2887 = arith.addi %rem3A_2878, %select_n3A_2877 : i32
    %select_n3A_2888 = arith.select %and3A_2886, %add3A_2887, %rem3A_2878 : i32
    %jit3A_2889 = arith.constant 64 : i32
    %div3A_2890 = arith.divsi %get3A_2804, %jit3A_2889 : i32
    %sign3A_2891 = arith.constant 0 : i32
    %sign3A_2892 = arith.cmpi sgt, %get3A_2804, %sign3A_2891 : i32
    %sign3A_2893 = arith.extui %sign3A_2892 : i1 to i32
    %sign3A_2894 = arith.constant 0 : i32
    %sign3A_2895 = arith.cmpi slt, %get3A_2804, %sign3A_2894 : i32
    %sign3A_2896 = arith.extui %sign3A_2895 : i1 to i32
    %sign3A_2897 = arith.subi %sign3A_2893, %sign3A_2896 : i32
    %sign3A_2898 = arith.constant 0 : i32
    %sign3A_2899 = arith.cmpi sgt, %jit3A_2889, %sign3A_2898 : i32
    %sign3A_2900 = arith.extui %sign3A_2899 : i1 to i32
    %sign3A_2901 = arith.constant 0 : i32
    %sign3A_2902 = arith.cmpi slt, %jit3A_2889, %sign3A_2901 : i32
    %sign3A_2903 = arith.extui %sign3A_2902 : i1 to i32
    %sign3A_2904 = arith.subi %sign3A_2900, %sign3A_2903 : i32
    %ne3A_2905 = arith.cmpi ne, %sign3A_2897, %sign3A_2904 : i32
    %rem3A_2906 = arith.remsi %get3A_2804, %jit3A_2889 : i32
    %ne3A_2907 = arith.constant 0 : i32
    %ne3A_2908 = arith.cmpi ne, %rem3A_2906, %ne3A_2907 : i32
    %and3A_2909 = arith.andi %ne3A_2905, %ne3A_2908 : i1
    %sub3A_2910 = arith.constant 1 : i32
    %sub3A_2911 = arith.subi %div3A_2890, %sub3A_2910 : i32
    %select_n3A_2912 = arith.select %and3A_2909, %sub3A_2911, %div3A_2890 : i32
    %mul3A_2913 = arith.constant 12 : i32
    %mul3A_2914 = arith.muli %select_n3A_2912, %mul3A_2913 : i32
    %jit3A_2915 = arith.constant 8 : i32
    %div3A_2916 = arith.divsi %get3A_2804, %jit3A_2915 : i32
    %sign3A_2917 = arith.constant 0 : i32
    %sign3A_2918 = arith.cmpi sgt, %get3A_2804, %sign3A_2917 : i32
    %sign3A_2919 = arith.extui %sign3A_2918 : i1 to i32
    %sign3A_2920 = arith.constant 0 : i32
    %sign3A_2921 = arith.cmpi slt, %get3A_2804, %sign3A_2920 : i32
    %sign3A_2922 = arith.extui %sign3A_2921 : i1 to i32
    %sign3A_2923 = arith.subi %sign3A_2919, %sign3A_2922 : i32
    %sign3A_2924 = arith.constant 0 : i32
    %sign3A_2925 = arith.cmpi sgt, %jit3A_2915, %sign3A_2924 : i32
    %sign3A_2926 = arith.extui %sign3A_2925 : i1 to i32
    %sign3A_2927 = arith.constant 0 : i32
    %sign3A_2928 = arith.cmpi slt, %jit3A_2915, %sign3A_2927 : i32
    %sign3A_2929 = arith.extui %sign3A_2928 : i1 to i32
    %sign3A_2930 = arith.subi %sign3A_2926, %sign3A_2929 : i32
    %ne3A_2931 = arith.cmpi ne, %sign3A_2923, %sign3A_2930 : i32
    %rem3A_2932 = arith.remsi %get3A_2804, %jit3A_2915 : i32
    %ne3A_2933 = arith.constant 0 : i32
    %ne3A_2934 = arith.cmpi ne, %rem3A_2932, %ne3A_2933 : i32
    %and3A_2935 = arith.andi %ne3A_2931, %ne3A_2934 : i1
    %sub3A_2936 = arith.constant 1 : i32
    %sub3A_2937 = arith.subi %div3A_2916, %sub3A_2936 : i32
    %select_n3A_2938 = arith.select %and3A_2935, %sub3A_2937, %div3A_2916 : i32
    %jit3A_2939 = arith.constant 8 : i32
    %eq3A_2940 = arith.constant 0 : i32
    %eq3A_2941 = arith.cmpi eq, %jit3A_2939, %eq3A_2940 : i32
    %jit3A_2942 = arith.constant 1 : i32
    %select_n3A_2943 = arith.select %eq3A_2941, %jit3A_2942, %jit3A_2939 : i32
    %rem3A_2944 = arith.remsi %select_n3A_2938, %select_n3A_2943 : i32
    %ne3A_2945 = arith.constant 0 : i32
    %ne3A_2946 = arith.cmpi ne, %rem3A_2944, %ne3A_2945 : i32
    %lt3A_2947 = arith.constant 0 : i32
    %lt3A_2948 = arith.cmpi slt, %rem3A_2944, %lt3A_2947 : i32
    %lt3A_2949 = arith.constant 0 : i32
    %lt3A_2950 = arith.cmpi slt, %select_n3A_2943, %lt3A_2949 : i32
    %ne3A_2951 = arith.xori %lt3A_2948, %lt3A_2950 : i1
    %and3A_2952 = arith.andi %ne3A_2951, %ne3A_2946 : i1
    %add3A_2953 = arith.addi %rem3A_2944, %select_n3A_2943 : i32
    %select_n3A_2954 = arith.select %and3A_2952, %add3A_2953, %rem3A_2944 : i32
    %mul3A_2955 = arith.constant 12 : i32
    %mul3A_2956 = arith.muli %select_n3A_2954, %mul3A_2955 : i32
    %jit3A_2957 = arith.constant 8 : i32
    %eq3A_2958 = arith.constant 0 : i32
    %eq3A_2959 = arith.cmpi eq, %jit3A_2957, %eq3A_2958 : i32
    %jit3A_2960 = arith.constant 1 : i32
    %select_n3A_2961 = arith.select %eq3A_2959, %jit3A_2960, %jit3A_2957 : i32
    %rem3A_2962 = arith.remsi %get3A_2804, %select_n3A_2961 : i32
    %ne3A_2963 = arith.constant 0 : i32
    %ne3A_2964 = arith.cmpi ne, %rem3A_2962, %ne3A_2963 : i32
    %lt3A_2965 = arith.constant 0 : i32
    %lt3A_2966 = arith.cmpi slt, %rem3A_2962, %lt3A_2965 : i32
    %lt3A_2967 = arith.constant 0 : i32
    %lt3A_2968 = arith.cmpi slt, %select_n3A_2961, %lt3A_2967 : i32
    %ne3A_2969 = arith.xori %lt3A_2966, %lt3A_2968 : i1
    %and3A_2970 = arith.andi %ne3A_2969, %ne3A_2964 : i1
    %add3A_2971 = arith.addi %rem3A_2962, %select_n3A_2961 : i32
    %select_n3A_2972 = arith.select %and3A_2970, %add3A_2971, %rem3A_2962 : i32
    %convert_element_type3A_2973 = arith.extui %gt3A_2792 : i1 to i32
    %cond3A_2974 = arith.constant 0 : i32
    %cond3A_2975 = arith.constant 0 : i32
    %cond3A_2976 = arith.constant 0 : i32
    %cond3A_2977 = arith.cmpi ne, %convert_element_type3A_2973, %cond3A_2976 : i32
    scf.if %cond3A_2977 {
      %dma_start3A = arith.constant 0 : i32
      %dma_start3A_3058 = tpu.memref_slice %arg10[%arg0, %cond3A_2975, %mul3A_2830, %mul3A_2872, %select_n3A_2888, %dma_start3A] : memref<4x1x96x96x8x12xf32, #tpu.memory_space<any>> -> memref<1x1x12x12x1x12xf32, #tpu.memory_space<any>>
      %dma_start3A_3059 = tpu.memref_squeeze %dma_start3A_3058 : memref<1x1x12x12x1x12xf32, #tpu.memory_space<any>> -> memref<12x12x12xf32, #tpu.memory_space<any>>
      %dma_start3A_3060 = arith.constant 0 : i32
      %dma_start3A_3061 = tpu.memref_slice %arg4[%arg0, %cond3A_2974, %mul3A_2914, %mul3A_2956, %select_n3A_2972, %dma_start3A_3060] : memref<4x1x96x96x8x12xf32, #tpu.memory_space<any>> -> memref<1x1x12x12x1x12xf32, #tpu.memory_space<any>>
      %dma_start3A_3062 = tpu.memref_squeeze %dma_start3A_3061 : memref<1x1x12x12x1x12xf32, #tpu.memory_space<any>> -> memref<12x12x12xf32, #tpu.memory_space<any>>
      tpu.enqueue_dma source(%dma_start3A_3062 : memref<12x12x12xf32, #tpu.memory_space<any>>) target(%dma_start3A_3059 : memref<12x12x12xf32, #tpu.memory_space<any>>) target_semaphore(%arg13 : memref<!tpu.dma_semaphore, #tpu.memory_space<semaphore_mem>>)
      %dma_start3A_3063 = arith.constant 0 : i32
      %dma_start3A_3064 = tpu.memref_slice %arg11[%arg0, %mul3A_2830, %mul3A_2872, %select_n3A_2888, %dma_start3A_3063] : memref<4x96x96x8x12xi32, #tpu.memory_space<any>> -> memref<1x12x12x1x12xi32, #tpu.memory_space<any>>
      %dma_start3A_3065 = tpu.memref_squeeze %dma_start3A_3064 : memref<1x12x12x1x12xi32, #tpu.memory_space<any>> -> memref<12x12x12xi32, #tpu.memory_space<any>>
      %dma_start3A_3066 = arith.constant 0 : i32
      %dma_start3A_3067 = tpu.memref_slice %arg6[%arg0, %mul3A_2914, %mul3A_2956, %select_n3A_2972, %dma_start3A_3066] : memref<4x96x96x8x12xi32, #tpu.memory_space<any>> -> memref<1x12x12x1x12xi32, #tpu.memory_space<any>>
      %dma_start3A_3068 = tpu.memref_squeeze %dma_start3A_3067 : memref<1x12x12x1x12xi32, #tpu.memory_space<any>> -> memref<12x12x12xi32, #tpu.memory_space<any>>
      tpu.enqueue_dma source(%dma_start3A_3068 : memref<12x12x12xi32, #tpu.memory_space<any>>) target(%dma_start3A_3065 : memref<12x12x12xi32, #tpu.memory_space<any>>) target_semaphore(%arg14 : memref<!tpu.dma_semaphore, #tpu.memory_space<semaphore_mem>>)
      %dma_start3A_3069 = arith.constant 0 : i32
      %dma_start3A_3070 = tpu.memref_slice %arg12[%arg0, %mul3A_2830, %mul3A_2872, %select_n3A_2888, %dma_start3A_3069] : memref<4x96x96x8x12xf32, #tpu.memory_space<any>> -> memref<1x12x12x1x12xf32, #tpu.memory_space<any>>
      %dma_start3A_3071 = tpu.memref_squeeze %dma_start3A_3070 : memref<1x12x12x1x12xf32, #tpu.memory_space<any>> -> memref<12x12x12xf32, #tpu.memory_space<any>>
      %dma_start3A_3072 = arith.constant 0 : i32
      %dma_start3A_3073 = tpu.memref_slice %arg8[%arg0, %mul3A_2914, %mul3A_2956, %select_n3A_2972, %dma_start3A_3072] : memref<4x96x96x8x12xf32, #tpu.memory_space<any>> -> memref<1x12x12x1x12xf32, #tpu.memory_space<any>>
      %dma_start3A_3074 = tpu.memref_squeeze %dma_start3A_3073 : memref<1x12x12x1x12xf32, #tpu.memory_space<any>> -> memref<12x12x12xf32, #tpu.memory_space<any>>
      tpu.enqueue_dma source(%dma_start3A_3074 : memref<12x12x12xf32, #tpu.memory_space<any>>) target(%dma_start3A_3071 : memref<12x12x12xf32, #tpu.memory_space<any>>) target_semaphore(%arg15 : memref<!tpu.dma_semaphore, #tpu.memory_space<semaphore_mem>>)
    } else {
    }
    %convert_element_type3A_2978 = arith.extui %gt3A_1 : i1 to i32
    %cond3A_2979 = arith.constant 0 : i32
    %cond3A_2980 = arith.constant 0 : i32
    %cond3A_2981 = arith.constant 0 : i32
    %cond3A_2982 = arith.cmpi ne, %convert_element_type3A_2978, %cond3A_2981 : i32
    scf.if %cond3A_2982 {
      %dma_wait3A = arith.constant 0 : i32
      %dma_wait3A_3058 = tpu.memref_slice %arg10[%arg0, %cond3A_2980, %mul3A_29, %mul3A_69, %select_n3A_85, %dma_wait3A] : memref<4x1x96x96x8x12xf32, #tpu.memory_space<any>> -> memref<1x1x12x12x1x12xf32, #tpu.memory_space<any>>
      %dma_wait3A_3059 = tpu.memref_squeeze %dma_wait3A_3058 : memref<1x1x12x12x1x12xf32, #tpu.memory_space<any>> -> memref<12x12x12xf32, #tpu.memory_space<any>>
      %dma_wait3A_3060 = arith.constant 0 : i32
      %dma_wait3A_3061 = tpu.memref_slice %arg4[%arg0, %cond3A_2979, %mul3A_111, %mul3A_153, %select_n3A_169, %dma_wait3A_3060] : memref<4x1x96x96x8x12xf32, #tpu.memory_space<any>> -> memref<1x1x12x12x1x12xf32, #tpu.memory_space<any>>
      %dma_wait3A_3062 = tpu.memref_squeeze %dma_wait3A_3061 : memref<1x1x12x12x1x12xf32, #tpu.memory_space<any>> -> memref<12x12x12xf32, #tpu.memory_space<any>>
      tpu.wait_dma2 semaphore(%arg13 : memref<!tpu.dma_semaphore, #tpu.memory_space<semaphore_mem>>) src(%dma_wait3A_3062 : memref<12x12x12xf32, #tpu.memory_space<any>>) dst(%dma_wait3A_3059 : memref<12x12x12xf32, #tpu.memory_space<any>>)
      %dma_wait3A_3063 = arith.constant 0 : i32
      %dma_wait3A_3064 = tpu.memref_slice %arg11[%arg0, %mul3A_29, %mul3A_69, %select_n3A_85, %dma_wait3A_3063] : memref<4x96x96x8x12xi32, #tpu.memory_space<any>> -> memref<1x12x12x1x12xi32, #tpu.memory_space<any>>
      %dma_wait3A_3065 = tpu.memref_squeeze %dma_wait3A_3064 : memref<1x12x12x1x12xi32, #tpu.memory_space<any>> -> memref<12x12x12xi32, #tpu.memory_space<any>>
      %dma_wait3A_3066 = arith.constant 0 : i32
      %dma_wait3A_3067 = tpu.memref_slice %arg6[%arg0, %mul3A_111, %mul3A_153, %select_n3A_169, %dma_wait3A_3066] : memref<4x96x96x8x12xi32, #tpu.memory_space<any>> -> memref<1x12x12x1x12xi32, #tpu.memory_space<any>>
      %dma_wait3A_3068 = tpu.memref_squeeze %dma_wait3A_3067 : memref<1x12x12x1x12xi32, #tpu.memory_space<any>> -> memref<12x12x12xi32, #tpu.memory_space<any>>
      tpu.wait_dma2 semaphore(%arg14 : memref<!tpu.dma_semaphore, #tpu.memory_space<semaphore_mem>>) src(%dma_wait3A_3068 : memref<12x12x12xi32, #tpu.memory_space<any>>) dst(%dma_wait3A_3065 : memref<12x12x12xi32, #tpu.memory_space<any>>)
      %dma_wait3A_3069 = arith.constant 0 : i32
      %dma_wait3A_3070 = tpu.memref_slice %arg12[%arg0, %mul3A_29, %mul3A_69, %select_n3A_85, %dma_wait3A_3069] : memref<4x96x96x8x12xf32, #tpu.memory_space<any>> -> memref<1x12x12x1x12xf32, #tpu.memory_space<any>>
      %dma_wait3A_3071 = tpu.memref_squeeze %dma_wait3A_3070 : memref<1x12x12x1x12xf32, #tpu.memory_space<any>> -> memref<12x12x12xf32, #tpu.memory_space<any>>
      %dma_wait3A_3072 = arith.constant 0 : i32
      %dma_wait3A_3073 = tpu.memref_slice %arg8[%arg0, %mul3A_111, %mul3A_153, %select_n3A_169, %dma_wait3A_3072] : memref<4x96x96x8x12xf32, #tpu.memory_space<any>> -> memref<1x12x12x1x12xf32, #tpu.memory_space<any>>
      %dma_wait3A_3074 = tpu.memref_squeeze %dma_wait3A_3073 : memref<1x12x12x1x12xf32, #tpu.memory_space<any>> -> memref<12x12x12xf32, #tpu.memory_space<any>>
      tpu.wait_dma2 semaphore(%arg15 : memref<!tpu.dma_semaphore, #tpu.memory_space<semaphore_mem>>) src(%dma_wait3A_3074 : memref<12x12x12xf32, #tpu.memory_space<any>>) dst(%dma_wait3A_3071 : memref<12x12x12xf32, #tpu.memory_space<any>>)
    } else {
    }
    %convert_element_type3A_2983 = arith.extui %gt3A_174 : i1 to i32
    %cond3A_2984 = arith.constant 0 : i32
    %cond3A_2985 = arith.constant 0 : i32
    %cond3A_2986 = arith.constant 0 : i32
    %cond3A_2987 = arith.cmpi ne, %convert_element_type3A_2983, %cond3A_2986 : i32
    scf.if %cond3A_2987 {
      %dma_wait3A = arith.constant 0 : i32
      %dma_wait3A_3058 = tpu.memref_slice %arg10[%arg0, %cond3A_2985, %mul3A_212, %mul3A_254, %select_n3A_270, %dma_wait3A] : memref<4x1x96x96x8x12xf32, #tpu.memory_space<any>> -> memref<1x1x12x12x1x12xf32, #tpu.memory_space<any>>
      %dma_wait3A_3059 = tpu.memref_squeeze %dma_wait3A_3058 : memref<1x1x12x12x1x12xf32, #tpu.memory_space<any>> -> memref<12x12x12xf32, #tpu.memory_space<any>>
      %dma_wait3A_3060 = arith.constant 0 : i32
      %dma_wait3A_3061 = tpu.memref_slice %arg4[%arg0, %cond3A_2984, %mul3A_296, %mul3A_338, %select_n3A_354, %dma_wait3A_3060] : memref<4x1x96x96x8x12xf32, #tpu.memory_space<any>> -> memref<1x1x12x12x1x12xf32, #tpu.memory_space<any>>
      %dma_wait3A_3062 = tpu.memref_squeeze %dma_wait3A_3061 : memref<1x1x12x12x1x12xf32, #tpu.memory_space<any>> -> memref<12x12x12xf32, #tpu.memory_space<any>>
      tpu.wait_dma2 semaphore(%arg13 : memref<!tpu.dma_semaphore, #tpu.memory_space<semaphore_mem>>) src(%dma_wait3A_3062 : memref<12x12x12xf32, #tpu.memory_space<any>>) dst(%dma_wait3A_3059 : memref<12x12x12xf32, #tpu.memory_space<any>>)
      %dma_wait3A_3063 = arith.constant 0 : i32
      %dma_wait3A_3064 = tpu.memref_slice %arg11[%arg0, %mul3A_212, %mul3A_254, %select_n3A_270, %dma_wait3A_3063] : memref<4x96x96x8x12xi32, #tpu.memory_space<any>> -> memref<1x12x12x1x12xi32, #tpu.memory_space<any>>
      %dma_wait3A_3065 = tpu.memref_squeeze %dma_wait3A_3064 : memref<1x12x12x1x12xi32, #tpu.memory_space<any>> -> memref<12x12x12xi32, #tpu.memory_space<any>>
      %dma_wait3A_3066 = arith.constant 0 : i32
      %dma_wait3A_3067 = tpu.memref_slice %arg6[%arg0, %mul3A_296, %mul3A_338, %select_n3A_354, %dma_wait3A_3066] : memref<4x96x96x8x12xi32, #tpu.memory_space<any>> -> memref<1x12x12x1x12xi32, #tpu.memory_space<any>>
      %dma_wait3A_3068 = tpu.memref_squeeze %dma_wait3A_3067 : memref<1x12x12x1x12xi32, #tpu.memory_space<any>> -> memref<12x12x12xi32, #tpu.memory_space<any>>
      tpu.wait_dma2 semaphore(%arg14 : memref<!tpu.dma_semaphore, #tpu.memory_space<semaphore_mem>>) src(%dma_wait3A_3068 : memref<12x12x12xi32, #tpu.memory_space<any>>) dst(%dma_wait3A_3065 : memref<12x12x12xi32, #tpu.memory_space<any>>)
      %dma_wait3A_3069 = arith.constant 0 : i32
      %dma_wait3A_3070 = tpu.memref_slice %arg12[%arg0, %mul3A_212, %mul3A_254, %select_n3A_270, %dma_wait3A_3069] : memref<4x96x96x8x12xf32, #tpu.memory_space<any>> -> memref<1x12x12x1x12xf32, #tpu.memory_space<any>>
      %dma_wait3A_3071 = tpu.memref_squeeze %dma_wait3A_3070 : memref<1x12x12x1x12xf32, #tpu.memory_space<any>> -> memref<12x12x12xf32, #tpu.memory_space<any>>
      %dma_wait3A_3072 = arith.constant 0 : i32
      %dma_wait3A_3073 = tpu.memref_slice %arg8[%arg0, %mul3A_296, %mul3A_338, %select_n3A_354, %dma_wait3A_3072] : memref<4x96x96x8x12xf32, #tpu.memory_space<any>> -> memref<1x12x12x1x12xf32, #tpu.memory_space<any>>
      %dma_wait3A_3074 = tpu.memref_squeeze %dma_wait3A_3073 : memref<1x12x12x1x12xf32, #tpu.memory_space<any>> -> memref<12x12x12xf32, #tpu.memory_space<any>>
      tpu.wait_dma2 semaphore(%arg15 : memref<!tpu.dma_semaphore, #tpu.memory_space<semaphore_mem>>) src(%dma_wait3A_3074 : memref<12x12x12xf32, #tpu.memory_space<any>>) dst(%dma_wait3A_3071 : memref<12x12x12xf32, #tpu.memory_space<any>>)
    } else {
    }
    %convert_element_type3A_2988 = arith.extui %gt3A_361 : i1 to i32
    %cond3A_2989 = arith.constant 0 : i32
    %cond3A_2990 = arith.constant 0 : i32
    %cond3A_2991 = arith.constant 0 : i32
    %cond3A_2992 = arith.cmpi ne, %convert_element_type3A_2988, %cond3A_2991 : i32
    scf.if %cond3A_2992 {
      %dma_wait3A = arith.constant 0 : i32
      %dma_wait3A_3058 = tpu.memref_slice %arg10[%arg0, %cond3A_2990, %mul3A_399, %mul3A_441, %select_n3A_457, %dma_wait3A] : memref<4x1x96x96x8x12xf32, #tpu.memory_space<any>> -> memref<1x1x12x12x1x12xf32, #tpu.memory_space<any>>
      %dma_wait3A_3059 = tpu.memref_squeeze %dma_wait3A_3058 : memref<1x1x12x12x1x12xf32, #tpu.memory_space<any>> -> memref<12x12x12xf32, #tpu.memory_space<any>>
      %dma_wait3A_3060 = arith.constant 0 : i32
      %dma_wait3A_3061 = tpu.memref_slice %arg4[%arg0, %cond3A_2989, %mul3A_483, %mul3A_525, %select_n3A_541, %dma_wait3A_3060] : memref<4x1x96x96x8x12xf32, #tpu.memory_space<any>> -> memref<1x1x12x12x1x12xf32, #tpu.memory_space<any>>
      %dma_wait3A_3062 = tpu.memref_squeeze %dma_wait3A_3061 : memref<1x1x12x12x1x12xf32, #tpu.memory_space<any>> -> memref<12x12x12xf32, #tpu.memory_space<any>>
      tpu.wait_dma2 semaphore(%arg13 : memref<!tpu.dma_semaphore, #tpu.memory_space<semaphore_mem>>) src(%dma_wait3A_3062 : memref<12x12x12xf32, #tpu.memory_space<any>>) dst(%dma_wait3A_3059 : memref<12x12x12xf32, #tpu.memory_space<any>>)
      %dma_wait3A_3063 = arith.constant 0 : i32
      %dma_wait3A_3064 = tpu.memref_slice %arg11[%arg0, %mul3A_399, %mul3A_441, %select_n3A_457, %dma_wait3A_3063] : memref<4x96x96x8x12xi32, #tpu.memory_space<any>> -> memref<1x12x12x1x12xi32, #tpu.memory_space<any>>
      %dma_wait3A_3065 = tpu.memref_squeeze %dma_wait3A_3064 : memref<1x12x12x1x12xi32, #tpu.memory_space<any>> -> memref<12x12x12xi32, #tpu.memory_space<any>>
      %dma_wait3A_3066 = arith.constant 0 : i32
      %dma_wait3A_3067 = tpu.memref_slice %arg6[%arg0, %mul3A_483, %mul3A_525, %select_n3A_541, %dma_wait3A_3066] : memref<4x96x96x8x12xi32, #tpu.memory_space<any>> -> memref<1x12x12x1x12xi32, #tpu.memory_space<any>>
      %dma_wait3A_3068 = tpu.memref_squeeze %dma_wait3A_3067 : memref<1x12x12x1x12xi32, #tpu.memory_space<any>> -> memref<12x12x12xi32, #tpu.memory_space<any>>
      tpu.wait_dma2 semaphore(%arg14 : memref<!tpu.dma_semaphore, #tpu.memory_space<semaphore_mem>>) src(%dma_wait3A_3068 : memref<12x12x12xi32, #tpu.memory_space<any>>) dst(%dma_wait3A_3065 : memref<12x12x12xi32, #tpu.memory_space<any>>)
      %dma_wait3A_3069 = arith.constant 0 : i32
      %dma_wait3A_3070 = tpu.memref_slice %arg12[%arg0, %mul3A_399, %mul3A_441, %select_n3A_457, %dma_wait3A_3069] : memref<4x96x96x8x12xf32, #tpu.memory_space<any>> -> memref<1x12x12x1x12xf32, #tpu.memory_space<any>>
      %dma_wait3A_3071 = tpu.memref_squeeze %dma_wait3A_3070 : memref<1x12x12x1x12xf32, #tpu.memory_space<any>> -> memref<12x12x12xf32, #tpu.memory_space<any>>
      %dma_wait3A_3072 = arith.constant 0 : i32
      %dma_wait3A_3073 = tpu.memref_slice %arg8[%arg0, %mul3A_483, %mul3A_525, %select_n3A_541, %dma_wait3A_3072] : memref<4x96x96x8x12xf32, #tpu.memory_space<any>> -> memref<1x12x12x1x12xf32, #tpu.memory_space<any>>
      %dma_wait3A_3074 = tpu.memref_squeeze %dma_wait3A_3073 : memref<1x12x12x1x12xf32, #tpu.memory_space<any>> -> memref<12x12x12xf32, #tpu.memory_space<any>>
      tpu.wait_dma2 semaphore(%arg15 : memref<!tpu.dma_semaphore, #tpu.memory_space<semaphore_mem>>) src(%dma_wait3A_3074 : memref<12x12x12xf32, #tpu.memory_space<any>>) dst(%dma_wait3A_3071 : memref<12x12x12xf32, #tpu.memory_space<any>>)
    } else {
    }
    %convert_element_type3A_2993 = arith.extui %gt3A_548 : i1 to i32
    %cond3A_2994 = arith.constant 0 : i32
    %cond3A_2995 = arith.constant 0 : i32
    %cond3A_2996 = arith.constant 0 : i32
    %cond3A_2997 = arith.cmpi ne, %convert_element_type3A_2993, %cond3A_2996 : i32
    scf.if %cond3A_2997 {
      %dma_wait3A = arith.constant 0 : i32
      %dma_wait3A_3058 = tpu.memref_slice %arg10[%arg0, %cond3A_2995, %mul3A_586, %mul3A_628, %select_n3A_644, %dma_wait3A] : memref<4x1x96x96x8x12xf32, #tpu.memory_space<any>> -> memref<1x1x12x12x1x12xf32, #tpu.memory_space<any>>
      %dma_wait3A_3059 = tpu.memref_squeeze %dma_wait3A_3058 : memref<1x1x12x12x1x12xf32, #tpu.memory_space<any>> -> memref<12x12x12xf32, #tpu.memory_space<any>>
      %dma_wait3A_3060 = arith.constant 0 : i32
      %dma_wait3A_3061 = tpu.memref_slice %arg4[%arg0, %cond3A_2994, %mul3A_670, %mul3A_712, %select_n3A_728, %dma_wait3A_3060] : memref<4x1x96x96x8x12xf32, #tpu.memory_space<any>> -> memref<1x1x12x12x1x12xf32, #tpu.memory_space<any>>
      %dma_wait3A_3062 = tpu.memref_squeeze %dma_wait3A_3061 : memref<1x1x12x12x1x12xf32, #tpu.memory_space<any>> -> memref<12x12x12xf32, #tpu.memory_space<any>>
      tpu.wait_dma2 semaphore(%arg13 : memref<!tpu.dma_semaphore, #tpu.memory_space<semaphore_mem>>) src(%dma_wait3A_3062 : memref<12x12x12xf32, #tpu.memory_space<any>>) dst(%dma_wait3A_3059 : memref<12x12x12xf32, #tpu.memory_space<any>>)
      %dma_wait3A_3063 = arith.constant 0 : i32
      %dma_wait3A_3064 = tpu.memref_slice %arg11[%arg0, %mul3A_586, %mul3A_628, %select_n3A_644, %dma_wait3A_3063] : memref<4x96x96x8x12xi32, #tpu.memory_space<any>> -> memref<1x12x12x1x12xi32, #tpu.memory_space<any>>
      %dma_wait3A_3065 = tpu.memref_squeeze %dma_wait3A_3064 : memref<1x12x12x1x12xi32, #tpu.memory_space<any>> -> memref<12x12x12xi32, #tpu.memory_space<any>>
      %dma_wait3A_3066 = arith.constant 0 : i32
      %dma_wait3A_3067 = tpu.memref_slice %arg6[%arg0, %mul3A_670, %mul3A_712, %select_n3A_728, %dma_wait3A_3066] : memref<4x96x96x8x12xi32, #tpu.memory_space<any>> -> memref<1x12x12x1x12xi32, #tpu.memory_space<any>>
      %dma_wait3A_3068 = tpu.memref_squeeze %dma_wait3A_3067 : memref<1x12x12x1x12xi32, #tpu.memory_space<any>> -> memref<12x12x12xi32, #tpu.memory_space<any>>
      tpu.wait_dma2 semaphore(%arg14 : memref<!tpu.dma_semaphore, #tpu.memory_space<semaphore_mem>>) src(%dma_wait3A_3068 : memref<12x12x12xi32, #tpu.memory_space<any>>) dst(%dma_wait3A_3065 : memref<12x12x12xi32, #tpu.memory_space<any>>)
      %dma_wait3A_3069 = arith.constant 0 : i32
      %dma_wait3A_3070 = tpu.memref_slice %arg12[%arg0, %mul3A_586, %mul3A_628, %select_n3A_644, %dma_wait3A_3069] : memref<4x96x96x8x12xf32, #tpu.memory_space<any>> -> memref<1x12x12x1x12xf32, #tpu.memory_space<any>>
      %dma_wait3A_3071 = tpu.memref_squeeze %dma_wait3A_3070 : memref<1x12x12x1x12xf32, #tpu.memory_space<any>> -> memref<12x12x12xf32, #tpu.memory_space<any>>
      %dma_wait3A_3072 = arith.constant 0 : i32
      %dma_wait3A_3073 = tpu.memref_slice %arg8[%arg0, %mul3A_670, %mul3A_712, %select_n3A_728, %dma_wait3A_3072] : memref<4x96x96x8x12xf32, #tpu.memory_space<any>> -> memref<1x12x12x1x12xf32, #tpu.memory_space<any>>
      %dma_wait3A_3074 = tpu.memref_squeeze %dma_wait3A_3073 : memref<1x12x12x1x12xf32, #tpu.memory_space<any>> -> memref<12x12x12xf32, #tpu.memory_space<any>>
      tpu.wait_dma2 semaphore(%arg15 : memref<!tpu.dma_semaphore, #tpu.memory_space<semaphore_mem>>) src(%dma_wait3A_3074 : memref<12x12x12xf32, #tpu.memory_space<any>>) dst(%dma_wait3A_3071 : memref<12x12x12xf32, #tpu.memory_space<any>>)
    } else {
    }
    %convert_element_type3A_2998 = arith.extui %gt3A_735 : i1 to i32
    %cond3A_2999 = arith.constant 0 : i32
    %cond3A_3000 = arith.constant 0 : i32
    %cond3A_3001 = arith.constant 0 : i32
    %cond3A_3002 = arith.cmpi ne, %convert_element_type3A_2998, %cond3A_3001 : i32
    scf.if %cond3A_3002 {
      %dma_wait3A = arith.constant 0 : i32
      %dma_wait3A_3058 = tpu.memref_slice %arg10[%arg0, %cond3A_3000, %mul3A_773, %mul3A_815, %select_n3A_831, %dma_wait3A] : memref<4x1x96x96x8x12xf32, #tpu.memory_space<any>> -> memref<1x1x12x12x1x12xf32, #tpu.memory_space<any>>
      %dma_wait3A_3059 = tpu.memref_squeeze %dma_wait3A_3058 : memref<1x1x12x12x1x12xf32, #tpu.memory_space<any>> -> memref<12x12x12xf32, #tpu.memory_space<any>>
      %dma_wait3A_3060 = arith.constant 0 : i32
      %dma_wait3A_3061 = tpu.memref_slice %arg4[%arg0, %cond3A_2999, %mul3A_857, %mul3A_899, %select_n3A_915, %dma_wait3A_3060] : memref<4x1x96x96x8x12xf32, #tpu.memory_space<any>> -> memref<1x1x12x12x1x12xf32, #tpu.memory_space<any>>
      %dma_wait3A_3062 = tpu.memref_squeeze %dma_wait3A_3061 : memref<1x1x12x12x1x12xf32, #tpu.memory_space<any>> -> memref<12x12x12xf32, #tpu.memory_space<any>>
      tpu.wait_dma2 semaphore(%arg13 : memref<!tpu.dma_semaphore, #tpu.memory_space<semaphore_mem>>) src(%dma_wait3A_3062 : memref<12x12x12xf32, #tpu.memory_space<any>>) dst(%dma_wait3A_3059 : memref<12x12x12xf32, #tpu.memory_space<any>>)
      %dma_wait3A_3063 = arith.constant 0 : i32
      %dma_wait3A_3064 = tpu.memref_slice %arg11[%arg0, %mul3A_773, %mul3A_815, %select_n3A_831, %dma_wait3A_3063] : memref<4x96x96x8x12xi32, #tpu.memory_space<any>> -> memref<1x12x12x1x12xi32, #tpu.memory_space<any>>
      %dma_wait3A_3065 = tpu.memref_squeeze %dma_wait3A_3064 : memref<1x12x12x1x12xi32, #tpu.memory_space<any>> -> memref<12x12x12xi32, #tpu.memory_space<any>>
      %dma_wait3A_3066 = arith.constant 0 : i32
      %dma_wait3A_3067 = tpu.memref_slice %arg6[%arg0, %mul3A_857, %mul3A_899, %select_n3A_915, %dma_wait3A_3066] : memref<4x96x96x8x12xi32, #tpu.memory_space<any>> -> memref<1x12x12x1x12xi32, #tpu.memory_space<any>>
      %dma_wait3A_3068 = tpu.memref_squeeze %dma_wait3A_3067 : memref<1x12x12x1x12xi32, #tpu.memory_space<any>> -> memref<12x12x12xi32, #tpu.memory_space<any>>
      tpu.wait_dma2 semaphore(%arg14 : memref<!tpu.dma_semaphore, #tpu.memory_space<semaphore_mem>>) src(%dma_wait3A_3068 : memref<12x12x12xi32, #tpu.memory_space<any>>) dst(%dma_wait3A_3065 : memref<12x12x12xi32, #tpu.memory_space<any>>)
      %dma_wait3A_3069 = arith.constant 0 : i32
      %dma_wait3A_3070 = tpu.memref_slice %arg12[%arg0, %mul3A_773, %mul3A_815, %select_n3A_831, %dma_wait3A_3069] : memref<4x96x96x8x12xf32, #tpu.memory_space<any>> -> memref<1x12x12x1x12xf32, #tpu.memory_space<any>>
      %dma_wait3A_3071 = tpu.memref_squeeze %dma_wait3A_3070 : memref<1x12x12x1x12xf32, #tpu.memory_space<any>> -> memref<12x12x12xf32, #tpu.memory_space<any>>
      %dma_wait3A_3072 = arith.constant 0 : i32
      %dma_wait3A_3073 = tpu.memref_slice %arg8[%arg0, %mul3A_857, %mul3A_899, %select_n3A_915, %dma_wait3A_3072] : memref<4x96x96x8x12xf32, #tpu.memory_space<any>> -> memref<1x12x12x1x12xf32, #tpu.memory_space<any>>
      %dma_wait3A_3074 = tpu.memref_squeeze %dma_wait3A_3073 : memref<1x12x12x1x12xf32, #tpu.memory_space<any>> -> memref<12x12x12xf32, #tpu.memory_space<any>>
      tpu.wait_dma2 semaphore(%arg15 : memref<!tpu.dma_semaphore, #tpu.memory_space<semaphore_mem>>) src(%dma_wait3A_3074 : memref<12x12x12xf32, #tpu.memory_space<any>>) dst(%dma_wait3A_3071 : memref<12x12x12xf32, #tpu.memory_space<any>>)
    } else {
    }
    %convert_element_type3A_3003 = arith.extui %gt3A_922 : i1 to i32
    %cond3A_3004 = arith.constant 0 : i32
    %cond3A_3005 = arith.constant 0 : i32
    %cond3A_3006 = arith.constant 0 : i32
    %cond3A_3007 = arith.cmpi ne, %convert_element_type3A_3003, %cond3A_3006 : i32
    scf.if %cond3A_3007 {
      %dma_wait3A = arith.constant 0 : i32
      %dma_wait3A_3058 = tpu.memref_slice %arg10[%arg0, %cond3A_3005, %mul3A_960, %mul3A_1002, %select_n3A_1018, %dma_wait3A] : memref<4x1x96x96x8x12xf32, #tpu.memory_space<any>> -> memref<1x1x12x12x1x12xf32, #tpu.memory_space<any>>
      %dma_wait3A_3059 = tpu.memref_squeeze %dma_wait3A_3058 : memref<1x1x12x12x1x12xf32, #tpu.memory_space<any>> -> memref<12x12x12xf32, #tpu.memory_space<any>>
      %dma_wait3A_3060 = arith.constant 0 : i32
      %dma_wait3A_3061 = tpu.memref_slice %arg4[%arg0, %cond3A_3004, %mul3A_1044, %mul3A_1086, %select_n3A_1102, %dma_wait3A_3060] : memref<4x1x96x96x8x12xf32, #tpu.memory_space<any>> -> memref<1x1x12x12x1x12xf32, #tpu.memory_space<any>>
      %dma_wait3A_3062 = tpu.memref_squeeze %dma_wait3A_3061 : memref<1x1x12x12x1x12xf32, #tpu.memory_space<any>> -> memref<12x12x12xf32, #tpu.memory_space<any>>
      tpu.wait_dma2 semaphore(%arg13 : memref<!tpu.dma_semaphore, #tpu.memory_space<semaphore_mem>>) src(%dma_wait3A_3062 : memref<12x12x12xf32, #tpu.memory_space<any>>) dst(%dma_wait3A_3059 : memref<12x12x12xf32, #tpu.memory_space<any>>)
      %dma_wait3A_3063 = arith.constant 0 : i32
      %dma_wait3A_3064 = tpu.memref_slice %arg11[%arg0, %mul3A_960, %mul3A_1002, %select_n3A_1018, %dma_wait3A_3063] : memref<4x96x96x8x12xi32, #tpu.memory_space<any>> -> memref<1x12x12x1x12xi32, #tpu.memory_space<any>>
      %dma_wait3A_3065 = tpu.memref_squeeze %dma_wait3A_3064 : memref<1x12x12x1x12xi32, #tpu.memory_space<any>> -> memref<12x12x12xi32, #tpu.memory_space<any>>
      %dma_wait3A_3066 = arith.constant 0 : i32
      %dma_wait3A_3067 = tpu.memref_slice %arg6[%arg0, %mul3A_1044, %mul3A_1086, %select_n3A_1102, %dma_wait3A_3066] : memref<4x96x96x8x12xi32, #tpu.memory_space<any>> -> memref<1x12x12x1x12xi32, #tpu.memory_space<any>>
      %dma_wait3A_3068 = tpu.memref_squeeze %dma_wait3A_3067 : memref<1x12x12x1x12xi32, #tpu.memory_space<any>> -> memref<12x12x12xi32, #tpu.memory_space<any>>
      tpu.wait_dma2 semaphore(%arg14 : memref<!tpu.dma_semaphore, #tpu.memory_space<semaphore_mem>>) src(%dma_wait3A_3068 : memref<12x12x12xi32, #tpu.memory_space<any>>) dst(%dma_wait3A_3065 : memref<12x12x12xi32, #tpu.memory_space<any>>)
      %dma_wait3A_3069 = arith.constant 0 : i32
      %dma_wait3A_3070 = tpu.memref_slice %arg12[%arg0, %mul3A_960, %mul3A_1002, %select_n3A_1018, %dma_wait3A_3069] : memref<4x96x96x8x12xf32, #tpu.memory_space<any>> -> memref<1x12x12x1x12xf32, #tpu.memory_space<any>>
      %dma_wait3A_3071 = tpu.memref_squeeze %dma_wait3A_3070 : memref<1x12x12x1x12xf32, #tpu.memory_space<any>> -> memref<12x12x12xf32, #tpu.memory_space<any>>
      %dma_wait3A_3072 = arith.constant 0 : i32
      %dma_wait3A_3073 = tpu.memref_slice %arg8[%arg0, %mul3A_1044, %mul3A_1086, %select_n3A_1102, %dma_wait3A_3072] : memref<4x96x96x8x12xf32, #tpu.memory_space<any>> -> memref<1x12x12x1x12xf32, #tpu.memory_space<any>>
      %dma_wait3A_3074 = tpu.memref_squeeze %dma_wait3A_3073 : memref<1x12x12x1x12xf32, #tpu.memory_space<any>> -> memref<12x12x12xf32, #tpu.memory_space<any>>
      tpu.wait_dma2 semaphore(%arg15 : memref<!tpu.dma_semaphore, #tpu.memory_space<semaphore_mem>>) src(%dma_wait3A_3074 : memref<12x12x12xf32, #tpu.memory_space<any>>) dst(%dma_wait3A_3071 : memref<12x12x12xf32, #tpu.memory_space<any>>)
    } else {
    }
    %convert_element_type3A_3008 = arith.extui %gt3A_1109 : i1 to i32
    %cond3A_3009 = arith.constant 0 : i32
    %cond3A_3010 = arith.constant 0 : i32
    %cond3A_3011 = arith.constant 0 : i32
    %cond3A_3012 = arith.cmpi ne, %convert_element_type3A_3008, %cond3A_3011 : i32
    scf.if %cond3A_3012 {
      %dma_wait3A = arith.constant 0 : i32
      %dma_wait3A_3058 = tpu.memref_slice %arg10[%arg0, %cond3A_3010, %mul3A_1147, %mul3A_1189, %select_n3A_1205, %dma_wait3A] : memref<4x1x96x96x8x12xf32, #tpu.memory_space<any>> -> memref<1x1x12x12x1x12xf32, #tpu.memory_space<any>>
      %dma_wait3A_3059 = tpu.memref_squeeze %dma_wait3A_3058 : memref<1x1x12x12x1x12xf32, #tpu.memory_space<any>> -> memref<12x12x12xf32, #tpu.memory_space<any>>
      %dma_wait3A_3060 = arith.constant 0 : i32
      %dma_wait3A_3061 = tpu.memref_slice %arg4[%arg0, %cond3A_3009, %mul3A_1231, %mul3A_1273, %select_n3A_1289, %dma_wait3A_3060] : memref<4x1x96x96x8x12xf32, #tpu.memory_space<any>> -> memref<1x1x12x12x1x12xf32, #tpu.memory_space<any>>
      %dma_wait3A_3062 = tpu.memref_squeeze %dma_wait3A_3061 : memref<1x1x12x12x1x12xf32, #tpu.memory_space<any>> -> memref<12x12x12xf32, #tpu.memory_space<any>>
      tpu.wait_dma2 semaphore(%arg13 : memref<!tpu.dma_semaphore, #tpu.memory_space<semaphore_mem>>) src(%dma_wait3A_3062 : memref<12x12x12xf32, #tpu.memory_space<any>>) dst(%dma_wait3A_3059 : memref<12x12x12xf32, #tpu.memory_space<any>>)
      %dma_wait3A_3063 = arith.constant 0 : i32
      %dma_wait3A_3064 = tpu.memref_slice %arg11[%arg0, %mul3A_1147, %mul3A_1189, %select_n3A_1205, %dma_wait3A_3063] : memref<4x96x96x8x12xi32, #tpu.memory_space<any>> -> memref<1x12x12x1x12xi32, #tpu.memory_space<any>>
      %dma_wait3A_3065 = tpu.memref_squeeze %dma_wait3A_3064 : memref<1x12x12x1x12xi32, #tpu.memory_space<any>> -> memref<12x12x12xi32, #tpu.memory_space<any>>
      %dma_wait3A_3066 = arith.constant 0 : i32
      %dma_wait3A_3067 = tpu.memref_slice %arg6[%arg0, %mul3A_1231, %mul3A_1273, %select_n3A_1289, %dma_wait3A_3066] : memref<4x96x96x8x12xi32, #tpu.memory_space<any>> -> memref<1x12x12x1x12xi32, #tpu.memory_space<any>>
      %dma_wait3A_3068 = tpu.memref_squeeze %dma_wait3A_3067 : memref<1x12x12x1x12xi32, #tpu.memory_space<any>> -> memref<12x12x12xi32, #tpu.memory_space<any>>
      tpu.wait_dma2 semaphore(%arg14 : memref<!tpu.dma_semaphore, #tpu.memory_space<semaphore_mem>>) src(%dma_wait3A_3068 : memref<12x12x12xi32, #tpu.memory_space<any>>) dst(%dma_wait3A_3065 : memref<12x12x12xi32, #tpu.memory_space<any>>)
      %dma_wait3A_3069 = arith.constant 0 : i32
      %dma_wait3A_3070 = tpu.memref_slice %arg12[%arg0, %mul3A_1147, %mul3A_1189, %select_n3A_1205, %dma_wait3A_3069] : memref<4x96x96x8x12xf32, #tpu.memory_space<any>> -> memref<1x12x12x1x12xf32, #tpu.memory_space<any>>
      %dma_wait3A_3071 = tpu.memref_squeeze %dma_wait3A_3070 : memref<1x12x12x1x12xf32, #tpu.memory_space<any>> -> memref<12x12x12xf32, #tpu.memory_space<any>>
      %dma_wait3A_3072 = arith.constant 0 : i32
      %dma_wait3A_3073 = tpu.memref_slice %arg8[%arg0, %mul3A_1231, %mul3A_1273, %select_n3A_1289, %dma_wait3A_3072] : memref<4x96x96x8x12xf32, #tpu.memory_space<any>> -> memref<1x12x12x1x12xf32, #tpu.memory_space<any>>
      %dma_wait3A_3074 = tpu.memref_squeeze %dma_wait3A_3073 : memref<1x12x12x1x12xf32, #tpu.memory_space<any>> -> memref<12x12x12xf32, #tpu.memory_space<any>>
      tpu.wait_dma2 semaphore(%arg15 : memref<!tpu.dma_semaphore, #tpu.memory_space<semaphore_mem>>) src(%dma_wait3A_3074 : memref<12x12x12xf32, #tpu.memory_space<any>>) dst(%dma_wait3A_3071 : memref<12x12x12xf32, #tpu.memory_space<any>>)
    } else {
    }
    %convert_element_type3A_3013 = arith.extui %gt3A_1296 : i1 to i32
    %cond3A_3014 = arith.constant 0 : i32
    %cond3A_3015 = arith.constant 0 : i32
    %cond3A_3016 = arith.constant 0 : i32
    %cond3A_3017 = arith.cmpi ne, %convert_element_type3A_3013, %cond3A_3016 : i32
    scf.if %cond3A_3017 {
      %dma_wait3A = arith.constant 0 : i32
      %dma_wait3A_3058 = tpu.memref_slice %arg10[%arg0, %cond3A_3015, %mul3A_1334, %mul3A_1376, %select_n3A_1392, %dma_wait3A] : memref<4x1x96x96x8x12xf32, #tpu.memory_space<any>> -> memref<1x1x12x12x1x12xf32, #tpu.memory_space<any>>
      %dma_wait3A_3059 = tpu.memref_squeeze %dma_wait3A_3058 : memref<1x1x12x12x1x12xf32, #tpu.memory_space<any>> -> memref<12x12x12xf32, #tpu.memory_space<any>>
      %dma_wait3A_3060 = arith.constant 0 : i32
      %dma_wait3A_3061 = tpu.memref_slice %arg4[%arg0, %cond3A_3014, %mul3A_1418, %mul3A_1460, %select_n3A_1476, %dma_wait3A_3060] : memref<4x1x96x96x8x12xf32, #tpu.memory_space<any>> -> memref<1x1x12x12x1x12xf32, #tpu.memory_space<any>>
      %dma_wait3A_3062 = tpu.memref_squeeze %dma_wait3A_3061 : memref<1x1x12x12x1x12xf32, #tpu.memory_space<any>> -> memref<12x12x12xf32, #tpu.memory_space<any>>
      tpu.wait_dma2 semaphore(%arg13 : memref<!tpu.dma_semaphore, #tpu.memory_space<semaphore_mem>>) src(%dma_wait3A_3062 : memref<12x12x12xf32, #tpu.memory_space<any>>) dst(%dma_wait3A_3059 : memref<12x12x12xf32, #tpu.memory_space<any>>)
      %dma_wait3A_3063 = arith.constant 0 : i32
      %dma_wait3A_3064 = tpu.memref_slice %arg11[%arg0, %mul3A_1334, %mul3A_1376, %select_n3A_1392, %dma_wait3A_3063] : memref<4x96x96x8x12xi32, #tpu.memory_space<any>> -> memref<1x12x12x1x12xi32, #tpu.memory_space<any>>
      %dma_wait3A_3065 = tpu.memref_squeeze %dma_wait3A_3064 : memref<1x12x12x1x12xi32, #tpu.memory_space<any>> -> memref<12x12x12xi32, #tpu.memory_space<any>>
      %dma_wait3A_3066 = arith.constant 0 : i32
      %dma_wait3A_3067 = tpu.memref_slice %arg6[%arg0, %mul3A_1418, %mul3A_1460, %select_n3A_1476, %dma_wait3A_3066] : memref<4x96x96x8x12xi32, #tpu.memory_space<any>> -> memref<1x12x12x1x12xi32, #tpu.memory_space<any>>
      %dma_wait3A_3068 = tpu.memref_squeeze %dma_wait3A_3067 : memref<1x12x12x1x12xi32, #tpu.memory_space<any>> -> memref<12x12x12xi32, #tpu.memory_space<any>>
      tpu.wait_dma2 semaphore(%arg14 : memref<!tpu.dma_semaphore, #tpu.memory_space<semaphore_mem>>) src(%dma_wait3A_3068 : memref<12x12x12xi32, #tpu.memory_space<any>>) dst(%dma_wait3A_3065 : memref<12x12x12xi32, #tpu.memory_space<any>>)
      %dma_wait3A_3069 = arith.constant 0 : i32
      %dma_wait3A_3070 = tpu.memref_slice %arg12[%arg0, %mul3A_1334, %mul3A_1376, %select_n3A_1392, %dma_wait3A_3069] : memref<4x96x96x8x12xf32, #tpu.memory_space<any>> -> memref<1x12x12x1x12xf32, #tpu.memory_space<any>>
      %dma_wait3A_3071 = tpu.memref_squeeze %dma_wait3A_3070 : memref<1x12x12x1x12xf32, #tpu.memory_space<any>> -> memref<12x12x12xf32, #tpu.memory_space<any>>
      %dma_wait3A_3072 = arith.constant 0 : i32
      %dma_wait3A_3073 = tpu.memref_slice %arg8[%arg0, %mul3A_1418, %mul3A_1460, %select_n3A_1476, %dma_wait3A_3072] : memref<4x96x96x8x12xf32, #tpu.memory_space<any>> -> memref<1x12x12x1x12xf32, #tpu.memory_space<any>>
      %dma_wait3A_3074 = tpu.memref_squeeze %dma_wait3A_3073 : memref<1x12x12x1x12xf32, #tpu.memory_space<any>> -> memref<12x12x12xf32, #tpu.memory_space<any>>
      tpu.wait_dma2 semaphore(%arg15 : memref<!tpu.dma_semaphore, #tpu.memory_space<semaphore_mem>>) src(%dma_wait3A_3074 : memref<12x12x12xf32, #tpu.memory_space<any>>) dst(%dma_wait3A_3071 : memref<12x12x12xf32, #tpu.memory_space<any>>)
    } else {
    }
    %convert_element_type3A_3018 = arith.extui %gt3A_1483 : i1 to i32
    %cond3A_3019 = arith.constant 0 : i32
    %cond3A_3020 = arith.constant 0 : i32
    %cond3A_3021 = arith.constant 0 : i32
    %cond3A_3022 = arith.cmpi ne, %convert_element_type3A_3018, %cond3A_3021 : i32
    scf.if %cond3A_3022 {
      %dma_wait3A = arith.constant 0 : i32
      %dma_wait3A_3058 = tpu.memref_slice %arg10[%arg0, %cond3A_3020, %mul3A_1521, %mul3A_1563, %select_n3A_1579, %dma_wait3A] : memref<4x1x96x96x8x12xf32, #tpu.memory_space<any>> -> memref<1x1x12x12x1x12xf32, #tpu.memory_space<any>>
      %dma_wait3A_3059 = tpu.memref_squeeze %dma_wait3A_3058 : memref<1x1x12x12x1x12xf32, #tpu.memory_space<any>> -> memref<12x12x12xf32, #tpu.memory_space<any>>
      %dma_wait3A_3060 = arith.constant 0 : i32
      %dma_wait3A_3061 = tpu.memref_slice %arg4[%arg0, %cond3A_3019, %mul3A_1605, %mul3A_1647, %select_n3A_1663, %dma_wait3A_3060] : memref<4x1x96x96x8x12xf32, #tpu.memory_space<any>> -> memref<1x1x12x12x1x12xf32, #tpu.memory_space<any>>
      %dma_wait3A_3062 = tpu.memref_squeeze %dma_wait3A_3061 : memref<1x1x12x12x1x12xf32, #tpu.memory_space<any>> -> memref<12x12x12xf32, #tpu.memory_space<any>>
      tpu.wait_dma2 semaphore(%arg13 : memref<!tpu.dma_semaphore, #tpu.memory_space<semaphore_mem>>) src(%dma_wait3A_3062 : memref<12x12x12xf32, #tpu.memory_space<any>>) dst(%dma_wait3A_3059 : memref<12x12x12xf32, #tpu.memory_space<any>>)
      %dma_wait3A_3063 = arith.constant 0 : i32
      %dma_wait3A_3064 = tpu.memref_slice %arg11[%arg0, %mul3A_1521, %mul3A_1563, %select_n3A_1579, %dma_wait3A_3063] : memref<4x96x96x8x12xi32, #tpu.memory_space<any>> -> memref<1x12x12x1x12xi32, #tpu.memory_space<any>>
      %dma_wait3A_3065 = tpu.memref_squeeze %dma_wait3A_3064 : memref<1x12x12x1x12xi32, #tpu.memory_space<any>> -> memref<12x12x12xi32, #tpu.memory_space<any>>
      %dma_wait3A_3066 = arith.constant 0 : i32
      %dma_wait3A_3067 = tpu.memref_slice %arg6[%arg0, %mul3A_1605, %mul3A_1647, %select_n3A_1663, %dma_wait3A_3066] : memref<4x96x96x8x12xi32, #tpu.memory_space<any>> -> memref<1x12x12x1x12xi32, #tpu.memory_space<any>>
      %dma_wait3A_3068 = tpu.memref_squeeze %dma_wait3A_3067 : memref<1x12x12x1x12xi32, #tpu.memory_space<any>> -> memref<12x12x12xi32, #tpu.memory_space<any>>
      tpu.wait_dma2 semaphore(%arg14 : memref<!tpu.dma_semaphore, #tpu.memory_space<semaphore_mem>>) src(%dma_wait3A_3068 : memref<12x12x12xi32, #tpu.memory_space<any>>) dst(%dma_wait3A_3065 : memref<12x12x12xi32, #tpu.memory_space<any>>)
      %dma_wait3A_3069 = arith.constant 0 : i32
      %dma_wait3A_3070 = tpu.memref_slice %arg12[%arg0, %mul3A_1521, %mul3A_1563, %select_n3A_1579, %dma_wait3A_3069] : memref<4x96x96x8x12xf32, #tpu.memory_space<any>> -> memref<1x12x12x1x12xf32, #tpu.memory_space<any>>
      %dma_wait3A_3071 = tpu.memref_squeeze %dma_wait3A_3070 : memref<1x12x12x1x12xf32, #tpu.memory_space<any>> -> memref<12x12x12xf32, #tpu.memory_space<any>>
      %dma_wait3A_3072 = arith.constant 0 : i32
      %dma_wait3A_3073 = tpu.memref_slice %arg8[%arg0, %mul3A_1605, %mul3A_1647, %select_n3A_1663, %dma_wait3A_3072] : memref<4x96x96x8x12xf32, #tpu.memory_space<any>> -> memref<1x12x12x1x12xf32, #tpu.memory_space<any>>
      %dma_wait3A_3074 = tpu.memref_squeeze %dma_wait3A_3073 : memref<1x12x12x1x12xf32, #tpu.memory_space<any>> -> memref<12x12x12xf32, #tpu.memory_space<any>>
      tpu.wait_dma2 semaphore(%arg15 : memref<!tpu.dma_semaphore, #tpu.memory_space<semaphore_mem>>) src(%dma_wait3A_3074 : memref<12x12x12xf32, #tpu.memory_space<any>>) dst(%dma_wait3A_3071 : memref<12x12x12xf32, #tpu.memory_space<any>>)
    } else {
    }
    %convert_element_type3A_3023 = arith.extui %gt3A_1670 : i1 to i32
    %cond3A_3024 = arith.constant 0 : i32
    %cond3A_3025 = arith.constant 0 : i32
    %cond3A_3026 = arith.constant 0 : i32
    %cond3A_3027 = arith.cmpi ne, %convert_element_type3A_3023, %cond3A_3026 : i32
    scf.if %cond3A_3027 {
      %dma_wait3A = arith.constant 0 : i32
      %dma_wait3A_3058 = tpu.memref_slice %arg10[%arg0, %cond3A_3025, %mul3A_1708, %mul3A_1750, %select_n3A_1766, %dma_wait3A] : memref<4x1x96x96x8x12xf32, #tpu.memory_space<any>> -> memref<1x1x12x12x1x12xf32, #tpu.memory_space<any>>
      %dma_wait3A_3059 = tpu.memref_squeeze %dma_wait3A_3058 : memref<1x1x12x12x1x12xf32, #tpu.memory_space<any>> -> memref<12x12x12xf32, #tpu.memory_space<any>>
      %dma_wait3A_3060 = arith.constant 0 : i32
      %dma_wait3A_3061 = tpu.memref_slice %arg4[%arg0, %cond3A_3024, %mul3A_1792, %mul3A_1834, %select_n3A_1850, %dma_wait3A_3060] : memref<4x1x96x96x8x12xf32, #tpu.memory_space<any>> -> memref<1x1x12x12x1x12xf32, #tpu.memory_space<any>>
      %dma_wait3A_3062 = tpu.memref_squeeze %dma_wait3A_3061 : memref<1x1x12x12x1x12xf32, #tpu.memory_space<any>> -> memref<12x12x12xf32, #tpu.memory_space<any>>
      tpu.wait_dma2 semaphore(%arg13 : memref<!tpu.dma_semaphore, #tpu.memory_space<semaphore_mem>>) src(%dma_wait3A_3062 : memref<12x12x12xf32, #tpu.memory_space<any>>) dst(%dma_wait3A_3059 : memref<12x12x12xf32, #tpu.memory_space<any>>)
      %dma_wait3A_3063 = arith.constant 0 : i32
      %dma_wait3A_3064 = tpu.memref_slice %arg11[%arg0, %mul3A_1708, %mul3A_1750, %select_n3A_1766, %dma_wait3A_3063] : memref<4x96x96x8x12xi32, #tpu.memory_space<any>> -> memref<1x12x12x1x12xi32, #tpu.memory_space<any>>
      %dma_wait3A_3065 = tpu.memref_squeeze %dma_wait3A_3064 : memref<1x12x12x1x12xi32, #tpu.memory_space<any>> -> memref<12x12x12xi32, #tpu.memory_space<any>>
      %dma_wait3A_3066 = arith.constant 0 : i32
      %dma_wait3A_3067 = tpu.memref_slice %arg6[%arg0, %mul3A_1792, %mul3A_1834, %select_n3A_1850, %dma_wait3A_3066] : memref<4x96x96x8x12xi32, #tpu.memory_space<any>> -> memref<1x12x12x1x12xi32, #tpu.memory_space<any>>
      %dma_wait3A_3068 = tpu.memref_squeeze %dma_wait3A_3067 : memref<1x12x12x1x12xi32, #tpu.memory_space<any>> -> memref<12x12x12xi32, #tpu.memory_space<any>>
      tpu.wait_dma2 semaphore(%arg14 : memref<!tpu.dma_semaphore, #tpu.memory_space<semaphore_mem>>) src(%dma_wait3A_3068 : memref<12x12x12xi32, #tpu.memory_space<any>>) dst(%dma_wait3A_3065 : memref<12x12x12xi32, #tpu.memory_space<any>>)
      %dma_wait3A_3069 = arith.constant 0 : i32
      %dma_wait3A_3070 = tpu.memref_slice %arg12[%arg0, %mul3A_1708, %mul3A_1750, %select_n3A_1766, %dma_wait3A_3069] : memref<4x96x96x8x12xf32, #tpu.memory_space<any>> -> memref<1x12x12x1x12xf32, #tpu.memory_space<any>>
      %dma_wait3A_3071 = tpu.memref_squeeze %dma_wait3A_3070 : memref<1x12x12x1x12xf32, #tpu.memory_space<any>> -> memref<12x12x12xf32, #tpu.memory_space<any>>
      %dma_wait3A_3072 = arith.constant 0 : i32
      %dma_wait3A_3073 = tpu.memref_slice %arg8[%arg0, %mul3A_1792, %mul3A_1834, %select_n3A_1850, %dma_wait3A_3072] : memref<4x96x96x8x12xf32, #tpu.memory_space<any>> -> memref<1x12x12x1x12xf32, #tpu.memory_space<any>>
      %dma_wait3A_3074 = tpu.memref_squeeze %dma_wait3A_3073 : memref<1x12x12x1x12xf32, #tpu.memory_space<any>> -> memref<12x12x12xf32, #tpu.memory_space<any>>
      tpu.wait_dma2 semaphore(%arg15 : memref<!tpu.dma_semaphore, #tpu.memory_space<semaphore_mem>>) src(%dma_wait3A_3074 : memref<12x12x12xf32, #tpu.memory_space<any>>) dst(%dma_wait3A_3071 : memref<12x12x12xf32, #tpu.memory_space<any>>)
    } else {
    }
    %convert_element_type3A_3028 = arith.extui %gt3A_1857 : i1 to i32
    %cond3A_3029 = arith.constant 0 : i32
    %cond3A_3030 = arith.constant 0 : i32
    %cond3A_3031 = arith.constant 0 : i32
    %cond3A_3032 = arith.cmpi ne, %convert_element_type3A_3028, %cond3A_3031 : i32
    scf.if %cond3A_3032 {
      %dma_wait3A = arith.constant 0 : i32
      %dma_wait3A_3058 = tpu.memref_slice %arg10[%arg0, %cond3A_3030, %mul3A_1895, %mul3A_1937, %select_n3A_1953, %dma_wait3A] : memref<4x1x96x96x8x12xf32, #tpu.memory_space<any>> -> memref<1x1x12x12x1x12xf32, #tpu.memory_space<any>>
      %dma_wait3A_3059 = tpu.memref_squeeze %dma_wait3A_3058 : memref<1x1x12x12x1x12xf32, #tpu.memory_space<any>> -> memref<12x12x12xf32, #tpu.memory_space<any>>
      %dma_wait3A_3060 = arith.constant 0 : i32
      %dma_wait3A_3061 = tpu.memref_slice %arg4[%arg0, %cond3A_3029, %mul3A_1979, %mul3A_2021, %select_n3A_2037, %dma_wait3A_3060] : memref<4x1x96x96x8x12xf32, #tpu.memory_space<any>> -> memref<1x1x12x12x1x12xf32, #tpu.memory_space<any>>
      %dma_wait3A_3062 = tpu.memref_squeeze %dma_wait3A_3061 : memref<1x1x12x12x1x12xf32, #tpu.memory_space<any>> -> memref<12x12x12xf32, #tpu.memory_space<any>>
      tpu.wait_dma2 semaphore(%arg13 : memref<!tpu.dma_semaphore, #tpu.memory_space<semaphore_mem>>) src(%dma_wait3A_3062 : memref<12x12x12xf32, #tpu.memory_space<any>>) dst(%dma_wait3A_3059 : memref<12x12x12xf32, #tpu.memory_space<any>>)
      %dma_wait3A_3063 = arith.constant 0 : i32
      %dma_wait3A_3064 = tpu.memref_slice %arg11[%arg0, %mul3A_1895, %mul3A_1937, %select_n3A_1953, %dma_wait3A_3063] : memref<4x96x96x8x12xi32, #tpu.memory_space<any>> -> memref<1x12x12x1x12xi32, #tpu.memory_space<any>>
      %dma_wait3A_3065 = tpu.memref_squeeze %dma_wait3A_3064 : memref<1x12x12x1x12xi32, #tpu.memory_space<any>> -> memref<12x12x12xi32, #tpu.memory_space<any>>
      %dma_wait3A_3066 = arith.constant 0 : i32
      %dma_wait3A_3067 = tpu.memref_slice %arg6[%arg0, %mul3A_1979, %mul3A_2021, %select_n3A_2037, %dma_wait3A_3066] : memref<4x96x96x8x12xi32, #tpu.memory_space<any>> -> memref<1x12x12x1x12xi32, #tpu.memory_space<any>>
      %dma_wait3A_3068 = tpu.memref_squeeze %dma_wait3A_3067 : memref<1x12x12x1x12xi32, #tpu.memory_space<any>> -> memref<12x12x12xi32, #tpu.memory_space<any>>
      tpu.wait_dma2 semaphore(%arg14 : memref<!tpu.dma_semaphore, #tpu.memory_space<semaphore_mem>>) src(%dma_wait3A_3068 : memref<12x12x12xi32, #tpu.memory_space<any>>) dst(%dma_wait3A_3065 : memref<12x12x12xi32, #tpu.memory_space<any>>)
      %dma_wait3A_3069 = arith.constant 0 : i32
      %dma_wait3A_3070 = tpu.memref_slice %arg12[%arg0, %mul3A_1895, %mul3A_1937, %select_n3A_1953, %dma_wait3A_3069] : memref<4x96x96x8x12xf32, #tpu.memory_space<any>> -> memref<1x12x12x1x12xf32, #tpu.memory_space<any>>
      %dma_wait3A_3071 = tpu.memref_squeeze %dma_wait3A_3070 : memref<1x12x12x1x12xf32, #tpu.memory_space<any>> -> memref<12x12x12xf32, #tpu.memory_space<any>>
      %dma_wait3A_3072 = arith.constant 0 : i32
      %dma_wait3A_3073 = tpu.memref_slice %arg8[%arg0, %mul3A_1979, %mul3A_2021, %select_n3A_2037, %dma_wait3A_3072] : memref<4x96x96x8x12xf32, #tpu.memory_space<any>> -> memref<1x12x12x1x12xf32, #tpu.memory_space<any>>
      %dma_wait3A_3074 = tpu.memref_squeeze %dma_wait3A_3073 : memref<1x12x12x1x12xf32, #tpu.memory_space<any>> -> memref<12x12x12xf32, #tpu.memory_space<any>>
      tpu.wait_dma2 semaphore(%arg15 : memref<!tpu.dma_semaphore, #tpu.memory_space<semaphore_mem>>) src(%dma_wait3A_3074 : memref<12x12x12xf32, #tpu.memory_space<any>>) dst(%dma_wait3A_3071 : memref<12x12x12xf32, #tpu.memory_space<any>>)
    } else {
    }
    %convert_element_type3A_3033 = arith.extui %gt3A_2044 : i1 to i32
    %cond3A_3034 = arith.constant 0 : i32
    %cond3A_3035 = arith.constant 0 : i32
    %cond3A_3036 = arith.constant 0 : i32
    %cond3A_3037 = arith.cmpi ne, %convert_element_type3A_3033, %cond3A_3036 : i32
    scf.if %cond3A_3037 {
      %dma_wait3A = arith.constant 0 : i32
      %dma_wait3A_3058 = tpu.memref_slice %arg10[%arg0, %cond3A_3035, %mul3A_2082, %mul3A_2124, %select_n3A_2140, %dma_wait3A] : memref<4x1x96x96x8x12xf32, #tpu.memory_space<any>> -> memref<1x1x12x12x1x12xf32, #tpu.memory_space<any>>
      %dma_wait3A_3059 = tpu.memref_squeeze %dma_wait3A_3058 : memref<1x1x12x12x1x12xf32, #tpu.memory_space<any>> -> memref<12x12x12xf32, #tpu.memory_space<any>>
      %dma_wait3A_3060 = arith.constant 0 : i32
      %dma_wait3A_3061 = tpu.memref_slice %arg4[%arg0, %cond3A_3034, %mul3A_2166, %mul3A_2208, %select_n3A_2224, %dma_wait3A_3060] : memref<4x1x96x96x8x12xf32, #tpu.memory_space<any>> -> memref<1x1x12x12x1x12xf32, #tpu.memory_space<any>>
      %dma_wait3A_3062 = tpu.memref_squeeze %dma_wait3A_3061 : memref<1x1x12x12x1x12xf32, #tpu.memory_space<any>> -> memref<12x12x12xf32, #tpu.memory_space<any>>
      tpu.wait_dma2 semaphore(%arg13 : memref<!tpu.dma_semaphore, #tpu.memory_space<semaphore_mem>>) src(%dma_wait3A_3062 : memref<12x12x12xf32, #tpu.memory_space<any>>) dst(%dma_wait3A_3059 : memref<12x12x12xf32, #tpu.memory_space<any>>)
      %dma_wait3A_3063 = arith.constant 0 : i32
      %dma_wait3A_3064 = tpu.memref_slice %arg11[%arg0, %mul3A_2082, %mul3A_2124, %select_n3A_2140, %dma_wait3A_3063] : memref<4x96x96x8x12xi32, #tpu.memory_space<any>> -> memref<1x12x12x1x12xi32, #tpu.memory_space<any>>
      %dma_wait3A_3065 = tpu.memref_squeeze %dma_wait3A_3064 : memref<1x12x12x1x12xi32, #tpu.memory_space<any>> -> memref<12x12x12xi32, #tpu.memory_space<any>>
      %dma_wait3A_3066 = arith.constant 0 : i32
      %dma_wait3A_3067 = tpu.memref_slice %arg6[%arg0, %mul3A_2166, %mul3A_2208, %select_n3A_2224, %dma_wait3A_3066] : memref<4x96x96x8x12xi32, #tpu.memory_space<any>> -> memref<1x12x12x1x12xi32, #tpu.memory_space<any>>
      %dma_wait3A_3068 = tpu.memref_squeeze %dma_wait3A_3067 : memref<1x12x12x1x12xi32, #tpu.memory_space<any>> -> memref<12x12x12xi32, #tpu.memory_space<any>>
      tpu.wait_dma2 semaphore(%arg14 : memref<!tpu.dma_semaphore, #tpu.memory_space<semaphore_mem>>) src(%dma_wait3A_3068 : memref<12x12x12xi32, #tpu.memory_space<any>>) dst(%dma_wait3A_3065 : memref<12x12x12xi32, #tpu.memory_space<any>>)
      %dma_wait3A_3069 = arith.constant 0 : i32
      %dma_wait3A_3070 = tpu.memref_slice %arg12[%arg0, %mul3A_2082, %mul3A_2124, %select_n3A_2140, %dma_wait3A_3069] : memref<4x96x96x8x12xf32, #tpu.memory_space<any>> -> memref<1x12x12x1x12xf32, #tpu.memory_space<any>>
      %dma_wait3A_3071 = tpu.memref_squeeze %dma_wait3A_3070 : memref<1x12x12x1x12xf32, #tpu.memory_space<any>> -> memref<12x12x12xf32, #tpu.memory_space<any>>
      %dma_wait3A_3072 = arith.constant 0 : i32
      %dma_wait3A_3073 = tpu.memref_slice %arg8[%arg0, %mul3A_2166, %mul3A_2208, %select_n3A_2224, %dma_wait3A_3072] : memref<4x96x96x8x12xf32, #tpu.memory_space<any>> -> memref<1x12x12x1x12xf32, #tpu.memory_space<any>>
      %dma_wait3A_3074 = tpu.memref_squeeze %dma_wait3A_3073 : memref<1x12x12x1x12xf32, #tpu.memory_space<any>> -> memref<12x12x12xf32, #tpu.memory_space<any>>
      tpu.wait_dma2 semaphore(%arg15 : memref<!tpu.dma_semaphore, #tpu.memory_space<semaphore_mem>>) src(%dma_wait3A_3074 : memref<12x12x12xf32, #tpu.memory_space<any>>) dst(%dma_wait3A_3071 : memref<12x12x12xf32, #tpu.memory_space<any>>)
    } else {
    }
    %convert_element_type3A_3038 = arith.extui %gt3A_2231 : i1 to i32
    %cond3A_3039 = arith.constant 0 : i32
    %cond3A_3040 = arith.constant 0 : i32
    %cond3A_3041 = arith.constant 0 : i32
    %cond3A_3042 = arith.cmpi ne, %convert_element_type3A_3038, %cond3A_3041 : i32
    scf.if %cond3A_3042 {
      %dma_wait3A = arith.constant 0 : i32
      %dma_wait3A_3058 = tpu.memref_slice %arg10[%arg0, %cond3A_3040, %mul3A_2269, %mul3A_2311, %select_n3A_2327, %dma_wait3A] : memref<4x1x96x96x8x12xf32, #tpu.memory_space<any>> -> memref<1x1x12x12x1x12xf32, #tpu.memory_space<any>>
      %dma_wait3A_3059 = tpu.memref_squeeze %dma_wait3A_3058 : memref<1x1x12x12x1x12xf32, #tpu.memory_space<any>> -> memref<12x12x12xf32, #tpu.memory_space<any>>
      %dma_wait3A_3060 = arith.constant 0 : i32
      %dma_wait3A_3061 = tpu.memref_slice %arg4[%arg0, %cond3A_3039, %mul3A_2353, %mul3A_2395, %select_n3A_2411, %dma_wait3A_3060] : memref<4x1x96x96x8x12xf32, #tpu.memory_space<any>> -> memref<1x1x12x12x1x12xf32, #tpu.memory_space<any>>
      %dma_wait3A_3062 = tpu.memref_squeeze %dma_wait3A_3061 : memref<1x1x12x12x1x12xf32, #tpu.memory_space<any>> -> memref<12x12x12xf32, #tpu.memory_space<any>>
      tpu.wait_dma2 semaphore(%arg13 : memref<!tpu.dma_semaphore, #tpu.memory_space<semaphore_mem>>) src(%dma_wait3A_3062 : memref<12x12x12xf32, #tpu.memory_space<any>>) dst(%dma_wait3A_3059 : memref<12x12x12xf32, #tpu.memory_space<any>>)
      %dma_wait3A_3063 = arith.constant 0 : i32
      %dma_wait3A_3064 = tpu.memref_slice %arg11[%arg0, %mul3A_2269, %mul3A_2311, %select_n3A_2327, %dma_wait3A_3063] : memref<4x96x96x8x12xi32, #tpu.memory_space<any>> -> memref<1x12x12x1x12xi32, #tpu.memory_space<any>>
      %dma_wait3A_3065 = tpu.memref_squeeze %dma_wait3A_3064 : memref<1x12x12x1x12xi32, #tpu.memory_space<any>> -> memref<12x12x12xi32, #tpu.memory_space<any>>
      %dma_wait3A_3066 = arith.constant 0 : i32
      %dma_wait3A_3067 = tpu.memref_slice %arg6[%arg0, %mul3A_2353, %mul3A_2395, %select_n3A_2411, %dma_wait3A_3066] : memref<4x96x96x8x12xi32, #tpu.memory_space<any>> -> memref<1x12x12x1x12xi32, #tpu.memory_space<any>>
      %dma_wait3A_3068 = tpu.memref_squeeze %dma_wait3A_3067 : memref<1x12x12x1x12xi32, #tpu.memory_space<any>> -> memref<12x12x12xi32, #tpu.memory_space<any>>
      tpu.wait_dma2 semaphore(%arg14 : memref<!tpu.dma_semaphore, #tpu.memory_space<semaphore_mem>>) src(%dma_wait3A_3068 : memref<12x12x12xi32, #tpu.memory_space<any>>) dst(%dma_wait3A_3065 : memref<12x12x12xi32, #tpu.memory_space<any>>)
      %dma_wait3A_3069 = arith.constant 0 : i32
      %dma_wait3A_3070 = tpu.memref_slice %arg12[%arg0, %mul3A_2269, %mul3A_2311, %select_n3A_2327, %dma_wait3A_3069] : memref<4x96x96x8x12xf32, #tpu.memory_space<any>> -> memref<1x12x12x1x12xf32, #tpu.memory_space<any>>
      %dma_wait3A_3071 = tpu.memref_squeeze %dma_wait3A_3070 : memref<1x12x12x1x12xf32, #tpu.memory_space<any>> -> memref<12x12x12xf32, #tpu.memory_space<any>>
      %dma_wait3A_3072 = arith.constant 0 : i32
      %dma_wait3A_3073 = tpu.memref_slice %arg8[%arg0, %mul3A_2353, %mul3A_2395, %select_n3A_2411, %dma_wait3A_3072] : memref<4x96x96x8x12xf32, #tpu.memory_space<any>> -> memref<1x12x12x1x12xf32, #tpu.memory_space<any>>
      %dma_wait3A_3074 = tpu.memref_squeeze %dma_wait3A_3073 : memref<1x12x12x1x12xf32, #tpu.memory_space<any>> -> memref<12x12x12xf32, #tpu.memory_space<any>>
      tpu.wait_dma2 semaphore(%arg15 : memref<!tpu.dma_semaphore, #tpu.memory_space<semaphore_mem>>) src(%dma_wait3A_3074 : memref<12x12x12xf32, #tpu.memory_space<any>>) dst(%dma_wait3A_3071 : memref<12x12x12xf32, #tpu.memory_space<any>>)
    } else {
    }
    %convert_element_type3A_3043 = arith.extui %gt3A_2418 : i1 to i32
    %cond3A_3044 = arith.constant 0 : i32
    %cond3A_3045 = arith.constant 0 : i32
    %cond3A_3046 = arith.constant 0 : i32
    %cond3A_3047 = arith.cmpi ne, %convert_element_type3A_3043, %cond3A_3046 : i32
    scf.if %cond3A_3047 {
      %dma_wait3A = arith.constant 0 : i32
      %dma_wait3A_3058 = tpu.memref_slice %arg10[%arg0, %cond3A_3045, %mul3A_2456, %mul3A_2498, %select_n3A_2514, %dma_wait3A] : memref<4x1x96x96x8x12xf32, #tpu.memory_space<any>> -> memref<1x1x12x12x1x12xf32, #tpu.memory_space<any>>
      %dma_wait3A_3059 = tpu.memref_squeeze %dma_wait3A_3058 : memref<1x1x12x12x1x12xf32, #tpu.memory_space<any>> -> memref<12x12x12xf32, #tpu.memory_space<any>>
      %dma_wait3A_3060 = arith.constant 0 : i32
      %dma_wait3A_3061 = tpu.memref_slice %arg4[%arg0, %cond3A_3044, %mul3A_2540, %mul3A_2582, %select_n3A_2598, %dma_wait3A_3060] : memref<4x1x96x96x8x12xf32, #tpu.memory_space<any>> -> memref<1x1x12x12x1x12xf32, #tpu.memory_space<any>>
      %dma_wait3A_3062 = tpu.memref_squeeze %dma_wait3A_3061 : memref<1x1x12x12x1x12xf32, #tpu.memory_space<any>> -> memref<12x12x12xf32, #tpu.memory_space<any>>
      tpu.wait_dma2 semaphore(%arg13 : memref<!tpu.dma_semaphore, #tpu.memory_space<semaphore_mem>>) src(%dma_wait3A_3062 : memref<12x12x12xf32, #tpu.memory_space<any>>) dst(%dma_wait3A_3059 : memref<12x12x12xf32, #tpu.memory_space<any>>)
      %dma_wait3A_3063 = arith.constant 0 : i32
      %dma_wait3A_3064 = tpu.memref_slice %arg11[%arg0, %mul3A_2456, %mul3A_2498, %select_n3A_2514, %dma_wait3A_3063] : memref<4x96x96x8x12xi32, #tpu.memory_space<any>> -> memref<1x12x12x1x12xi32, #tpu.memory_space<any>>
      %dma_wait3A_3065 = tpu.memref_squeeze %dma_wait3A_3064 : memref<1x12x12x1x12xi32, #tpu.memory_space<any>> -> memref<12x12x12xi32, #tpu.memory_space<any>>
      %dma_wait3A_3066 = arith.constant 0 : i32
      %dma_wait3A_3067 = tpu.memref_slice %arg6[%arg0, %mul3A_2540, %mul3A_2582, %select_n3A_2598, %dma_wait3A_3066] : memref<4x96x96x8x12xi32, #tpu.memory_space<any>> -> memref<1x12x12x1x12xi32, #tpu.memory_space<any>>
      %dma_wait3A_3068 = tpu.memref_squeeze %dma_wait3A_3067 : memref<1x12x12x1x12xi32, #tpu.memory_space<any>> -> memref<12x12x12xi32, #tpu.memory_space<any>>
      tpu.wait_dma2 semaphore(%arg14 : memref<!tpu.dma_semaphore, #tpu.memory_space<semaphore_mem>>) src(%dma_wait3A_3068 : memref<12x12x12xi32, #tpu.memory_space<any>>) dst(%dma_wait3A_3065 : memref<12x12x12xi32, #tpu.memory_space<any>>)
      %dma_wait3A_3069 = arith.constant 0 : i32
      %dma_wait3A_3070 = tpu.memref_slice %arg12[%arg0, %mul3A_2456, %mul3A_2498, %select_n3A_2514, %dma_wait3A_3069] : memref<4x96x96x8x12xf32, #tpu.memory_space<any>> -> memref<1x12x12x1x12xf32, #tpu.memory_space<any>>
      %dma_wait3A_3071 = tpu.memref_squeeze %dma_wait3A_3070 : memref<1x12x12x1x12xf32, #tpu.memory_space<any>> -> memref<12x12x12xf32, #tpu.memory_space<any>>
      %dma_wait3A_3072 = arith.constant 0 : i32
      %dma_wait3A_3073 = tpu.memref_slice %arg8[%arg0, %mul3A_2540, %mul3A_2582, %select_n3A_2598, %dma_wait3A_3072] : memref<4x96x96x8x12xf32, #tpu.memory_space<any>> -> memref<1x12x12x1x12xf32, #tpu.memory_space<any>>
      %dma_wait3A_3074 = tpu.memref_squeeze %dma_wait3A_3073 : memref<1x12x12x1x12xf32, #tpu.memory_space<any>> -> memref<12x12x12xf32, #tpu.memory_space<any>>
      tpu.wait_dma2 semaphore(%arg15 : memref<!tpu.dma_semaphore, #tpu.memory_space<semaphore_mem>>) src(%dma_wait3A_3074 : memref<12x12x12xf32, #tpu.memory_space<any>>) dst(%dma_wait3A_3071 : memref<12x12x12xf32, #tpu.memory_space<any>>)
    } else {
    }
    %convert_element_type3A_3048 = arith.extui %gt3A_2605 : i1 to i32
    %cond3A_3049 = arith.constant 0 : i32
    %cond3A_3050 = arith.constant 0 : i32
    %cond3A_3051 = arith.constant 0 : i32
    %cond3A_3052 = arith.cmpi ne, %convert_element_type3A_3048, %cond3A_3051 : i32
    scf.if %cond3A_3052 {
      %dma_wait3A = arith.constant 0 : i32
      %dma_wait3A_3058 = tpu.memref_slice %arg10[%arg0, %cond3A_3050, %mul3A_2643, %mul3A_2685, %select_n3A_2701, %dma_wait3A] : memref<4x1x96x96x8x12xf32, #tpu.memory_space<any>> -> memref<1x1x12x12x1x12xf32, #tpu.memory_space<any>>
      %dma_wait3A_3059 = tpu.memref_squeeze %dma_wait3A_3058 : memref<1x1x12x12x1x12xf32, #tpu.memory_space<any>> -> memref<12x12x12xf32, #tpu.memory_space<any>>
      %dma_wait3A_3060 = arith.constant 0 : i32
      %dma_wait3A_3061 = tpu.memref_slice %arg4[%arg0, %cond3A_3049, %mul3A_2727, %mul3A_2769, %select_n3A_2785, %dma_wait3A_3060] : memref<4x1x96x96x8x12xf32, #tpu.memory_space<any>> -> memref<1x1x12x12x1x12xf32, #tpu.memory_space<any>>
      %dma_wait3A_3062 = tpu.memref_squeeze %dma_wait3A_3061 : memref<1x1x12x12x1x12xf32, #tpu.memory_space<any>> -> memref<12x12x12xf32, #tpu.memory_space<any>>
      tpu.wait_dma2 semaphore(%arg13 : memref<!tpu.dma_semaphore, #tpu.memory_space<semaphore_mem>>) src(%dma_wait3A_3062 : memref<12x12x12xf32, #tpu.memory_space<any>>) dst(%dma_wait3A_3059 : memref<12x12x12xf32, #tpu.memory_space<any>>)
      %dma_wait3A_3063 = arith.constant 0 : i32
      %dma_wait3A_3064 = tpu.memref_slice %arg11[%arg0, %mul3A_2643, %mul3A_2685, %select_n3A_2701, %dma_wait3A_3063] : memref<4x96x96x8x12xi32, #tpu.memory_space<any>> -> memref<1x12x12x1x12xi32, #tpu.memory_space<any>>
      %dma_wait3A_3065 = tpu.memref_squeeze %dma_wait3A_3064 : memref<1x12x12x1x12xi32, #tpu.memory_space<any>> -> memref<12x12x12xi32, #tpu.memory_space<any>>
      %dma_wait3A_3066 = arith.constant 0 : i32
      %dma_wait3A_3067 = tpu.memref_slice %arg6[%arg0, %mul3A_2727, %mul3A_2769, %select_n3A_2785, %dma_wait3A_3066] : memref<4x96x96x8x12xi32, #tpu.memory_space<any>> -> memref<1x12x12x1x12xi32, #tpu.memory_space<any>>
      %dma_wait3A_3068 = tpu.memref_squeeze %dma_wait3A_3067 : memref<1x12x12x1x12xi32, #tpu.memory_space<any>> -> memref<12x12x12xi32, #tpu.memory_space<any>>
      tpu.wait_dma2 semaphore(%arg14 : memref<!tpu.dma_semaphore, #tpu.memory_space<semaphore_mem>>) src(%dma_wait3A_3068 : memref<12x12x12xi32, #tpu.memory_space<any>>) dst(%dma_wait3A_3065 : memref<12x12x12xi32, #tpu.memory_space<any>>)
      %dma_wait3A_3069 = arith.constant 0 : i32
      %dma_wait3A_3070 = tpu.memref_slice %arg12[%arg0, %mul3A_2643, %mul3A_2685, %select_n3A_2701, %dma_wait3A_3069] : memref<4x96x96x8x12xf32, #tpu.memory_space<any>> -> memref<1x12x12x1x12xf32, #tpu.memory_space<any>>
      %dma_wait3A_3071 = tpu.memref_squeeze %dma_wait3A_3070 : memref<1x12x12x1x12xf32, #tpu.memory_space<any>> -> memref<12x12x12xf32, #tpu.memory_space<any>>
      %dma_wait3A_3072 = arith.constant 0 : i32
      %dma_wait3A_3073 = tpu.memref_slice %arg8[%arg0, %mul3A_2727, %mul3A_2769, %select_n3A_2785, %dma_wait3A_3072] : memref<4x96x96x8x12xf32, #tpu.memory_space<any>> -> memref<1x12x12x1x12xf32, #tpu.memory_space<any>>
      %dma_wait3A_3074 = tpu.memref_squeeze %dma_wait3A_3073 : memref<1x12x12x1x12xf32, #tpu.memory_space<any>> -> memref<12x12x12xf32, #tpu.memory_space<any>>
      tpu.wait_dma2 semaphore(%arg15 : memref<!tpu.dma_semaphore, #tpu.memory_space<semaphore_mem>>) src(%dma_wait3A_3074 : memref<12x12x12xf32, #tpu.memory_space<any>>) dst(%dma_wait3A_3071 : memref<12x12x12xf32, #tpu.memory_space<any>>)
    } else {
    }
    %convert_element_type3A_3053 = arith.extui %gt3A_2792 : i1 to i32
    %cond3A_3054 = arith.constant 0 : i32
    %cond3A_3055 = arith.constant 0 : i32
    %cond3A_3056 = arith.constant 0 : i32
    %cond3A_3057 = arith.cmpi ne, %convert_element_type3A_3053, %cond3A_3056 : i32
    scf.if %cond3A_3057 {
      %dma_wait3A = arith.constant 0 : i32
      %dma_wait3A_3058 = tpu.memref_slice %arg10[%arg0, %cond3A_3055, %mul3A_2830, %mul3A_2872, %select_n3A_2888, %dma_wait3A] : memref<4x1x96x96x8x12xf32, #tpu.memory_space<any>> -> memref<1x1x12x12x1x12xf32, #tpu.memory_space<any>>
      %dma_wait3A_3059 = tpu.memref_squeeze %dma_wait3A_3058 : memref<1x1x12x12x1x12xf32, #tpu.memory_space<any>> -> memref<12x12x12xf32, #tpu.memory_space<any>>
      %dma_wait3A_3060 = arith.constant 0 : i32
      %dma_wait3A_3061 = tpu.memref_slice %arg4[%arg0, %cond3A_3054, %mul3A_2914, %mul3A_2956, %select_n3A_2972, %dma_wait3A_3060] : memref<4x1x96x96x8x12xf32, #tpu.memory_space<any>> -> memref<1x1x12x12x1x12xf32, #tpu.memory_space<any>>
      %dma_wait3A_3062 = tpu.memref_squeeze %dma_wait3A_3061 : memref<1x1x12x12x1x12xf32, #tpu.memory_space<any>> -> memref<12x12x12xf32, #tpu.memory_space<any>>
      tpu.wait_dma2 semaphore(%arg13 : memref<!tpu.dma_semaphore, #tpu.memory_space<semaphore_mem>>) src(%dma_wait3A_3062 : memref<12x12x12xf32, #tpu.memory_space<any>>) dst(%dma_wait3A_3059 : memref<12x12x12xf32, #tpu.memory_space<any>>)
      %dma_wait3A_3063 = arith.constant 0 : i32
      %dma_wait3A_3064 = tpu.memref_slice %arg11[%arg0, %mul3A_2830, %mul3A_2872, %select_n3A_2888, %dma_wait3A_3063] : memref<4x96x96x8x12xi32, #tpu.memory_space<any>> -> memref<1x12x12x1x12xi32, #tpu.memory_space<any>>
      %dma_wait3A_3065 = tpu.memref_squeeze %dma_wait3A_3064 : memref<1x12x12x1x12xi32, #tpu.memory_space<any>> -> memref<12x12x12xi32, #tpu.memory_space<any>>
      %dma_wait3A_3066 = arith.constant 0 : i32
      %dma_wait3A_3067 = tpu.memref_slice %arg6[%arg0, %mul3A_2914, %mul3A_2956, %select_n3A_2972, %dma_wait3A_3066] : memref<4x96x96x8x12xi32, #tpu.memory_space<any>> -> memref<1x12x12x1x12xi32, #tpu.memory_space<any>>
      %dma_wait3A_3068 = tpu.memref_squeeze %dma_wait3A_3067 : memref<1x12x12x1x12xi32, #tpu.memory_space<any>> -> memref<12x12x12xi32, #tpu.memory_space<any>>
      tpu.wait_dma2 semaphore(%arg14 : memref<!tpu.dma_semaphore, #tpu.memory_space<semaphore_mem>>) src(%dma_wait3A_3068 : memref<12x12x12xi32, #tpu.memory_space<any>>) dst(%dma_wait3A_3065 : memref<12x12x12xi32, #tpu.memory_space<any>>)
      %dma_wait3A_3069 = arith.constant 0 : i32
      %dma_wait3A_3070 = tpu.memref_slice %arg12[%arg0, %mul3A_2830, %mul3A_2872, %select_n3A_2888, %dma_wait3A_3069] : memref<4x96x96x8x12xf32, #tpu.memory_space<any>> -> memref<1x12x12x1x12xf32, #tpu.memory_space<any>>
      %dma_wait3A_3071 = tpu.memref_squeeze %dma_wait3A_3070 : memref<1x12x12x1x12xf32, #tpu.memory_space<any>> -> memref<12x12x12xf32, #tpu.memory_space<any>>
      %dma_wait3A_3072 = arith.constant 0 : i32
      %dma_wait3A_3073 = tpu.memref_slice %arg8[%arg0, %mul3A_2914, %mul3A_2956, %select_n3A_2972, %dma_wait3A_3072] : memref<4x96x96x8x12xf32, #tpu.memory_space<any>> -> memref<1x12x12x1x12xf32, #tpu.memory_space<any>>
      %dma_wait3A_3074 = tpu.memref_squeeze %dma_wait3A_3073 : memref<1x12x12x1x12xf32, #tpu.memory_space<any>> -> memref<12x12x12xf32, #tpu.memory_space<any>>
      tpu.wait_dma2 semaphore(%arg15 : memref<!tpu.dma_semaphore, #tpu.memory_space<semaphore_mem>>) src(%dma_wait3A_3074 : memref<12x12x12xf32, #tpu.memory_space<any>>) dst(%dma_wait3A_3071 : memref<12x12x12xf32, #tpu.memory_space<any>>)
    } else {
    }
    return
  }
}

</mosaic_0001>

<sc_bundles>
// kernel: kernel.5.cloned.1.call-start
scs
__scs_entry_jumppad:
0x0: {  	(pc) =	sbr.rel $0x88, $3  }
0x1: {  	(tag) =	ssettag $0x0;
	lr =	simm.s32 $0x1  }
0x2: {  	[smem:$0x3F9A] =	sst lr;
	_ =	strace $0xD0000000  }
0x3: {  	_ = 	snop  }
0x4: {  	_ = 	snop  }
0x5: {  	_ = 	snop  }
0x6: {  	_ = 	snop  }
0x7: {  	_ = 	snop  }
__scs_overlays_trampoline_lowered:
0x8: {  	[smem:$0x3FA9] =	sst s0  }
0x9: {  	[smem:$0x3FAA] =	sst s1  }
0xa: {  	[smem:$0x3FAB] =	sst s2  }
0xb: {  	[smem:$0x3FAC] =	sst s3  }
0xc: {  	[smem:$0x3FAD] =	sst s4  }
0xd: {  	[smem:$0x3FAE] =	sst s5  }
0xe: {  	[smem:$0x3FAF] =	sst s6  }
0xf: {  	[smem:$0x3FB0] =	sst s7  }
0x10: {  	[smem:$0x3FB1] =	sst s8  }
0x11: {  	[smem:$0x3FB2] =	sst s9;
	s0 =	simm.s32 @!p0 $0x0  }
0x12: {  	s1 =	sld [smem:$0x3F98];
	s0 =	simm.s32 @p0 $0x1  }
0x13: {  	[smem:$0x3FB3] =	sst s0;
	s0 =	simm.s32 @!p1 $0x0  }
0x14: {  	s2 =	sld [smem:$0x3F97];
	s0 =	simm.s32 @p1 $0x1  }
0x15: {  	[smem:$0x3FB4] =	sst s0;
	s0 =	simm.s32 @!p2 $0x0  }
0x16: {  	s3 =	sld [smem:$0x3FDB];
	s0 =	simm.s32 @p2 $0x1  }
0x17: {  	s4 =	simm.s32 $0x1BF5;
	[smem:$0x3FB6] =	sst s0  }
0x18: {  	s0 =	sld [smem:$0x3F99];
	_ =	swait.ge [sflag:s4], $0x0  }
0x19: {  	s7 =	sld [smem:$0x3F9A]  }
0x1a: {  	s8 =	sadd.s32 $0xFFFFE003, lr  }
0x1b: {  	s9 =	sadd.s32 $0xFFFFFEF7, lr;
	s5 =	simm.s32 $0xFFFFFFFF;
	p2 =	slt.u32 s8, $0xFFFFF086  }
0x1c: {  	p1 =	slt.u32 s9, $0xF7A;
	s5 =	simm.s32 @!p2 $0x0  }
0x1d: {  	s5 =	simm.s32 @p1 $0x1;
	p0 =	seq.s32 s7, s2  }
0x1e: {  	s7 =	smul.u32 @!p0 $0xF7A, s2;
	p2 =	seq.s32 @!p0 s5, $0x0  }
0x1f: {  	s9 =	smul.u32 $0xF7A, s1;
	s8 =	simm.s32 @!p0 $0x1BF5;
	p2 =	por !p2, p0  }
0x20: {  	[sflag:s8] =	ssyncset.s32 @!p0 $0xFFFFF086;
	s6 =	sadd.s32 @!p0 s3, s7;
	s7 =	simm.s32 @!p0 $0x108  }
0x21: {  	s3 =	sadd.s32 s3, s9;
	s6 =	sadd.s32 @!p0 $0x88, s6;
	s7 =	simm.s32 @p2 $0x1082  }
0x22: {  	[simem:s7], [sflag:s8] =	dma.local @!p0 [hbm:s6], $0xF7A  }
0x23: {  	s9 =	sor.u32 $0xD0000000, s2;
	s6 =	simm.s32 $0x108;
	_ =	swait.ge @!p0 [sflag:s8], $0x0  }
0x24: {  	s3 =	sadd.s32 $0x88, s3;
	s6 =	simm.s32 @!p1 $0x1082;
	[sflag:s4] =	ssyncset.s32 $0xFFFFF086  }
0x25: {  	[simem:s6], [sflag:s4] =	dma.local [hbm:s3], $0xF7A  }
0x26: {  	[smem:$0x3F9A] =	sst s1;
	(tag) =	ssettag s2;
	_ =	strace s9  }
0x27: {  	s1 =	sld [smem:$0x3FAA]  }
0x28: {  	s2 =	sld [smem:$0x3FAB]  }
0x29: {  	s4 =	sld [smem:$0x3FAD]  }
0x2a: {  	p0 =	seq.s32 s5, $0x0;
	s5 =	sld [smem:$0x3FAE]  }
0x2b: {  	s6 =	sld [smem:$0x3FAF]  }
0x2c: {  	s7 =	sld [smem:$0x3FB0]  }
0x2d: {  	s3 =	simm.s32 $0x108;
	s8 =	sld [smem:$0x3FB1]  }
0x2e: {  	s3 =	simm.s32 @!p0 $0x1082;
	s9 =	sld [smem:$0x3FB2]  }
0x2f: {  	lr =	sadd.s32 s0, s3;
	s0 =	sld [smem:$0x3FA9]  }
0x30: {  	s3 =	sld [smem:$0x3FAC]  }
0x31: {  	[smem:$0x3FB5] =	sst s10  }
0x32: {  	s10 =	sld [smem:$0x3FB3];
	_ =	sdelay $0x3  }
0x33: {  	p0 =	seq.s32 s10, $0x1;
	s10 =	sld [smem:$0x3FB5];
	_ =	sdelay $0x3  }
0x34: {  	[smem:$0x3FB5] =	sst s10  }
0x35: {  	s10 =	sld [smem:$0x3FB4];
	_ =	sdelay $0x3  }
0x36: {  	p1 =	seq.s32 s10, $0x1;
	s10 =	sld [smem:$0x3FB5];
	_ =	sdelay $0x3  }
0x37: {  	[smem:$0x3FB5] =	sst s10  }
0x38: {  	s10 =	sld [smem:$0x3FB6]  }
0x39: {  	_ = 	snop;
	(pc) =	sbr.ind lr, $3  }
0x3a: {  	_ = 	snop  }
0x3b: {  	_ = 	snop  }
0x3c: {  	p2 =	seq.s32 s10, $0x1;
	s10 =	sld [smem:$0x3FB5]  }
0x3d: {  	_ =	shalt  }
0x3e: {  	_ =	shalt  }
0x3f: {  	_ =	shalt  }
0x40: {  	_ =	shalt  }
0x41: {  	_ =	shalt  }
0x42: {  	_ =	shalt  }
0x43: {  	_ =	shalt  }
0x44: {  	_ =	shalt  }
0x45: {  	_ =	shalt  }
0x46: {  	_ =	shalt  }
0x47: {  	_ =	shalt  }
0x48: {  	_ =	shalt  }
0x49: {  	_ =	shalt  }
0x4a: {  	_ =	shalt  }
0x4b: {  	_ =	shalt  }
0x4c: {  	_ =	shalt  }
0x4d: {  	_ =	shalt  }
0x4e: {  	_ =	shalt  }
0x4f: {  	_ =	shalt  }
0x50: {  	_ =	shalt  }
0x51: {  	_ =	shalt  }
0x52: {  	_ =	shalt  }
0x53: {  	_ =	shalt  }
0x54: {  	_ =	shalt  }
0x55: {  	_ =	shalt  }
0x56: {  	_ =	shalt  }
0x57: {  	_ =	shalt  }
0x58: {  	_ =	shalt  }
0x59: {  	_ =	shalt  }
0x5a: {  	_ =	shalt  }
0x5b: {  	_ =	shalt  }
0x5c: {  	_ =	shalt  }
0x5d: {  	_ =	shalt  }
0x5e: {  	_ =	shalt  }
0x5f: {  	_ =	shalt  }
0x60: {  	_ =	shalt  }
0x61: {  	_ =	shalt  }
0x62: {  	_ =	shalt  }
0x63: {  	_ =	shalt  }
0x64: {  	_ =	shalt  }
0x65: {  	_ =	shalt  }
0x66: {  	_ =	shalt  }
0x67: {  	_ =	shalt  }
0x68: {  	_ =	shalt  }
0x69: {  	_ =	shalt  }
0x6a: {  	_ =	shalt  }
0x6b: {  	_ =	shalt  }
0x6c: {  	_ =	shalt  }
0x6d: {  	_ =	shalt  }
0x6e: {  	_ =	shalt  }
0x6f: {  	_ =	shalt  }
0x70: {  	_ =	shalt  }
0x71: {  	_ =	shalt  }
0x72: {  	_ =	shalt  }
0x73: {  	_ =	shalt  }
0x74: {  	_ =	shalt  }
0x75: {  	_ =	shalt  }
0x76: {  	_ =	shalt  }
0x77: {  	_ =	shalt  }
0x78: {  	_ =	shalt  }
0x79: {  	_ =	shalt  }
0x7a: {  	_ =	shalt  }
0x7b: {  	_ =	shalt  }
0x7c: {  	_ =	shalt  }
0x7d: {  	_ =	shalt  }
0x7e: {  	_ =	shalt  }
0x7f: {  	_ =	shalt  }
0x80: {  	_ =	shalt  }
0x81: {  	_ =	shalt  }
0x82: {  	_ =	shalt  }
0x83: {  	_ =	shalt  }
0x84: {  	_ =	shalt  }
0x85: {  	_ =	shalt  }
0x86: {  	_ =	shalt  }
0x87: {  	_ =	shalt  }
.Lfunc_end0:
.L_simem_size_0:
called_computation_lowered:
.L_overlay_start_0:
0x88: {  	s2 =	sld [smem:$0x3FD9]  }
0x89: {  	s3 =	sld [smem:$0x3FFE];
	_ =	sdelay $0x1  }
0x8a: {  	s1 =	srdreg.scid  }
0x8b: {  	s0 =	sand.u32 $0x1, s1  }
0x8c: {  	s16 =	sshll.u32 s0, $0xA;
	s2 =	sadd.s32 s3, s2  }
0x8d: {  	s2 =	sadd.s32 s2, s16  }
0x8e: {  	[smem:$0x3FC1] =	sst s2  }
0x8f: {  	_ = 	snop  }
0x90: {  	(tm) =	ssettm $0x1  }
0x91: {  	s17 =	sld [smem:$0x3FFB];
	_ =	sdelay $0x3  }
0x92: {  	_ =	strace s17  }
0x93: {  	s2 =	sld [smem:$0x3FFC];
	_ =	sdelay $0x3  }
0x94: {  	_ =	strace s2  }
0x95: {  	s2 =	sld [smem:$0x3FFD];
	_ =	sdelay $0x3  }
0x96: {  	_ =	strace s2  }
0x97: {  	_ =	strace $0x8FFFFFFF  }
0x98: {  	s18 =	sld [smem:$0x3FDB];
	_ =	sdelay $0x1  }
0x99: {  	s19 =	simm.s32 $_scs_section_size  }
0x9a: {  	s4 =	simm.s32 $_size__tile_overlayer_lowered;
	s5 =	simm.s32 $_tile_overlayer_lowered  }
0x9b: {  	s22 =	simm.s32 $0x1BFF;
	s21 =	sshll.u32 s5, $0x1;
	s2 =	sadd.s32 s19, s18  }
0x9c: {  	s6 =	simm.s32 $0x0;
	s20 =	sshll.u32 s4, $0x1;
	s4 =	sadd.s32 s21, s2  }
0x9d: {  	[timem:s6], [sflag:s22] =	dma.local [hbm:s4], s20  }
0x9e: {  	_ =	swait.ge [sflag:s22], s20  }
0x9f: {  	s3 =	ssub.s32 $0x0, s20;
	[sflag:s22] =	ssyncset.done $0x0  }
0xa0: {  	[sflag:s22] =	ssyncadd.s32 s3;
	_ =	sdelay $0x1  }
0xa1: {  	s23 =	simm.s32 $0x1B8B  }
0xa2: {  	_ =	swait.ge [sflag:s23], $0x1  }
0xa3: {  	[sflag:s23] =	ssyncset.done $0x0  }
0xa4: {  	s25 =	simm.s32 $0x1B8E;
	s24 =	sld [smem:$0x3FFE];
	[sflag:s23] =	ssyncadd.s32 $0xFFFFFFFF  }
0xa5: {  	s26 =	simm.s32 $execute0_lowered;
	[smem:$0x3FD2] =	sst s25  }
0xa6: {  	s4 =	sshll.u32 s26, $0x1;
	_ =	strace $0x80000046;
	[dreg:$0x1] =	wrdreg $0xFFFFFFFF  }
0xa7: {  	s28 =	simm.s32 $_size_execute0_lowered;
	s2 =	sadd.s32 s2, s4;
	[dreg:$0x0] =	wrdreg $0x0  }
0xa8: {  	s4 =	sshll.u32 s28, $0x1;
	[dreg:$0x2] =	wrdreg s2  }
0xa9: {  	[dreg:$0x3] =	wrdreg s4  }
0xaa: {  	[dreg:$0x4] =	wrdreg $0xC0  }
0xab: {  	_ =	task [dreg:s6], $0x5FFFF  }
0xac: {  	[dreg:$0x1] =	wrdreg $0xFFFFFFFF  }
0xad: {  	[dreg:$0x0] =	wrdreg $0x60  }
0xae: {  	[dreg:$0x2] =	wrdreg s24  }
0xaf: {  	[dreg:$0x3] =	wrdreg $0x9  }
0xb0: {  	_ =	task.clear_ibuf [dreg:s6], $0x4FFFF;
	_ =	strace $0x90000046  }
0xb1: {  	s29 =	simm.s32 $0x9;
	_ =	strace $0x80000048  }
0xb2: {  	_ =	swait.ge [sflag:s29], $0x1  }
0xb3: {  	[sflag:s29] =	ssyncadd.s32 $0xFFFFFFFF  }
0xb4: {  	_ =	strace $0x90000048  }
0xb5: {  	_ =	sfence  }
0xb6: {  	s30 =	sld [smem:$0x0];
	_ =	sdelay $0x2  }
0xb7: {  	s31 =	sshll.u32 s1, $0xD;
	s1 =	sshrl.u32 s1, $0x2  }
0xb8: {  	s3 =	sand.u32 $0x4000, s31;
	s1 =	sadd.s32 s1, s30  }
0xb9: {  	s0 =	sor.u32 s3, s0;
	s1 =	sshll.u32 s1, $0x11  }
0xba: {  	s0 =	sor.u32 s1, s0  }
0xbb: {  	s0 =	sadd.s32 $0x8F2B, s0  }
0xbc: {  	[sflag:s0] =	ssyncadd.remote.s32 $0x1  }
0xbd: {  	_ =	sfence.sel $0xFFFF  }
0xbe: {  	[dreg:$0x0] =	wrdreg $0xFFFFFFFF;
	(pc) =	sbr.abs _section_cstart, $3  }
0xbf: {  	[dreg:$0x1] =	wrdreg $0xFFFFFFFF  }
0xc0: {  	_ =	task.clear_ibuf [dreg:s6], $0x2FFFF;
	_ =	strace $0x9FFFFFFF  }
0xc1: {  	(tm) =	ssettm $0x7FFFFFFF  }
tec
execute0_lowered:
.L_overlay_start_1:
0x0: {  	(tag) =	ssettag $0x1  }
0x1: {  	s4 =	rddreg [dreg:$0x0];
	s1 =	simm.s32 $0x0  }
0x2: {  	[smem:$0x7FF] =	sst s1  }
0x3: {  	s0 =	rddreg [dreg:$0x1];
	v0 =	vimm.f32 $4.000000000e+00;
	_ =	strace $0x80000047  }
0x4: {  	(erf) = vrcp.f32 v0;
	v0 =	vimm.f32 $1.000010010e+00  }
0x5: {  	(erf) = vrcp.f32 v0;
	_ =	sdelay $0x2  }
0x6: {  	s2 =	stileid.u32  }
0x7: {  	p0 =	sgt.u32 s2, $0x3  }
.Ltmp0:
0x8: {  	_ = 	snop;
	(pc) =	sbr.rel @p0 .LBB2_11-.Ltmp0, $3  }
0x9: {  	_ =	sdelay $0x1  }
0xa: {  	v0 =	vpop (erf)  }
0xb: {  	v1 =	vpop (erf)  }
0xc: {  	s3 =	srdreg.scid  }
0xd: {  	s10 =	sand.u32 $0x1, s3  }
0xe: {  	s7 =	sadd.s32 $0x6200, s4;
	s5 =	sadd.s32 $0x5E00, s4;
	s3 =	sor.u32 s10, s2  }
0xf: {  	s8 =	simm.f32 $1.000000000e+00;
	p1 =	seq.s32 s10, $0x1;
	p0 =	seq.s32 s3, $0x0  }
0x10: {  	s9 =	sadd.s32 $0x6000, s4;
	s26 =	sshll.u32 s2, $0x4;
	p0 =	por !p0, !p1  }
0x11: {  	v2 =	vimm.s32 $0xFEDCBA98;
	v3 =	vimm.s32 $0x76543210;
	s14 =	sadd.s32 s26, s4;
	s3 =	simm.s32 $0x1;
	p0 =	por !p0, !p0  }
0x12: {  	v5 =	vimm.s32 $0xBA98FEDC;
	v6 =	vimm.s32 $0x32107654;
	v7 =	vimm.s32 $0xDCFE98BA;
	s29 =	ssub.s32 $0x2, s10;
	s3 =	simm.s32 @!p0 $0x0;
	p0 =	seq.s32 s10, $0x0  }
0x13: {  	v8 =	vimm.s32 $0x54761032;
	v9 =	vimm.s32 $0xEFCDAB89;
	v2 =	vunpack.c.l.s4.s8 v2;
	s30 =	sshrl.u32 s29, $0x1;
	s6 =	ssub.s32 s2, s3;
	s8 =	simm.s32 @!p0 $0x0  }
0x14: {  	v10 =	vimm.s32 $0x67452301;
	v3 =	vunpack.c.l.s4.s8 v3;
	v5 =	vunpack.c.l.s4.s8 v5;
	s3 =	sshll.u32 s6, $0x4;
	s12 =	sshll.u32 s6, $0x9;
	s13 =	sshll.u32 s6, $0x7  }
0x15: {  	v6 =	vunpack.c.l.s4.s8 v6;
	v4 =	vunpack.c.0.s8.s32 v2;
	v2 =	vmov s8;
	s15 =	ssub.f32 $1.000000000e+00, s8;
	s6 =	sshll.u32 s6, $0x6;
	s8 =	ssub.s32 s29, s30  }
0x16: {  	v7 =	vunpack.c.l.s4.s8 v7;
	v8 =	vunpack.c.l.s4.s8 v8;
	v9 =	vunpack.c.l.s4.s8 v9;
	s11 =	sand.u32 $0x1FFFFFF0, s3;
	s3 =	simm.s32 $0x1;
	s12 =	sand.u32 $0xFFFFF800, s12  }
0x17: {  	v10 =	vunpack.c.l.s4.s8 v10;
	v3 =	vunpack.c.0.s8.s32 v3;
	v5 =	vunpack.c.0.s8.s32 v5;
	s13 =	sand.u32 $0x180, s13;
	s31 =	sand.u32 $0x1FFFFFC0, s6;
	s6 =	sadd.s32 $0x6800, s14  }
0x18: {  	v6 =	vunpack.c.0.s8.s32 v6;
	v7 =	vunpack.c.0.s8.s32 v7;
	v8 =	vunpack.c.0.s8.s32 v8;
	s8 =	smax.u32 s8, $0x1;
	s11 =	sadd.s32 s11, s4;
	s12 =	sor.u32 s13, s12  }
0x19: {  	v9 =	vunpack.c.0.s8.s32 v9;
	v10 =	vunpack.c.0.s8.s32 v10;
	v4 =	vand.u32 $0xF, v4;
	s13 =	sadd.s32 s5, s26;
	s5 =	sadd.s32 $0x6400, s14;
	s28 =	sshrl.u32 s12, $0x3  }
0x1a: {  	v3 =	vcombine.low v4, v3;
	v4 =	vcombine.low v6, v5;
	s7 =	sadd.s32 s7, s31;
	s11 =	sadd.s32 $0x6600, s11;
	s4 =	sadd.s32 s9, s28  }
0x1b: {  	v6 =	vcombine.low v8, v7;
	v7 =	vcombine.low v10, v9;
	s9 =	simm.s32 $0x80;
	s4 =	smov.u32 @p0 s13;
	p0 =	sne.s32 s10, $0x0  }
0x1c: {  	v8 =	vimm.f32 $0.0e+00;
	v9 =	vlaneseq.u32;
	v5 =	vmov s15;
	s10 =	simm.s32 $0x200;
	s6 =	smov.u32 @p0 s11;
	s11 =	simm.s32 $0x0  }
.LBB2_2:
0x1d: {  	s12 =	simm.s32 $0x0  }
0x1e: {  	[tilespmem:s12], [sflag:$0x1] =	stream.linear.gather [hbm4b:s7+s12], $0x180, $0x38;
	[tilespmem:$0x500] =	vst v63  }
0x1f: {  	_ =	swait.ge [sflag:s3], $0x180  }
0x20: {  	[sflag:s3] =	ssyncset.done $0x0  }
0x21: {  	[sflag:s3] =	ssyncadd.s32 $0xFFFFFE80  }
0x22: {  	v10 =	vld [tilespmem:$0x80]  }
0x23: {  	v11 =	vld [tilespmem:$0x100];
	_ =	sdelay $0x4  }
0x24: {  	v10 =	vadd.f32 v11, v10;
	_ =	sdelay $0x1  }
0x25: {  	v10 =	vadd.f32 $9.999999740e-06, v10;
	_ =	sdelay $0x1  }
0x26: {  	(erf) = vrcp.f32 v10;
	_ =	sdelay $0x2  }
0x27: {  	v10 =	vld [tilespmem:$0x0];
	_ =	sdelay $0x4  }
0x28: {  	v10 =	vadd.f32 v10, v10  }
0x29: {  	v11 =	vpop (erf)  }
0x2a: {  	v10 =	vmul.f32 v11, v10;
	_ =	sdelay $0x1  }
0x2b: {  	v11 =	vperm.xlane v10, v3;
	_ =	sdelay $0x1  }
0x2c: {  	v10 =	vadd.f32 v10, v11;
	_ =	sdelay $0x1  }
0x2d: {  	v11 =	vperm.xlane v10, v4;
	_ =	sdelay $0x1  }
0x2e: {  	v10 =	vadd.f32 v10, v11;
	_ =	sdelay $0x1  }
0x2f: {  	v11 =	vperm.xlane v10, v6;
	_ =	sdelay $0x1  }
0x30: {  	v10 =	vadd.f32 v10, v11;
	_ =	sdelay $0x1  }
0x31: {  	v11 =	vperm.xlane v10, v7;
	_ =	sdelay $0x1  }
0x32: {  	v10 =	vadd.f32 v10, v11;
	_ =	sdelay $0x1  }
0x33: {  	v10 =	vmul.f32 v10, v0;
	_ =	sdelay $0x1  }
0x34: {  	v10 =	vsub.f32 $1.000000000e+00, v10;
	_ =	sdelay $0x1  }
0x35: {  	v11 =	vmul.f32 v10, v1;
	_ =	sdelay $0x1  }
0x36: {  	v11 =	vsub.f32 $1.000000000e+00, v11  }
0x37: {  	vm0 =	vlt.f32 v10, $1.000000000e+00  }
0x38: {  	v10 =	vmul.f32 $1.600000000e+01, v11;
	v11 =	vsel vm0, $0x3F800000, v8  }
0x39: {  	v12 =	vsub.f32 $1.000000000e+00, v11  }
0x3a: {  	v11 =	vmul.f32 v11, v2  }
0x3b: {  	v10 =	vtrunc.f32 v10;
	v12 =	vmul.f32 v12, v5  }
0x3c: {  	v10 =	vcvt.f32.s32 v10  }
0x3d: {  	v11 =	vadd.f32 v12, v11  }
0x3e: {  	[tilespmem:s10], [sflag:$0x1] =	stream.strided.gather [hbm4b:s4+s9], $0x200, s10, s9, $0x38;
	v63 =	vsub.s32 $0x0, v10;
	[tilespmem:$0x500] =	vst v63  }
0x3f: {  	_ =	swait.ge [sflag:s3], $0x200;
	v10 =	vmin.u32 v10, v63;
	v11 =	vadd.f32 v11, v11  }
0x40: {  	[sflag:s3] =	ssyncset.done $0x0;
	vm15 =	vlt.s32 v10, $0x10  }
0x41: {  	s13 =	simm.s32 $0x40;
	s12 =	simm.s32 $0x0;
	[sflag:s3] =	ssyncadd.s32 $0xFFFFFE00;
	v10 =	vnsel vm15, $0x10, v10;
	v11 =	vsub.f32 $1.000000000e+00, v11  }
.LBB2_3:
0x42: {  	p1 =	sne.s32 s13, $0x7C0;
	v12 =	vld [tilespmem:s12+$0x200];
	_ =	sdelay $0x2  }
.Ltmp1:
0x43: {  	(pc) =	sbr.rel @p1 .LBB2_3-.Ltmp1, $3  }
0x44: {  	_ = 	snop  }
0x45: {  	v12 =	vmul.f32 v12, v11;
	_ =	sdelay $0x1  }
0x46: {  	[tilespmem:s12+$0x200] =	vst v12;
	s12 =	sshra.s32 s13, $0x2;
	s13 =	sadd.s32 $0x40, s13  }
0x47: {  	v12 =	vld [tilespmem:s12+$0x200];
	_ =	sdelay $0x4  }
0x48: {  	v12 =	vmul.f32 v12, v11;
	_ =	sdelay $0x1  }
0x49: {  	s13 =	simm.s32 $0x0;
	v11 =	vsub.f32 $0.0e+00, v11;
	[tilespmem:s12+$0x200] =	vst v12;
	s12 =	simm.s32 $0x0;
	v12 =	vimm.s32 $0x0  }
.LBB2_5:
0x4a: {  	v13 =	vld [tilespmem:$0x200]  }
0x4b: {  	v14 =	vld [tilespmem:$0x210]  }
0x4c: {  	v15 =	vld [tilespmem:$0x220]  }
0x4d: {  	v16 =	vld [tilespmem:$0x230]  }
0x4e: {  	v17 =	vld [tilespmem:$0x240]  }
0x4f: {  	v18 =	vld [tilespmem:$0x250];
	v13 =	vmin.f32 v13, $3.000000010e+38  }
0x50: {  	v13 =	vmin.f32 v13, v14;
	v14 =	vld [tilespmem:$0x260]  }
0x51: {  	v13 =	vmin.f32 v13, v15;
	v15 =	vld [tilespmem:$0x270]  }
0x52: {  	v13 =	vmin.f32 v13, v16;
	v16 =	vld [tilespmem:$0x280]  }
0x53: {  	v13 =	vmin.f32 v13, v17;
	v17 =	vld [tilespmem:$0x290]  }
0x54: {  	v59 =	vld [tilespmem:$0x2A0];
	v13 =	vmin.f32 v13, v18  }
0x55: {  	v13 =	vmin.f32 v13, v14;
	v14 =	vld [tilespmem:$0x2B0]  }
0x56: {  	v13 =	vmin.f32 v13, v15;
	v15 =	vld [tilespmem:$0x2C0]  }
0x57: {  	v13 =	vmin.f32 v13, v16;
	v16 =	vld [tilespmem:$0x2D0]  }
0x58: {  	v13 =	vmin.f32 v13, v17;
	v17 =	vld [tilespmem:$0x2E0]  }
0x59: {  	v60 =	vld [tilespmem:$0x2F0];
	v13 =	vmin.f32 v13, v59  }
0x5a: {  	v13 =	vmin.f32 v13, v14;
	v14 =	vld [tilespmem:$0x300]  }
0x5b: {  	v13 =	vmin.f32 v13, v15;
	v15 =	vld [tilespmem:$0x310]  }
0x5c: {  	v13 =	vmin.f32 v13, v16;
	v16 =	vld [tilespmem:$0x320]  }
0x5d: {  	v13 =	vmin.f32 v13, v17;
	v17 =	vld [tilespmem:$0x330]  }
0x5e: {  	v61 =	vld [tilespmem:$0x340];
	v13 =	vmin.f32 v13, v60  }
0x5f: {  	v13 =	vmin.f32 v13, v14;
	v14 =	vld [tilespmem:$0x350]  }
0x60: {  	v13 =	vmin.f32 v13, v15;
	v15 =	vld [tilespmem:$0x360]  }
0x61: {  	v13 =	vmin.f32 v13, v16;
	v16 =	vld [tilespmem:$0x370]  }
0x62: {  	v13 =	vmin.f32 v13, v17;
	v17 =	vld [tilespmem:$0x380]  }
0x63: {  	v62 =	vld [tilespmem:$0x390];
	v13 =	vmin.f32 v13, v61  }
0x64: {  	v13 =	vmin.f32 v13, v14;
	v14 =	vld [tilespmem:$0x3A0]  }
0x65: {  	v13 =	vmin.f32 v13, v15;
	v15 =	vld [tilespmem:$0x3B0]  }
0x66: {  	v13 =	vmin.f32 v13, v16;
	v16 =	vld [tilespmem:$0x3C0]  }
0x67: {  	v13 =	vmin.f32 v13, v17;
	v17 =	vld [tilespmem:$0x3D0]  }
0x68: {  	v63 =	vld [tilespmem:$0x3E0];
	v13 =	vmin.f32 v13, v62  }
0x69: {  	v13 =	vmin.f32 v13, v14;
	v14 =	vld [tilespmem:$0x3F0]  }
0x6a: {  	v13 =	vmin.f32 v13, v15  }
0x6b: {  	v13 =	vmin.f32 v13, v16  }
0x6c: {  	v13 =	vmin.f32 v13, v17  }
0x6d: {  	v13 =	vmin.f32 v13, v63  }
0x6e: {  	v13 =	vmin.f32 v13, v14  }
0x6f: {  	v14 =	vperm.xlane v13, v3;
	_ =	sdelay $0x1  }
0x70: {  	v13 =	vmin.f32 v13, v14  }
0x71: {  	v14 =	vperm.xlane v13, v4;
	_ =	sdelay $0x1  }
0x72: {  	v13 =	vmin.f32 v13, v14  }
0x73: {  	s14 =	simm.s32 $0x200;
	v14 =	vperm.xlane v13, v6  }
0x74: {  	v16 =	vld [tilespmem:s14+$0x0]  }
0x75: {  	v15 =	vor.u32 s12, v9;
	v13 =	vmin.f32 v13, v14  }
0x76: {  	v15 =	vcvt.s32.f32 v15;
	v14 =	vperm.xlane v13, v7;
	_ =	sdelay $0x1  }
0x77: {  	v15 =	vmul.f32 v15, v11;
	v14 =	vmin.f32 v13, v14  }
0x78: {  	s15 =	simm.s32 $0x210;
	s14 =	simm.s32 $0x10;
	v13 =	vimm.f32 $-3.000000010e+38;
	vm0 =	veq.f32 v16, v14  }
.LBB2_6:
0x79: {  	v16 =	vld [tilespmem:s15+$0x0];
	p1 =	sne.s32 s14, $0x1F0;
	v15 =	vnsel vm0, $0xFF61B1E6, v15;
	s16 =	smov.u32 s14;
	s14 =	sadd.s32 $0x10, s14  }
.Ltmp2:
0x7a: {  	v17 =	vor.u32 s16, v9;
	v13 =	vmax.f32 v13, v15;
	(pc) =	sbr.rel @p1 .LBB2_6-.Ltmp2, $3  }
0x7b: {  	v15 =	vcvt.s32.f32 v17;
	_ =	sdelay $0x1  }
0x7c: {  	v15 =	vmul.f32 v15, v11  }
0x7d: {  	s15 =	sadd.s32 $0x10, s15;
	vm0 =	veq.f32 v16, v14  }
0x7e: {  	v14 =	vnsel vm0, $0xFF61B1E6, v15  }
0x7f: {  	v13 =	vmax.f32 v13, v14  }
0x80: {  	v14 =	vperm.xlane v13, v3;
	_ =	sdelay $0x1  }
0x81: {  	v13 =	vmax.f32 v13, v14  }
0x82: {  	v14 =	vperm.xlane v13, v4;
	_ =	sdelay $0x1  }
0x83: {  	v13 =	vmax.f32 v13, v14  }
0x84: {  	v14 =	vperm.xlane v13, v6;
	_ =	sdelay $0x1  }
0x85: {  	v13 =	vmax.f32 v13, v14  }
0x86: {  	v14 =	vperm.xlane v13, v7;
	_ =	sdelay $0x1  }
0x87: {  	v13 =	vmax.f32 v13, v14  }
0x88: {  	v13 =	vmul.f32 v13, v11;
	_ =	sdelay $0x1  }
0x89: {  	s14 =	simm.s32 $0x200;
	v13 =	vtrunc.f32 v13  }
0x8a: {  	s15 =	simm.s32 $0x0;
	s16 =	simm.s32 $0x10;
	v14 =	vld [tilespmem:s14+$0x0];
	v13 =	vcvt.f32.s32 v13  }
.LBB2_8:
0x8b: {  	p1 =	sne.s32 s16, $0x1F0;
	_ =	sdelay $0x1  }
.Ltmp3:
0x8c: {  	v15 =	vor.u32 s15, v9;
	s15 =	smov.u32 s16;
	(pc) =	sbr.rel @p1 .LBB2_8-.Ltmp3, $4  }
0x8d: {  	vm0 =	veq.s32 v15, v13  }
0x8e: {  	v14 =	vsel vm0, $0x7F61B1E6, v14  }
0x8f: {  	[tilespmem:s14+$0x0] =	vst v14;
	s14 =	sadd.s32 $0x10, s14  }
0x90: {  	s16 =	sadd.s32 $0x10, s16;
	v14 =	vld [tilespmem:s14+$0x0]  }
0x91: {  	v16 =	vmov s13;
	s13 =	sadd.s32 $0x1, s13  }
0x92: {  	p1 =	sne.s32 s13, $0x10  }
.Ltmp4:
0x93: {  	_ = 	snop;
	(pc) =	sbr.rel @p1 .LBB2_5-.Ltmp4, $4  }
0x94: {  	v15 =	vor.u32 s15, v9  }
0x95: {  	vm0 =	veq.s32 v15, v13  }
0x96: {  	vm15 =	veq.s32 v16, v9;
	v14 =	vsel vm0, $0x7F61B1E6, v14  }
0x97: {  	v12 =	vsel vm15, v13, v12;
	[tilespmem:s14+$0x0] =	vst v14  }
0x98: {  	[tilespmem:$0x400] =	vst v12;
	s12 =	simm.s32 @!p0 $0x0;
	s13 =	simm.s32 @!p0 $0x400  }
0x99: {  	[hbm4b:s5+s12] =	stream.linear.scatter @!p0 [tilespmem:s13], [sflag:$0x1], $0x80, $0x38;
	[tilespmem:$0x500] =	vst v63  }
0x9a: {  	s12 =	simm.s32 @!p0 $0x1  }
0x9b: {  	_ =	swait.ge @!p0 [sflag:s12], $0x80  }
0x9c: {  	s11 =	sadd.s32 $0x1, s11;
	[sflag:s12] =	ssyncset.done @!p0 $0x0  }
0x9d: {  	p1 =	sne.s32 s11, s8;
	[sflag:s12] =	ssyncadd.s32 @!p0 $0xFFFFFF80;
	s12 =	simm.s32 @!p0 $0x480  }
.Ltmp5:
0x9e: {  	[tilespmem:$0x480] =	vst @!p0 v10;
	s12 =	simm.s32 @p0 $0x400;
	(pc) =	sbr.rel @p1 .LBB2_2-.Ltmp5, $4  }
0x9f: {  	[hbm4b:s6+s1] =	stream.linear.scatter [tilespmem:s12], [sflag:$0x1], $0x80, $0x38;
	[tilespmem:$0x500] =	vst v63  }
0xa0: {  	_ =	swait.ge [sflag:s3], $0x80  }
0xa1: {  	[sflag:s3] =	ssyncset.done $0x0  }
0xa2: {  	[sflag:s3] =	ssyncadd.s32 $0xFFFFFF80  }
.LBB2_11:
0xa3: {  	_ =	sfence.sel $0x180000  }
0xa4: {  	[bflag:$0x0] =	sbarrier.arrive $0xFFFF  }
0xa5: {  	p0 =	sne.s32 s2, $0x0;
	_ =	strace $0x90000047  }
0xa6: {  	s0 =	sadd.s32 @!p0 $0x100000, s0;
	[bflag:$0x2] =	sbarrier.arrive $0xFFFF  }
0xa7: {  	[sflag:s0] =	ssyncadd.tile.s32 @!p0 $0x1;
	_ =	shalt  }
.Lfunc_end2:
_tile_overlayer_lowered:
.L_overlay_start_2:
0xa8: {  	(tag) =	ssettag $0x2  }
0xa9: {  	s0 =	rddreg [dreg:$0x0];
	s2 =	stileid.u32  }
0xaa: {  	s1 =	rddreg [dreg:$0x1];
	p0 =	sne.s32 s2, $0x0  }
0xab: {  	s3 =	rddreg [dreg:$0x2];
	[bflag:$0x3] =	sbarrier.arrive $0xFFFF;
	s2 =	simm.s32 @!p0 $0x1C01  }
0xac: {  	[timem:s3], [sflag:s2] =	dma.local @!p0 [hbm:s0], s1  }
0xad: {  	s0 =	simm.s32 @!p0 $0x1  }
0xae: {  	_ =	swait.ge @!p0 [sflag:s0], s1  }
0xaf: {  	s1 =	ssub.s32 @!p0 $0x0, s1;
	[sflag:s0] =	ssyncset.done @!p0 $0x0  }
0xb0: {  	[sflag:s0] =	ssyncadd.s32 @!p0 s1  }
0xb1: {  	[bflag:$0x3] =	sbarrier.arrive $0xFFFF  }
0xb2: {  	_ =	shalt  }

</sc_bundles>
